<compile_context>
chip_gen: v7x
topology: tpu7x:2x2x1
jax: 0.10.2.dev20260603
libtpu: 0.0.44.dev20260713+nightly
codegen_flags: <defaults>
</compile_context>

<pallas_src>
import functools

import jax
import jax.numpy as jnp
from jax import lax
from jax.experimental import pallas as pl
from jax.experimental.pallas import tpu as pltpu
from jax.experimental.pallas import tpu_sc as plsc

Q = 1024
K = 8192
D = 2048
TOPK = 16

_BQ = 1024
_BK = 1024


def _sims_body(q_ref, m_ref, out_ref):
    q = q_ref[...]
    m = m_ref[...]
    dots = lax.dot_general(q, m, (((1,), (1,)), ((), ())),
                           preferred_element_type=jnp.float32)
    qn = jnp.sqrt(jnp.sum(q * q, axis=1))
    mn = jnp.sqrt(jnp.sum(m * m, axis=1))
    denom = jnp.maximum(qn[:, None] * mn[None, :], jnp.float32(1e-8))
    out_ref[...] = dots / denom


def _sims(query, memory_slots):
    return pl.pallas_call(
        _sims_body,
        grid=(Q // _BQ, K // _BK),
        in_specs=[
            pl.BlockSpec((_BQ, D), lambda i, j: (i, 0)),
            pl.BlockSpec((_BK, D), lambda i, j: (j, 0)),
        ],
        out_specs=pl.BlockSpec((_BQ, _BK), lambda i, j: (i, j)),
        out_shape=jax.ShapeDtypeStruct((Q, K), jnp.float32),
    )(query, memory_slots)


_TQ = 128
_NP = 16
_GW = K // _NP


def _iter_topk(vals, gids):
    return _iter_topk_multi([vals], [gids])


def _iter_topk_multi(vs, gs):
    neg_inf = jnp.float32(-jnp.inf)
    big = jnp.int32(2**31 - 1)
    vs = list(vs)
    cols = []
    w16 = None
    for _ in range(TOPK):
        m = jnp.max(vs[0], axis=1, keepdims=True)
        for v in vs[1:]:
            m = jnp.maximum(m, jnp.max(v, axis=1, keepdims=True))
        g = jnp.full_like(m, big, dtype=jnp.int32)
        for v, gd in zip(vs, gs):
            g = jnp.minimum(
                g, jnp.min(jnp.where(v == m, gd, big), axis=1, keepdims=True))
        cols.append(g)
        w16 = m
        vs = [jnp.where(gd == g, neg_inf, v) for v, gd in zip(vs, gs)]
    return jnp.concatenate(cols, axis=1), w16


def _topk_body(s_ref, idx_ref):
    neg_inf = jnp.float32(-jnp.inf)
    lane = lax.broadcasted_iota(jnp.int32, (_TQ, _GW), 1)
    v1 = s_ref[:, 0:_GW]
    g1 = lane
    v2 = jnp.full((_TQ, _GW), neg_inf)
    v3 = v2
    g2 = jnp.zeros((_TQ, _GW), jnp.int32)
    g3 = g2
    for p in range(1, _NP):
        x = s_ref[:, p * _GW:(p + 1) * _GW]
        gx = lane + jnp.int32(p * _GW)
        b1 = x > v1
        b2 = x > v2
        b3 = x > v3
        v3 = jnp.where(b2, v2, jnp.where(b3, x, v3))
        g3 = jnp.where(b2, g2, jnp.where(b3, gx, g3))
        v2 = jnp.where(b1, v1, jnp.where(b2, x, v2))
        g2 = jnp.where(b1, g1, jnp.where(b2, gx, g2))
        v1 = jnp.where(b1, x, v1)
        g1 = jnp.where(b1, gx, g1)
    idx, w16 = _iter_topk_multi([v1, v2, v3], [g1, g2, g3])
    idx_ref[...] = idx
    fb = jnp.any(jnp.max(v3, axis=1, keepdims=True) >= w16)

    @pl.when(fb)
    def _fallback():
        gidx = lax.broadcasted_iota(jnp.int32, (_TQ, K), 1)
        idx_full, _ = _iter_topk(s_ref[...], gidx)
        idx_ref[...] = idx_full


def _topk(sims):
    return pl.pallas_call(
        _topk_body,
        grid=(Q // _TQ,),
        in_specs=[pl.BlockSpec((_TQ, K), lambda i: (i, 0))],
        out_specs=pl.BlockSpec((_TQ, TOPK), lambda i: (i, 0)),
        out_shape=jax.ShapeDtypeStruct((Q, TOPK), jnp.int32),
    )(sims)


_CH = 16


def _sc_gather(table, idx_flat):
    B = idx_flat.shape[0]
    NC, NS = 2, 16
    NW = NC * NS
    b_per_w = B // NW
    n_ch = b_per_w // _CH
    mesh = plsc.VectorSubcoreMesh(core_axis_name="c", subcore_axis_name="s")

    @functools.partial(
        pl.kernel,
        mesh=mesh,
        out_type=jax.ShapeDtypeStruct((B, D), jnp.float32),
        scratch_types=[
            pltpu.VMEM((b_per_w,), jnp.int32),
            pltpu.VMEM((_CH, D), jnp.float32),
            pltpu.VMEM((_CH, D), jnp.float32),
            pltpu.VMEM((_CH, D), jnp.float32),
            pltpu.SemaphoreType.DMA,
            pltpu.SemaphoreType.DMA,
            pltpu.SemaphoreType.DMA,
            pltpu.SemaphoreType.DMA,
            pltpu.SemaphoreType.DMA,
            pltpu.SemaphoreType.DMA,
        ],
    )
    def k(table_hbm, idx_hbm, out_hbm, idx_v,
          buf0, buf1, buf2, g0, g1, g2, s0, s1, s2):
        wid = lax.axis_index("s") * NC + lax.axis_index("c")
        base = wid * b_per_w
        pltpu.sync_copy(idx_hbm.at[pl.ds(base, b_per_w)], idx_v)
        bufs = (buf0, buf1, buf2)
        gsems = (g0, g1, g2)
        ssems = (s0, s1, s2)

        def gather(c):
            return pltpu.async_copy(
                table_hbm.at[idx_v.at[pl.ds(c * _CH, _CH)]],
                bufs[c % 3], gsems[c % 3])

        def scatter(c):
            return pltpu.async_copy(
                bufs[c % 3], out_hbm.at[pl.ds(base + c * _CH, _CH)],
                ssems[c % 3])

        pend_g = {0: gather(0), 1: gather(1)}
        pend_s = {}
        for c in range(n_ch):
            pend_g.pop(c).wait()
            pend_s[c] = scatter(c)
            if c + 2 < n_ch:
                if c >= 1:
                    pend_s.pop(c - 1).wait()
                pend_g[c + 2] = gather(c + 2)
        for c in sorted(pend_s):
            pend_s[c].wait()

    return k(table, idx_flat)


def kernel(query, memory_slots, top_k):
    sims = _sims(query, memory_slots)
    idx = _topk(sims)
    rows = _sc_gather(memory_slots, idx.reshape(-1))
    return rows.reshape(Q, TOPK, D)

# --- scband reference (transcript-rebuilt; emitter-appended) ---
"""Pipeline reference for scband-working-memory-38319698215036 (READ-ONLY COPY).

The authoritative reference and input builder live on the scoring server;
editing this copy changes nothing except your own understanding.
"""

import jax, jax.numpy as jnp
import numpy as np

HIDDEN_DIM = 2048
CAPACITY = 8192
Q = 1024
TOP_K = 16


def setup_inputs(seed: int = 0) -> dict:
    key = jax.random.key(seed)
    kq, km = jax.random.split(key)
    query = jax.random.normal(kq, (Q, HIDDEN_DIM), dtype=jnp.float32)
    # learned parameter: working-memory slots (nn.Parameter(torch.randn(capacity, hidden_dim)))
    memory_slots = jax.random.normal(km, (CAPACITY, HIDDEN_DIM), dtype=jnp.float32)
    return {"query": query, "memory_slots": memory_slots, "top_k": TOP_K}


def reference(query, memory_slots, top_k):
    # WorkingMemory.retrieve:
    #   similarities = cosine_similarity(query.unsqueeze(1), memory_items.unsqueeze(0), dim=-1)
    #   top_k_vals, top_k_idx = topk(similarities, top_k, dim=-1)
    #   retrieved[b] = memory_items[top_k_idx[b]]
    eps = 1e-8
    dots = query @ memory_slots.T  # [Q, K]
    qn = jnp.linalg.norm(query, axis=-1)          # [Q]
    mn = jnp.linalg.norm(memory_slots, axis=-1)   # [K]
    denom = jnp.maximum(qn[:, None] * mn[None, :], eps)
    sims = dots / denom  # cosine similarity, torch eps semantics
    sims = sims + jnp.float32(0) * top_k
    top_vals, top_idx = jax.lax.top_k(sims, TOP_K)  # [Q, top_k]
    retrieved = jnp.take(memory_slots, top_idx, axis=0)  # [Q, top_k, d]
    return retrieved

if __name__ == "__main__":
    import jax
    _d = setup_inputs()
    print(jax.jit(kernel)(*tuple(_d.values())))

</pallas_src>

<mosaic_0001>
#map = affine_map<(d0, d1) -> (0, 0)>
#map1 = affine_map<(d0, d1) -> (0)>
module attributes {stable_mosaic.version = 14 : i64} {
  func.func @k(%arg0: i32, %arg1: i32, %arg2: memref<8192x2048xf32, #tpu.memory_space<hbm>>, %arg3: memref<16384xi32, #tpu.memory_space<hbm>>, %arg4: memref<16384x2048xf32, #tpu.memory_space<hbm>>, %arg5: memref<512xi32, #tpu.memory_space<vmem>>, %arg6: memref<16x2048xf32, #tpu.memory_space<vmem>>, %arg7: memref<16x2048xf32, #tpu.memory_space<vmem>>, %arg8: memref<16x2048xf32, #tpu.memory_space<vmem>>, %arg9: memref<!tpu.dma_semaphore, #tpu.memory_space<semaphore_mem>>, %arg10: memref<!tpu.dma_semaphore, #tpu.memory_space<semaphore_mem>>, %arg11: memref<!tpu.dma_semaphore, #tpu.memory_space<semaphore_mem>>, %arg12: memref<!tpu.dma_semaphore, #tpu.memory_space<semaphore_mem>>, %arg13: memref<!tpu.dma_semaphore, #tpu.memory_space<semaphore_mem>>, %arg14: memref<!tpu.dma_semaphore, #tpu.memory_space<semaphore_mem>>) attributes {dimension_semantics = [#tpu.dimension_semantics<core_parallel>, #tpu.dimension_semantics<subcore_parallel>], iteration_bounds = array<i64: 2, 16>, scalar_prefetch = 0 : i64, scratch_operands = 10 : i64, tpu.core_type = #tpu.core_type<sc_vector_subcore>, window_params = [{transform_indices = #map}, {transform_indices = #map1}, {transform_indices = #map}]} {
    %mul3A = arith.constant 2 : i32
    %mul3A_0 = arith.muli %arg1, %mul3A : i32
    %add3A = arith.addi %mul3A_0, %arg0 : i32
    %mul3A_1 = arith.constant 512 : i32
    %mul3A_2 = arith.muli %add3A, %mul3A_1 : i32
    "tpu.region"() ({
      %run_scoped3A = tpu.sem_alloc : memref<!tpu.dma_semaphore, #tpu.memory_space<semaphore_mem>>
      %dma_start3A_641 = tpu.memref_slice %arg3[%mul3A_2] : memref<16384xi32, #tpu.memory_space<hbm>> -> memref<512xi32, #tpu.memory_space<hbm>>
      %dma_start3A_642 = tpu.memref_slice %arg3[%mul3A_2] : memref<16384xi32, #tpu.memory_space<hbm>> -> memref<512xi32, #tpu.memory_space<hbm>>
      tpu.enqueue_dma source(%dma_start3A_642 : memref<512xi32, #tpu.memory_space<hbm>>) target(%arg5 : memref<512xi32, #tpu.memory_space<vmem>>) target_semaphore(%run_scoped3A : memref<!tpu.dma_semaphore, #tpu.memory_space<semaphore_mem>>)
      %dma_wait3A_643 = tpu.memref_slice %arg3[%mul3A_2] : memref<16384xi32, #tpu.memory_space<hbm>> -> memref<512xi32, #tpu.memory_space<hbm>>
      %dma_wait3A_644 = tpu.memref_slice %arg3[%mul3A_2] : memref<16384xi32, #tpu.memory_space<hbm>> -> memref<512xi32, #tpu.memory_space<hbm>>
      tpu.wait_dma2 semaphore(%run_scoped3A : memref<!tpu.dma_semaphore, #tpu.memory_space<semaphore_mem>>) src(%dma_wait3A_644 : memref<512xi32, #tpu.memory_space<hbm>>) dst(%arg5 : memref<512xi32, #tpu.memory_space<vmem>>)
      tpu.yield
    }) : () -> ()
    %dma_start3A = arith.constant 0 : i32
    %dma_start3A_3 = tpu.memref_slice %arg5[%dma_start3A] : memref<512xi32, #tpu.memory_space<vmem>> -> memref<16xi32, #tpu.memory_space<vmem>>
    %dma_start3A_4 = arith.constant 0 : i32
    %dma_start3A_5 = arith.constant 0 : i32
    %dma_start3A_6 = tpu.memref_slice %arg2[%dma_start3A_4, %dma_start3A_5] : memref<8192x2048xf32, #tpu.memory_space<hbm>> -> memref<8192x2048xf32, #tpu.memory_space<hbm>>
    tpu.enqueue_indirect_dma source(%dma_start3A_6 : memref<8192x2048xf32, #tpu.memory_space<hbm>>) target(%arg6 : memref<16x2048xf32, #tpu.memory_space<vmem>>) offsets(%dma_start3A_3 : memref<16xi32, #tpu.memory_space<vmem>>) semaphore(%arg9 : memref<!tpu.dma_semaphore, #tpu.memory_space<semaphore_mem>>)
    %dma_start3A_7 = arith.constant 16 : i32
    %dma_start3A_8 = tpu.memref_slice %arg5[%dma_start3A_7] : memref<512xi32, #tpu.memory_space<vmem>> -> memref<16xi32, #tpu.memory_space<vmem>>
    %dma_start3A_9 = arith.constant 0 : i32
    %dma_start3A_10 = arith.constant 0 : i32
    %dma_start3A_11 = tpu.memref_slice %arg2[%dma_start3A_9, %dma_start3A_10] : memref<8192x2048xf32, #tpu.memory_space<hbm>> -> memref<8192x2048xf32, #tpu.memory_space<hbm>>
    tpu.enqueue_indirect_dma source(%dma_start3A_11 : memref<8192x2048xf32, #tpu.memory_space<hbm>>) target(%arg7 : memref<16x2048xf32, #tpu.memory_space<vmem>>) offsets(%dma_start3A_8 : memref<16xi32, #tpu.memory_space<vmem>>) semaphore(%arg10 : memref<!tpu.dma_semaphore, #tpu.memory_space<semaphore_mem>>)
    %dma_wait3A = arith.constant 0 : i32
    %dma_wait3A_12 = tpu.memref_slice %arg5[%dma_wait3A] : memref<512xi32, #tpu.memory_space<vmem>> -> memref<16xi32, #tpu.memory_space<vmem>>
    %dma_wait3A_13 = arith.constant 0 : i32
    %dma_wait3A_14 = arith.constant 0 : i32
    %dma_wait3A_15 = tpu.memref_slice %arg2[%dma_wait3A_13, %dma_wait3A_14] : memref<8192x2048xf32, #tpu.memory_space<hbm>> -> memref<8192x2048xf32, #tpu.memory_space<hbm>>
    tpu.wait_indirect_dma semaphore(%arg9 : memref<!tpu.dma_semaphore, #tpu.memory_space<semaphore_mem>>) src(%dma_wait3A_15 : memref<8192x2048xf32, #tpu.memory_space<hbm>>) dst(%arg6 : memref<16x2048xf32, #tpu.memory_space<vmem>>)
    %add3A_16 = arith.constant 0 : i32
    %add3A_17 = arith.addi %mul3A_2, %add3A_16 : i32
    %dma_start3A_18 = arith.constant 0 : i32
    %dma_start3A_19 = tpu.memref_slice %arg4[%add3A_17, %dma_start3A_18] : memref<16384x2048xf32, #tpu.memory_space<hbm>> -> memref<16x2048xf32, #tpu.memory_space<hbm>>
    %dma_start3A_20 = arith.constant 0 : i32
    %dma_start3A_21 = tpu.memref_slice %arg4[%add3A_17, %dma_start3A_20] : memref<16384x2048xf32, #tpu.memory_space<hbm>> -> memref<16x2048xf32, #tpu.memory_space<hbm>>
    tpu.enqueue_dma source(%arg6 : memref<16x2048xf32, #tpu.memory_space<vmem>>) target(%dma_start3A_21 : memref<16x2048xf32, #tpu.memory_space<hbm>>) target_semaphore(%arg12 : memref<!tpu.dma_semaphore, #tpu.memory_space<semaphore_mem>>)
    %dma_start3A_22 = arith.constant 32 : i32
    %dma_start3A_23 = tpu.memref_slice %arg5[%dma_start3A_22] : memref<512xi32, #tpu.memory_space<vmem>> -> memref<16xi32, #tpu.memory_space<vmem>>
    %dma_start3A_24 = arith.constant 0 : i32
    %dma_start3A_25 = arith.constant 0 : i32
    %dma_start3A_26 = tpu.memref_slice %arg2[%dma_start3A_24, %dma_start3A_25] : memref<8192x2048xf32, #tpu.memory_space<hbm>> -> memref<8192x2048xf32, #tpu.memory_space<hbm>>
    tpu.enqueue_indirect_dma source(%dma_start3A_26 : memref<8192x2048xf32, #tpu.memory_space<hbm>>) target(%arg8 : memref<16x2048xf32, #tpu.memory_space<vmem>>) offsets(%dma_start3A_23 : memref<16xi32, #tpu.memory_space<vmem>>) semaphore(%arg11 : memref<!tpu.dma_semaphore, #tpu.memory_space<semaphore_mem>>)
    %dma_wait3A_27 = arith.constant 16 : i32
    %dma_wait3A_28 = tpu.memref_slice %arg5[%dma_wait3A_27] : memref<512xi32, #tpu.memory_space<vmem>> -> memref<16xi32, #tpu.memory_space<vmem>>
    %dma_wait3A_29 = arith.constant 0 : i32
    %dma_wait3A_30 = arith.constant 0 : i32
    %dma_wait3A_31 = tpu.memref_slice %arg2[%dma_wait3A_29, %dma_wait3A_30] : memref<8192x2048xf32, #tpu.memory_space<hbm>> -> memref<8192x2048xf32, #tpu.memory_space<hbm>>
    tpu.wait_indirect_dma semaphore(%arg10 : memref<!tpu.dma_semaphore, #tpu.memory_space<semaphore_mem>>) src(%dma_wait3A_31 : memref<8192x2048xf32, #tpu.memory_space<hbm>>) dst(%arg7 : memref<16x2048xf32, #tpu.memory_space<vmem>>)
    %add3A_32 = arith.constant 16 : i32
    %add3A_33 = arith.addi %mul3A_2, %add3A_32 : i32
    %dma_start3A_34 = arith.constant 0 : i32
    %dma_start3A_35 = tpu.memref_slice %arg4[%add3A_33, %dma_start3A_34] : memref<16384x2048xf32, #tpu.memory_space<hbm>> -> memref<16x2048xf32, #tpu.memory_space<hbm>>
    %dma_start3A_36 = arith.constant 0 : i32
    %dma_start3A_37 = tpu.memref_slice %arg4[%add3A_33, %dma_start3A_36] : memref<16384x2048xf32, #tpu.memory_space<hbm>> -> memref<16x2048xf32, #tpu.memory_space<hbm>>
    tpu.enqueue_dma source(%arg7 : memref<16x2048xf32, #tpu.memory_space<vmem>>) target(%dma_start3A_37 : memref<16x2048xf32, #tpu.memory_space<hbm>>) target_semaphore(%arg13 : memref<!tpu.dma_semaphore, #tpu.memory_space<semaphore_mem>>)
    %dma_wait3A_38 = arith.constant 0 : i32
    %dma_wait3A_39 = tpu.memref_slice %arg4[%add3A_17, %dma_wait3A_38] : memref<16384x2048xf32, #tpu.memory_space<hbm>> -> memref<16x2048xf32, #tpu.memory_space<hbm>>
    %dma_wait3A_40 = arith.constant 0 : i32
    %dma_wait3A_41 = tpu.memref_slice %arg4[%add3A_17, %dma_wait3A_40] : memref<16384x2048xf32, #tpu.memory_space<hbm>> -> memref<16x2048xf32, #tpu.memory_space<hbm>>
    tpu.wait_dma2 semaphore(%arg12 : memref<!tpu.dma_semaphore, #tpu.memory_space<semaphore_mem>>) src(%arg6 : memref<16x2048xf32, #tpu.memory_space<vmem>>) dst(%dma_wait3A_41 : memref<16x2048xf32, #tpu.memory_space<hbm>>)
    %dma_start3A_42 = arith.constant 48 : i32
    %dma_start3A_43 = tpu.memref_slice %arg5[%dma_start3A_42] : memref<512xi32, #tpu.memory_space<vmem>> -> memref<16xi32, #tpu.memory_space<vmem>>
    %dma_start3A_44 = arith.constant 0 : i32
    %dma_start3A_45 = arith.constant 0 : i32
    %dma_start3A_46 = tpu.memref_slice %arg2[%dma_start3A_44, %dma_start3A_45] : memref<8192x2048xf32, #tpu.memory_space<hbm>> -> memref<8192x2048xf32, #tpu.memory_space<hbm>>
    tpu.enqueue_indirect_dma source(%dma_start3A_46 : memref<8192x2048xf32, #tpu.memory_space<hbm>>) target(%arg6 : memref<16x2048xf32, #tpu.memory_space<vmem>>) offsets(%dma_start3A_43 : memref<16xi32, #tpu.memory_space<vmem>>) semaphore(%arg9 : memref<!tpu.dma_semaphore, #tpu.memory_space<semaphore_mem>>)
    %dma_wait3A_47 = arith.constant 32 : i32
    %dma_wait3A_48 = tpu.memref_slice %arg5[%dma_wait3A_47] : memref<512xi32, #tpu.memory_space<vmem>> -> memref<16xi32, #tpu.memory_space<vmem>>
    %dma_wait3A_49 = arith.constant 0 : i32
    %dma_wait3A_50 = arith.constant 0 : i32
    %dma_wait3A_51 = tpu.memref_slice %arg2[%dma_wait3A_49, %dma_wait3A_50] : memref<8192x2048xf32, #tpu.memory_space<hbm>> -> memref<8192x2048xf32, #tpu.memory_space<hbm>>
    tpu.wait_indirect_dma semaphore(%arg11 : memref<!tpu.dma_semaphore, #tpu.memory_space<semaphore_mem>>) src(%dma_wait3A_51 : memref<8192x2048xf32, #tpu.memory_space<hbm>>) dst(%arg8 : memref<16x2048xf32, #tpu.memory_space<vmem>>)
    %add3A_52 = arith.constant 32 : i32
    %add3A_53 = arith.addi %mul3A_2, %add3A_52 : i32
    %dma_start3A_54 = arith.constant 0 : i32
    %dma_start3A_55 = tpu.memref_slice %arg4[%add3A_53, %dma_start3A_54] : memref<16384x2048xf32, #tpu.memory_space<hbm>> -> memref<16x2048xf32, #tpu.memory_space<hbm>>
    %dma_start3A_56 = arith.constant 0 : i32
    %dma_start3A_57 = tpu.memref_slice %arg4[%add3A_53, %dma_start3A_56] : memref<16384x2048xf32, #tpu.memory_space<hbm>> -> memref<16x2048xf32, #tpu.memory_space<hbm>>
    tpu.enqueue_dma source(%arg8 : memref<16x2048xf32, #tpu.memory_space<vmem>>) target(%dma_start3A_57 : memref<16x2048xf32, #tpu.memory_space<hbm>>) target_semaphore(%arg14 : memref<!tpu.dma_semaphore, #tpu.memory_space<semaphore_mem>>)
    %dma_wait3A_58 = arith.constant 0 : i32
    %dma_wait3A_59 = tpu.memref_slice %arg4[%add3A_33, %dma_wait3A_58] : memref<16384x2048xf32, #tpu.memory_space<hbm>> -> memref<16x2048xf32, #tpu.memory_space<hbm>>
    %dma_wait3A_60 = arith.constant 0 : i32
    %dma_wait3A_61 = tpu.memref_slice %arg4[%add3A_33, %dma_wait3A_60] : memref<16384x2048xf32, #tpu.memory_space<hbm>> -> memref<16x2048xf32, #tpu.memory_space<hbm>>
    tpu.wait_dma2 semaphore(%arg13 : memref<!tpu.dma_semaphore, #tpu.memory_space<semaphore_mem>>) src(%arg7 : memref<16x2048xf32, #tpu.memory_space<vmem>>) dst(%dma_wait3A_61 : memref<16x2048xf32, #tpu.memory_space<hbm>>)
    %dma_start3A_62 = arith.constant 64 : i32
    %dma_start3A_63 = tpu.memref_slice %arg5[%dma_start3A_62] : memref<512xi32, #tpu.memory_space<vmem>> -> memref<16xi32, #tpu.memory_space<vmem>>
    %dma_start3A_64 = arith.constant 0 : i32
    %dma_start3A_65 = arith.constant 0 : i32
    %dma_start3A_66 = tpu.memref_slice %arg2[%dma_start3A_64, %dma_start3A_65] : memref<8192x2048xf32, #tpu.memory_space<hbm>> -> memref<8192x2048xf32, #tpu.memory_space<hbm>>
    tpu.enqueue_indirect_dma source(%dma_start3A_66 : memref<8192x2048xf32, #tpu.memory_space<hbm>>) target(%arg7 : memref<16x2048xf32, #tpu.memory_space<vmem>>) offsets(%dma_start3A_63 : memref<16xi32, #tpu.memory_space<vmem>>) semaphore(%arg10 : memref<!tpu.dma_semaphore, #tpu.memory_space<semaphore_mem>>)
    %dma_wait3A_67 = arith.constant 48 : i32
    %dma_wait3A_68 = tpu.memref_slice %arg5[%dma_wait3A_67] : memref<512xi32, #tpu.memory_space<vmem>> -> memref<16xi32, #tpu.memory_space<vmem>>
    %dma_wait3A_69 = arith.constant 0 : i32
    %dma_wait3A_70 = arith.constant 0 : i32
    %dma_wait3A_71 = tpu.memref_slice %arg2[%dma_wait3A_69, %dma_wait3A_70] : memref<8192x2048xf32, #tpu.memory_space<hbm>> -> memref<8192x2048xf32, #tpu.memory_space<hbm>>
    tpu.wait_indirect_dma semaphore(%arg9 : memref<!tpu.dma_semaphore, #tpu.memory_space<semaphore_mem>>) src(%dma_wait3A_71 : memref<8192x2048xf32, #tpu.memory_space<hbm>>) dst(%arg6 : memref<16x2048xf32, #tpu.memory_space<vmem>>)
    %add3A_72 = arith.constant 48 : i32
    %add3A_73 = arith.addi %mul3A_2, %add3A_72 : i32
    %dma_start3A_74 = arith.constant 0 : i32
    %dma_start3A_75 = tpu.memref_slice %arg4[%add3A_73, %dma_start3A_74] : memref<16384x2048xf32, #tpu.memory_space<hbm>> -> memref<16x2048xf32, #tpu.memory_space<hbm>>
    %dma_start3A_76 = arith.constant 0 : i32
    %dma_start3A_77 = tpu.memref_slice %arg4[%add3A_73, %dma_start3A_76] : memref<16384x2048xf32, #tpu.memory_space<hbm>> -> memref<16x2048xf32, #tpu.memory_space<hbm>>
    tpu.enqueue_dma source(%arg6 : memref<16x2048xf32, #tpu.memory_space<vmem>>) target(%dma_start3A_77 : memref<16x2048xf32, #tpu.memory_space<hbm>>) target_semaphore(%arg12 : memref<!tpu.dma_semaphore, #tpu.memory_space<semaphore_mem>>)
    %dma_wait3A_78 = arith.constant 0 : i32
    %dma_wait3A_79 = tpu.memref_slice %arg4[%add3A_53, %dma_wait3A_78] : memref<16384x2048xf32, #tpu.memory_space<hbm>> -> memref<16x2048xf32, #tpu.memory_space<hbm>>
    %dma_wait3A_80 = arith.constant 0 : i32
    %dma_wait3A_81 = tpu.memref_slice %arg4[%add3A_53, %dma_wait3A_80] : memref<16384x2048xf32, #tpu.memory_space<hbm>> -> memref<16x2048xf32, #tpu.memory_space<hbm>>
    tpu.wait_dma2 semaphore(%arg14 : memref<!tpu.dma_semaphore, #tpu.memory_space<semaphore_mem>>) src(%arg8 : memref<16x2048xf32, #tpu.memory_space<vmem>>) dst(%dma_wait3A_81 : memref<16x2048xf32, #tpu.memory_space<hbm>>)
    %dma_start3A_82 = arith.constant 80 : i32
    %dma_start3A_83 = tpu.memref_slice %arg5[%dma_start3A_82] : memref<512xi32, #tpu.memory_space<vmem>> -> memref<16xi32, #tpu.memory_space<vmem>>
    %dma_start3A_84 = arith.constant 0 : i32
    %dma_start3A_85 = arith.constant 0 : i32
    %dma_start3A_86 = tpu.memref_slice %arg2[%dma_start3A_84, %dma_start3A_85] : memref<8192x2048xf32, #tpu.memory_space<hbm>> -> memref<8192x2048xf32, #tpu.memory_space<hbm>>
    tpu.enqueue_indirect_dma source(%dma_start3A_86 : memref<8192x2048xf32, #tpu.memory_space<hbm>>) target(%arg8 : memref<16x2048xf32, #tpu.memory_space<vmem>>) offsets(%dma_start3A_83 : memref<16xi32, #tpu.memory_space<vmem>>) semaphore(%arg11 : memref<!tpu.dma_semaphore, #tpu.memory_space<semaphore_mem>>)
    %dma_wait3A_87 = arith.constant 64 : i32
    %dma_wait3A_88 = tpu.memref_slice %arg5[%dma_wait3A_87] : memref<512xi32, #tpu.memory_space<vmem>> -> memref<16xi32, #tpu.memory_space<vmem>>
    %dma_wait3A_89 = arith.constant 0 : i32
    %dma_wait3A_90 = arith.constant 0 : i32
    %dma_wait3A_91 = tpu.memref_slice %arg2[%dma_wait3A_89, %dma_wait3A_90] : memref<8192x2048xf32, #tpu.memory_space<hbm>> -> memref<8192x2048xf32, #tpu.memory_space<hbm>>
    tpu.wait_indirect_dma semaphore(%arg10 : memref<!tpu.dma_semaphore, #tpu.memory_space<semaphore_mem>>) src(%dma_wait3A_91 : memref<8192x2048xf32, #tpu.memory_space<hbm>>) dst(%arg7 : memref<16x2048xf32, #tpu.memory_space<vmem>>)
    %add3A_92 = arith.constant 64 : i32
    %add3A_93 = arith.addi %mul3A_2, %add3A_92 : i32
    %dma_start3A_94 = arith.constant 0 : i32
    %dma_start3A_95 = tpu.memref_slice %arg4[%add3A_93, %dma_start3A_94] : memref<16384x2048xf32, #tpu.memory_space<hbm>> -> memref<16x2048xf32, #tpu.memory_space<hbm>>
    %dma_start3A_96 = arith.constant 0 : i32
    %dma_start3A_97 = tpu.memref_slice %arg4[%add3A_93, %dma_start3A_96] : memref<16384x2048xf32, #tpu.memory_space<hbm>> -> memref<16x2048xf32, #tpu.memory_space<hbm>>
    tpu.enqueue_dma source(%arg7 : memref<16x2048xf32, #tpu.memory_space<vmem>>) target(%dma_start3A_97 : memref<16x2048xf32, #tpu.memory_space<hbm>>) target_semaphore(%arg13 : memref<!tpu.dma_semaphore, #tpu.memory_space<semaphore_mem>>)
    %dma_wait3A_98 = arith.constant 0 : i32
    %dma_wait3A_99 = tpu.memref_slice %arg4[%add3A_73, %dma_wait3A_98] : memref<16384x2048xf32, #tpu.memory_space<hbm>> -> memref<16x2048xf32, #tpu.memory_space<hbm>>
    %dma_wait3A_100 = arith.constant 0 : i32
    %dma_wait3A_101 = tpu.memref_slice %arg4[%add3A_73, %dma_wait3A_100] : memref<16384x2048xf32, #tpu.memory_space<hbm>> -> memref<16x2048xf32, #tpu.memory_space<hbm>>
    tpu.wait_dma2 semaphore(%arg12 : memref<!tpu.dma_semaphore, #tpu.memory_space<semaphore_mem>>) src(%arg6 : memref<16x2048xf32, #tpu.memory_space<vmem>>) dst(%dma_wait3A_101 : memref<16x2048xf32, #tpu.memory_space<hbm>>)
    %dma_start3A_102 = arith.constant 96 : i32
    %dma_start3A_103 = tpu.memref_slice %arg5[%dma_start3A_102] : memref<512xi32, #tpu.memory_space<vmem>> -> memref<16xi32, #tpu.memory_space<vmem>>
    %dma_start3A_104 = arith.constant 0 : i32
    %dma_start3A_105 = arith.constant 0 : i32
    %dma_start3A_106 = tpu.memref_slice %arg2[%dma_start3A_104, %dma_start3A_105] : memref<8192x2048xf32, #tpu.memory_space<hbm>> -> memref<8192x2048xf32, #tpu.memory_space<hbm>>
    tpu.enqueue_indirect_dma source(%dma_start3A_106 : memref<8192x2048xf32, #tpu.memory_space<hbm>>) target(%arg6 : memref<16x2048xf32, #tpu.memory_space<vmem>>) offsets(%dma_start3A_103 : memref<16xi32, #tpu.memory_space<vmem>>) semaphore(%arg9 : memref<!tpu.dma_semaphore, #tpu.memory_space<semaphore_mem>>)
    %dma_wait3A_107 = arith.constant 80 : i32
    %dma_wait3A_108 = tpu.memref_slice %arg5[%dma_wait3A_107] : memref<512xi32, #tpu.memory_space<vmem>> -> memref<16xi32, #tpu.memory_space<vmem>>
    %dma_wait3A_109 = arith.constant 0 : i32
    %dma_wait3A_110 = arith.constant 0 : i32
    %dma_wait3A_111 = tpu.memref_slice %arg2[%dma_wait3A_109, %dma_wait3A_110] : memref<8192x2048xf32, #tpu.memory_space<hbm>> -> memref<8192x2048xf32, #tpu.memory_space<hbm>>
    tpu.wait_indirect_dma semaphore(%arg11 : memref<!tpu.dma_semaphore, #tpu.memory_space<semaphore_mem>>) src(%dma_wait3A_111 : memref<8192x2048xf32, #tpu.memory_space<hbm>>) dst(%arg8 : memref<16x2048xf32, #tpu.memory_space<vmem>>)
    %add3A_112 = arith.constant 80 : i32
    %add3A_113 = arith.addi %mul3A_2, %add3A_112 : i32
    %dma_start3A_114 = arith.constant 0 : i32
    %dma_start3A_115 = tpu.memref_slice %arg4[%add3A_113, %dma_start3A_114] : memref<16384x2048xf32, #tpu.memory_space<hbm>> -> memref<16x2048xf32, #tpu.memory_space<hbm>>
    %dma_start3A_116 = arith.constant 0 : i32
    %dma_start3A_117 = tpu.memref_slice %arg4[%add3A_113, %dma_start3A_116] : memref<16384x2048xf32, #tpu.memory_space<hbm>> -> memref<16x2048xf32, #tpu.memory_space<hbm>>
    tpu.enqueue_dma source(%arg8 : memref<16x2048xf32, #tpu.memory_space<vmem>>) target(%dma_start3A_117 : memref<16x2048xf32, #tpu.memory_space<hbm>>) target_semaphore(%arg14 : memref<!tpu.dma_semaphore, #tpu.memory_space<semaphore_mem>>)
    %dma_wait3A_118 = arith.constant 0 : i32
    %dma_wait3A_119 = tpu.memref_slice %arg4[%add3A_93, %dma_wait3A_118] : memref<16384x2048xf32, #tpu.memory_space<hbm>> -> memref<16x2048xf32, #tpu.memory_space<hbm>>
    %dma_wait3A_120 = arith.constant 0 : i32
    %dma_wait3A_121 = tpu.memref_slice %arg4[%add3A_93, %dma_wait3A_120] : memref<16384x2048xf32, #tpu.memory_space<hbm>> -> memref<16x2048xf32, #tpu.memory_space<hbm>>
    tpu.wait_dma2 semaphore(%arg13 : memref<!tpu.dma_semaphore, #tpu.memory_space<semaphore_mem>>) src(%arg7 : memref<16x2048xf32, #tpu.memory_space<vmem>>) dst(%dma_wait3A_121 : memref<16x2048xf32, #tpu.memory_space<hbm>>)
    %dma_start3A_122 = arith.constant 112 : i32
    %dma_start3A_123 = tpu.memref_slice %arg5[%dma_start3A_122] : memref<512xi32, #tpu.memory_space<vmem>> -> memref<16xi32, #tpu.memory_space<vmem>>
    %dma_start3A_124 = arith.constant 0 : i32
    %dma_start3A_125 = arith.constant 0 : i32
    %dma_start3A_126 = tpu.memref_slice %arg2[%dma_start3A_124, %dma_start3A_125] : memref<8192x2048xf32, #tpu.memory_space<hbm>> -> memref<8192x2048xf32, #tpu.memory_space<hbm>>
    tpu.enqueue_indirect_dma source(%dma_start3A_126 : memref<8192x2048xf32, #tpu.memory_space<hbm>>) target(%arg7 : memref<16x2048xf32, #tpu.memory_space<vmem>>) offsets(%dma_start3A_123 : memref<16xi32, #tpu.memory_space<vmem>>) semaphore(%arg10 : memref<!tpu.dma_semaphore, #tpu.memory_space<semaphore_mem>>)
    %dma_wait3A_127 = arith.constant 96 : i32
    %dma_wait3A_128 = tpu.memref_slice %arg5[%dma_wait3A_127] : memref<512xi32, #tpu.memory_space<vmem>> -> memref<16xi32, #tpu.memory_space<vmem>>
    %dma_wait3A_129 = arith.constant 0 : i32
    %dma_wait3A_130 = arith.constant 0 : i32
    %dma_wait3A_131 = tpu.memref_slice %arg2[%dma_wait3A_129, %dma_wait3A_130] : memref<8192x2048xf32, #tpu.memory_space<hbm>> -> memref<8192x2048xf32, #tpu.memory_space<hbm>>
    tpu.wait_indirect_dma semaphore(%arg9 : memref<!tpu.dma_semaphore, #tpu.memory_space<semaphore_mem>>) src(%dma_wait3A_131 : memref<8192x2048xf32, #tpu.memory_space<hbm>>) dst(%arg6 : memref<16x2048xf32, #tpu.memory_space<vmem>>)
    %add3A_132 = arith.constant 96 : i32
    %add3A_133 = arith.addi %mul3A_2, %add3A_132 : i32
    %dma_start3A_134 = arith.constant 0 : i32
    %dma_start3A_135 = tpu.memref_slice %arg4[%add3A_133, %dma_start3A_134] : memref<16384x2048xf32, #tpu.memory_space<hbm>> -> memref<16x2048xf32, #tpu.memory_space<hbm>>
    %dma_start3A_136 = arith.constant 0 : i32
    %dma_start3A_137 = tpu.memref_slice %arg4[%add3A_133, %dma_start3A_136] : memref<16384x2048xf32, #tpu.memory_space<hbm>> -> memref<16x2048xf32, #tpu.memory_space<hbm>>
    tpu.enqueue_dma source(%arg6 : memref<16x2048xf32, #tpu.memory_space<vmem>>) target(%dma_start3A_137 : memref<16x2048xf32, #tpu.memory_space<hbm>>) target_semaphore(%arg12 : memref<!tpu.dma_semaphore, #tpu.memory_space<semaphore_mem>>)
    %dma_wait3A_138 = arith.constant 0 : i32
    %dma_wait3A_139 = tpu.memref_slice %arg4[%add3A_113, %dma_wait3A_138] : memref<16384x2048xf32, #tpu.memory_space<hbm>> -> memref<16x2048xf32, #tpu.memory_space<hbm>>
    %dma_wait3A_140 = arith.constant 0 : i32
    %dma_wait3A_141 = tpu.memref_slice %arg4[%add3A_113, %dma_wait3A_140] : memref<16384x2048xf32, #tpu.memory_space<hbm>> -> memref<16x2048xf32, #tpu.memory_space<hbm>>
    tpu.wait_dma2 semaphore(%arg14 : memref<!tpu.dma_semaphore, #tpu.memory_space<semaphore_mem>>) src(%arg8 : memref<16x2048xf32, #tpu.memory_space<vmem>>) dst(%dma_wait3A_141 : memref<16x2048xf32, #tpu.memory_space<hbm>>)
    %dma_start3A_142 = arith.constant 128 : i32
    %dma_start3A_143 = tpu.memref_slice %arg5[%dma_start3A_142] : memref<512xi32, #tpu.memory_space<vmem>> -> memref<16xi32, #tpu.memory_space<vmem>>
    %dma_start3A_144 = arith.constant 0 : i32
    %dma_start3A_145 = arith.constant 0 : i32
    %dma_start3A_146 = tpu.memref_slice %arg2[%dma_start3A_144, %dma_start3A_145] : memref<8192x2048xf32, #tpu.memory_space<hbm>> -> memref<8192x2048xf32, #tpu.memory_space<hbm>>
    tpu.enqueue_indirect_dma source(%dma_start3A_146 : memref<8192x2048xf32, #tpu.memory_space<hbm>>) target(%arg8 : memref<16x2048xf32, #tpu.memory_space<vmem>>) offsets(%dma_start3A_143 : memref<16xi32, #tpu.memory_space<vmem>>) semaphore(%arg11 : memref<!tpu.dma_semaphore, #tpu.memory_space<semaphore_mem>>)
    %dma_wait3A_147 = arith.constant 112 : i32
    %dma_wait3A_148 = tpu.memref_slice %arg5[%dma_wait3A_147] : memref<512xi32, #tpu.memory_space<vmem>> -> memref<16xi32, #tpu.memory_space<vmem>>
    %dma_wait3A_149 = arith.constant 0 : i32
    %dma_wait3A_150 = arith.constant 0 : i32
    %dma_wait3A_151 = tpu.memref_slice %arg2[%dma_wait3A_149, %dma_wait3A_150] : memref<8192x2048xf32, #tpu.memory_space<hbm>> -> memref<8192x2048xf32, #tpu.memory_space<hbm>>
    tpu.wait_indirect_dma semaphore(%arg10 : memref<!tpu.dma_semaphore, #tpu.memory_space<semaphore_mem>>) src(%dma_wait3A_151 : memref<8192x2048xf32, #tpu.memory_space<hbm>>) dst(%arg7 : memref<16x2048xf32, #tpu.memory_space<vmem>>)
    %add3A_152 = arith.constant 112 : i32
    %add3A_153 = arith.addi %mul3A_2, %add3A_152 : i32
    %dma_start3A_154 = arith.constant 0 : i32
    %dma_start3A_155 = tpu.memref_slice %arg4[%add3A_153, %dma_start3A_154] : memref<16384x2048xf32, #tpu.memory_space<hbm>> -> memref<16x2048xf32, #tpu.memory_space<hbm>>
    %dma_start3A_156 = arith.constant 0 : i32
    %dma_start3A_157 = tpu.memref_slice %arg4[%add3A_153, %dma_start3A_156] : memref<16384x2048xf32, #tpu.memory_space<hbm>> -> memref<16x2048xf32, #tpu.memory_space<hbm>>
    tpu.enqueue_dma source(%arg7 : memref<16x2048xf32, #tpu.memory_space<vmem>>) target(%dma_start3A_157 : memref<16x2048xf32, #tpu.memory_space<hbm>>) target_semaphore(%arg13 : memref<!tpu.dma_semaphore, #tpu.memory_space<semaphore_mem>>)
    %dma_wait3A_158 = arith.constant 0 : i32
    %dma_wait3A_159 = tpu.memref_slice %arg4[%add3A_133, %dma_wait3A_158] : memref<16384x2048xf32, #tpu.memory_space<hbm>> -> memref<16x2048xf32, #tpu.memory_space<hbm>>
    %dma_wait3A_160 = arith.constant 0 : i32
    %dma_wait3A_161 = tpu.memref_slice %arg4[%add3A_133, %dma_wait3A_160] : memref<16384x2048xf32, #tpu.memory_space<hbm>> -> memref<16x2048xf32, #tpu.memory_space<hbm>>
    tpu.wait_dma2 semaphore(%arg12 : memref<!tpu.dma_semaphore, #tpu.memory_space<semaphore_mem>>) src(%arg6 : memref<16x2048xf32, #tpu.memory_space<vmem>>) dst(%dma_wait3A_161 : memref<16x2048xf32, #tpu.memory_space<hbm>>)
    %dma_start3A_162 = arith.constant 144 : i32
    %dma_start3A_163 = tpu.memref_slice %arg5[%dma_start3A_162] : memref<512xi32, #tpu.memory_space<vmem>> -> memref<16xi32, #tpu.memory_space<vmem>>
    %dma_start3A_164 = arith.constant 0 : i32
    %dma_start3A_165 = arith.constant 0 : i32
    %dma_start3A_166 = tpu.memref_slice %arg2[%dma_start3A_164, %dma_start3A_165] : memref<8192x2048xf32, #tpu.memory_space<hbm>> -> memref<8192x2048xf32, #tpu.memory_space<hbm>>
    tpu.enqueue_indirect_dma source(%dma_start3A_166 : memref<8192x2048xf32, #tpu.memory_space<hbm>>) target(%arg6 : memref<16x2048xf32, #tpu.memory_space<vmem>>) offsets(%dma_start3A_163 : memref<16xi32, #tpu.memory_space<vmem>>) semaphore(%arg9 : memref<!tpu.dma_semaphore, #tpu.memory_space<semaphore_mem>>)
    %dma_wait3A_167 = arith.constant 128 : i32
    %dma_wait3A_168 = tpu.memref_slice %arg5[%dma_wait3A_167] : memref<512xi32, #tpu.memory_space<vmem>> -> memref<16xi32, #tpu.memory_space<vmem>>
    %dma_wait3A_169 = arith.constant 0 : i32
    %dma_wait3A_170 = arith.constant 0 : i32
    %dma_wait3A_171 = tpu.memref_slice %arg2[%dma_wait3A_169, %dma_wait3A_170] : memref<8192x2048xf32, #tpu.memory_space<hbm>> -> memref<8192x2048xf32, #tpu.memory_space<hbm>>
    tpu.wait_indirect_dma semaphore(%arg11 : memref<!tpu.dma_semaphore, #tpu.memory_space<semaphore_mem>>) src(%dma_wait3A_171 : memref<8192x2048xf32, #tpu.memory_space<hbm>>) dst(%arg8 : memref<16x2048xf32, #tpu.memory_space<vmem>>)
    %add3A_172 = arith.constant 128 : i32
    %add3A_173 = arith.addi %mul3A_2, %add3A_172 : i32
    %dma_start3A_174 = arith.constant 0 : i32
    %dma_start3A_175 = tpu.memref_slice %arg4[%add3A_173, %dma_start3A_174] : memref<16384x2048xf32, #tpu.memory_space<hbm>> -> memref<16x2048xf32, #tpu.memory_space<hbm>>
    %dma_start3A_176 = arith.constant 0 : i32
    %dma_start3A_177 = tpu.memref_slice %arg4[%add3A_173, %dma_start3A_176] : memref<16384x2048xf32, #tpu.memory_space<hbm>> -> memref<16x2048xf32, #tpu.memory_space<hbm>>
    tpu.enqueue_dma source(%arg8 : memref<16x2048xf32, #tpu.memory_space<vmem>>) target(%dma_start3A_177 : memref<16x2048xf32, #tpu.memory_space<hbm>>) target_semaphore(%arg14 : memref<!tpu.dma_semaphore, #tpu.memory_space<semaphore_mem>>)
    %dma_wait3A_178 = arith.constant 0 : i32
    %dma_wait3A_179 = tpu.memref_slice %arg4[%add3A_153, %dma_wait3A_178] : memref<16384x2048xf32, #tpu.memory_space<hbm>> -> memref<16x2048xf32, #tpu.memory_space<hbm>>
    %dma_wait3A_180 = arith.constant 0 : i32
    %dma_wait3A_181 = tpu.memref_slice %arg4[%add3A_153, %dma_wait3A_180] : memref<16384x2048xf32, #tpu.memory_space<hbm>> -> memref<16x2048xf32, #tpu.memory_space<hbm>>
    tpu.wait_dma2 semaphore(%arg13 : memref<!tpu.dma_semaphore, #tpu.memory_space<semaphore_mem>>) src(%arg7 : memref<16x2048xf32, #tpu.memory_space<vmem>>) dst(%dma_wait3A_181 : memref<16x2048xf32, #tpu.memory_space<hbm>>)
    %dma_start3A_182 = arith.constant 160 : i32
    %dma_start3A_183 = tpu.memref_slice %arg5[%dma_start3A_182] : memref<512xi32, #tpu.memory_space<vmem>> -> memref<16xi32, #tpu.memory_space<vmem>>
    %dma_start3A_184 = arith.constant 0 : i32
    %dma_start3A_185 = arith.constant 0 : i32
    %dma_start3A_186 = tpu.memref_slice %arg2[%dma_start3A_184, %dma_start3A_185] : memref<8192x2048xf32, #tpu.memory_space<hbm>> -> memref<8192x2048xf32, #tpu.memory_space<hbm>>
    tpu.enqueue_indirect_dma source(%dma_start3A_186 : memref<8192x2048xf32, #tpu.memory_space<hbm>>) target(%arg7 : memref<16x2048xf32, #tpu.memory_space<vmem>>) offsets(%dma_start3A_183 : memref<16xi32, #tpu.memory_space<vmem>>) semaphore(%arg10 : memref<!tpu.dma_semaphore, #tpu.memory_space<semaphore_mem>>)
    %dma_wait3A_187 = arith.constant 144 : i32
    %dma_wait3A_188 = tpu.memref_slice %arg5[%dma_wait3A_187] : memref<512xi32, #tpu.memory_space<vmem>> -> memref<16xi32, #tpu.memory_space<vmem>>
    %dma_wait3A_189 = arith.constant 0 : i32
    %dma_wait3A_190 = arith.constant 0 : i32
    %dma_wait3A_191 = tpu.memref_slice %arg2[%dma_wait3A_189, %dma_wait3A_190] : memref<8192x2048xf32, #tpu.memory_space<hbm>> -> memref<8192x2048xf32, #tpu.memory_space<hbm>>
    tpu.wait_indirect_dma semaphore(%arg9 : memref<!tpu.dma_semaphore, #tpu.memory_space<semaphore_mem>>) src(%dma_wait3A_191 : memref<8192x2048xf32, #tpu.memory_space<hbm>>) dst(%arg6 : memref<16x2048xf32, #tpu.memory_space<vmem>>)
    %add3A_192 = arith.constant 144 : i32
    %add3A_193 = arith.addi %mul3A_2, %add3A_192 : i32
    %dma_start3A_194 = arith.constant 0 : i32
    %dma_start3A_195 = tpu.memref_slice %arg4[%add3A_193, %dma_start3A_194] : memref<16384x2048xf32, #tpu.memory_space<hbm>> -> memref<16x2048xf32, #tpu.memory_space<hbm>>
    %dma_start3A_196 = arith.constant 0 : i32
    %dma_start3A_197 = tpu.memref_slice %arg4[%add3A_193, %dma_start3A_196] : memref<16384x2048xf32, #tpu.memory_space<hbm>> -> memref<16x2048xf32, #tpu.memory_space<hbm>>
    tpu.enqueue_dma source(%arg6 : memref<16x2048xf32, #tpu.memory_space<vmem>>) target(%dma_start3A_197 : memref<16x2048xf32, #tpu.memory_space<hbm>>) target_semaphore(%arg12 : memref<!tpu.dma_semaphore, #tpu.memory_space<semaphore_mem>>)
    %dma_wait3A_198 = arith.constant 0 : i32
    %dma_wait3A_199 = tpu.memref_slice %arg4[%add3A_173, %dma_wait3A_198] : memref<16384x2048xf32, #tpu.memory_space<hbm>> -> memref<16x2048xf32, #tpu.memory_space<hbm>>
    %dma_wait3A_200 = arith.constant 0 : i32
    %dma_wait3A_201 = tpu.memref_slice %arg4[%add3A_173, %dma_wait3A_200] : memref<16384x2048xf32, #tpu.memory_space<hbm>> -> memref<16x2048xf32, #tpu.memory_space<hbm>>
    tpu.wait_dma2 semaphore(%arg14 : memref<!tpu.dma_semaphore, #tpu.memory_space<semaphore_mem>>) src(%arg8 : memref<16x2048xf32, #tpu.memory_space<vmem>>) dst(%dma_wait3A_201 : memref<16x2048xf32, #tpu.memory_space<hbm>>)
    %dma_start3A_202 = arith.constant 176 : i32
    %dma_start3A_203 = tpu.memref_slice %arg5[%dma_start3A_202] : memref<512xi32, #tpu.memory_space<vmem>> -> memref<16xi32, #tpu.memory_space<vmem>>
    %dma_start3A_204 = arith.constant 0 : i32
    %dma_start3A_205 = arith.constant 0 : i32
    %dma_start3A_206 = tpu.memref_slice %arg2[%dma_start3A_204, %dma_start3A_205] : memref<8192x2048xf32, #tpu.memory_space<hbm>> -> memref<8192x2048xf32, #tpu.memory_space<hbm>>
    tpu.enqueue_indirect_dma source(%dma_start3A_206 : memref<8192x2048xf32, #tpu.memory_space<hbm>>) target(%arg8 : memref<16x2048xf32, #tpu.memory_space<vmem>>) offsets(%dma_start3A_203 : memref<16xi32, #tpu.memory_space<vmem>>) semaphore(%arg11 : memref<!tpu.dma_semaphore, #tpu.memory_space<semaphore_mem>>)
    %dma_wait3A_207 = arith.constant 160 : i32
    %dma_wait3A_208 = tpu.memref_slice %arg5[%dma_wait3A_207] : memref<512xi32, #tpu.memory_space<vmem>> -> memref<16xi32, #tpu.memory_space<vmem>>
    %dma_wait3A_209 = arith.constant 0 : i32
    %dma_wait3A_210 = arith.constant 0 : i32
    %dma_wait3A_211 = tpu.memref_slice %arg2[%dma_wait3A_209, %dma_wait3A_210] : memref<8192x2048xf32, #tpu.memory_space<hbm>> -> memref<8192x2048xf32, #tpu.memory_space<hbm>>
    tpu.wait_indirect_dma semaphore(%arg10 : memref<!tpu.dma_semaphore, #tpu.memory_space<semaphore_mem>>) src(%dma_wait3A_211 : memref<8192x2048xf32, #tpu.memory_space<hbm>>) dst(%arg7 : memref<16x2048xf32, #tpu.memory_space<vmem>>)
    %add3A_212 = arith.constant 160 : i32
    %add3A_213 = arith.addi %mul3A_2, %add3A_212 : i32
    %dma_start3A_214 = arith.constant 0 : i32
    %dma_start3A_215 = tpu.memref_slice %arg4[%add3A_213, %dma_start3A_214] : memref<16384x2048xf32, #tpu.memory_space<hbm>> -> memref<16x2048xf32, #tpu.memory_space<hbm>>
    %dma_start3A_216 = arith.constant 0 : i32
    %dma_start3A_217 = tpu.memref_slice %arg4[%add3A_213, %dma_start3A_216] : memref<16384x2048xf32, #tpu.memory_space<hbm>> -> memref<16x2048xf32, #tpu.memory_space<hbm>>
    tpu.enqueue_dma source(%arg7 : memref<16x2048xf32, #tpu.memory_space<vmem>>) target(%dma_start3A_217 : memref<16x2048xf32, #tpu.memory_space<hbm>>) target_semaphore(%arg13 : memref<!tpu.dma_semaphore, #tpu.memory_space<semaphore_mem>>)
    %dma_wait3A_218 = arith.constant 0 : i32
    %dma_wait3A_219 = tpu.memref_slice %arg4[%add3A_193, %dma_wait3A_218] : memref<16384x2048xf32, #tpu.memory_space<hbm>> -> memref<16x2048xf32, #tpu.memory_space<hbm>>
    %dma_wait3A_220 = arith.constant 0 : i32
    %dma_wait3A_221 = tpu.memref_slice %arg4[%add3A_193, %dma_wait3A_220] : memref<16384x2048xf32, #tpu.memory_space<hbm>> -> memref<16x2048xf32, #tpu.memory_space<hbm>>
    tpu.wait_dma2 semaphore(%arg12 : memref<!tpu.dma_semaphore, #tpu.memory_space<semaphore_mem>>) src(%arg6 : memref<16x2048xf32, #tpu.memory_space<vmem>>) dst(%dma_wait3A_221 : memref<16x2048xf32, #tpu.memory_space<hbm>>)
    %dma_start3A_222 = arith.constant 192 : i32
    %dma_start3A_223 = tpu.memref_slice %arg5[%dma_start3A_222] : memref<512xi32, #tpu.memory_space<vmem>> -> memref<16xi32, #tpu.memory_space<vmem>>
    %dma_start3A_224 = arith.constant 0 : i32
    %dma_start3A_225 = arith.constant 0 : i32
    %dma_start3A_226 = tpu.memref_slice %arg2[%dma_start3A_224, %dma_start3A_225] : memref<8192x2048xf32, #tpu.memory_space<hbm>> -> memref<8192x2048xf32, #tpu.memory_space<hbm>>
    tpu.enqueue_indirect_dma source(%dma_start3A_226 : memref<8192x2048xf32, #tpu.memory_space<hbm>>) target(%arg6 : memref<16x2048xf32, #tpu.memory_space<vmem>>) offsets(%dma_start3A_223 : memref<16xi32, #tpu.memory_space<vmem>>) semaphore(%arg9 : memref<!tpu.dma_semaphore, #tpu.memory_space<semaphore_mem>>)
    %dma_wait3A_227 = arith.constant 176 : i32
    %dma_wait3A_228 = tpu.memref_slice %arg5[%dma_wait3A_227] : memref<512xi32, #tpu.memory_space<vmem>> -> memref<16xi32, #tpu.memory_space<vmem>>
    %dma_wait3A_229 = arith.constant 0 : i32
    %dma_wait3A_230 = arith.constant 0 : i32
    %dma_wait3A_231 = tpu.memref_slice %arg2[%dma_wait3A_229, %dma_wait3A_230] : memref<8192x2048xf32, #tpu.memory_space<hbm>> -> memref<8192x2048xf32, #tpu.memory_space<hbm>>
    tpu.wait_indirect_dma semaphore(%arg11 : memref<!tpu.dma_semaphore, #tpu.memory_space<semaphore_mem>>) src(%dma_wait3A_231 : memref<8192x2048xf32, #tpu.memory_space<hbm>>) dst(%arg8 : memref<16x2048xf32, #tpu.memory_space<vmem>>)
    %add3A_232 = arith.constant 176 : i32
    %add3A_233 = arith.addi %mul3A_2, %add3A_232 : i32
    %dma_start3A_234 = arith.constant 0 : i32
    %dma_start3A_235 = tpu.memref_slice %arg4[%add3A_233, %dma_start3A_234] : memref<16384x2048xf32, #tpu.memory_space<hbm>> -> memref<16x2048xf32, #tpu.memory_space<hbm>>
    %dma_start3A_236 = arith.constant 0 : i32
    %dma_start3A_237 = tpu.memref_slice %arg4[%add3A_233, %dma_start3A_236] : memref<16384x2048xf32, #tpu.memory_space<hbm>> -> memref<16x2048xf32, #tpu.memory_space<hbm>>
    tpu.enqueue_dma source(%arg8 : memref<16x2048xf32, #tpu.memory_space<vmem>>) target(%dma_start3A_237 : memref<16x2048xf32, #tpu.memory_space<hbm>>) target_semaphore(%arg14 : memref<!tpu.dma_semaphore, #tpu.memory_space<semaphore_mem>>)
    %dma_wait3A_238 = arith.constant 0 : i32
    %dma_wait3A_239 = tpu.memref_slice %arg4[%add3A_213, %dma_wait3A_238] : memref<16384x2048xf32, #tpu.memory_space<hbm>> -> memref<16x2048xf32, #tpu.memory_space<hbm>>
    %dma_wait3A_240 = arith.constant 0 : i32
    %dma_wait3A_241 = tpu.memref_slice %arg4[%add3A_213, %dma_wait3A_240] : memref<16384x2048xf32, #tpu.memory_space<hbm>> -> memref<16x2048xf32, #tpu.memory_space<hbm>>
    tpu.wait_dma2 semaphore(%arg13 : memref<!tpu.dma_semaphore, #tpu.memory_space<semaphore_mem>>) src(%arg7 : memref<16x2048xf32, #tpu.memory_space<vmem>>) dst(%dma_wait3A_241 : memref<16x2048xf32, #tpu.memory_space<hbm>>)
    %dma_start3A_242 = arith.constant 208 : i32
    %dma_start3A_243 = tpu.memref_slice %arg5[%dma_start3A_242] : memref<512xi32, #tpu.memory_space<vmem>> -> memref<16xi32, #tpu.memory_space<vmem>>
    %dma_start3A_244 = arith.constant 0 : i32
    %dma_start3A_245 = arith.constant 0 : i32
    %dma_start3A_246 = tpu.memref_slice %arg2[%dma_start3A_244, %dma_start3A_245] : memref<8192x2048xf32, #tpu.memory_space<hbm>> -> memref<8192x2048xf32, #tpu.memory_space<hbm>>
    tpu.enqueue_indirect_dma source(%dma_start3A_246 : memref<8192x2048xf32, #tpu.memory_space<hbm>>) target(%arg7 : memref<16x2048xf32, #tpu.memory_space<vmem>>) offsets(%dma_start3A_243 : memref<16xi32, #tpu.memory_space<vmem>>) semaphore(%arg10 : memref<!tpu.dma_semaphore, #tpu.memory_space<semaphore_mem>>)
    %dma_wait3A_247 = arith.constant 192 : i32
    %dma_wait3A_248 = tpu.memref_slice %arg5[%dma_wait3A_247] : memref<512xi32, #tpu.memory_space<vmem>> -> memref<16xi32, #tpu.memory_space<vmem>>
    %dma_wait3A_249 = arith.constant 0 : i32
    %dma_wait3A_250 = arith.constant 0 : i32
    %dma_wait3A_251 = tpu.memref_slice %arg2[%dma_wait3A_249, %dma_wait3A_250] : memref<8192x2048xf32, #tpu.memory_space<hbm>> -> memref<8192x2048xf32, #tpu.memory_space<hbm>>
    tpu.wait_indirect_dma semaphore(%arg9 : memref<!tpu.dma_semaphore, #tpu.memory_space<semaphore_mem>>) src(%dma_wait3A_251 : memref<8192x2048xf32, #tpu.memory_space<hbm>>) dst(%arg6 : memref<16x2048xf32, #tpu.memory_space<vmem>>)
    %add3A_252 = arith.constant 192 : i32
    %add3A_253 = arith.addi %mul3A_2, %add3A_252 : i32
    %dma_start3A_254 = arith.constant 0 : i32
    %dma_start3A_255 = tpu.memref_slice %arg4[%add3A_253, %dma_start3A_254] : memref<16384x2048xf32, #tpu.memory_space<hbm>> -> memref<16x2048xf32, #tpu.memory_space<hbm>>
    %dma_start3A_256 = arith.constant 0 : i32
    %dma_start3A_257 = tpu.memref_slice %arg4[%add3A_253, %dma_start3A_256] : memref<16384x2048xf32, #tpu.memory_space<hbm>> -> memref<16x2048xf32, #tpu.memory_space<hbm>>
    tpu.enqueue_dma source(%arg6 : memref<16x2048xf32, #tpu.memory_space<vmem>>) target(%dma_start3A_257 : memref<16x2048xf32, #tpu.memory_space<hbm>>) target_semaphore(%arg12 : memref<!tpu.dma_semaphore, #tpu.memory_space<semaphore_mem>>)
    %dma_wait3A_258 = arith.constant 0 : i32
    %dma_wait3A_259 = tpu.memref_slice %arg4[%add3A_233, %dma_wait3A_258] : memref<16384x2048xf32, #tpu.memory_space<hbm>> -> memref<16x2048xf32, #tpu.memory_space<hbm>>
    %dma_wait3A_260 = arith.constant 0 : i32
    %dma_wait3A_261 = tpu.memref_slice %arg4[%add3A_233, %dma_wait3A_260] : memref<16384x2048xf32, #tpu.memory_space<hbm>> -> memref<16x2048xf32, #tpu.memory_space<hbm>>
    tpu.wait_dma2 semaphore(%arg14 : memref<!tpu.dma_semaphore, #tpu.memory_space<semaphore_mem>>) src(%arg8 : memref<16x2048xf32, #tpu.memory_space<vmem>>) dst(%dma_wait3A_261 : memref<16x2048xf32, #tpu.memory_space<hbm>>)
    %dma_start3A_262 = arith.constant 224 : i32
    %dma_start3A_263 = tpu.memref_slice %arg5[%dma_start3A_262] : memref<512xi32, #tpu.memory_space<vmem>> -> memref<16xi32, #tpu.memory_space<vmem>>
    %dma_start3A_264 = arith.constant 0 : i32
    %dma_start3A_265 = arith.constant 0 : i32
    %dma_start3A_266 = tpu.memref_slice %arg2[%dma_start3A_264, %dma_start3A_265] : memref<8192x2048xf32, #tpu.memory_space<hbm>> -> memref<8192x2048xf32, #tpu.memory_space<hbm>>
    tpu.enqueue_indirect_dma source(%dma_start3A_266 : memref<8192x2048xf32, #tpu.memory_space<hbm>>) target(%arg8 : memref<16x2048xf32, #tpu.memory_space<vmem>>) offsets(%dma_start3A_263 : memref<16xi32, #tpu.memory_space<vmem>>) semaphore(%arg11 : memref<!tpu.dma_semaphore, #tpu.memory_space<semaphore_mem>>)
    %dma_wait3A_267 = arith.constant 208 : i32
    %dma_wait3A_268 = tpu.memref_slice %arg5[%dma_wait3A_267] : memref<512xi32, #tpu.memory_space<vmem>> -> memref<16xi32, #tpu.memory_space<vmem>>
    %dma_wait3A_269 = arith.constant 0 : i32
    %dma_wait3A_270 = arith.constant 0 : i32
    %dma_wait3A_271 = tpu.memref_slice %arg2[%dma_wait3A_269, %dma_wait3A_270] : memref<8192x2048xf32, #tpu.memory_space<hbm>> -> memref<8192x2048xf32, #tpu.memory_space<hbm>>
    tpu.wait_indirect_dma semaphore(%arg10 : memref<!tpu.dma_semaphore, #tpu.memory_space<semaphore_mem>>) src(%dma_wait3A_271 : memref<8192x2048xf32, #tpu.memory_space<hbm>>) dst(%arg7 : memref<16x2048xf32, #tpu.memory_space<vmem>>)
    %add3A_272 = arith.constant 208 : i32
    %add3A_273 = arith.addi %mul3A_2, %add3A_272 : i32
    %dma_start3A_274 = arith.constant 0 : i32
    %dma_start3A_275 = tpu.memref_slice %arg4[%add3A_273, %dma_start3A_274] : memref<16384x2048xf32, #tpu.memory_space<hbm>> -> memref<16x2048xf32, #tpu.memory_space<hbm>>
    %dma_start3A_276 = arith.constant 0 : i32
    %dma_start3A_277 = tpu.memref_slice %arg4[%add3A_273, %dma_start3A_276] : memref<16384x2048xf32, #tpu.memory_space<hbm>> -> memref<16x2048xf32, #tpu.memory_space<hbm>>
    tpu.enqueue_dma source(%arg7 : memref<16x2048xf32, #tpu.memory_space<vmem>>) target(%dma_start3A_277 : memref<16x2048xf32, #tpu.memory_space<hbm>>) target_semaphore(%arg13 : memref<!tpu.dma_semaphore, #tpu.memory_space<semaphore_mem>>)
    %dma_wait3A_278 = arith.constant 0 : i32
    %dma_wait3A_279 = tpu.memref_slice %arg4[%add3A_253, %dma_wait3A_278] : memref<16384x2048xf32, #tpu.memory_space<hbm>> -> memref<16x2048xf32, #tpu.memory_space<hbm>>
    %dma_wait3A_280 = arith.constant 0 : i32
    %dma_wait3A_281 = tpu.memref_slice %arg4[%add3A_253, %dma_wait3A_280] : memref<16384x2048xf32, #tpu.memory_space<hbm>> -> memref<16x2048xf32, #tpu.memory_space<hbm>>
    tpu.wait_dma2 semaphore(%arg12 : memref<!tpu.dma_semaphore, #tpu.memory_space<semaphore_mem>>) src(%arg6 : memref<16x2048xf32, #tpu.memory_space<vmem>>) dst(%dma_wait3A_281 : memref<16x2048xf32, #tpu.memory_space<hbm>>)
    %dma_start3A_282 = arith.constant 240 : i32
    %dma_start3A_283 = tpu.memref_slice %arg5[%dma_start3A_282] : memref<512xi32, #tpu.memory_space<vmem>> -> memref<16xi32, #tpu.memory_space<vmem>>
    %dma_start3A_284 = arith.constant 0 : i32
    %dma_start3A_285 = arith.constant 0 : i32
    %dma_start3A_286 = tpu.memref_slice %arg2[%dma_start3A_284, %dma_start3A_285] : memref<8192x2048xf32, #tpu.memory_space<hbm>> -> memref<8192x2048xf32, #tpu.memory_space<hbm>>
    tpu.enqueue_indirect_dma source(%dma_start3A_286 : memref<8192x2048xf32, #tpu.memory_space<hbm>>) target(%arg6 : memref<16x2048xf32, #tpu.memory_space<vmem>>) offsets(%dma_start3A_283 : memref<16xi32, #tpu.memory_space<vmem>>) semaphore(%arg9 : memref<!tpu.dma_semaphore, #tpu.memory_space<semaphore_mem>>)
    %dma_wait3A_287 = arith.constant 224 : i32
    %dma_wait3A_288 = tpu.memref_slice %arg5[%dma_wait3A_287] : memref<512xi32, #tpu.memory_space<vmem>> -> memref<16xi32, #tpu.memory_space<vmem>>
    %dma_wait3A_289 = arith.constant 0 : i32
    %dma_wait3A_290 = arith.constant 0 : i32
    %dma_wait3A_291 = tpu.memref_slice %arg2[%dma_wait3A_289, %dma_wait3A_290] : memref<8192x2048xf32, #tpu.memory_space<hbm>> -> memref<8192x2048xf32, #tpu.memory_space<hbm>>
    tpu.wait_indirect_dma semaphore(%arg11 : memref<!tpu.dma_semaphore, #tpu.memory_space<semaphore_mem>>) src(%dma_wait3A_291 : memref<8192x2048xf32, #tpu.memory_space<hbm>>) dst(%arg8 : memref<16x2048xf32, #tpu.memory_space<vmem>>)
    %add3A_292 = arith.constant 224 : i32
    %add3A_293 = arith.addi %mul3A_2, %add3A_292 : i32
    %dma_start3A_294 = arith.constant 0 : i32
    %dma_start3A_295 = tpu.memref_slice %arg4[%add3A_293, %dma_start3A_294] : memref<16384x2048xf32, #tpu.memory_space<hbm>> -> memref<16x2048xf32, #tpu.memory_space<hbm>>
    %dma_start3A_296 = arith.constant 0 : i32
    %dma_start3A_297 = tpu.memref_slice %arg4[%add3A_293, %dma_start3A_296] : memref<16384x2048xf32, #tpu.memory_space<hbm>> -> memref<16x2048xf32, #tpu.memory_space<hbm>>
    tpu.enqueue_dma source(%arg8 : memref<16x2048xf32, #tpu.memory_space<vmem>>) target(%dma_start3A_297 : memref<16x2048xf32, #tpu.memory_space<hbm>>) target_semaphore(%arg14 : memref<!tpu.dma_semaphore, #tpu.memory_space<semaphore_mem>>)
    %dma_wait3A_298 = arith.constant 0 : i32
    %dma_wait3A_299 = tpu.memref_slice %arg4[%add3A_273, %dma_wait3A_298] : memref<16384x2048xf32, #tpu.memory_space<hbm>> -> memref<16x2048xf32, #tpu.memory_space<hbm>>
    %dma_wait3A_300 = arith.constant 0 : i32
    %dma_wait3A_301 = tpu.memref_slice %arg4[%add3A_273, %dma_wait3A_300] : memref<16384x2048xf32, #tpu.memory_space<hbm>> -> memref<16x2048xf32, #tpu.memory_space<hbm>>
    tpu.wait_dma2 semaphore(%arg13 : memref<!tpu.dma_semaphore, #tpu.memory_space<semaphore_mem>>) src(%arg7 : memref<16x2048xf32, #tpu.memory_space<vmem>>) dst(%dma_wait3A_301 : memref<16x2048xf32, #tpu.memory_space<hbm>>)
    %dma_start3A_302 = arith.constant 256 : i32
    %dma_start3A_303 = tpu.memref_slice %arg5[%dma_start3A_302] : memref<512xi32, #tpu.memory_space<vmem>> -> memref<16xi32, #tpu.memory_space<vmem>>
    %dma_start3A_304 = arith.constant 0 : i32
    %dma_start3A_305 = arith.constant 0 : i32
    %dma_start3A_306 = tpu.memref_slice %arg2[%dma_start3A_304, %dma_start3A_305] : memref<8192x2048xf32, #tpu.memory_space<hbm>> -> memref<8192x2048xf32, #tpu.memory_space<hbm>>
    tpu.enqueue_indirect_dma source(%dma_start3A_306 : memref<8192x2048xf32, #tpu.memory_space<hbm>>) target(%arg7 : memref<16x2048xf32, #tpu.memory_space<vmem>>) offsets(%dma_start3A_303 : memref<16xi32, #tpu.memory_space<vmem>>) semaphore(%arg10 : memref<!tpu.dma_semaphore, #tpu.memory_space<semaphore_mem>>)
    %dma_wait3A_307 = arith.constant 240 : i32
    %dma_wait3A_308 = tpu.memref_slice %arg5[%dma_wait3A_307] : memref<512xi32, #tpu.memory_space<vmem>> -> memref<16xi32, #tpu.memory_space<vmem>>
    %dma_wait3A_309 = arith.constant 0 : i32
    %dma_wait3A_310 = arith.constant 0 : i32
    %dma_wait3A_311 = tpu.memref_slice %arg2[%dma_wait3A_309, %dma_wait3A_310] : memref<8192x2048xf32, #tpu.memory_space<hbm>> -> memref<8192x2048xf32, #tpu.memory_space<hbm>>
    tpu.wait_indirect_dma semaphore(%arg9 : memref<!tpu.dma_semaphore, #tpu.memory_space<semaphore_mem>>) src(%dma_wait3A_311 : memref<8192x2048xf32, #tpu.memory_space<hbm>>) dst(%arg6 : memref<16x2048xf32, #tpu.memory_space<vmem>>)
    %add3A_312 = arith.constant 240 : i32
    %add3A_313 = arith.addi %mul3A_2, %add3A_312 : i32
    %dma_start3A_314 = arith.constant 0 : i32
    %dma_start3A_315 = tpu.memref_slice %arg4[%add3A_313, %dma_start3A_314] : memref<16384x2048xf32, #tpu.memory_space<hbm>> -> memref<16x2048xf32, #tpu.memory_space<hbm>>
    %dma_start3A_316 = arith.constant 0 : i32
    %dma_start3A_317 = tpu.memref_slice %arg4[%add3A_313, %dma_start3A_316] : memref<16384x2048xf32, #tpu.memory_space<hbm>> -> memref<16x2048xf32, #tpu.memory_space<hbm>>
    tpu.enqueue_dma source(%arg6 : memref<16x2048xf32, #tpu.memory_space<vmem>>) target(%dma_start3A_317 : memref<16x2048xf32, #tpu.memory_space<hbm>>) target_semaphore(%arg12 : memref<!tpu.dma_semaphore, #tpu.memory_space<semaphore_mem>>)
    %dma_wait3A_318 = arith.constant 0 : i32
    %dma_wait3A_319 = tpu.memref_slice %arg4[%add3A_293, %dma_wait3A_318] : memref<16384x2048xf32, #tpu.memory_space<hbm>> -> memref<16x2048xf32, #tpu.memory_space<hbm>>
    %dma_wait3A_320 = arith.constant 0 : i32
    %dma_wait3A_321 = tpu.memref_slice %arg4[%add3A_293, %dma_wait3A_320] : memref<16384x2048xf32, #tpu.memory_space<hbm>> -> memref<16x2048xf32, #tpu.memory_space<hbm>>
    tpu.wait_dma2 semaphore(%arg14 : memref<!tpu.dma_semaphore, #tpu.memory_space<semaphore_mem>>) src(%arg8 : memref<16x2048xf32, #tpu.memory_space<vmem>>) dst(%dma_wait3A_321 : memref<16x2048xf32, #tpu.memory_space<hbm>>)
    %dma_start3A_322 = arith.constant 272 : i32
    %dma_start3A_323 = tpu.memref_slice %arg5[%dma_start3A_322] : memref<512xi32, #tpu.memory_space<vmem>> -> memref<16xi32, #tpu.memory_space<vmem>>
    %dma_start3A_324 = arith.constant 0 : i32
    %dma_start3A_325 = arith.constant 0 : i32
    %dma_start3A_326 = tpu.memref_slice %arg2[%dma_start3A_324, %dma_start3A_325] : memref<8192x2048xf32, #tpu.memory_space<hbm>> -> memref<8192x2048xf32, #tpu.memory_space<hbm>>
    tpu.enqueue_indirect_dma source(%dma_start3A_326 : memref<8192x2048xf32, #tpu.memory_space<hbm>>) target(%arg8 : memref<16x2048xf32, #tpu.memory_space<vmem>>) offsets(%dma_start3A_323 : memref<16xi32, #tpu.memory_space<vmem>>) semaphore(%arg11 : memref<!tpu.dma_semaphore, #tpu.memory_space<semaphore_mem>>)
    %dma_wait3A_327 = arith.constant 256 : i32
    %dma_wait3A_328 = tpu.memref_slice %arg5[%dma_wait3A_327] : memref<512xi32, #tpu.memory_space<vmem>> -> memref<16xi32, #tpu.memory_space<vmem>>
    %dma_wait3A_329 = arith.constant 0 : i32
    %dma_wait3A_330 = arith.constant 0 : i32
    %dma_wait3A_331 = tpu.memref_slice %arg2[%dma_wait3A_329, %dma_wait3A_330] : memref<8192x2048xf32, #tpu.memory_space<hbm>> -> memref<8192x2048xf32, #tpu.memory_space<hbm>>
    tpu.wait_indirect_dma semaphore(%arg10 : memref<!tpu.dma_semaphore, #tpu.memory_space<semaphore_mem>>) src(%dma_wait3A_331 : memref<8192x2048xf32, #tpu.memory_space<hbm>>) dst(%arg7 : memref<16x2048xf32, #tpu.memory_space<vmem>>)
    %add3A_332 = arith.constant 256 : i32
    %add3A_333 = arith.addi %mul3A_2, %add3A_332 : i32
    %dma_start3A_334 = arith.constant 0 : i32
    %dma_start3A_335 = tpu.memref_slice %arg4[%add3A_333, %dma_start3A_334] : memref<16384x2048xf32, #tpu.memory_space<hbm>> -> memref<16x2048xf32, #tpu.memory_space<hbm>>
    %dma_start3A_336 = arith.constant 0 : i32
    %dma_start3A_337 = tpu.memref_slice %arg4[%add3A_333, %dma_start3A_336] : memref<16384x2048xf32, #tpu.memory_space<hbm>> -> memref<16x2048xf32, #tpu.memory_space<hbm>>
    tpu.enqueue_dma source(%arg7 : memref<16x2048xf32, #tpu.memory_space<vmem>>) target(%dma_start3A_337 : memref<16x2048xf32, #tpu.memory_space<hbm>>) target_semaphore(%arg13 : memref<!tpu.dma_semaphore, #tpu.memory_space<semaphore_mem>>)
    %dma_wait3A_338 = arith.constant 0 : i32
    %dma_wait3A_339 = tpu.memref_slice %arg4[%add3A_313, %dma_wait3A_338] : memref<16384x2048xf32, #tpu.memory_space<hbm>> -> memref<16x2048xf32, #tpu.memory_space<hbm>>
    %dma_wait3A_340 = arith.constant 0 : i32
    %dma_wait3A_341 = tpu.memref_slice %arg4[%add3A_313, %dma_wait3A_340] : memref<16384x2048xf32, #tpu.memory_space<hbm>> -> memref<16x2048xf32, #tpu.memory_space<hbm>>
    tpu.wait_dma2 semaphore(%arg12 : memref<!tpu.dma_semaphore, #tpu.memory_space<semaphore_mem>>) src(%arg6 : memref<16x2048xf32, #tpu.memory_space<vmem>>) dst(%dma_wait3A_341 : memref<16x2048xf32, #tpu.memory_space<hbm>>)
    %dma_start3A_342 = arith.constant 288 : i32
    %dma_start3A_343 = tpu.memref_slice %arg5[%dma_start3A_342] : memref<512xi32, #tpu.memory_space<vmem>> -> memref<16xi32, #tpu.memory_space<vmem>>
    %dma_start3A_344 = arith.constant 0 : i32
    %dma_start3A_345 = arith.constant 0 : i32
    %dma_start3A_346 = tpu.memref_slice %arg2[%dma_start3A_344, %dma_start3A_345] : memref<8192x2048xf32, #tpu.memory_space<hbm>> -> memref<8192x2048xf32, #tpu.memory_space<hbm>>
    tpu.enqueue_indirect_dma source(%dma_start3A_346 : memref<8192x2048xf32, #tpu.memory_space<hbm>>) target(%arg6 : memref<16x2048xf32, #tpu.memory_space<vmem>>) offsets(%dma_start3A_343 : memref<16xi32, #tpu.memory_space<vmem>>) semaphore(%arg9 : memref<!tpu.dma_semaphore, #tpu.memory_space<semaphore_mem>>)
    %dma_wait3A_347 = arith.constant 272 : i32
    %dma_wait3A_348 = tpu.memref_slice %arg5[%dma_wait3A_347] : memref<512xi32, #tpu.memory_space<vmem>> -> memref<16xi32, #tpu.memory_space<vmem>>
    %dma_wait3A_349 = arith.constant 0 : i32
    %dma_wait3A_350 = arith.constant 0 : i32
    %dma_wait3A_351 = tpu.memref_slice %arg2[%dma_wait3A_349, %dma_wait3A_350] : memref<8192x2048xf32, #tpu.memory_space<hbm>> -> memref<8192x2048xf32, #tpu.memory_space<hbm>>
    tpu.wait_indirect_dma semaphore(%arg11 : memref<!tpu.dma_semaphore, #tpu.memory_space<semaphore_mem>>) src(%dma_wait3A_351 : memref<8192x2048xf32, #tpu.memory_space<hbm>>) dst(%arg8 : memref<16x2048xf32, #tpu.memory_space<vmem>>)
    %add3A_352 = arith.constant 272 : i32
    %add3A_353 = arith.addi %mul3A_2, %add3A_352 : i32
    %dma_start3A_354 = arith.constant 0 : i32
    %dma_start3A_355 = tpu.memref_slice %arg4[%add3A_353, %dma_start3A_354] : memref<16384x2048xf32, #tpu.memory_space<hbm>> -> memref<16x2048xf32, #tpu.memory_space<hbm>>
    %dma_start3A_356 = arith.constant 0 : i32
    %dma_start3A_357 = tpu.memref_slice %arg4[%add3A_353, %dma_start3A_356] : memref<16384x2048xf32, #tpu.memory_space<hbm>> -> memref<16x2048xf32, #tpu.memory_space<hbm>>
    tpu.enqueue_dma source(%arg8 : memref<16x2048xf32, #tpu.memory_space<vmem>>) target(%dma_start3A_357 : memref<16x2048xf32, #tpu.memory_space<hbm>>) target_semaphore(%arg14 : memref<!tpu.dma_semaphore, #tpu.memory_space<semaphore_mem>>)
    %dma_wait3A_358 = arith.constant 0 : i32
    %dma_wait3A_359 = tpu.memref_slice %arg4[%add3A_333, %dma_wait3A_358] : memref<16384x2048xf32, #tpu.memory_space<hbm>> -> memref<16x2048xf32, #tpu.memory_space<hbm>>
    %dma_wait3A_360 = arith.constant 0 : i32
    %dma_wait3A_361 = tpu.memref_slice %arg4[%add3A_333, %dma_wait3A_360] : memref<16384x2048xf32, #tpu.memory_space<hbm>> -> memref<16x2048xf32, #tpu.memory_space<hbm>>
    tpu.wait_dma2 semaphore(%arg13 : memref<!tpu.dma_semaphore, #tpu.memory_space<semaphore_mem>>) src(%arg7 : memref<16x2048xf32, #tpu.memory_space<vmem>>) dst(%dma_wait3A_361 : memref<16x2048xf32, #tpu.memory_space<hbm>>)
    %dma_start3A_362 = arith.constant 304 : i32
    %dma_start3A_363 = tpu.memref_slice %arg5[%dma_start3A_362] : memref<512xi32, #tpu.memory_space<vmem>> -> memref<16xi32, #tpu.memory_space<vmem>>
    %dma_start3A_364 = arith.constant 0 : i32
    %dma_start3A_365 = arith.constant 0 : i32
    %dma_start3A_366 = tpu.memref_slice %arg2[%dma_start3A_364, %dma_start3A_365] : memref<8192x2048xf32, #tpu.memory_space<hbm>> -> memref<8192x2048xf32, #tpu.memory_space<hbm>>
    tpu.enqueue_indirect_dma source(%dma_start3A_366 : memref<8192x2048xf32, #tpu.memory_space<hbm>>) target(%arg7 : memref<16x2048xf32, #tpu.memory_space<vmem>>) offsets(%dma_start3A_363 : memref<16xi32, #tpu.memory_space<vmem>>) semaphore(%arg10 : memref<!tpu.dma_semaphore, #tpu.memory_space<semaphore_mem>>)
    %dma_wait3A_367 = arith.constant 288 : i32
    %dma_wait3A_368 = tpu.memref_slice %arg5[%dma_wait3A_367] : memref<512xi32, #tpu.memory_space<vmem>> -> memref<16xi32, #tpu.memory_space<vmem>>
    %dma_wait3A_369 = arith.constant 0 : i32
    %dma_wait3A_370 = arith.constant 0 : i32
    %dma_wait3A_371 = tpu.memref_slice %arg2[%dma_wait3A_369, %dma_wait3A_370] : memref<8192x2048xf32, #tpu.memory_space<hbm>> -> memref<8192x2048xf32, #tpu.memory_space<hbm>>
    tpu.wait_indirect_dma semaphore(%arg9 : memref<!tpu.dma_semaphore, #tpu.memory_space<semaphore_mem>>) src(%dma_wait3A_371 : memref<8192x2048xf32, #tpu.memory_space<hbm>>) dst(%arg6 : memref<16x2048xf32, #tpu.memory_space<vmem>>)
    %add3A_372 = arith.constant 288 : i32
    %add3A_373 = arith.addi %mul3A_2, %add3A_372 : i32
    %dma_start3A_374 = arith.constant 0 : i32
    %dma_start3A_375 = tpu.memref_slice %arg4[%add3A_373, %dma_start3A_374] : memref<16384x2048xf32, #tpu.memory_space<hbm>> -> memref<16x2048xf32, #tpu.memory_space<hbm>>
    %dma_start3A_376 = arith.constant 0 : i32
    %dma_start3A_377 = tpu.memref_slice %arg4[%add3A_373, %dma_start3A_376] : memref<16384x2048xf32, #tpu.memory_space<hbm>> -> memref<16x2048xf32, #tpu.memory_space<hbm>>
    tpu.enqueue_dma source(%arg6 : memref<16x2048xf32, #tpu.memory_space<vmem>>) target(%dma_start3A_377 : memref<16x2048xf32, #tpu.memory_space<hbm>>) target_semaphore(%arg12 : memref<!tpu.dma_semaphore, #tpu.memory_space<semaphore_mem>>)
    %dma_wait3A_378 = arith.constant 0 : i32
    %dma_wait3A_379 = tpu.memref_slice %arg4[%add3A_353, %dma_wait3A_378] : memref<16384x2048xf32, #tpu.memory_space<hbm>> -> memref<16x2048xf32, #tpu.memory_space<hbm>>
    %dma_wait3A_380 = arith.constant 0 : i32
    %dma_wait3A_381 = tpu.memref_slice %arg4[%add3A_353, %dma_wait3A_380] : memref<16384x2048xf32, #tpu.memory_space<hbm>> -> memref<16x2048xf32, #tpu.memory_space<hbm>>
    tpu.wait_dma2 semaphore(%arg14 : memref<!tpu.dma_semaphore, #tpu.memory_space<semaphore_mem>>) src(%arg8 : memref<16x2048xf32, #tpu.memory_space<vmem>>) dst(%dma_wait3A_381 : memref<16x2048xf32, #tpu.memory_space<hbm>>)
    %dma_start3A_382 = arith.constant 320 : i32
    %dma_start3A_383 = tpu.memref_slice %arg5[%dma_start3A_382] : memref<512xi32, #tpu.memory_space<vmem>> -> memref<16xi32, #tpu.memory_space<vmem>>
    %dma_start3A_384 = arith.constant 0 : i32
    %dma_start3A_385 = arith.constant 0 : i32
    %dma_start3A_386 = tpu.memref_slice %arg2[%dma_start3A_384, %dma_start3A_385] : memref<8192x2048xf32, #tpu.memory_space<hbm>> -> memref<8192x2048xf32, #tpu.memory_space<hbm>>
    tpu.enqueue_indirect_dma source(%dma_start3A_386 : memref<8192x2048xf32, #tpu.memory_space<hbm>>) target(%arg8 : memref<16x2048xf32, #tpu.memory_space<vmem>>) offsets(%dma_start3A_383 : memref<16xi32, #tpu.memory_space<vmem>>) semaphore(%arg11 : memref<!tpu.dma_semaphore, #tpu.memory_space<semaphore_mem>>)
    %dma_wait3A_387 = arith.constant 304 : i32
    %dma_wait3A_388 = tpu.memref_slice %arg5[%dma_wait3A_387] : memref<512xi32, #tpu.memory_space<vmem>> -> memref<16xi32, #tpu.memory_space<vmem>>
    %dma_wait3A_389 = arith.constant 0 : i32
    %dma_wait3A_390 = arith.constant 0 : i32
    %dma_wait3A_391 = tpu.memref_slice %arg2[%dma_wait3A_389, %dma_wait3A_390] : memref<8192x2048xf32, #tpu.memory_space<hbm>> -> memref<8192x2048xf32, #tpu.memory_space<hbm>>
    tpu.wait_indirect_dma semaphore(%arg10 : memref<!tpu.dma_semaphore, #tpu.memory_space<semaphore_mem>>) src(%dma_wait3A_391 : memref<8192x2048xf32, #tpu.memory_space<hbm>>) dst(%arg7 : memref<16x2048xf32, #tpu.memory_space<vmem>>)
    %add3A_392 = arith.constant 304 : i32
    %add3A_393 = arith.addi %mul3A_2, %add3A_392 : i32
    %dma_start3A_394 = arith.constant 0 : i32
    %dma_start3A_395 = tpu.memref_slice %arg4[%add3A_393, %dma_start3A_394] : memref<16384x2048xf32, #tpu.memory_space<hbm>> -> memref<16x2048xf32, #tpu.memory_space<hbm>>
    %dma_start3A_396 = arith.constant 0 : i32
    %dma_start3A_397 = tpu.memref_slice %arg4[%add3A_393, %dma_start3A_396] : memref<16384x2048xf32, #tpu.memory_space<hbm>> -> memref<16x2048xf32, #tpu.memory_space<hbm>>
    tpu.enqueue_dma source(%arg7 : memref<16x2048xf32, #tpu.memory_space<vmem>>) target(%dma_start3A_397 : memref<16x2048xf32, #tpu.memory_space<hbm>>) target_semaphore(%arg13 : memref<!tpu.dma_semaphore, #tpu.memory_space<semaphore_mem>>)
    %dma_wait3A_398 = arith.constant 0 : i32
    %dma_wait3A_399 = tpu.memref_slice %arg4[%add3A_373, %dma_wait3A_398] : memref<16384x2048xf32, #tpu.memory_space<hbm>> -> memref<16x2048xf32, #tpu.memory_space<hbm>>
    %dma_wait3A_400 = arith.constant 0 : i32
    %dma_wait3A_401 = tpu.memref_slice %arg4[%add3A_373, %dma_wait3A_400] : memref<16384x2048xf32, #tpu.memory_space<hbm>> -> memref<16x2048xf32, #tpu.memory_space<hbm>>
    tpu.wait_dma2 semaphore(%arg12 : memref<!tpu.dma_semaphore, #tpu.memory_space<semaphore_mem>>) src(%arg6 : memref<16x2048xf32, #tpu.memory_space<vmem>>) dst(%dma_wait3A_401 : memref<16x2048xf32, #tpu.memory_space<hbm>>)
    %dma_start3A_402 = arith.constant 336 : i32
    %dma_start3A_403 = tpu.memref_slice %arg5[%dma_start3A_402] : memref<512xi32, #tpu.memory_space<vmem>> -> memref<16xi32, #tpu.memory_space<vmem>>
    %dma_start3A_404 = arith.constant 0 : i32
    %dma_start3A_405 = arith.constant 0 : i32
    %dma_start3A_406 = tpu.memref_slice %arg2[%dma_start3A_404, %dma_start3A_405] : memref<8192x2048xf32, #tpu.memory_space<hbm>> -> memref<8192x2048xf32, #tpu.memory_space<hbm>>
    tpu.enqueue_indirect_dma source(%dma_start3A_406 : memref<8192x2048xf32, #tpu.memory_space<hbm>>) target(%arg6 : memref<16x2048xf32, #tpu.memory_space<vmem>>) offsets(%dma_start3A_403 : memref<16xi32, #tpu.memory_space<vmem>>) semaphore(%arg9 : memref<!tpu.dma_semaphore, #tpu.memory_space<semaphore_mem>>)
    %dma_wait3A_407 = arith.constant 320 : i32
    %dma_wait3A_408 = tpu.memref_slice %arg5[%dma_wait3A_407] : memref<512xi32, #tpu.memory_space<vmem>> -> memref<16xi32, #tpu.memory_space<vmem>>
    %dma_wait3A_409 = arith.constant 0 : i32
    %dma_wait3A_410 = arith.constant 0 : i32
    %dma_wait3A_411 = tpu.memref_slice %arg2[%dma_wait3A_409, %dma_wait3A_410] : memref<8192x2048xf32, #tpu.memory_space<hbm>> -> memref<8192x2048xf32, #tpu.memory_space<hbm>>
    tpu.wait_indirect_dma semaphore(%arg11 : memref<!tpu.dma_semaphore, #tpu.memory_space<semaphore_mem>>) src(%dma_wait3A_411 : memref<8192x2048xf32, #tpu.memory_space<hbm>>) dst(%arg8 : memref<16x2048xf32, #tpu.memory_space<vmem>>)
    %add3A_412 = arith.constant 320 : i32
    %add3A_413 = arith.addi %mul3A_2, %add3A_412 : i32
    %dma_start3A_414 = arith.constant 0 : i32
    %dma_start3A_415 = tpu.memref_slice %arg4[%add3A_413, %dma_start3A_414] : memref<16384x2048xf32, #tpu.memory_space<hbm>> -> memref<16x2048xf32, #tpu.memory_space<hbm>>
    %dma_start3A_416 = arith.constant 0 : i32
    %dma_start3A_417 = tpu.memref_slice %arg4[%add3A_413, %dma_start3A_416] : memref<16384x2048xf32, #tpu.memory_space<hbm>> -> memref<16x2048xf32, #tpu.memory_space<hbm>>
    tpu.enqueue_dma source(%arg8 : memref<16x2048xf32, #tpu.memory_space<vmem>>) target(%dma_start3A_417 : memref<16x2048xf32, #tpu.memory_space<hbm>>) target_semaphore(%arg14 : memref<!tpu.dma_semaphore, #tpu.memory_space<semaphore_mem>>)
    %dma_wait3A_418 = arith.constant 0 : i32
    %dma_wait3A_419 = tpu.memref_slice %arg4[%add3A_393, %dma_wait3A_418] : memref<16384x2048xf32, #tpu.memory_space<hbm>> -> memref<16x2048xf32, #tpu.memory_space<hbm>>
    %dma_wait3A_420 = arith.constant 0 : i32
    %dma_wait3A_421 = tpu.memref_slice %arg4[%add3A_393, %dma_wait3A_420] : memref<16384x2048xf32, #tpu.memory_space<hbm>> -> memref<16x2048xf32, #tpu.memory_space<hbm>>
    tpu.wait_dma2 semaphore(%arg13 : memref<!tpu.dma_semaphore, #tpu.memory_space<semaphore_mem>>) src(%arg7 : memref<16x2048xf32, #tpu.memory_space<vmem>>) dst(%dma_wait3A_421 : memref<16x2048xf32, #tpu.memory_space<hbm>>)
    %dma_start3A_422 = arith.constant 352 : i32
    %dma_start3A_423 = tpu.memref_slice %arg5[%dma_start3A_422] : memref<512xi32, #tpu.memory_space<vmem>> -> memref<16xi32, #tpu.memory_space<vmem>>
    %dma_start3A_424 = arith.constant 0 : i32
    %dma_start3A_425 = arith.constant 0 : i32
    %dma_start3A_426 = tpu.memref_slice %arg2[%dma_start3A_424, %dma_start3A_425] : memref<8192x2048xf32, #tpu.memory_space<hbm>> -> memref<8192x2048xf32, #tpu.memory_space<hbm>>
    tpu.enqueue_indirect_dma source(%dma_start3A_426 : memref<8192x2048xf32, #tpu.memory_space<hbm>>) target(%arg7 : memref<16x2048xf32, #tpu.memory_space<vmem>>) offsets(%dma_start3A_423 : memref<16xi32, #tpu.memory_space<vmem>>) semaphore(%arg10 : memref<!tpu.dma_semaphore, #tpu.memory_space<semaphore_mem>>)
    %dma_wait3A_427 = arith.constant 336 : i32
    %dma_wait3A_428 = tpu.memref_slice %arg5[%dma_wait3A_427] : memref<512xi32, #tpu.memory_space<vmem>> -> memref<16xi32, #tpu.memory_space<vmem>>
    %dma_wait3A_429 = arith.constant 0 : i32
    %dma_wait3A_430 = arith.constant 0 : i32
    %dma_wait3A_431 = tpu.memref_slice %arg2[%dma_wait3A_429, %dma_wait3A_430] : memref<8192x2048xf32, #tpu.memory_space<hbm>> -> memref<8192x2048xf32, #tpu.memory_space<hbm>>
    tpu.wait_indirect_dma semaphore(%arg9 : memref<!tpu.dma_semaphore, #tpu.memory_space<semaphore_mem>>) src(%dma_wait3A_431 : memref<8192x2048xf32, #tpu.memory_space<hbm>>) dst(%arg6 : memref<16x2048xf32, #tpu.memory_space<vmem>>)
    %add3A_432 = arith.constant 336 : i32
    %add3A_433 = arith.addi %mul3A_2, %add3A_432 : i32
    %dma_start3A_434 = arith.constant 0 : i32
    %dma_start3A_435 = tpu.memref_slice %arg4[%add3A_433, %dma_start3A_434] : memref<16384x2048xf32, #tpu.memory_space<hbm>> -> memref<16x2048xf32, #tpu.memory_space<hbm>>
    %dma_start3A_436 = arith.constant 0 : i32
    %dma_start3A_437 = tpu.memref_slice %arg4[%add3A_433, %dma_start3A_436] : memref<16384x2048xf32, #tpu.memory_space<hbm>> -> memref<16x2048xf32, #tpu.memory_space<hbm>>
    tpu.enqueue_dma source(%arg6 : memref<16x2048xf32, #tpu.memory_space<vmem>>) target(%dma_start3A_437 : memref<16x2048xf32, #tpu.memory_space<hbm>>) target_semaphore(%arg12 : memref<!tpu.dma_semaphore, #tpu.memory_space<semaphore_mem>>)
    %dma_wait3A_438 = arith.constant 0 : i32
    %dma_wait3A_439 = tpu.memref_slice %arg4[%add3A_413, %dma_wait3A_438] : memref<16384x2048xf32, #tpu.memory_space<hbm>> -> memref<16x2048xf32, #tpu.memory_space<hbm>>
    %dma_wait3A_440 = arith.constant 0 : i32
    %dma_wait3A_441 = tpu.memref_slice %arg4[%add3A_413, %dma_wait3A_440] : memref<16384x2048xf32, #tpu.memory_space<hbm>> -> memref<16x2048xf32, #tpu.memory_space<hbm>>
    tpu.wait_dma2 semaphore(%arg14 : memref<!tpu.dma_semaphore, #tpu.memory_space<semaphore_mem>>) src(%arg8 : memref<16x2048xf32, #tpu.memory_space<vmem>>) dst(%dma_wait3A_441 : memref<16x2048xf32, #tpu.memory_space<hbm>>)
    %dma_start3A_442 = arith.constant 368 : i32
    %dma_start3A_443 = tpu.memref_slice %arg5[%dma_start3A_442] : memref<512xi32, #tpu.memory_space<vmem>> -> memref<16xi32, #tpu.memory_space<vmem>>
    %dma_start3A_444 = arith.constant 0 : i32
    %dma_start3A_445 = arith.constant 0 : i32
    %dma_start3A_446 = tpu.memref_slice %arg2[%dma_start3A_444, %dma_start3A_445] : memref<8192x2048xf32, #tpu.memory_space<hbm>> -> memref<8192x2048xf32, #tpu.memory_space<hbm>>
    tpu.enqueue_indirect_dma source(%dma_start3A_446 : memref<8192x2048xf32, #tpu.memory_space<hbm>>) target(%arg8 : memref<16x2048xf32, #tpu.memory_space<vmem>>) offsets(%dma_start3A_443 : memref<16xi32, #tpu.memory_space<vmem>>) semaphore(%arg11 : memref<!tpu.dma_semaphore, #tpu.memory_space<semaphore_mem>>)
    %dma_wait3A_447 = arith.constant 352 : i32
    %dma_wait3A_448 = tpu.memref_slice %arg5[%dma_wait3A_447] : memref<512xi32, #tpu.memory_space<vmem>> -> memref<16xi32, #tpu.memory_space<vmem>>
    %dma_wait3A_449 = arith.constant 0 : i32
    %dma_wait3A_450 = arith.constant 0 : i32
    %dma_wait3A_451 = tpu.memref_slice %arg2[%dma_wait3A_449, %dma_wait3A_450] : memref<8192x2048xf32, #tpu.memory_space<hbm>> -> memref<8192x2048xf32, #tpu.memory_space<hbm>>
    tpu.wait_indirect_dma semaphore(%arg10 : memref<!tpu.dma_semaphore, #tpu.memory_space<semaphore_mem>>) src(%dma_wait3A_451 : memref<8192x2048xf32, #tpu.memory_space<hbm>>) dst(%arg7 : memref<16x2048xf32, #tpu.memory_space<vmem>>)
    %add3A_452 = arith.constant 352 : i32
    %add3A_453 = arith.addi %mul3A_2, %add3A_452 : i32
    %dma_start3A_454 = arith.constant 0 : i32
    %dma_start3A_455 = tpu.memref_slice %arg4[%add3A_453, %dma_start3A_454] : memref<16384x2048xf32, #tpu.memory_space<hbm>> -> memref<16x2048xf32, #tpu.memory_space<hbm>>
    %dma_start3A_456 = arith.constant 0 : i32
    %dma_start3A_457 = tpu.memref_slice %arg4[%add3A_453, %dma_start3A_456] : memref<16384x2048xf32, #tpu.memory_space<hbm>> -> memref<16x2048xf32, #tpu.memory_space<hbm>>
    tpu.enqueue_dma source(%arg7 : memref<16x2048xf32, #tpu.memory_space<vmem>>) target(%dma_start3A_457 : memref<16x2048xf32, #tpu.memory_space<hbm>>) target_semaphore(%arg13 : memref<!tpu.dma_semaphore, #tpu.memory_space<semaphore_mem>>)
    %dma_wait3A_458 = arith.constant 0 : i32
    %dma_wait3A_459 = tpu.memref_slice %arg4[%add3A_433, %dma_wait3A_458] : memref<16384x2048xf32, #tpu.memory_space<hbm>> -> memref<16x2048xf32, #tpu.memory_space<hbm>>
    %dma_wait3A_460 = arith.constant 0 : i32
    %dma_wait3A_461 = tpu.memref_slice %arg4[%add3A_433, %dma_wait3A_460] : memref<16384x2048xf32, #tpu.memory_space<hbm>> -> memref<16x2048xf32, #tpu.memory_space<hbm>>
    tpu.wait_dma2 semaphore(%arg12 : memref<!tpu.dma_semaphore, #tpu.memory_space<semaphore_mem>>) src(%arg6 : memref<16x2048xf32, #tpu.memory_space<vmem>>) dst(%dma_wait3A_461 : memref<16x2048xf32, #tpu.memory_space<hbm>>)
    %dma_start3A_462 = arith.constant 384 : i32
    %dma_start3A_463 = tpu.memref_slice %arg5[%dma_start3A_462] : memref<512xi32, #tpu.memory_space<vmem>> -> memref<16xi32, #tpu.memory_space<vmem>>
    %dma_start3A_464 = arith.constant 0 : i32
    %dma_start3A_465 = arith.constant 0 : i32
    %dma_start3A_466 = tpu.memref_slice %arg2[%dma_start3A_464, %dma_start3A_465] : memref<8192x2048xf32, #tpu.memory_space<hbm>> -> memref<8192x2048xf32, #tpu.memory_space<hbm>>
    tpu.enqueue_indirect_dma source(%dma_start3A_466 : memref<8192x2048xf32, #tpu.memory_space<hbm>>) target(%arg6 : memref<16x2048xf32, #tpu.memory_space<vmem>>) offsets(%dma_start3A_463 : memref<16xi32, #tpu.memory_space<vmem>>) semaphore(%arg9 : memref<!tpu.dma_semaphore, #tpu.memory_space<semaphore_mem>>)
    %dma_wait3A_467 = arith.constant 368 : i32
    %dma_wait3A_468 = tpu.memref_slice %arg5[%dma_wait3A_467] : memref<512xi32, #tpu.memory_space<vmem>> -> memref<16xi32, #tpu.memory_space<vmem>>
    %dma_wait3A_469 = arith.constant 0 : i32
    %dma_wait3A_470 = arith.constant 0 : i32
    %dma_wait3A_471 = tpu.memref_slice %arg2[%dma_wait3A_469, %dma_wait3A_470] : memref<8192x2048xf32, #tpu.memory_space<hbm>> -> memref<8192x2048xf32, #tpu.memory_space<hbm>>
    tpu.wait_indirect_dma semaphore(%arg11 : memref<!tpu.dma_semaphore, #tpu.memory_space<semaphore_mem>>) src(%dma_wait3A_471 : memref<8192x2048xf32, #tpu.memory_space<hbm>>) dst(%arg8 : memref<16x2048xf32, #tpu.memory_space<vmem>>)
    %add3A_472 = arith.constant 368 : i32
    %add3A_473 = arith.addi %mul3A_2, %add3A_472 : i32
    %dma_start3A_474 = arith.constant 0 : i32
    %dma_start3A_475 = tpu.memref_slice %arg4[%add3A_473, %dma_start3A_474] : memref<16384x2048xf32, #tpu.memory_space<hbm>> -> memref<16x2048xf32, #tpu.memory_space<hbm>>
    %dma_start3A_476 = arith.constant 0 : i32
    %dma_start3A_477 = tpu.memref_slice %arg4[%add3A_473, %dma_start3A_476] : memref<16384x2048xf32, #tpu.memory_space<hbm>> -> memref<16x2048xf32, #tpu.memory_space<hbm>>
    tpu.enqueue_dma source(%arg8 : memref<16x2048xf32, #tpu.memory_space<vmem>>) target(%dma_start3A_477 : memref<16x2048xf32, #tpu.memory_space<hbm>>) target_semaphore(%arg14 : memref<!tpu.dma_semaphore, #tpu.memory_space<semaphore_mem>>)
    %dma_wait3A_478 = arith.constant 0 : i32
    %dma_wait3A_479 = tpu.memref_slice %arg4[%add3A_453, %dma_wait3A_478] : memref<16384x2048xf32, #tpu.memory_space<hbm>> -> memref<16x2048xf32, #tpu.memory_space<hbm>>
    %dma_wait3A_480 = arith.constant 0 : i32
    %dma_wait3A_481 = tpu.memref_slice %arg4[%add3A_453, %dma_wait3A_480] : memref<16384x2048xf32, #tpu.memory_space<hbm>> -> memref<16x2048xf32, #tpu.memory_space<hbm>>
    tpu.wait_dma2 semaphore(%arg13 : memref<!tpu.dma_semaphore, #tpu.memory_space<semaphore_mem>>) src(%arg7 : memref<16x2048xf32, #tpu.memory_space<vmem>>) dst(%dma_wait3A_481 : memref<16x2048xf32, #tpu.memory_space<hbm>>)
    %dma_start3A_482 = arith.constant 400 : i32
    %dma_start3A_483 = tpu.memref_slice %arg5[%dma_start3A_482] : memref<512xi32, #tpu.memory_space<vmem>> -> memref<16xi32, #tpu.memory_space<vmem>>
    %dma_start3A_484 = arith.constant 0 : i32
    %dma_start3A_485 = arith.constant 0 : i32
    %dma_start3A_486 = tpu.memref_slice %arg2[%dma_start3A_484, %dma_start3A_485] : memref<8192x2048xf32, #tpu.memory_space<hbm>> -> memref<8192x2048xf32, #tpu.memory_space<hbm>>
    tpu.enqueue_indirect_dma source(%dma_start3A_486 : memref<8192x2048xf32, #tpu.memory_space<hbm>>) target(%arg7 : memref<16x2048xf32, #tpu.memory_space<vmem>>) offsets(%dma_start3A_483 : memref<16xi32, #tpu.memory_space<vmem>>) semaphore(%arg10 : memref<!tpu.dma_semaphore, #tpu.memory_space<semaphore_mem>>)
    %dma_wait3A_487 = arith.constant 384 : i32
    %dma_wait3A_488 = tpu.memref_slice %arg5[%dma_wait3A_487] : memref<512xi32, #tpu.memory_space<vmem>> -> memref<16xi32, #tpu.memory_space<vmem>>
    %dma_wait3A_489 = arith.constant 0 : i32
    %dma_wait3A_490 = arith.constant 0 : i32
    %dma_wait3A_491 = tpu.memref_slice %arg2[%dma_wait3A_489, %dma_wait3A_490] : memref<8192x2048xf32, #tpu.memory_space<hbm>> -> memref<8192x2048xf32, #tpu.memory_space<hbm>>
    tpu.wait_indirect_dma semaphore(%arg9 : memref<!tpu.dma_semaphore, #tpu.memory_space<semaphore_mem>>) src(%dma_wait3A_491 : memref<8192x2048xf32, #tpu.memory_space<hbm>>) dst(%arg6 : memref<16x2048xf32, #tpu.memory_space<vmem>>)
    %add3A_492 = arith.constant 384 : i32
    %add3A_493 = arith.addi %mul3A_2, %add3A_492 : i32
    %dma_start3A_494 = arith.constant 0 : i32
    %dma_start3A_495 = tpu.memref_slice %arg4[%add3A_493, %dma_start3A_494] : memref<16384x2048xf32, #tpu.memory_space<hbm>> -> memref<16x2048xf32, #tpu.memory_space<hbm>>
    %dma_start3A_496 = arith.constant 0 : i32
    %dma_start3A_497 = tpu.memref_slice %arg4[%add3A_493, %dma_start3A_496] : memref<16384x2048xf32, #tpu.memory_space<hbm>> -> memref<16x2048xf32, #tpu.memory_space<hbm>>
    tpu.enqueue_dma source(%arg6 : memref<16x2048xf32, #tpu.memory_space<vmem>>) target(%dma_start3A_497 : memref<16x2048xf32, #tpu.memory_space<hbm>>) target_semaphore(%arg12 : memref<!tpu.dma_semaphore, #tpu.memory_space<semaphore_mem>>)
    %dma_wait3A_498 = arith.constant 0 : i32
    %dma_wait3A_499 = tpu.memref_slice %arg4[%add3A_473, %dma_wait3A_498] : memref<16384x2048xf32, #tpu.memory_space<hbm>> -> memref<16x2048xf32, #tpu.memory_space<hbm>>
    %dma_wait3A_500 = arith.constant 0 : i32
    %dma_wait3A_501 = tpu.memref_slice %arg4[%add3A_473, %dma_wait3A_500] : memref<16384x2048xf32, #tpu.memory_space<hbm>> -> memref<16x2048xf32, #tpu.memory_space<hbm>>
    tpu.wait_dma2 semaphore(%arg14 : memref<!tpu.dma_semaphore, #tpu.memory_space<semaphore_mem>>) src(%arg8 : memref<16x2048xf32, #tpu.memory_space<vmem>>) dst(%dma_wait3A_501 : memref<16x2048xf32, #tpu.memory_space<hbm>>)
    %dma_start3A_502 = arith.constant 416 : i32
    %dma_start3A_503 = tpu.memref_slice %arg5[%dma_start3A_502] : memref<512xi32, #tpu.memory_space<vmem>> -> memref<16xi32, #tpu.memory_space<vmem>>
    %dma_start3A_504 = arith.constant 0 : i32
    %dma_start3A_505 = arith.constant 0 : i32
    %dma_start3A_506 = tpu.memref_slice %arg2[%dma_start3A_504, %dma_start3A_505] : memref<8192x2048xf32, #tpu.memory_space<hbm>> -> memref<8192x2048xf32, #tpu.memory_space<hbm>>
    tpu.enqueue_indirect_dma source(%dma_start3A_506 : memref<8192x2048xf32, #tpu.memory_space<hbm>>) target(%arg8 : memref<16x2048xf32, #tpu.memory_space<vmem>>) offsets(%dma_start3A_503 : memref<16xi32, #tpu.memory_space<vmem>>) semaphore(%arg11 : memref<!tpu.dma_semaphore, #tpu.memory_space<semaphore_mem>>)
    %dma_wait3A_507 = arith.constant 400 : i32
    %dma_wait3A_508 = tpu.memref_slice %arg5[%dma_wait3A_507] : memref<512xi32, #tpu.memory_space<vmem>> -> memref<16xi32, #tpu.memory_space<vmem>>
    %dma_wait3A_509 = arith.constant 0 : i32
    %dma_wait3A_510 = arith.constant 0 : i32
    %dma_wait3A_511 = tpu.memref_slice %arg2[%dma_wait3A_509, %dma_wait3A_510] : memref<8192x2048xf32, #tpu.memory_space<hbm>> -> memref<8192x2048xf32, #tpu.memory_space<hbm>>
    tpu.wait_indirect_dma semaphore(%arg10 : memref<!tpu.dma_semaphore, #tpu.memory_space<semaphore_mem>>) src(%dma_wait3A_511 : memref<8192x2048xf32, #tpu.memory_space<hbm>>) dst(%arg7 : memref<16x2048xf32, #tpu.memory_space<vmem>>)
    %add3A_512 = arith.constant 400 : i32
    %add3A_513 = arith.addi %mul3A_2, %add3A_512 : i32
    %dma_start3A_514 = arith.constant 0 : i32
    %dma_start3A_515 = tpu.memref_slice %arg4[%add3A_513, %dma_start3A_514] : memref<16384x2048xf32, #tpu.memory_space<hbm>> -> memref<16x2048xf32, #tpu.memory_space<hbm>>
    %dma_start3A_516 = arith.constant 0 : i32
    %dma_start3A_517 = tpu.memref_slice %arg4[%add3A_513, %dma_start3A_516] : memref<16384x2048xf32, #tpu.memory_space<hbm>> -> memref<16x2048xf32, #tpu.memory_space<hbm>>
    tpu.enqueue_dma source(%arg7 : memref<16x2048xf32, #tpu.memory_space<vmem>>) target(%dma_start3A_517 : memref<16x2048xf32, #tpu.memory_space<hbm>>) target_semaphore(%arg13 : memref<!tpu.dma_semaphore, #tpu.memory_space<semaphore_mem>>)
    %dma_wait3A_518 = arith.constant 0 : i32
    %dma_wait3A_519 = tpu.memref_slice %arg4[%add3A_493, %dma_wait3A_518] : memref<16384x2048xf32, #tpu.memory_space<hbm>> -> memref<16x2048xf32, #tpu.memory_space<hbm>>
    %dma_wait3A_520 = arith.constant 0 : i32
    %dma_wait3A_521 = tpu.memref_slice %arg4[%add3A_493, %dma_wait3A_520] : memref<16384x2048xf32, #tpu.memory_space<hbm>> -> memref<16x2048xf32, #tpu.memory_space<hbm>>
    tpu.wait_dma2 semaphore(%arg12 : memref<!tpu.dma_semaphore, #tpu.memory_space<semaphore_mem>>) src(%arg6 : memref<16x2048xf32, #tpu.memory_space<vmem>>) dst(%dma_wait3A_521 : memref<16x2048xf32, #tpu.memory_space<hbm>>)
    %dma_start3A_522 = arith.constant 432 : i32
    %dma_start3A_523 = tpu.memref_slice %arg5[%dma_start3A_522] : memref<512xi32, #tpu.memory_space<vmem>> -> memref<16xi32, #tpu.memory_space<vmem>>
    %dma_start3A_524 = arith.constant 0 : i32
    %dma_start3A_525 = arith.constant 0 : i32
    %dma_start3A_526 = tpu.memref_slice %arg2[%dma_start3A_524, %dma_start3A_525] : memref<8192x2048xf32, #tpu.memory_space<hbm>> -> memref<8192x2048xf32, #tpu.memory_space<hbm>>
    tpu.enqueue_indirect_dma source(%dma_start3A_526 : memref<8192x2048xf32, #tpu.memory_space<hbm>>) target(%arg6 : memref<16x2048xf32, #tpu.memory_space<vmem>>) offsets(%dma_start3A_523 : memref<16xi32, #tpu.memory_space<vmem>>) semaphore(%arg9 : memref<!tpu.dma_semaphore, #tpu.memory_space<semaphore_mem>>)
    %dma_wait3A_527 = arith.constant 416 : i32
    %dma_wait3A_528 = tpu.memref_slice %arg5[%dma_wait3A_527] : memref<512xi32, #tpu.memory_space<vmem>> -> memref<16xi32, #tpu.memory_space<vmem>>
    %dma_wait3A_529 = arith.constant 0 : i32
    %dma_wait3A_530 = arith.constant 0 : i32
    %dma_wait3A_531 = tpu.memref_slice %arg2[%dma_wait3A_529, %dma_wait3A_530] : memref<8192x2048xf32, #tpu.memory_space<hbm>> -> memref<8192x2048xf32, #tpu.memory_space<hbm>>
    tpu.wait_indirect_dma semaphore(%arg11 : memref<!tpu.dma_semaphore, #tpu.memory_space<semaphore_mem>>) src(%dma_wait3A_531 : memref<8192x2048xf32, #tpu.memory_space<hbm>>) dst(%arg8 : memref<16x2048xf32, #tpu.memory_space<vmem>>)
    %add3A_532 = arith.constant 416 : i32
    %add3A_533 = arith.addi %mul3A_2, %add3A_532 : i32
    %dma_start3A_534 = arith.constant 0 : i32
    %dma_start3A_535 = tpu.memref_slice %arg4[%add3A_533, %dma_start3A_534] : memref<16384x2048xf32, #tpu.memory_space<hbm>> -> memref<16x2048xf32, #tpu.memory_space<hbm>>
    %dma_start3A_536 = arith.constant 0 : i32
    %dma_start3A_537 = tpu.memref_slice %arg4[%add3A_533, %dma_start3A_536] : memref<16384x2048xf32, #tpu.memory_space<hbm>> -> memref<16x2048xf32, #tpu.memory_space<hbm>>
    tpu.enqueue_dma source(%arg8 : memref<16x2048xf32, #tpu.memory_space<vmem>>) target(%dma_start3A_537 : memref<16x2048xf32, #tpu.memory_space<hbm>>) target_semaphore(%arg14 : memref<!tpu.dma_semaphore, #tpu.memory_space<semaphore_mem>>)
    %dma_wait3A_538 = arith.constant 0 : i32
    %dma_wait3A_539 = tpu.memref_slice %arg4[%add3A_513, %dma_wait3A_538] : memref<16384x2048xf32, #tpu.memory_space<hbm>> -> memref<16x2048xf32, #tpu.memory_space<hbm>>
    %dma_wait3A_540 = arith.constant 0 : i32
    %dma_wait3A_541 = tpu.memref_slice %arg4[%add3A_513, %dma_wait3A_540] : memref<16384x2048xf32, #tpu.memory_space<hbm>> -> memref<16x2048xf32, #tpu.memory_space<hbm>>
    tpu.wait_dma2 semaphore(%arg13 : memref<!tpu.dma_semaphore, #tpu.memory_space<semaphore_mem>>) src(%arg7 : memref<16x2048xf32, #tpu.memory_space<vmem>>) dst(%dma_wait3A_541 : memref<16x2048xf32, #tpu.memory_space<hbm>>)
    %dma_start3A_542 = arith.constant 448 : i32
    %dma_start3A_543 = tpu.memref_slice %arg5[%dma_start3A_542] : memref<512xi32, #tpu.memory_space<vmem>> -> memref<16xi32, #tpu.memory_space<vmem>>
    %dma_start3A_544 = arith.constant 0 : i32
    %dma_start3A_545 = arith.constant 0 : i32
    %dma_start3A_546 = tpu.memref_slice %arg2[%dma_start3A_544, %dma_start3A_545] : memref<8192x2048xf32, #tpu.memory_space<hbm>> -> memref<8192x2048xf32, #tpu.memory_space<hbm>>
    tpu.enqueue_indirect_dma source(%dma_start3A_546 : memref<8192x2048xf32, #tpu.memory_space<hbm>>) target(%arg7 : memref<16x2048xf32, #tpu.memory_space<vmem>>) offsets(%dma_start3A_543 : memref<16xi32, #tpu.memory_space<vmem>>) semaphore(%arg10 : memref<!tpu.dma_semaphore, #tpu.memory_space<semaphore_mem>>)
    %dma_wait3A_547 = arith.constant 432 : i32
    %dma_wait3A_548 = tpu.memref_slice %arg5[%dma_wait3A_547] : memref<512xi32, #tpu.memory_space<vmem>> -> memref<16xi32, #tpu.memory_space<vmem>>
    %dma_wait3A_549 = arith.constant 0 : i32
    %dma_wait3A_550 = arith.constant 0 : i32
    %dma_wait3A_551 = tpu.memref_slice %arg2[%dma_wait3A_549, %dma_wait3A_550] : memref<8192x2048xf32, #tpu.memory_space<hbm>> -> memref<8192x2048xf32, #tpu.memory_space<hbm>>
    tpu.wait_indirect_dma semaphore(%arg9 : memref<!tpu.dma_semaphore, #tpu.memory_space<semaphore_mem>>) src(%dma_wait3A_551 : memref<8192x2048xf32, #tpu.memory_space<hbm>>) dst(%arg6 : memref<16x2048xf32, #tpu.memory_space<vmem>>)
    %add3A_552 = arith.constant 432 : i32
    %add3A_553 = arith.addi %mul3A_2, %add3A_552 : i32
    %dma_start3A_554 = arith.constant 0 : i32
    %dma_start3A_555 = tpu.memref_slice %arg4[%add3A_553, %dma_start3A_554] : memref<16384x2048xf32, #tpu.memory_space<hbm>> -> memref<16x2048xf32, #tpu.memory_space<hbm>>
    %dma_start3A_556 = arith.constant 0 : i32
    %dma_start3A_557 = tpu.memref_slice %arg4[%add3A_553, %dma_start3A_556] : memref<16384x2048xf32, #tpu.memory_space<hbm>> -> memref<16x2048xf32, #tpu.memory_space<hbm>>
    tpu.enqueue_dma source(%arg6 : memref<16x2048xf32, #tpu.memory_space<vmem>>) target(%dma_start3A_557 : memref<16x2048xf32, #tpu.memory_space<hbm>>) target_semaphore(%arg12 : memref<!tpu.dma_semaphore, #tpu.memory_space<semaphore_mem>>)
    %dma_wait3A_558 = arith.constant 0 : i32
    %dma_wait3A_559 = tpu.memref_slice %arg4[%add3A_533, %dma_wait3A_558] : memref<16384x2048xf32, #tpu.memory_space<hbm>> -> memref<16x2048xf32, #tpu.memory_space<hbm>>
    %dma_wait3A_560 = arith.constant 0 : i32
    %dma_wait3A_561 = tpu.memref_slice %arg4[%add3A_533, %dma_wait3A_560] : memref<16384x2048xf32, #tpu.memory_space<hbm>> -> memref<16x2048xf32, #tpu.memory_space<hbm>>
    tpu.wait_dma2 semaphore(%arg14 : memref<!tpu.dma_semaphore, #tpu.memory_space<semaphore_mem>>) src(%arg8 : memref<16x2048xf32, #tpu.memory_space<vmem>>) dst(%dma_wait3A_561 : memref<16x2048xf32, #tpu.memory_space<hbm>>)
    %dma_start3A_562 = arith.constant 464 : i32
    %dma_start3A_563 = tpu.memref_slice %arg5[%dma_start3A_562] : memref<512xi32, #tpu.memory_space<vmem>> -> memref<16xi32, #tpu.memory_space<vmem>>
    %dma_start3A_564 = arith.constant 0 : i32
    %dma_start3A_565 = arith.constant 0 : i32
    %dma_start3A_566 = tpu.memref_slice %arg2[%dma_start3A_564, %dma_start3A_565] : memref<8192x2048xf32, #tpu.memory_space<hbm>> -> memref<8192x2048xf32, #tpu.memory_space<hbm>>
    tpu.enqueue_indirect_dma source(%dma_start3A_566 : memref<8192x2048xf32, #tpu.memory_space<hbm>>) target(%arg8 : memref<16x2048xf32, #tpu.memory_space<vmem>>) offsets(%dma_start3A_563 : memref<16xi32, #tpu.memory_space<vmem>>) semaphore(%arg11 : memref<!tpu.dma_semaphore, #tpu.memory_space<semaphore_mem>>)
    %dma_wait3A_567 = arith.constant 448 : i32
    %dma_wait3A_568 = tpu.memref_slice %arg5[%dma_wait3A_567] : memref<512xi32, #tpu.memory_space<vmem>> -> memref<16xi32, #tpu.memory_space<vmem>>
    %dma_wait3A_569 = arith.constant 0 : i32
    %dma_wait3A_570 = arith.constant 0 : i32
    %dma_wait3A_571 = tpu.memref_slice %arg2[%dma_wait3A_569, %dma_wait3A_570] : memref<8192x2048xf32, #tpu.memory_space<hbm>> -> memref<8192x2048xf32, #tpu.memory_space<hbm>>
    tpu.wait_indirect_dma semaphore(%arg10 : memref<!tpu.dma_semaphore, #tpu.memory_space<semaphore_mem>>) src(%dma_wait3A_571 : memref<8192x2048xf32, #tpu.memory_space<hbm>>) dst(%arg7 : memref<16x2048xf32, #tpu.memory_space<vmem>>)
    %add3A_572 = arith.constant 448 : i32
    %add3A_573 = arith.addi %mul3A_2, %add3A_572 : i32
    %dma_start3A_574 = arith.constant 0 : i32
    %dma_start3A_575 = tpu.memref_slice %arg4[%add3A_573, %dma_start3A_574] : memref<16384x2048xf32, #tpu.memory_space<hbm>> -> memref<16x2048xf32, #tpu.memory_space<hbm>>
    %dma_start3A_576 = arith.constant 0 : i32
    %dma_start3A_577 = tpu.memref_slice %arg4[%add3A_573, %dma_start3A_576] : memref<16384x2048xf32, #tpu.memory_space<hbm>> -> memref<16x2048xf32, #tpu.memory_space<hbm>>
    tpu.enqueue_dma source(%arg7 : memref<16x2048xf32, #tpu.memory_space<vmem>>) target(%dma_start3A_577 : memref<16x2048xf32, #tpu.memory_space<hbm>>) target_semaphore(%arg13 : memref<!tpu.dma_semaphore, #tpu.memory_space<semaphore_mem>>)
    %dma_wait3A_578 = arith.constant 0 : i32
    %dma_wait3A_579 = tpu.memref_slice %arg4[%add3A_553, %dma_wait3A_578] : memref<16384x2048xf32, #tpu.memory_space<hbm>> -> memref<16x2048xf32, #tpu.memory_space<hbm>>
    %dma_wait3A_580 = arith.constant 0 : i32
    %dma_wait3A_581 = tpu.memref_slice %arg4[%add3A_553, %dma_wait3A_580] : memref<16384x2048xf32, #tpu.memory_space<hbm>> -> memref<16x2048xf32, #tpu.memory_space<hbm>>
    tpu.wait_dma2 semaphore(%arg12 : memref<!tpu.dma_semaphore, #tpu.memory_space<semaphore_mem>>) src(%arg6 : memref<16x2048xf32, #tpu.memory_space<vmem>>) dst(%dma_wait3A_581 : memref<16x2048xf32, #tpu.memory_space<hbm>>)
    %dma_start3A_582 = arith.constant 480 : i32
    %dma_start3A_583 = tpu.memref_slice %arg5[%dma_start3A_582] : memref<512xi32, #tpu.memory_space<vmem>> -> memref<16xi32, #tpu.memory_space<vmem>>
    %dma_start3A_584 = arith.constant 0 : i32
    %dma_start3A_585 = arith.constant 0 : i32
    %dma_start3A_586 = tpu.memref_slice %arg2[%dma_start3A_584, %dma_start3A_585] : memref<8192x2048xf32, #tpu.memory_space<hbm>> -> memref<8192x2048xf32, #tpu.memory_space<hbm>>
    tpu.enqueue_indirect_dma source(%dma_start3A_586 : memref<8192x2048xf32, #tpu.memory_space<hbm>>) target(%arg6 : memref<16x2048xf32, #tpu.memory_space<vmem>>) offsets(%dma_start3A_583 : memref<16xi32, #tpu.memory_space<vmem>>) semaphore(%arg9 : memref<!tpu.dma_semaphore, #tpu.memory_space<semaphore_mem>>)
    %dma_wait3A_587 = arith.constant 464 : i32
    %dma_wait3A_588 = tpu.memref_slice %arg5[%dma_wait3A_587] : memref<512xi32, #tpu.memory_space<vmem>> -> memref<16xi32, #tpu.memory_space<vmem>>
    %dma_wait3A_589 = arith.constant 0 : i32
    %dma_wait3A_590 = arith.constant 0 : i32
    %dma_wait3A_591 = tpu.memref_slice %arg2[%dma_wait3A_589, %dma_wait3A_590] : memref<8192x2048xf32, #tpu.memory_space<hbm>> -> memref<8192x2048xf32, #tpu.memory_space<hbm>>
    tpu.wait_indirect_dma semaphore(%arg11 : memref<!tpu.dma_semaphore, #tpu.memory_space<semaphore_mem>>) src(%dma_wait3A_591 : memref<8192x2048xf32, #tpu.memory_space<hbm>>) dst(%arg8 : memref<16x2048xf32, #tpu.memory_space<vmem>>)
    %add3A_592 = arith.constant 464 : i32
    %add3A_593 = arith.addi %mul3A_2, %add3A_592 : i32
    %dma_start3A_594 = arith.constant 0 : i32
    %dma_start3A_595 = tpu.memref_slice %arg4[%add3A_593, %dma_start3A_594] : memref<16384x2048xf32, #tpu.memory_space<hbm>> -> memref<16x2048xf32, #tpu.memory_space<hbm>>
    %dma_start3A_596 = arith.constant 0 : i32
    %dma_start3A_597 = tpu.memref_slice %arg4[%add3A_593, %dma_start3A_596] : memref<16384x2048xf32, #tpu.memory_space<hbm>> -> memref<16x2048xf32, #tpu.memory_space<hbm>>
    tpu.enqueue_dma source(%arg8 : memref<16x2048xf32, #tpu.memory_space<vmem>>) target(%dma_start3A_597 : memref<16x2048xf32, #tpu.memory_space<hbm>>) target_semaphore(%arg14 : memref<!tpu.dma_semaphore, #tpu.memory_space<semaphore_mem>>)
    %dma_wait3A_598 = arith.constant 0 : i32
    %dma_wait3A_599 = tpu.memref_slice %arg4[%add3A_573, %dma_wait3A_598] : memref<16384x2048xf32, #tpu.memory_space<hbm>> -> memref<16x2048xf32, #tpu.memory_space<hbm>>
    %dma_wait3A_600 = arith.constant 0 : i32
    %dma_wait3A_601 = tpu.memref_slice %arg4[%add3A_573, %dma_wait3A_600] : memref<16384x2048xf32, #tpu.memory_space<hbm>> -> memref<16x2048xf32, #tpu.memory_space<hbm>>
    tpu.wait_dma2 semaphore(%arg13 : memref<!tpu.dma_semaphore, #tpu.memory_space<semaphore_mem>>) src(%arg7 : memref<16x2048xf32, #tpu.memory_space<vmem>>) dst(%dma_wait3A_601 : memref<16x2048xf32, #tpu.memory_space<hbm>>)
    %dma_start3A_602 = arith.constant 496 : i32
    %dma_start3A_603 = tpu.memref_slice %arg5[%dma_start3A_602] : memref<512xi32, #tpu.memory_space<vmem>> -> memref<16xi32, #tpu.memory_space<vmem>>
    %dma_start3A_604 = arith.constant 0 : i32
    %dma_start3A_605 = arith.constant 0 : i32
    %dma_start3A_606 = tpu.memref_slice %arg2[%dma_start3A_604, %dma_start3A_605] : memref<8192x2048xf32, #tpu.memory_space<hbm>> -> memref<8192x2048xf32, #tpu.memory_space<hbm>>
    tpu.enqueue_indirect_dma source(%dma_start3A_606 : memref<8192x2048xf32, #tpu.memory_space<hbm>>) target(%arg7 : memref<16x2048xf32, #tpu.memory_space<vmem>>) offsets(%dma_start3A_603 : memref<16xi32, #tpu.memory_space<vmem>>) semaphore(%arg10 : memref<!tpu.dma_semaphore, #tpu.memory_space<semaphore_mem>>)
    %dma_wait3A_607 = arith.constant 480 : i32
    %dma_wait3A_608 = tpu.memref_slice %arg5[%dma_wait3A_607] : memref<512xi32, #tpu.memory_space<vmem>> -> memref<16xi32, #tpu.memory_space<vmem>>
    %dma_wait3A_609 = arith.constant 0 : i32
    %dma_wait3A_610 = arith.constant 0 : i32
    %dma_wait3A_611 = tpu.memref_slice %arg2[%dma_wait3A_609, %dma_wait3A_610] : memref<8192x2048xf32, #tpu.memory_space<hbm>> -> memref<8192x2048xf32, #tpu.memory_space<hbm>>
    tpu.wait_indirect_dma semaphore(%arg9 : memref<!tpu.dma_semaphore, #tpu.memory_space<semaphore_mem>>) src(%dma_wait3A_611 : memref<8192x2048xf32, #tpu.memory_space<hbm>>) dst(%arg6 : memref<16x2048xf32, #tpu.memory_space<vmem>>)
    %add3A_612 = arith.constant 480 : i32
    %add3A_613 = arith.addi %mul3A_2, %add3A_612 : i32
    %dma_start3A_614 = arith.constant 0 : i32
    %dma_start3A_615 = tpu.memref_slice %arg4[%add3A_613, %dma_start3A_614] : memref<16384x2048xf32, #tpu.memory_space<hbm>> -> memref<16x2048xf32, #tpu.memory_space<hbm>>
    %dma_start3A_616 = arith.constant 0 : i32
    %dma_start3A_617 = tpu.memref_slice %arg4[%add3A_613, %dma_start3A_616] : memref<16384x2048xf32, #tpu.memory_space<hbm>> -> memref<16x2048xf32, #tpu.memory_space<hbm>>
    tpu.enqueue_dma source(%arg6 : memref<16x2048xf32, #tpu.memory_space<vmem>>) target(%dma_start3A_617 : memref<16x2048xf32, #tpu.memory_space<hbm>>) target_semaphore(%arg12 : memref<!tpu.dma_semaphore, #tpu.memory_space<semaphore_mem>>)
    %dma_wait3A_618 = arith.constant 496 : i32
    %dma_wait3A_619 = tpu.memref_slice %arg5[%dma_wait3A_618] : memref<512xi32, #tpu.memory_space<vmem>> -> memref<16xi32, #tpu.memory_space<vmem>>
    %dma_wait3A_620 = arith.constant 0 : i32
    %dma_wait3A_621 = arith.constant 0 : i32
    %dma_wait3A_622 = tpu.memref_slice %arg2[%dma_wait3A_620, %dma_wait3A_621] : memref<8192x2048xf32, #tpu.memory_space<hbm>> -> memref<8192x2048xf32, #tpu.memory_space<hbm>>
    tpu.wait_indirect_dma semaphore(%arg10 : memref<!tpu.dma_semaphore, #tpu.memory_space<semaphore_mem>>) src(%dma_wait3A_622 : memref<8192x2048xf32, #tpu.memory_space<hbm>>) dst(%arg7 : memref<16x2048xf32, #tpu.memory_space<vmem>>)
    %add3A_623 = arith.constant 496 : i32
    %add3A_624 = arith.addi %mul3A_2, %add3A_623 : i32
    %dma_start3A_625 = arith.constant 0 : i32
    %dma_start3A_626 = tpu.memref_slice %arg4[%add3A_624, %dma_start3A_625] : memref<16384x2048xf32, #tpu.memory_space<hbm>> -> memref<16x2048xf32, #tpu.memory_space<hbm>>
    %dma_start3A_627 = arith.constant 0 : i32
    %dma_start3A_628 = tpu.memref_slice %arg4[%add3A_624, %dma_start3A_627] : memref<16384x2048xf32, #tpu.memory_space<hbm>> -> memref<16x2048xf32, #tpu.memory_space<hbm>>
    tpu.enqueue_dma source(%arg7 : memref<16x2048xf32, #tpu.memory_space<vmem>>) target(%dma_start3A_628 : memref<16x2048xf32, #tpu.memory_space<hbm>>) target_semaphore(%arg13 : memref<!tpu.dma_semaphore, #tpu.memory_space<semaphore_mem>>)
    %dma_wait3A_629 = arith.constant 0 : i32
    %dma_wait3A_630 = tpu.memref_slice %arg4[%add3A_593, %dma_wait3A_629] : memref<16384x2048xf32, #tpu.memory_space<hbm>> -> memref<16x2048xf32, #tpu.memory_space<hbm>>
    %dma_wait3A_631 = arith.constant 0 : i32
    %dma_wait3A_632 = tpu.memref_slice %arg4[%add3A_593, %dma_wait3A_631] : memref<16384x2048xf32, #tpu.memory_space<hbm>> -> memref<16x2048xf32, #tpu.memory_space<hbm>>
    tpu.wait_dma2 semaphore(%arg14 : memref<!tpu.dma_semaphore, #tpu.memory_space<semaphore_mem>>) src(%arg8 : memref<16x2048xf32, #tpu.memory_space<vmem>>) dst(%dma_wait3A_632 : memref<16x2048xf32, #tpu.memory_space<hbm>>)
    %dma_wait3A_633 = arith.constant 0 : i32
    %dma_wait3A_634 = tpu.memref_slice %arg4[%add3A_613, %dma_wait3A_633] : memref<16384x2048xf32, #tpu.memory_space<hbm>> -> memref<16x2048xf32, #tpu.memory_space<hbm>>
    %dma_wait3A_635 = arith.constant 0 : i32
    %dma_wait3A_636 = tpu.memref_slice %arg4[%add3A_613, %dma_wait3A_635] : memref<16384x2048xf32, #tpu.memory_space<hbm>> -> memref<16x2048xf32, #tpu.memory_space<hbm>>
    tpu.wait_dma2 semaphore(%arg12 : memref<!tpu.dma_semaphore, #tpu.memory_space<semaphore_mem>>) src(%arg6 : memref<16x2048xf32, #tpu.memory_space<vmem>>) dst(%dma_wait3A_636 : memref<16x2048xf32, #tpu.memory_space<hbm>>)
    %dma_wait3A_637 = arith.constant 0 : i32
    %dma_wait3A_638 = tpu.memref_slice %arg4[%add3A_624, %dma_wait3A_637] : memref<16384x2048xf32, #tpu.memory_space<hbm>> -> memref<16x2048xf32, #tpu.memory_space<hbm>>
    %dma_wait3A_639 = arith.constant 0 : i32
    %dma_wait3A_640 = tpu.memref_slice %arg4[%add3A_624, %dma_wait3A_639] : memref<16384x2048xf32, #tpu.memory_space<hbm>> -> memref<16x2048xf32, #tpu.memory_space<hbm>>
    tpu.wait_dma2 semaphore(%arg13 : memref<!tpu.dma_semaphore, #tpu.memory_space<semaphore_mem>>) src(%arg7 : memref<16x2048xf32, #tpu.memory_space<vmem>>) dst(%dma_wait3A_640 : memref<16x2048xf32, #tpu.memory_space<hbm>>)
    return
  }
}

module attributes {stable_mosaic.version = 14 : i64} {
  func.func @_topk_body(%arg0: i32, %arg1: memref<128x8192xf32, #tpu.memory_space<vmem>>, %arg2: memref<128x16xi32, #tpu.memory_space<vmem>>) attributes {dimension_semantics = [#tpu.dimension_semantics<arbitrary>], iteration_bounds = array<i64: 8>, scalar_prefetch = 0 : i64, scratch_operands = 0 : i64, tpu.core_type = #tpu.core_type<tc>, window_params = [{transform_indices = @transform_0, window_bounds = array<i64: 128, 8192>}, {transform_indices = @transform_1, window_bounds = array<i64: 128, 16>}]} {
    %iota3A = tpu.iota {dimensions = array<i32: 1>} : vector<128x512xi32>
    %get3A = arith.constant 0 : index
    %get3A_0 = arith.constant 0 : index
    %get3A_1 = vector.load %arg1[%get3A, %get3A_0] : memref<128x8192xf32, #tpu.memory_space<vmem>>, vector<128x512xf32>
    %broadcast_in_dim3A = arith.constant 0xFF800000 : f32
    %broadcast_in_dim3A_2 = vector.broadcast %broadcast_in_dim3A : f32 to vector<128x512xf32>
    %broadcast_in_dim3A_3 = arith.constant 0 : i32
    %broadcast_in_dim3A_4 = vector.broadcast %broadcast_in_dim3A_3 : i32 to vector<128x512xi32>
    %get3A_5 = arith.constant 0 : index
    %get3A_6 = arith.constant 512 : index
    %get3A_7 = vector.load %arg1[%get3A_5, %get3A_6] : memref<128x8192xf32, #tpu.memory_space<vmem>>, vector<128x512xf32>
    %add3A = arith.constant 512 : i32
    %add3A_8 = vector.broadcast %add3A : i32 to vector<128x512xi32>
    %add3A_9 = arith.addi %iota3A, %add3A_8 : vector<128x512xi32>
    %gt3A = arith.cmpf ogt, %get3A_7, %get3A_1 : vector<128x512xf32>
    %gt3A_10 = arith.cmpf ogt, %get3A_7, %broadcast_in_dim3A_2 : vector<128x512xf32>
    %gt3A_11 = arith.cmpf ogt, %get3A_7, %broadcast_in_dim3A_2 : vector<128x512xf32>
    %select_n3A = arith.select %gt3A_11, %get3A_7, %broadcast_in_dim3A_2 : vector<128x512xi1>, vector<128x512xf32>
    %select_n3A_12 = arith.select %gt3A_10, %broadcast_in_dim3A_2, %select_n3A : vector<128x512xi1>, vector<128x512xf32>
    %select_n3A_13 = arith.select %gt3A_11, %add3A_9, %broadcast_in_dim3A_4 : vector<128x512xi1>, vector<128x512xi32>
    %select_n3A_14 = arith.select %gt3A_10, %broadcast_in_dim3A_4, %select_n3A_13 : vector<128x512xi1>, vector<128x512xi32>
    %select_n3A_15 = arith.select %gt3A_10, %get3A_7, %broadcast_in_dim3A_2 : vector<128x512xi1>, vector<128x512xf32>
    %select_n3A_16 = arith.select %gt3A, %get3A_1, %select_n3A_15 : vector<128x512xi1>, vector<128x512xf32>
    %select_n3A_17 = arith.select %gt3A_10, %add3A_9, %broadcast_in_dim3A_4 : vector<128x512xi1>, vector<128x512xi32>
    %select_n3A_18 = arith.select %gt3A, %iota3A, %select_n3A_17 : vector<128x512xi1>, vector<128x512xi32>
    %select_n3A_19 = arith.select %gt3A, %get3A_7, %get3A_1 : vector<128x512xi1>, vector<128x512xf32>
    %select_n3A_20 = arith.select %gt3A, %add3A_9, %iota3A : vector<128x512xi1>, vector<128x512xi32>
    %get3A_21 = arith.constant 0 : index
    %get3A_22 = arith.constant 1024 : index
    %get3A_23 = vector.load %arg1[%get3A_21, %get3A_22] : memref<128x8192xf32, #tpu.memory_space<vmem>>, vector<128x512xf32>
    %add3A_24 = arith.constant 1024 : i32
    %add3A_25 = vector.broadcast %add3A_24 : i32 to vector<128x512xi32>
    %add3A_26 = arith.addi %iota3A, %add3A_25 : vector<128x512xi32>
    %gt3A_27 = arith.cmpf ogt, %get3A_23, %select_n3A_19 : vector<128x512xf32>
    %gt3A_28 = arith.cmpf ogt, %get3A_23, %select_n3A_16 : vector<128x512xf32>
    %gt3A_29 = arith.cmpf ogt, %get3A_23, %select_n3A_12 : vector<128x512xf32>
    %select_n3A_30 = arith.select %gt3A_29, %get3A_23, %select_n3A_12 : vector<128x512xi1>, vector<128x512xf32>
    %select_n3A_31 = arith.select %gt3A_28, %select_n3A_16, %select_n3A_30 : vector<128x512xi1>, vector<128x512xf32>
    %select_n3A_32 = arith.select %gt3A_29, %add3A_26, %select_n3A_14 : vector<128x512xi1>, vector<128x512xi32>
    %select_n3A_33 = arith.select %gt3A_28, %select_n3A_18, %select_n3A_32 : vector<128x512xi1>, vector<128x512xi32>
    %select_n3A_34 = arith.select %gt3A_28, %get3A_23, %select_n3A_16 : vector<128x512xi1>, vector<128x512xf32>
    %select_n3A_35 = arith.select %gt3A_27, %select_n3A_19, %select_n3A_34 : vector<128x512xi1>, vector<128x512xf32>
    %select_n3A_36 = arith.select %gt3A_28, %add3A_26, %select_n3A_18 : vector<128x512xi1>, vector<128x512xi32>
    %select_n3A_37 = arith.select %gt3A_27, %select_n3A_20, %select_n3A_36 : vector<128x512xi1>, vector<128x512xi32>
    %select_n3A_38 = arith.select %gt3A_27, %get3A_23, %select_n3A_19 : vector<128x512xi1>, vector<128x512xf32>
    %select_n3A_39 = arith.select %gt3A_27, %add3A_26, %select_n3A_20 : vector<128x512xi1>, vector<128x512xi32>
    %get3A_40 = arith.constant 0 : index
    %get3A_41 = arith.constant 1536 : index
    %get3A_42 = vector.load %arg1[%get3A_40, %get3A_41] : memref<128x8192xf32, #tpu.memory_space<vmem>>, vector<128x512xf32>
    %add3A_43 = arith.constant 1536 : i32
    %add3A_44 = vector.broadcast %add3A_43 : i32 to vector<128x512xi32>
    %add3A_45 = arith.addi %iota3A, %add3A_44 : vector<128x512xi32>
    %gt3A_46 = arith.cmpf ogt, %get3A_42, %select_n3A_38 : vector<128x512xf32>
    %gt3A_47 = arith.cmpf ogt, %get3A_42, %select_n3A_35 : vector<128x512xf32>
    %gt3A_48 = arith.cmpf ogt, %get3A_42, %select_n3A_31 : vector<128x512xf32>
    %select_n3A_49 = arith.select %gt3A_48, %get3A_42, %select_n3A_31 : vector<128x512xi1>, vector<128x512xf32>
    %select_n3A_50 = arith.select %gt3A_47, %select_n3A_35, %select_n3A_49 : vector<128x512xi1>, vector<128x512xf32>
    %select_n3A_51 = arith.select %gt3A_48, %add3A_45, %select_n3A_33 : vector<128x512xi1>, vector<128x512xi32>
    %select_n3A_52 = arith.select %gt3A_47, %select_n3A_37, %select_n3A_51 : vector<128x512xi1>, vector<128x512xi32>
    %select_n3A_53 = arith.select %gt3A_47, %get3A_42, %select_n3A_35 : vector<128x512xi1>, vector<128x512xf32>
    %select_n3A_54 = arith.select %gt3A_46, %select_n3A_38, %select_n3A_53 : vector<128x512xi1>, vector<128x512xf32>
    %select_n3A_55 = arith.select %gt3A_47, %add3A_45, %select_n3A_37 : vector<128x512xi1>, vector<128x512xi32>
    %select_n3A_56 = arith.select %gt3A_46, %select_n3A_39, %select_n3A_55 : vector<128x512xi1>, vector<128x512xi32>
    %select_n3A_57 = arith.select %gt3A_46, %get3A_42, %select_n3A_38 : vector<128x512xi1>, vector<128x512xf32>
    %select_n3A_58 = arith.select %gt3A_46, %add3A_45, %select_n3A_39 : vector<128x512xi1>, vector<128x512xi32>
    %get3A_59 = arith.constant 0 : index
    %get3A_60 = arith.constant 2048 : index
    %get3A_61 = vector.load %arg1[%get3A_59, %get3A_60] : memref<128x8192xf32, #tpu.memory_space<vmem>>, vector<128x512xf32>
    %add3A_62 = arith.constant 2048 : i32
    %add3A_63 = vector.broadcast %add3A_62 : i32 to vector<128x512xi32>
    %add3A_64 = arith.addi %iota3A, %add3A_63 : vector<128x512xi32>
    %gt3A_65 = arith.cmpf ogt, %get3A_61, %select_n3A_57 : vector<128x512xf32>
    %gt3A_66 = arith.cmpf ogt, %get3A_61, %select_n3A_54 : vector<128x512xf32>
    %gt3A_67 = arith.cmpf ogt, %get3A_61, %select_n3A_50 : vector<128x512xf32>
    %select_n3A_68 = arith.select %gt3A_67, %get3A_61, %select_n3A_50 : vector<128x512xi1>, vector<128x512xf32>
    %select_n3A_69 = arith.select %gt3A_66, %select_n3A_54, %select_n3A_68 : vector<128x512xi1>, vector<128x512xf32>
    %select_n3A_70 = arith.select %gt3A_67, %add3A_64, %select_n3A_52 : vector<128x512xi1>, vector<128x512xi32>
    %select_n3A_71 = arith.select %gt3A_66, %select_n3A_56, %select_n3A_70 : vector<128x512xi1>, vector<128x512xi32>
    %select_n3A_72 = arith.select %gt3A_66, %get3A_61, %select_n3A_54 : vector<128x512xi1>, vector<128x512xf32>
    %select_n3A_73 = arith.select %gt3A_65, %select_n3A_57, %select_n3A_72 : vector<128x512xi1>, vector<128x512xf32>
    %select_n3A_74 = arith.select %gt3A_66, %add3A_64, %select_n3A_56 : vector<128x512xi1>, vector<128x512xi32>
    %select_n3A_75 = arith.select %gt3A_65, %select_n3A_58, %select_n3A_74 : vector<128x512xi1>, vector<128x512xi32>
    %select_n3A_76 = arith.select %gt3A_65, %get3A_61, %select_n3A_57 : vector<128x512xi1>, vector<128x512xf32>
    %select_n3A_77 = arith.select %gt3A_65, %add3A_64, %select_n3A_58 : vector<128x512xi1>, vector<128x512xi32>
    %get3A_78 = arith.constant 0 : index
    %get3A_79 = arith.constant 2560 : index
    %get3A_80 = vector.load %arg1[%get3A_78, %get3A_79] : memref<128x8192xf32, #tpu.memory_space<vmem>>, vector<128x512xf32>
    %add3A_81 = arith.constant 2560 : i32
    %add3A_82 = vector.broadcast %add3A_81 : i32 to vector<128x512xi32>
    %add3A_83 = arith.addi %iota3A, %add3A_82 : vector<128x512xi32>
    %gt3A_84 = arith.cmpf ogt, %get3A_80, %select_n3A_76 : vector<128x512xf32>
    %gt3A_85 = arith.cmpf ogt, %get3A_80, %select_n3A_73 : vector<128x512xf32>
    %gt3A_86 = arith.cmpf ogt, %get3A_80, %select_n3A_69 : vector<128x512xf32>
    %select_n3A_87 = arith.select %gt3A_86, %get3A_80, %select_n3A_69 : vector<128x512xi1>, vector<128x512xf32>
    %select_n3A_88 = arith.select %gt3A_85, %select_n3A_73, %select_n3A_87 : vector<128x512xi1>, vector<128x512xf32>
    %select_n3A_89 = arith.select %gt3A_86, %add3A_83, %select_n3A_71 : vector<128x512xi1>, vector<128x512xi32>
    %select_n3A_90 = arith.select %gt3A_85, %select_n3A_75, %select_n3A_89 : vector<128x512xi1>, vector<128x512xi32>
    %select_n3A_91 = arith.select %gt3A_85, %get3A_80, %select_n3A_73 : vector<128x512xi1>, vector<128x512xf32>
    %select_n3A_92 = arith.select %gt3A_84, %select_n3A_76, %select_n3A_91 : vector<128x512xi1>, vector<128x512xf32>
    %select_n3A_93 = arith.select %gt3A_85, %add3A_83, %select_n3A_75 : vector<128x512xi1>, vector<128x512xi32>
    %select_n3A_94 = arith.select %gt3A_84, %select_n3A_77, %select_n3A_93 : vector<128x512xi1>, vector<128x512xi32>
    %select_n3A_95 = arith.select %gt3A_84, %get3A_80, %select_n3A_76 : vector<128x512xi1>, vector<128x512xf32>
    %select_n3A_96 = arith.select %gt3A_84, %add3A_83, %select_n3A_77 : vector<128x512xi1>, vector<128x512xi32>
    %get3A_97 = arith.constant 0 : index
    %get3A_98 = arith.constant 3072 : index
    %get3A_99 = vector.load %arg1[%get3A_97, %get3A_98] : memref<128x8192xf32, #tpu.memory_space<vmem>>, vector<128x512xf32>
    %add3A_100 = arith.constant 3072 : i32
    %add3A_101 = vector.broadcast %add3A_100 : i32 to vector<128x512xi32>
    %add3A_102 = arith.addi %iota3A, %add3A_101 : vector<128x512xi32>
    %gt3A_103 = arith.cmpf ogt, %get3A_99, %select_n3A_95 : vector<128x512xf32>
    %gt3A_104 = arith.cmpf ogt, %get3A_99, %select_n3A_92 : vector<128x512xf32>
    %gt3A_105 = arith.cmpf ogt, %get3A_99, %select_n3A_88 : vector<128x512xf32>
    %select_n3A_106 = arith.select %gt3A_105, %get3A_99, %select_n3A_88 : vector<128x512xi1>, vector<128x512xf32>
    %select_n3A_107 = arith.select %gt3A_104, %select_n3A_92, %select_n3A_106 : vector<128x512xi1>, vector<128x512xf32>
    %select_n3A_108 = arith.select %gt3A_105, %add3A_102, %select_n3A_90 : vector<128x512xi1>, vector<128x512xi32>
    %select_n3A_109 = arith.select %gt3A_104, %select_n3A_94, %select_n3A_108 : vector<128x512xi1>, vector<128x512xi32>
    %select_n3A_110 = arith.select %gt3A_104, %get3A_99, %select_n3A_92 : vector<128x512xi1>, vector<128x512xf32>
    %select_n3A_111 = arith.select %gt3A_103, %select_n3A_95, %select_n3A_110 : vector<128x512xi1>, vector<128x512xf32>
    %select_n3A_112 = arith.select %gt3A_104, %add3A_102, %select_n3A_94 : vector<128x512xi1>, vector<128x512xi32>
    %select_n3A_113 = arith.select %gt3A_103, %select_n3A_96, %select_n3A_112 : vector<128x512xi1>, vector<128x512xi32>
    %select_n3A_114 = arith.select %gt3A_103, %get3A_99, %select_n3A_95 : vector<128x512xi1>, vector<128x512xf32>
    %select_n3A_115 = arith.select %gt3A_103, %add3A_102, %select_n3A_96 : vector<128x512xi1>, vector<128x512xi32>
    %get3A_116 = arith.constant 0 : index
    %get3A_117 = arith.constant 3584 : index
    %get3A_118 = vector.load %arg1[%get3A_116, %get3A_117] : memref<128x8192xf32, #tpu.memory_space<vmem>>, vector<128x512xf32>
    %add3A_119 = arith.constant 3584 : i32
    %add3A_120 = vector.broadcast %add3A_119 : i32 to vector<128x512xi32>
    %add3A_121 = arith.addi %iota3A, %add3A_120 : vector<128x512xi32>
    %gt3A_122 = arith.cmpf ogt, %get3A_118, %select_n3A_114 : vector<128x512xf32>
    %gt3A_123 = arith.cmpf ogt, %get3A_118, %select_n3A_111 : vector<128x512xf32>
    %gt3A_124 = arith.cmpf ogt, %get3A_118, %select_n3A_107 : vector<128x512xf32>
    %select_n3A_125 = arith.select %gt3A_124, %get3A_118, %select_n3A_107 : vector<128x512xi1>, vector<128x512xf32>
    %select_n3A_126 = arith.select %gt3A_123, %select_n3A_111, %select_n3A_125 : vector<128x512xi1>, vector<128x512xf32>
    %select_n3A_127 = arith.select %gt3A_124, %add3A_121, %select_n3A_109 : vector<128x512xi1>, vector<128x512xi32>
    %select_n3A_128 = arith.select %gt3A_123, %select_n3A_113, %select_n3A_127 : vector<128x512xi1>, vector<128x512xi32>
    %select_n3A_129 = arith.select %gt3A_123, %get3A_118, %select_n3A_111 : vector<128x512xi1>, vector<128x512xf32>
    %select_n3A_130 = arith.select %gt3A_122, %select_n3A_114, %select_n3A_129 : vector<128x512xi1>, vector<128x512xf32>
    %select_n3A_131 = arith.select %gt3A_123, %add3A_121, %select_n3A_113 : vector<128x512xi1>, vector<128x512xi32>
    %select_n3A_132 = arith.select %gt3A_122, %select_n3A_115, %select_n3A_131 : vector<128x512xi1>, vector<128x512xi32>
    %select_n3A_133 = arith.select %gt3A_122, %get3A_118, %select_n3A_114 : vector<128x512xi1>, vector<128x512xf32>
    %select_n3A_134 = arith.select %gt3A_122, %add3A_121, %select_n3A_115 : vector<128x512xi1>, vector<128x512xi32>
    %get3A_135 = arith.constant 0 : index
    %get3A_136 = arith.constant 4096 : index
    %get3A_137 = vector.load %arg1[%get3A_135, %get3A_136] : memref<128x8192xf32, #tpu.memory_space<vmem>>, vector<128x512xf32>
    %add3A_138 = arith.constant 4096 : i32
    %add3A_139 = vector.broadcast %add3A_138 : i32 to vector<128x512xi32>
    %add3A_140 = arith.addi %iota3A, %add3A_139 : vector<128x512xi32>
    %gt3A_141 = arith.cmpf ogt, %get3A_137, %select_n3A_133 : vector<128x512xf32>
    %gt3A_142 = arith.cmpf ogt, %get3A_137, %select_n3A_130 : vector<128x512xf32>
    %gt3A_143 = arith.cmpf ogt, %get3A_137, %select_n3A_126 : vector<128x512xf32>
    %select_n3A_144 = arith.select %gt3A_143, %get3A_137, %select_n3A_126 : vector<128x512xi1>, vector<128x512xf32>
    %select_n3A_145 = arith.select %gt3A_142, %select_n3A_130, %select_n3A_144 : vector<128x512xi1>, vector<128x512xf32>
    %select_n3A_146 = arith.select %gt3A_143, %add3A_140, %select_n3A_128 : vector<128x512xi1>, vector<128x512xi32>
    %select_n3A_147 = arith.select %gt3A_142, %select_n3A_132, %select_n3A_146 : vector<128x512xi1>, vector<128x512xi32>
    %select_n3A_148 = arith.select %gt3A_142, %get3A_137, %select_n3A_130 : vector<128x512xi1>, vector<128x512xf32>
    %select_n3A_149 = arith.select %gt3A_141, %select_n3A_133, %select_n3A_148 : vector<128x512xi1>, vector<128x512xf32>
    %select_n3A_150 = arith.select %gt3A_142, %add3A_140, %select_n3A_132 : vector<128x512xi1>, vector<128x512xi32>
    %select_n3A_151 = arith.select %gt3A_141, %select_n3A_134, %select_n3A_150 : vector<128x512xi1>, vector<128x512xi32>
    %select_n3A_152 = arith.select %gt3A_141, %get3A_137, %select_n3A_133 : vector<128x512xi1>, vector<128x512xf32>
    %select_n3A_153 = arith.select %gt3A_141, %add3A_140, %select_n3A_134 : vector<128x512xi1>, vector<128x512xi32>
    %get3A_154 = arith.constant 0 : index
    %get3A_155 = arith.constant 4608 : index
    %get3A_156 = vector.load %arg1[%get3A_154, %get3A_155] : memref<128x8192xf32, #tpu.memory_space<vmem>>, vector<128x512xf32>
    %add3A_157 = arith.constant 4608 : i32
    %add3A_158 = vector.broadcast %add3A_157 : i32 to vector<128x512xi32>
    %add3A_159 = arith.addi %iota3A, %add3A_158 : vector<128x512xi32>
    %gt3A_160 = arith.cmpf ogt, %get3A_156, %select_n3A_152 : vector<128x512xf32>
    %gt3A_161 = arith.cmpf ogt, %get3A_156, %select_n3A_149 : vector<128x512xf32>
    %gt3A_162 = arith.cmpf ogt, %get3A_156, %select_n3A_145 : vector<128x512xf32>
    %select_n3A_163 = arith.select %gt3A_162, %get3A_156, %select_n3A_145 : vector<128x512xi1>, vector<128x512xf32>
    %select_n3A_164 = arith.select %gt3A_161, %select_n3A_149, %select_n3A_163 : vector<128x512xi1>, vector<128x512xf32>
    %select_n3A_165 = arith.select %gt3A_162, %add3A_159, %select_n3A_147 : vector<128x512xi1>, vector<128x512xi32>
    %select_n3A_166 = arith.select %gt3A_161, %select_n3A_151, %select_n3A_165 : vector<128x512xi1>, vector<128x512xi32>
    %select_n3A_167 = arith.select %gt3A_161, %get3A_156, %select_n3A_149 : vector<128x512xi1>, vector<128x512xf32>
    %select_n3A_168 = arith.select %gt3A_160, %select_n3A_152, %select_n3A_167 : vector<128x512xi1>, vector<128x512xf32>
    %select_n3A_169 = arith.select %gt3A_161, %add3A_159, %select_n3A_151 : vector<128x512xi1>, vector<128x512xi32>
    %select_n3A_170 = arith.select %gt3A_160, %select_n3A_153, %select_n3A_169 : vector<128x512xi1>, vector<128x512xi32>
    %select_n3A_171 = arith.select %gt3A_160, %get3A_156, %select_n3A_152 : vector<128x512xi1>, vector<128x512xf32>
    %select_n3A_172 = arith.select %gt3A_160, %add3A_159, %select_n3A_153 : vector<128x512xi1>, vector<128x512xi32>
    %get3A_173 = arith.constant 0 : index
    %get3A_174 = arith.constant 5120 : index
    %get3A_175 = vector.load %arg1[%get3A_173, %get3A_174] : memref<128x8192xf32, #tpu.memory_space<vmem>>, vector<128x512xf32>
    %add3A_176 = arith.constant 5120 : i32
    %add3A_177 = vector.broadcast %add3A_176 : i32 to vector<128x512xi32>
    %add3A_178 = arith.addi %iota3A, %add3A_177 : vector<128x512xi32>
    %gt3A_179 = arith.cmpf ogt, %get3A_175, %select_n3A_171 : vector<128x512xf32>
    %gt3A_180 = arith.cmpf ogt, %get3A_175, %select_n3A_168 : vector<128x512xf32>
    %gt3A_181 = arith.cmpf ogt, %get3A_175, %select_n3A_164 : vector<128x512xf32>
    %select_n3A_182 = arith.select %gt3A_181, %get3A_175, %select_n3A_164 : vector<128x512xi1>, vector<128x512xf32>
    %select_n3A_183 = arith.select %gt3A_180, %select_n3A_168, %select_n3A_182 : vector<128x512xi1>, vector<128x512xf32>
    %select_n3A_184 = arith.select %gt3A_181, %add3A_178, %select_n3A_166 : vector<128x512xi1>, vector<128x512xi32>
    %select_n3A_185 = arith.select %gt3A_180, %select_n3A_170, %select_n3A_184 : vector<128x512xi1>, vector<128x512xi32>
    %select_n3A_186 = arith.select %gt3A_180, %get3A_175, %select_n3A_168 : vector<128x512xi1>, vector<128x512xf32>
    %select_n3A_187 = arith.select %gt3A_179, %select_n3A_171, %select_n3A_186 : vector<128x512xi1>, vector<128x512xf32>
    %select_n3A_188 = arith.select %gt3A_180, %add3A_178, %select_n3A_170 : vector<128x512xi1>, vector<128x512xi32>
    %select_n3A_189 = arith.select %gt3A_179, %select_n3A_172, %select_n3A_188 : vector<128x512xi1>, vector<128x512xi32>
    %select_n3A_190 = arith.select %gt3A_179, %get3A_175, %select_n3A_171 : vector<128x512xi1>, vector<128x512xf32>
    %select_n3A_191 = arith.select %gt3A_179, %add3A_178, %select_n3A_172 : vector<128x512xi1>, vector<128x512xi32>
    %get3A_192 = arith.constant 0 : index
    %get3A_193 = arith.constant 5632 : index
    %get3A_194 = vector.load %arg1[%get3A_192, %get3A_193] : memref<128x8192xf32, #tpu.memory_space<vmem>>, vector<128x512xf32>
    %add3A_195 = arith.constant 5632 : i32
    %add3A_196 = vector.broadcast %add3A_195 : i32 to vector<128x512xi32>
    %add3A_197 = arith.addi %iota3A, %add3A_196 : vector<128x512xi32>
    %gt3A_198 = arith.cmpf ogt, %get3A_194, %select_n3A_190 : vector<128x512xf32>
    %gt3A_199 = arith.cmpf ogt, %get3A_194, %select_n3A_187 : vector<128x512xf32>
    %gt3A_200 = arith.cmpf ogt, %get3A_194, %select_n3A_183 : vector<128x512xf32>
    %select_n3A_201 = arith.select %gt3A_200, %get3A_194, %select_n3A_183 : vector<128x512xi1>, vector<128x512xf32>
    %select_n3A_202 = arith.select %gt3A_199, %select_n3A_187, %select_n3A_201 : vector<128x512xi1>, vector<128x512xf32>
    %select_n3A_203 = arith.select %gt3A_200, %add3A_197, %select_n3A_185 : vector<128x512xi1>, vector<128x512xi32>
    %select_n3A_204 = arith.select %gt3A_199, %select_n3A_189, %select_n3A_203 : vector<128x512xi1>, vector<128x512xi32>
    %select_n3A_205 = arith.select %gt3A_199, %get3A_194, %select_n3A_187 : vector<128x512xi1>, vector<128x512xf32>
    %select_n3A_206 = arith.select %gt3A_198, %select_n3A_190, %select_n3A_205 : vector<128x512xi1>, vector<128x512xf32>
    %select_n3A_207 = arith.select %gt3A_199, %add3A_197, %select_n3A_189 : vector<128x512xi1>, vector<128x512xi32>
    %select_n3A_208 = arith.select %gt3A_198, %select_n3A_191, %select_n3A_207 : vector<128x512xi1>, vector<128x512xi32>
    %select_n3A_209 = arith.select %gt3A_198, %get3A_194, %select_n3A_190 : vector<128x512xi1>, vector<128x512xf32>
    %select_n3A_210 = arith.select %gt3A_198, %add3A_197, %select_n3A_191 : vector<128x512xi1>, vector<128x512xi32>
    %get3A_211 = arith.constant 0 : index
    %get3A_212 = arith.constant 6144 : index
    %get3A_213 = vector.load %arg1[%get3A_211, %get3A_212] : memref<128x8192xf32, #tpu.memory_space<vmem>>, vector<128x512xf32>
    %add3A_214 = arith.constant 6144 : i32
    %add3A_215 = vector.broadcast %add3A_214 : i32 to vector<128x512xi32>
    %add3A_216 = arith.addi %iota3A, %add3A_215 : vector<128x512xi32>
    %gt3A_217 = arith.cmpf ogt, %get3A_213, %select_n3A_209 : vector<128x512xf32>
    %gt3A_218 = arith.cmpf ogt, %get3A_213, %select_n3A_206 : vector<128x512xf32>
    %gt3A_219 = arith.cmpf ogt, %get3A_213, %select_n3A_202 : vector<128x512xf32>
    %select_n3A_220 = arith.select %gt3A_219, %get3A_213, %select_n3A_202 : vector<128x512xi1>, vector<128x512xf32>
    %select_n3A_221 = arith.select %gt3A_218, %select_n3A_206, %select_n3A_220 : vector<128x512xi1>, vector<128x512xf32>
    %select_n3A_222 = arith.select %gt3A_219, %add3A_216, %select_n3A_204 : vector<128x512xi1>, vector<128x512xi32>
    %select_n3A_223 = arith.select %gt3A_218, %select_n3A_208, %select_n3A_222 : vector<128x512xi1>, vector<128x512xi32>
    %select_n3A_224 = arith.select %gt3A_218, %get3A_213, %select_n3A_206 : vector<128x512xi1>, vector<128x512xf32>
    %select_n3A_225 = arith.select %gt3A_217, %select_n3A_209, %select_n3A_224 : vector<128x512xi1>, vector<128x512xf32>
    %select_n3A_226 = arith.select %gt3A_218, %add3A_216, %select_n3A_208 : vector<128x512xi1>, vector<128x512xi32>
    %select_n3A_227 = arith.select %gt3A_217, %select_n3A_210, %select_n3A_226 : vector<128x512xi1>, vector<128x512xi32>
    %select_n3A_228 = arith.select %gt3A_217, %get3A_213, %select_n3A_209 : vector<128x512xi1>, vector<128x512xf32>
    %select_n3A_229 = arith.select %gt3A_217, %add3A_216, %select_n3A_210 : vector<128x512xi1>, vector<128x512xi32>
    %get3A_230 = arith.constant 0 : index
    %get3A_231 = arith.constant 6656 : index
    %get3A_232 = vector.load %arg1[%get3A_230, %get3A_231] : memref<128x8192xf32, #tpu.memory_space<vmem>>, vector<128x512xf32>
    %add3A_233 = arith.constant 6656 : i32
    %add3A_234 = vector.broadcast %add3A_233 : i32 to vector<128x512xi32>
    %add3A_235 = arith.addi %iota3A, %add3A_234 : vector<128x512xi32>
    %gt3A_236 = arith.cmpf ogt, %get3A_232, %select_n3A_228 : vector<128x512xf32>
    %gt3A_237 = arith.cmpf ogt, %get3A_232, %select_n3A_225 : vector<128x512xf32>
    %gt3A_238 = arith.cmpf ogt, %get3A_232, %select_n3A_221 : vector<128x512xf32>
    %select_n3A_239 = arith.select %gt3A_238, %get3A_232, %select_n3A_221 : vector<128x512xi1>, vector<128x512xf32>
    %select_n3A_240 = arith.select %gt3A_237, %select_n3A_225, %select_n3A_239 : vector<128x512xi1>, vector<128x512xf32>
    %select_n3A_241 = arith.select %gt3A_238, %add3A_235, %select_n3A_223 : vector<128x512xi1>, vector<128x512xi32>
    %select_n3A_242 = arith.select %gt3A_237, %select_n3A_227, %select_n3A_241 : vector<128x512xi1>, vector<128x512xi32>
    %select_n3A_243 = arith.select %gt3A_237, %get3A_232, %select_n3A_225 : vector<128x512xi1>, vector<128x512xf32>
    %select_n3A_244 = arith.select %gt3A_236, %select_n3A_228, %select_n3A_243 : vector<128x512xi1>, vector<128x512xf32>
    %select_n3A_245 = arith.select %gt3A_237, %add3A_235, %select_n3A_227 : vector<128x512xi1>, vector<128x512xi32>
    %select_n3A_246 = arith.select %gt3A_236, %select_n3A_229, %select_n3A_245 : vector<128x512xi1>, vector<128x512xi32>
    %select_n3A_247 = arith.select %gt3A_236, %get3A_232, %select_n3A_228 : vector<128x512xi1>, vector<128x512xf32>
    %select_n3A_248 = arith.select %gt3A_236, %add3A_235, %select_n3A_229 : vector<128x512xi1>, vector<128x512xi32>
    %get3A_249 = arith.constant 0 : index
    %get3A_250 = arith.constant 7168 : index
    %get3A_251 = vector.load %arg1[%get3A_249, %get3A_250] : memref<128x8192xf32, #tpu.memory_space<vmem>>, vector<128x512xf32>
    %add3A_252 = arith.constant 7168 : i32
    %add3A_253 = vector.broadcast %add3A_252 : i32 to vector<128x512xi32>
    %add3A_254 = arith.addi %iota3A, %add3A_253 : vector<128x512xi32>
    %gt3A_255 = arith.cmpf ogt, %get3A_251, %select_n3A_247 : vector<128x512xf32>
    %gt3A_256 = arith.cmpf ogt, %get3A_251, %select_n3A_244 : vector<128x512xf32>
    %gt3A_257 = arith.cmpf ogt, %get3A_251, %select_n3A_240 : vector<128x512xf32>
    %select_n3A_258 = arith.select %gt3A_257, %get3A_251, %select_n3A_240 : vector<128x512xi1>, vector<128x512xf32>
    %select_n3A_259 = arith.select %gt3A_256, %select_n3A_244, %select_n3A_258 : vector<128x512xi1>, vector<128x512xf32>
    %select_n3A_260 = arith.select %gt3A_257, %add3A_254, %select_n3A_242 : vector<128x512xi1>, vector<128x512xi32>
    %select_n3A_261 = arith.select %gt3A_256, %select_n3A_246, %select_n3A_260 : vector<128x512xi1>, vector<128x512xi32>
    %select_n3A_262 = arith.select %gt3A_256, %get3A_251, %select_n3A_244 : vector<128x512xi1>, vector<128x512xf32>
    %select_n3A_263 = arith.select %gt3A_255, %select_n3A_247, %select_n3A_262 : vector<128x512xi1>, vector<128x512xf32>
    %select_n3A_264 = arith.select %gt3A_256, %add3A_254, %select_n3A_246 : vector<128x512xi1>, vector<128x512xi32>
    %select_n3A_265 = arith.select %gt3A_255, %select_n3A_248, %select_n3A_264 : vector<128x512xi1>, vector<128x512xi32>
    %select_n3A_266 = arith.select %gt3A_255, %get3A_251, %select_n3A_247 : vector<128x512xi1>, vector<128x512xf32>
    %select_n3A_267 = arith.select %gt3A_255, %add3A_254, %select_n3A_248 : vector<128x512xi1>, vector<128x512xi32>
    %get3A_268 = arith.constant 0 : index
    %get3A_269 = arith.constant 7680 : index
    %get3A_270 = vector.load %arg1[%get3A_268, %get3A_269] : memref<128x8192xf32, #tpu.memory_space<vmem>>, vector<128x512xf32>
    %add3A_271 = arith.constant 7680 : i32
    %add3A_272 = vector.broadcast %add3A_271 : i32 to vector<128x512xi32>
    %add3A_273 = arith.addi %iota3A, %add3A_272 : vector<128x512xi32>
    %gt3A_274 = arith.cmpf ogt, %get3A_270, %select_n3A_266 : vector<128x512xf32>
    %gt3A_275 = arith.cmpf ogt, %get3A_270, %select_n3A_263 : vector<128x512xf32>
    %gt3A_276 = arith.cmpf ogt, %get3A_270, %select_n3A_259 : vector<128x512xf32>
    %select_n3A_277 = arith.select %gt3A_276, %get3A_270, %select_n3A_259 : vector<128x512xi1>, vector<128x512xf32>
    %select_n3A_278 = arith.select %gt3A_275, %select_n3A_263, %select_n3A_277 : vector<128x512xi1>, vector<128x512xf32>
    %select_n3A_279 = arith.select %gt3A_276, %add3A_273, %select_n3A_261 : vector<128x512xi1>, vector<128x512xi32>
    %select_n3A_280 = arith.select %gt3A_275, %select_n3A_265, %select_n3A_279 : vector<128x512xi1>, vector<128x512xi32>
    %select_n3A_281 = arith.select %gt3A_275, %get3A_270, %select_n3A_263 : vector<128x512xi1>, vector<128x512xf32>
    %select_n3A_282 = arith.select %gt3A_274, %select_n3A_266, %select_n3A_281 : vector<128x512xi1>, vector<128x512xf32>
    %select_n3A_283 = arith.select %gt3A_275, %add3A_273, %select_n3A_265 : vector<128x512xi1>, vector<128x512xi32>
    %select_n3A_284 = arith.select %gt3A_274, %select_n3A_267, %select_n3A_283 : vector<128x512xi1>, vector<128x512xi32>
    %select_n3A_285 = arith.select %gt3A_274, %get3A_270, %select_n3A_266 : vector<128x512xi1>, vector<128x512xf32>
    %select_n3A_286 = arith.select %gt3A_274, %add3A_273, %select_n3A_267 : vector<128x512xi1>, vector<128x512xi32>
    %reduce_max3A = arith.constant dense<0xFF800000> : vector<128xf32>
    %reduce_max3A_287 = vector.multi_reduction <maximumf>, %select_n3A_285, %reduce_max3A [1] : vector<128x512xf32> to vector<128xf32>
    %broadcast_in_dim3A_288 = vector.shape_cast %reduce_max3A_287 : vector<128xf32> to vector<128x1xf32>
    %reduce_max3A_289 = arith.constant dense<0xFF800000> : vector<128xf32>
    %reduce_max3A_290 = vector.multi_reduction <maximumf>, %select_n3A_282, %reduce_max3A_289 [1] : vector<128x512xf32> to vector<128xf32>
    %broadcast_in_dim3A_291 = vector.shape_cast %reduce_max3A_290 : vector<128xf32> to vector<128x1xf32>
    %max3A = arith.maximumf %broadcast_in_dim3A_288, %broadcast_in_dim3A_291 : vector<128x1xf32>
    %reduce_max3A_292 = arith.constant dense<0xFF800000> : vector<128xf32>
    %reduce_max3A_293 = vector.multi_reduction <maximumf>, %select_n3A_278, %reduce_max3A_292 [1] : vector<128x512xf32> to vector<128xf32>
    %broadcast_in_dim3A_294 = vector.shape_cast %reduce_max3A_293 : vector<128xf32> to vector<128x1xf32>
    %max3A_295 = arith.maximumf %max3A, %broadcast_in_dim3A_294 : vector<128x1xf32>
    %broadcast_in_dim3A_296 = arith.constant 2147483647 : i32
    %broadcast_in_dim3A_297 = vector.broadcast %broadcast_in_dim3A_296 : i32 to vector<128x1xi32>
    %eq3A = vector.broadcast %max3A_295 : vector<128x1xf32> to vector<128x512xf32>
    %eq3A_298 = arith.cmpf oeq, %select_n3A_285, %eq3A : vector<128x512xf32>
    %jit3A = arith.constant 2147483647 : i32
    %broadcast_in_dim3A_299 = vector.broadcast %jit3A : i32 to vector<128x512xi32>
    %select_n3A_300 = arith.select %eq3A_298, %select_n3A_286, %broadcast_in_dim3A_299 : vector<128x512xi1>, vector<128x512xi32>
    %reduce_min3A = arith.constant dense<2147483647> : vector<128xi32>
    %reduce_min3A_301 = vector.multi_reduction <minsi>, %select_n3A_300, %reduce_min3A [1] : vector<128x512xi32> to vector<128xi32>
    %broadcast_in_dim3A_302 = vector.shape_cast %reduce_min3A_301 : vector<128xi32> to vector<128x1xi32>
    %min3A = arith.minsi %broadcast_in_dim3A_297, %broadcast_in_dim3A_302 : vector<128x1xi32>
    %eq3A_303 = vector.broadcast %max3A_295 : vector<128x1xf32> to vector<128x512xf32>
    %eq3A_304 = arith.cmpf oeq, %select_n3A_282, %eq3A_303 : vector<128x512xf32>
    %jit3A_305 = arith.constant 2147483647 : i32
    %broadcast_in_dim3A_306 = vector.broadcast %jit3A_305 : i32 to vector<128x512xi32>
    %select_n3A_307 = arith.select %eq3A_304, %select_n3A_284, %broadcast_in_dim3A_306 : vector<128x512xi1>, vector<128x512xi32>
    %reduce_min3A_308 = arith.constant dense<2147483647> : vector<128xi32>
    %reduce_min3A_309 = vector.multi_reduction <minsi>, %select_n3A_307, %reduce_min3A_308 [1] : vector<128x512xi32> to vector<128xi32>
    %broadcast_in_dim3A_310 = vector.shape_cast %reduce_min3A_309 : vector<128xi32> to vector<128x1xi32>
    %min3A_311 = arith.minsi %min3A, %broadcast_in_dim3A_310 : vector<128x1xi32>
    %eq3A_312 = vector.broadcast %max3A_295 : vector<128x1xf32> to vector<128x512xf32>
    %eq3A_313 = arith.cmpf oeq, %select_n3A_278, %eq3A_312 : vector<128x512xf32>
    %jit3A_314 = arith.constant 2147483647 : i32
    %broadcast_in_dim3A_315 = vector.broadcast %jit3A_314 : i32 to vector<128x512xi32>
    %select_n3A_316 = arith.select %eq3A_313, %select_n3A_280, %broadcast_in_dim3A_315 : vector<128x512xi1>, vector<128x512xi32>
    %reduce_min3A_317 = arith.constant dense<2147483647> : vector<128xi32>
    %reduce_min3A_318 = vector.multi_reduction <minsi>, %select_n3A_316, %reduce_min3A_317 [1] : vector<128x512xi32> to vector<128xi32>
    %broadcast_in_dim3A_319 = vector.shape_cast %reduce_min3A_318 : vector<128xi32> to vector<128x1xi32>
    %min3A_320 = arith.minsi %min3A_311, %broadcast_in_dim3A_319 : vector<128x1xi32>
    %eq3A_321 = vector.broadcast %min3A_320 : vector<128x1xi32> to vector<128x512xi32>
    %eq3A_322 = arith.cmpi eq, %select_n3A_286, %eq3A_321 : vector<128x512xi32>
    %jit3A_323 = arith.constant 0xFF800000 : f32
    %broadcast_in_dim3A_324 = vector.broadcast %jit3A_323 : f32 to vector<128x512xf32>
    %select_n3A_325 = arith.select %eq3A_322, %broadcast_in_dim3A_324, %select_n3A_285 : vector<128x512xi1>, vector<128x512xf32>
    %eq3A_326 = vector.broadcast %min3A_320 : vector<128x1xi32> to vector<128x512xi32>
    %eq3A_327 = arith.cmpi eq, %select_n3A_284, %eq3A_326 : vector<128x512xi32>
    %jit3A_328 = arith.constant 0xFF800000 : f32
    %broadcast_in_dim3A_329 = vector.broadcast %jit3A_328 : f32 to vector<128x512xf32>
    %select_n3A_330 = arith.select %eq3A_327, %broadcast_in_dim3A_329, %select_n3A_282 : vector<128x512xi1>, vector<128x512xf32>
    %eq3A_331 = vector.broadcast %min3A_320 : vector<128x1xi32> to vector<128x512xi32>
    %eq3A_332 = arith.cmpi eq, %select_n3A_280, %eq3A_331 : vector<128x512xi32>
    %jit3A_333 = arith.constant 0xFF800000 : f32
    %broadcast_in_dim3A_334 = vector.broadcast %jit3A_333 : f32 to vector<128x512xf32>
    %select_n3A_335 = arith.select %eq3A_332, %broadcast_in_dim3A_334, %select_n3A_278 : vector<128x512xi1>, vector<128x512xf32>
    %reduce_max3A_336 = arith.constant dense<0xFF800000> : vector<128xf32>
    %reduce_max3A_337 = vector.multi_reduction <maximumf>, %select_n3A_325, %reduce_max3A_336 [1] : vector<128x512xf32> to vector<128xf32>
    %broadcast_in_dim3A_338 = vector.shape_cast %reduce_max3A_337 : vector<128xf32> to vector<128x1xf32>
    %reduce_max3A_339 = arith.constant dense<0xFF800000> : vector<128xf32>
    %reduce_max3A_340 = vector.multi_reduction <maximumf>, %select_n3A_330, %reduce_max3A_339 [1] : vector<128x512xf32> to vector<128xf32>
    %broadcast_in_dim3A_341 = vector.shape_cast %reduce_max3A_340 : vector<128xf32> to vector<128x1xf32>
    %max3A_342 = arith.maximumf %broadcast_in_dim3A_338, %broadcast_in_dim3A_341 : vector<128x1xf32>
    %reduce_max3A_343 = arith.constant dense<0xFF800000> : vector<128xf32>
    %reduce_max3A_344 = vector.multi_reduction <maximumf>, %select_n3A_335, %reduce_max3A_343 [1] : vector<128x512xf32> to vector<128xf32>
    %broadcast_in_dim3A_345 = vector.shape_cast %reduce_max3A_344 : vector<128xf32> to vector<128x1xf32>
    %max3A_346 = arith.maximumf %max3A_342, %broadcast_in_dim3A_345 : vector<128x1xf32>
    %broadcast_in_dim3A_347 = arith.constant 2147483647 : i32
    %broadcast_in_dim3A_348 = vector.broadcast %broadcast_in_dim3A_347 : i32 to vector<128x1xi32>
    %eq3A_349 = vector.broadcast %max3A_346 : vector<128x1xf32> to vector<128x512xf32>
    %eq3A_350 = arith.cmpf oeq, %select_n3A_325, %eq3A_349 : vector<128x512xf32>
    %jit3A_351 = arith.constant 2147483647 : i32
    %broadcast_in_dim3A_352 = vector.broadcast %jit3A_351 : i32 to vector<128x512xi32>
    %select_n3A_353 = arith.select %eq3A_350, %select_n3A_286, %broadcast_in_dim3A_352 : vector<128x512xi1>, vector<128x512xi32>
    %reduce_min3A_354 = arith.constant dense<2147483647> : vector<128xi32>
    %reduce_min3A_355 = vector.multi_reduction <minsi>, %select_n3A_353, %reduce_min3A_354 [1] : vector<128x512xi32> to vector<128xi32>
    %broadcast_in_dim3A_356 = vector.shape_cast %reduce_min3A_355 : vector<128xi32> to vector<128x1xi32>
    %min3A_357 = arith.minsi %broadcast_in_dim3A_348, %broadcast_in_dim3A_356 : vector<128x1xi32>
    %eq3A_358 = vector.broadcast %max3A_346 : vector<128x1xf32> to vector<128x512xf32>
    %eq3A_359 = arith.cmpf oeq, %select_n3A_330, %eq3A_358 : vector<128x512xf32>
    %jit3A_360 = arith.constant 2147483647 : i32
    %broadcast_in_dim3A_361 = vector.broadcast %jit3A_360 : i32 to vector<128x512xi32>
    %select_n3A_362 = arith.select %eq3A_359, %select_n3A_284, %broadcast_in_dim3A_361 : vector<128x512xi1>, vector<128x512xi32>
    %reduce_min3A_363 = arith.constant dense<2147483647> : vector<128xi32>
    %reduce_min3A_364 = vector.multi_reduction <minsi>, %select_n3A_362, %reduce_min3A_363 [1] : vector<128x512xi32> to vector<128xi32>
    %broadcast_in_dim3A_365 = vector.shape_cast %reduce_min3A_364 : vector<128xi32> to vector<128x1xi32>
    %min3A_366 = arith.minsi %min3A_357, %broadcast_in_dim3A_365 : vector<128x1xi32>
    %eq3A_367 = vector.broadcast %max3A_346 : vector<128x1xf32> to vector<128x512xf32>
    %eq3A_368 = arith.cmpf oeq, %select_n3A_335, %eq3A_367 : vector<128x512xf32>
    %jit3A_369 = arith.constant 2147483647 : i32
    %broadcast_in_dim3A_370 = vector.broadcast %jit3A_369 : i32 to vector<128x512xi32>
    %select_n3A_371 = arith.select %eq3A_368, %select_n3A_280, %broadcast_in_dim3A_370 : vector<128x512xi1>, vector<128x512xi32>
    %reduce_min3A_372 = arith.constant dense<2147483647> : vector<128xi32>
    %reduce_min3A_373 = vector.multi_reduction <minsi>, %select_n3A_371, %reduce_min3A_372 [1] : vector<128x512xi32> to vector<128xi32>
    %broadcast_in_dim3A_374 = vector.shape_cast %reduce_min3A_373 : vector<128xi32> to vector<128x1xi32>
    %min3A_375 = arith.minsi %min3A_366, %broadcast_in_dim3A_374 : vector<128x1xi32>
    %eq3A_376 = vector.broadcast %min3A_375 : vector<128x1xi32> to vector<128x512xi32>
    %eq3A_377 = arith.cmpi eq, %select_n3A_286, %eq3A_376 : vector<128x512xi32>
    %jit3A_378 = arith.constant 0xFF800000 : f32
    %broadcast_in_dim3A_379 = vector.broadcast %jit3A_378 : f32 to vector<128x512xf32>
    %select_n3A_380 = arith.select %eq3A_377, %broadcast_in_dim3A_379, %select_n3A_325 : vector<128x512xi1>, vector<128x512xf32>
    %eq3A_381 = vector.broadcast %min3A_375 : vector<128x1xi32> to vector<128x512xi32>
    %eq3A_382 = arith.cmpi eq, %select_n3A_284, %eq3A_381 : vector<128x512xi32>
    %jit3A_383 = arith.constant 0xFF800000 : f32
    %broadcast_in_dim3A_384 = vector.broadcast %jit3A_383 : f32 to vector<128x512xf32>
    %select_n3A_385 = arith.select %eq3A_382, %broadcast_in_dim3A_384, %select_n3A_330 : vector<128x512xi1>, vector<128x512xf32>
    %eq3A_386 = vector.broadcast %min3A_375 : vector<128x1xi32> to vector<128x512xi32>
    %eq3A_387 = arith.cmpi eq, %select_n3A_280, %eq3A_386 : vector<128x512xi32>
    %jit3A_388 = arith.constant 0xFF800000 : f32
    %broadcast_in_dim3A_389 = vector.broadcast %jit3A_388 : f32 to vector<128x512xf32>
    %select_n3A_390 = arith.select %eq3A_387, %broadcast_in_dim3A_389, %select_n3A_335 : vector<128x512xi1>, vector<128x512xf32>
    %reduce_max3A_391 = arith.constant dense<0xFF800000> : vector<128xf32>
    %reduce_max3A_392 = vector.multi_reduction <maximumf>, %select_n3A_380, %reduce_max3A_391 [1] : vector<128x512xf32> to vector<128xf32>
    %broadcast_in_dim3A_393 = vector.shape_cast %reduce_max3A_392 : vector<128xf32> to vector<128x1xf32>
    %reduce_max3A_394 = arith.constant dense<0xFF800000> : vector<128xf32>
    %reduce_max3A_395 = vector.multi_reduction <maximumf>, %select_n3A_385, %reduce_max3A_394 [1] : vector<128x512xf32> to vector<128xf32>
    %broadcast_in_dim3A_396 = vector.shape_cast %reduce_max3A_395 : vector<128xf32> to vector<128x1xf32>
    %max3A_397 = arith.maximumf %broadcast_in_dim3A_393, %broadcast_in_dim3A_396 : vector<128x1xf32>
    %reduce_max3A_398 = arith.constant dense<0xFF800000> : vector<128xf32>
    %reduce_max3A_399 = vector.multi_reduction <maximumf>, %select_n3A_390, %reduce_max3A_398 [1] : vector<128x512xf32> to vector<128xf32>
    %broadcast_in_dim3A_400 = vector.shape_cast %reduce_max3A_399 : vector<128xf32> to vector<128x1xf32>
    %max3A_401 = arith.maximumf %max3A_397, %broadcast_in_dim3A_400 : vector<128x1xf32>
    %broadcast_in_dim3A_402 = arith.constant 2147483647 : i32
    %broadcast_in_dim3A_403 = vector.broadcast %broadcast_in_dim3A_402 : i32 to vector<128x1xi32>
    %eq3A_404 = vector.broadcast %max3A_401 : vector<128x1xf32> to vector<128x512xf32>
    %eq3A_405 = arith.cmpf oeq, %select_n3A_380, %eq3A_404 : vector<128x512xf32>
    %jit3A_406 = arith.constant 2147483647 : i32
    %broadcast_in_dim3A_407 = vector.broadcast %jit3A_406 : i32 to vector<128x512xi32>
    %select_n3A_408 = arith.select %eq3A_405, %select_n3A_286, %broadcast_in_dim3A_407 : vector<128x512xi1>, vector<128x512xi32>
    %reduce_min3A_409 = arith.constant dense<2147483647> : vector<128xi32>
    %reduce_min3A_410 = vector.multi_reduction <minsi>, %select_n3A_408, %reduce_min3A_409 [1] : vector<128x512xi32> to vector<128xi32>
    %broadcast_in_dim3A_411 = vector.shape_cast %reduce_min3A_410 : vector<128xi32> to vector<128x1xi32>
    %min3A_412 = arith.minsi %broadcast_in_dim3A_403, %broadcast_in_dim3A_411 : vector<128x1xi32>
    %eq3A_413 = vector.broadcast %max3A_401 : vector<128x1xf32> to vector<128x512xf32>
    %eq3A_414 = arith.cmpf oeq, %select_n3A_385, %eq3A_413 : vector<128x512xf32>
    %jit3A_415 = arith.constant 2147483647 : i32
    %broadcast_in_dim3A_416 = vector.broadcast %jit3A_415 : i32 to vector<128x512xi32>
    %select_n3A_417 = arith.select %eq3A_414, %select_n3A_284, %broadcast_in_dim3A_416 : vector<128x512xi1>, vector<128x512xi32>
    %reduce_min3A_418 = arith.constant dense<2147483647> : vector<128xi32>
    %reduce_min3A_419 = vector.multi_reduction <minsi>, %select_n3A_417, %reduce_min3A_418 [1] : vector<128x512xi32> to vector<128xi32>
    %broadcast_in_dim3A_420 = vector.shape_cast %reduce_min3A_419 : vector<128xi32> to vector<128x1xi32>
    %min3A_421 = arith.minsi %min3A_412, %broadcast_in_dim3A_420 : vector<128x1xi32>
    %eq3A_422 = vector.broadcast %max3A_401 : vector<128x1xf32> to vector<128x512xf32>
    %eq3A_423 = arith.cmpf oeq, %select_n3A_390, %eq3A_422 : vector<128x512xf32>
    %jit3A_424 = arith.constant 2147483647 : i32
    %broadcast_in_dim3A_425 = vector.broadcast %jit3A_424 : i32 to vector<128x512xi32>
    %select_n3A_426 = arith.select %eq3A_423, %select_n3A_280, %broadcast_in_dim3A_425 : vector<128x512xi1>, vector<128x512xi32>
    %reduce_min3A_427 = arith.constant dense<2147483647> : vector<128xi32>
    %reduce_min3A_428 = vector.multi_reduction <minsi>, %select_n3A_426, %reduce_min3A_427 [1] : vector<128x512xi32> to vector<128xi32>
    %broadcast_in_dim3A_429 = vector.shape_cast %reduce_min3A_428 : vector<128xi32> to vector<128x1xi32>
    %min3A_430 = arith.minsi %min3A_421, %broadcast_in_dim3A_429 : vector<128x1xi32>
    %eq3A_431 = vector.broadcast %min3A_430 : vector<128x1xi32> to vector<128x512xi32>
    %eq3A_432 = arith.cmpi eq, %select_n3A_286, %eq3A_431 : vector<128x512xi32>
    %jit3A_433 = arith.constant 0xFF800000 : f32
    %broadcast_in_dim3A_434 = vector.broadcast %jit3A_433 : f32 to vector<128x512xf32>
    %select_n3A_435 = arith.select %eq3A_432, %broadcast_in_dim3A_434, %select_n3A_380 : vector<128x512xi1>, vector<128x512xf32>
    %eq3A_436 = vector.broadcast %min3A_430 : vector<128x1xi32> to vector<128x512xi32>
    %eq3A_437 = arith.cmpi eq, %select_n3A_284, %eq3A_436 : vector<128x512xi32>
    %jit3A_438 = arith.constant 0xFF800000 : f32
    %broadcast_in_dim3A_439 = vector.broadcast %jit3A_438 : f32 to vector<128x512xf32>
    %select_n3A_440 = arith.select %eq3A_437, %broadcast_in_dim3A_439, %select_n3A_385 : vector<128x512xi1>, vector<128x512xf32>
    %eq3A_441 = vector.broadcast %min3A_430 : vector<128x1xi32> to vector<128x512xi32>
    %eq3A_442 = arith.cmpi eq, %select_n3A_280, %eq3A_441 : vector<128x512xi32>
    %jit3A_443 = arith.constant 0xFF800000 : f32
    %broadcast_in_dim3A_444 = vector.broadcast %jit3A_443 : f32 to vector<128x512xf32>
    %select_n3A_445 = arith.select %eq3A_442, %broadcast_in_dim3A_444, %select_n3A_390 : vector<128x512xi1>, vector<128x512xf32>
    %reduce_max3A_446 = arith.constant dense<0xFF800000> : vector<128xf32>
    %reduce_max3A_447 = vector.multi_reduction <maximumf>, %select_n3A_435, %reduce_max3A_446 [1] : vector<128x512xf32> to vector<128xf32>
    %broadcast_in_dim3A_448 = vector.shape_cast %reduce_max3A_447 : vector<128xf32> to vector<128x1xf32>
    %reduce_max3A_449 = arith.constant dense<0xFF800000> : vector<128xf32>
    %reduce_max3A_450 = vector.multi_reduction <maximumf>, %select_n3A_440, %reduce_max3A_449 [1] : vector<128x512xf32> to vector<128xf32>
    %broadcast_in_dim3A_451 = vector.shape_cast %reduce_max3A_450 : vector<128xf32> to vector<128x1xf32>
    %max3A_452 = arith.maximumf %broadcast_in_dim3A_448, %broadcast_in_dim3A_451 : vector<128x1xf32>
    %reduce_max3A_453 = arith.constant dense<0xFF800000> : vector<128xf32>
    %reduce_max3A_454 = vector.multi_reduction <maximumf>, %select_n3A_445, %reduce_max3A_453 [1] : vector<128x512xf32> to vector<128xf32>
    %broadcast_in_dim3A_455 = vector.shape_cast %reduce_max3A_454 : vector<128xf32> to vector<128x1xf32>
    %max3A_456 = arith.maximumf %max3A_452, %broadcast_in_dim3A_455 : vector<128x1xf32>
    %broadcast_in_dim3A_457 = arith.constant 2147483647 : i32
    %broadcast_in_dim3A_458 = vector.broadcast %broadcast_in_dim3A_457 : i32 to vector<128x1xi32>
    %eq3A_459 = vector.broadcast %max3A_456 : vector<128x1xf32> to vector<128x512xf32>
    %eq3A_460 = arith.cmpf oeq, %select_n3A_435, %eq3A_459 : vector<128x512xf32>
    %jit3A_461 = arith.constant 2147483647 : i32
    %broadcast_in_dim3A_462 = vector.broadcast %jit3A_461 : i32 to vector<128x512xi32>
    %select_n3A_463 = arith.select %eq3A_460, %select_n3A_286, %broadcast_in_dim3A_462 : vector<128x512xi1>, vector<128x512xi32>
    %reduce_min3A_464 = arith.constant dense<2147483647> : vector<128xi32>
    %reduce_min3A_465 = vector.multi_reduction <minsi>, %select_n3A_463, %reduce_min3A_464 [1] : vector<128x512xi32> to vector<128xi32>
    %broadcast_in_dim3A_466 = vector.shape_cast %reduce_min3A_465 : vector<128xi32> to vector<128x1xi32>
    %min3A_467 = arith.minsi %broadcast_in_dim3A_458, %broadcast_in_dim3A_466 : vector<128x1xi32>
    %eq3A_468 = vector.broadcast %max3A_456 : vector<128x1xf32> to vector<128x512xf32>
    %eq3A_469 = arith.cmpf oeq, %select_n3A_440, %eq3A_468 : vector<128x512xf32>
    %jit3A_470 = arith.constant 2147483647 : i32
    %broadcast_in_dim3A_471 = vector.broadcast %jit3A_470 : i32 to vector<128x512xi32>
    %select_n3A_472 = arith.select %eq3A_469, %select_n3A_284, %broadcast_in_dim3A_471 : vector<128x512xi1>, vector<128x512xi32>
    %reduce_min3A_473 = arith.constant dense<2147483647> : vector<128xi32>
    %reduce_min3A_474 = vector.multi_reduction <minsi>, %select_n3A_472, %reduce_min3A_473 [1] : vector<128x512xi32> to vector<128xi32>
    %broadcast_in_dim3A_475 = vector.shape_cast %reduce_min3A_474 : vector<128xi32> to vector<128x1xi32>
    %min3A_476 = arith.minsi %min3A_467, %broadcast_in_dim3A_475 : vector<128x1xi32>
    %eq3A_477 = vector.broadcast %max3A_456 : vector<128x1xf32> to vector<128x512xf32>
    %eq3A_478 = arith.cmpf oeq, %select_n3A_445, %eq3A_477 : vector<128x512xf32>
    %jit3A_479 = arith.constant 2147483647 : i32
    %broadcast_in_dim3A_480 = vector.broadcast %jit3A_479 : i32 to vector<128x512xi32>
    %select_n3A_481 = arith.select %eq3A_478, %select_n3A_280, %broadcast_in_dim3A_480 : vector<128x512xi1>, vector<128x512xi32>
    %reduce_min3A_482 = arith.constant dense<2147483647> : vector<128xi32>
    %reduce_min3A_483 = vector.multi_reduction <minsi>, %select_n3A_481, %reduce_min3A_482 [1] : vector<128x512xi32> to vector<128xi32>
    %broadcast_in_dim3A_484 = vector.shape_cast %reduce_min3A_483 : vector<128xi32> to vector<128x1xi32>
    %min3A_485 = arith.minsi %min3A_476, %broadcast_in_dim3A_484 : vector<128x1xi32>
    %eq3A_486 = vector.broadcast %min3A_485 : vector<128x1xi32> to vector<128x512xi32>
    %eq3A_487 = arith.cmpi eq, %select_n3A_286, %eq3A_486 : vector<128x512xi32>
    %jit3A_488 = arith.constant 0xFF800000 : f32
    %broadcast_in_dim3A_489 = vector.broadcast %jit3A_488 : f32 to vector<128x512xf32>
    %select_n3A_490 = arith.select %eq3A_487, %broadcast_in_dim3A_489, %select_n3A_435 : vector<128x512xi1>, vector<128x512xf32>
    %eq3A_491 = vector.broadcast %min3A_485 : vector<128x1xi32> to vector<128x512xi32>
    %eq3A_492 = arith.cmpi eq, %select_n3A_284, %eq3A_491 : vector<128x512xi32>
    %jit3A_493 = arith.constant 0xFF800000 : f32
    %broadcast_in_dim3A_494 = vector.broadcast %jit3A_493 : f32 to vector<128x512xf32>
    %select_n3A_495 = arith.select %eq3A_492, %broadcast_in_dim3A_494, %select_n3A_440 : vector<128x512xi1>, vector<128x512xf32>
    %eq3A_496 = vector.broadcast %min3A_485 : vector<128x1xi32> to vector<128x512xi32>
    %eq3A_497 = arith.cmpi eq, %select_n3A_280, %eq3A_496 : vector<128x512xi32>
    %jit3A_498 = arith.constant 0xFF800000 : f32
    %broadcast_in_dim3A_499 = vector.broadcast %jit3A_498 : f32 to vector<128x512xf32>
    %select_n3A_500 = arith.select %eq3A_497, %broadcast_in_dim3A_499, %select_n3A_445 : vector<128x512xi1>, vector<128x512xf32>
    %reduce_max3A_501 = arith.constant dense<0xFF800000> : vector<128xf32>
    %reduce_max3A_502 = vector.multi_reduction <maximumf>, %select_n3A_490, %reduce_max3A_501 [1] : vector<128x512xf32> to vector<128xf32>
    %broadcast_in_dim3A_503 = vector.shape_cast %reduce_max3A_502 : vector<128xf32> to vector<128x1xf32>
    %reduce_max3A_504 = arith.constant dense<0xFF800000> : vector<128xf32>
    %reduce_max3A_505 = vector.multi_reduction <maximumf>, %select_n3A_495, %reduce_max3A_504 [1] : vector<128x512xf32> to vector<128xf32>
    %broadcast_in_dim3A_506 = vector.shape_cast %reduce_max3A_505 : vector<128xf32> to vector<128x1xf32>
    %max3A_507 = arith.maximumf %broadcast_in_dim3A_503, %broadcast_in_dim3A_506 : vector<128x1xf32>
    %reduce_max3A_508 = arith.constant dense<0xFF800000> : vector<128xf32>
    %reduce_max3A_509 = vector.multi_reduction <maximumf>, %select_n3A_500, %reduce_max3A_508 [1] : vector<128x512xf32> to vector<128xf32>
    %broadcast_in_dim3A_510 = vector.shape_cast %reduce_max3A_509 : vector<128xf32> to vector<128x1xf32>
    %max3A_511 = arith.maximumf %max3A_507, %broadcast_in_dim3A_510 : vector<128x1xf32>
    %broadcast_in_dim3A_512 = arith.constant 2147483647 : i32
    %broadcast_in_dim3A_513 = vector.broadcast %broadcast_in_dim3A_512 : i32 to vector<128x1xi32>
    %eq3A_514 = vector.broadcast %max3A_511 : vector<128x1xf32> to vector<128x512xf32>
    %eq3A_515 = arith.cmpf oeq, %select_n3A_490, %eq3A_514 : vector<128x512xf32>
    %jit3A_516 = arith.constant 2147483647 : i32
    %broadcast_in_dim3A_517 = vector.broadcast %jit3A_516 : i32 to vector<128x512xi32>
    %select_n3A_518 = arith.select %eq3A_515, %select_n3A_286, %broadcast_in_dim3A_517 : vector<128x512xi1>, vector<128x512xi32>
    %reduce_min3A_519 = arith.constant dense<2147483647> : vector<128xi32>
    %reduce_min3A_520 = vector.multi_reduction <minsi>, %select_n3A_518, %reduce_min3A_519 [1] : vector<128x512xi32> to vector<128xi32>
    %broadcast_in_dim3A_521 = vector.shape_cast %reduce_min3A_520 : vector<128xi32> to vector<128x1xi32>
    %min3A_522 = arith.minsi %broadcast_in_dim3A_513, %broadcast_in_dim3A_521 : vector<128x1xi32>
    %eq3A_523 = vector.broadcast %max3A_511 : vector<128x1xf32> to vector<128x512xf32>
    %eq3A_524 = arith.cmpf oeq, %select_n3A_495, %eq3A_523 : vector<128x512xf32>
    %jit3A_525 = arith.constant 2147483647 : i32
    %broadcast_in_dim3A_526 = vector.broadcast %jit3A_525 : i32 to vector<128x512xi32>
    %select_n3A_527 = arith.select %eq3A_524, %select_n3A_284, %broadcast_in_dim3A_526 : vector<128x512xi1>, vector<128x512xi32>
    %reduce_min3A_528 = arith.constant dense<2147483647> : vector<128xi32>
    %reduce_min3A_529 = vector.multi_reduction <minsi>, %select_n3A_527, %reduce_min3A_528 [1] : vector<128x512xi32> to vector<128xi32>
    %broadcast_in_dim3A_530 = vector.shape_cast %reduce_min3A_529 : vector<128xi32> to vector<128x1xi32>
    %min3A_531 = arith.minsi %min3A_522, %broadcast_in_dim3A_530 : vector<128x1xi32>
    %eq3A_532 = vector.broadcast %max3A_511 : vector<128x1xf32> to vector<128x512xf32>
    %eq3A_533 = arith.cmpf oeq, %select_n3A_500, %eq3A_532 : vector<128x512xf32>
    %jit3A_534 = arith.constant 2147483647 : i32
    %broadcast_in_dim3A_535 = vector.broadcast %jit3A_534 : i32 to vector<128x512xi32>
    %select_n3A_536 = arith.select %eq3A_533, %select_n3A_280, %broadcast_in_dim3A_535 : vector<128x512xi1>, vector<128x512xi32>
    %reduce_min3A_537 = arith.constant dense<2147483647> : vector<128xi32>
    %reduce_min3A_538 = vector.multi_reduction <minsi>, %select_n3A_536, %reduce_min3A_537 [1] : vector<128x512xi32> to vector<128xi32>
    %broadcast_in_dim3A_539 = vector.shape_cast %reduce_min3A_538 : vector<128xi32> to vector<128x1xi32>
    %min3A_540 = arith.minsi %min3A_531, %broadcast_in_dim3A_539 : vector<128x1xi32>
    %eq3A_541 = vector.broadcast %min3A_540 : vector<128x1xi32> to vector<128x512xi32>
    %eq3A_542 = arith.cmpi eq, %select_n3A_286, %eq3A_541 : vector<128x512xi32>
    %jit3A_543 = arith.constant 0xFF800000 : f32
    %broadcast_in_dim3A_544 = vector.broadcast %jit3A_543 : f32 to vector<128x512xf32>
    %select_n3A_545 = arith.select %eq3A_542, %broadcast_in_dim3A_544, %select_n3A_490 : vector<128x512xi1>, vector<128x512xf32>
    %eq3A_546 = vector.broadcast %min3A_540 : vector<128x1xi32> to vector<128x512xi32>
    %eq3A_547 = arith.cmpi eq, %select_n3A_284, %eq3A_546 : vector<128x512xi32>
    %jit3A_548 = arith.constant 0xFF800000 : f32
    %broadcast_in_dim3A_549 = vector.broadcast %jit3A_548 : f32 to vector<128x512xf32>
    %select_n3A_550 = arith.select %eq3A_547, %broadcast_in_dim3A_549, %select_n3A_495 : vector<128x512xi1>, vector<128x512xf32>
    %eq3A_551 = vector.broadcast %min3A_540 : vector<128x1xi32> to vector<128x512xi32>
    %eq3A_552 = arith.cmpi eq, %select_n3A_280, %eq3A_551 : vector<128x512xi32>
    %jit3A_553 = arith.constant 0xFF800000 : f32
    %broadcast_in_dim3A_554 = vector.broadcast %jit3A_553 : f32 to vector<128x512xf32>
    %select_n3A_555 = arith.select %eq3A_552, %broadcast_in_dim3A_554, %select_n3A_500 : vector<128x512xi1>, vector<128x512xf32>
    %reduce_max3A_556 = arith.constant dense<0xFF800000> : vector<128xf32>
    %reduce_max3A_557 = vector.multi_reduction <maximumf>, %select_n3A_545, %reduce_max3A_556 [1] : vector<128x512xf32> to vector<128xf32>
    %broadcast_in_dim3A_558 = vector.shape_cast %reduce_max3A_557 : vector<128xf32> to vector<128x1xf32>
    %reduce_max3A_559 = arith.constant dense<0xFF800000> : vector<128xf32>
    %reduce_max3A_560 = vector.multi_reduction <maximumf>, %select_n3A_550, %reduce_max3A_559 [1] : vector<128x512xf32> to vector<128xf32>
    %broadcast_in_dim3A_561 = vector.shape_cast %reduce_max3A_560 : vector<128xf32> to vector<128x1xf32>
    %max3A_562 = arith.maximumf %broadcast_in_dim3A_558, %broadcast_in_dim3A_561 : vector<128x1xf32>
    %reduce_max3A_563 = arith.constant dense<0xFF800000> : vector<128xf32>
    %reduce_max3A_564 = vector.multi_reduction <maximumf>, %select_n3A_555, %reduce_max3A_563 [1] : vector<128x512xf32> to vector<128xf32>
    %broadcast_in_dim3A_565 = vector.shape_cast %reduce_max3A_564 : vector<128xf32> to vector<128x1xf32>
    %max3A_566 = arith.maximumf %max3A_562, %broadcast_in_dim3A_565 : vector<128x1xf32>
    %broadcast_in_dim3A_567 = arith.constant 2147483647 : i32
    %broadcast_in_dim3A_568 = vector.broadcast %broadcast_in_dim3A_567 : i32 to vector<128x1xi32>
    %eq3A_569 = vector.broadcast %max3A_566 : vector<128x1xf32> to vector<128x512xf32>
    %eq3A_570 = arith.cmpf oeq, %select_n3A_545, %eq3A_569 : vector<128x512xf32>
    %jit3A_571 = arith.constant 2147483647 : i32
    %broadcast_in_dim3A_572 = vector.broadcast %jit3A_571 : i32 to vector<128x512xi32>
    %select_n3A_573 = arith.select %eq3A_570, %select_n3A_286, %broadcast_in_dim3A_572 : vector<128x512xi1>, vector<128x512xi32>
    %reduce_min3A_574 = arith.constant dense<2147483647> : vector<128xi32>
    %reduce_min3A_575 = vector.multi_reduction <minsi>, %select_n3A_573, %reduce_min3A_574 [1] : vector<128x512xi32> to vector<128xi32>
    %broadcast_in_dim3A_576 = vector.shape_cast %reduce_min3A_575 : vector<128xi32> to vector<128x1xi32>
    %min3A_577 = arith.minsi %broadcast_in_dim3A_568, %broadcast_in_dim3A_576 : vector<128x1xi32>
    %eq3A_578 = vector.broadcast %max3A_566 : vector<128x1xf32> to vector<128x512xf32>
    %eq3A_579 = arith.cmpf oeq, %select_n3A_550, %eq3A_578 : vector<128x512xf32>
    %jit3A_580 = arith.constant 2147483647 : i32
    %broadcast_in_dim3A_581 = vector.broadcast %jit3A_580 : i32 to vector<128x512xi32>
    %select_n3A_582 = arith.select %eq3A_579, %select_n3A_284, %broadcast_in_dim3A_581 : vector<128x512xi1>, vector<128x512xi32>
    %reduce_min3A_583 = arith.constant dense<2147483647> : vector<128xi32>
    %reduce_min3A_584 = vector.multi_reduction <minsi>, %select_n3A_582, %reduce_min3A_583 [1] : vector<128x512xi32> to vector<128xi32>
    %broadcast_in_dim3A_585 = vector.shape_cast %reduce_min3A_584 : vector<128xi32> to vector<128x1xi32>
    %min3A_586 = arith.minsi %min3A_577, %broadcast_in_dim3A_585 : vector<128x1xi32>
    %eq3A_587 = vector.broadcast %max3A_566 : vector<128x1xf32> to vector<128x512xf32>
    %eq3A_588 = arith.cmpf oeq, %select_n3A_555, %eq3A_587 : vector<128x512xf32>
    %jit3A_589 = arith.constant 2147483647 : i32
    %broadcast_in_dim3A_590 = vector.broadcast %jit3A_589 : i32 to vector<128x512xi32>
    %select_n3A_591 = arith.select %eq3A_588, %select_n3A_280, %broadcast_in_dim3A_590 : vector<128x512xi1>, vector<128x512xi32>
    %reduce_min3A_592 = arith.constant dense<2147483647> : vector<128xi32>
    %reduce_min3A_593 = vector.multi_reduction <minsi>, %select_n3A_591, %reduce_min3A_592 [1] : vector<128x512xi32> to vector<128xi32>
    %broadcast_in_dim3A_594 = vector.shape_cast %reduce_min3A_593 : vector<128xi32> to vector<128x1xi32>
    %min3A_595 = arith.minsi %min3A_586, %broadcast_in_dim3A_594 : vector<128x1xi32>
    %eq3A_596 = vector.broadcast %min3A_595 : vector<128x1xi32> to vector<128x512xi32>
    %eq3A_597 = arith.cmpi eq, %select_n3A_286, %eq3A_596 : vector<128x512xi32>
    %jit3A_598 = arith.constant 0xFF800000 : f32
    %broadcast_in_dim3A_599 = vector.broadcast %jit3A_598 : f32 to vector<128x512xf32>
    %select_n3A_600 = arith.select %eq3A_597, %broadcast_in_dim3A_599, %select_n3A_545 : vector<128x512xi1>, vector<128x512xf32>
    %eq3A_601 = vector.broadcast %min3A_595 : vector<128x1xi32> to vector<128x512xi32>
    %eq3A_602 = arith.cmpi eq, %select_n3A_284, %eq3A_601 : vector<128x512xi32>
    %jit3A_603 = arith.constant 0xFF800000 : f32
    %broadcast_in_dim3A_604 = vector.broadcast %jit3A_603 : f32 to vector<128x512xf32>
    %select_n3A_605 = arith.select %eq3A_602, %broadcast_in_dim3A_604, %select_n3A_550 : vector<128x512xi1>, vector<128x512xf32>
    %eq3A_606 = vector.broadcast %min3A_595 : vector<128x1xi32> to vector<128x512xi32>
    %eq3A_607 = arith.cmpi eq, %select_n3A_280, %eq3A_606 : vector<128x512xi32>
    %jit3A_608 = arith.constant 0xFF800000 : f32
    %broadcast_in_dim3A_609 = vector.broadcast %jit3A_608 : f32 to vector<128x512xf32>
    %select_n3A_610 = arith.select %eq3A_607, %broadcast_in_dim3A_609, %select_n3A_555 : vector<128x512xi1>, vector<128x512xf32>
    %reduce_max3A_611 = arith.constant dense<0xFF800000> : vector<128xf32>
    %reduce_max3A_612 = vector.multi_reduction <maximumf>, %select_n3A_600, %reduce_max3A_611 [1] : vector<128x512xf32> to vector<128xf32>
    %broadcast_in_dim3A_613 = vector.shape_cast %reduce_max3A_612 : vector<128xf32> to vector<128x1xf32>
    %reduce_max3A_614 = arith.constant dense<0xFF800000> : vector<128xf32>
    %reduce_max3A_615 = vector.multi_reduction <maximumf>, %select_n3A_605, %reduce_max3A_614 [1] : vector<128x512xf32> to vector<128xf32>
    %broadcast_in_dim3A_616 = vector.shape_cast %reduce_max3A_615 : vector<128xf32> to vector<128x1xf32>
    %max3A_617 = arith.maximumf %broadcast_in_dim3A_613, %broadcast_in_dim3A_616 : vector<128x1xf32>
    %reduce_max3A_618 = arith.constant dense<0xFF800000> : vector<128xf32>
    %reduce_max3A_619 = vector.multi_reduction <maximumf>, %select_n3A_610, %reduce_max3A_618 [1] : vector<128x512xf32> to vector<128xf32>
    %broadcast_in_dim3A_620 = vector.shape_cast %reduce_max3A_619 : vector<128xf32> to vector<128x1xf32>
    %max3A_621 = arith.maximumf %max3A_617, %broadcast_in_dim3A_620 : vector<128x1xf32>
    %broadcast_in_dim3A_622 = arith.constant 2147483647 : i32
    %broadcast_in_dim3A_623 = vector.broadcast %broadcast_in_dim3A_622 : i32 to vector<128x1xi32>
    %eq3A_624 = vector.broadcast %max3A_621 : vector<128x1xf32> to vector<128x512xf32>
    %eq3A_625 = arith.cmpf oeq, %select_n3A_600, %eq3A_624 : vector<128x512xf32>
    %jit3A_626 = arith.constant 2147483647 : i32
    %broadcast_in_dim3A_627 = vector.broadcast %jit3A_626 : i32 to vector<128x512xi32>
    %select_n3A_628 = arith.select %eq3A_625, %select_n3A_286, %broadcast_in_dim3A_627 : vector<128x512xi1>, vector<128x512xi32>
    %reduce_min3A_629 = arith.constant dense<2147483647> : vector<128xi32>
    %reduce_min3A_630 = vector.multi_reduction <minsi>, %select_n3A_628, %reduce_min3A_629 [1] : vector<128x512xi32> to vector<128xi32>
    %broadcast_in_dim3A_631 = vector.shape_cast %reduce_min3A_630 : vector<128xi32> to vector<128x1xi32>
    %min3A_632 = arith.minsi %broadcast_in_dim3A_623, %broadcast_in_dim3A_631 : vector<128x1xi32>
    %eq3A_633 = vector.broadcast %max3A_621 : vector<128x1xf32> to vector<128x512xf32>
    %eq3A_634 = arith.cmpf oeq, %select_n3A_605, %eq3A_633 : vector<128x512xf32>
    %jit3A_635 = arith.constant 2147483647 : i32
    %broadcast_in_dim3A_636 = vector.broadcast %jit3A_635 : i32 to vector<128x512xi32>
    %select_n3A_637 = arith.select %eq3A_634, %select_n3A_284, %broadcast_in_dim3A_636 : vector<128x512xi1>, vector<128x512xi32>
    %reduce_min3A_638 = arith.constant dense<2147483647> : vector<128xi32>
    %reduce_min3A_639 = vector.multi_reduction <minsi>, %select_n3A_637, %reduce_min3A_638 [1] : vector<128x512xi32> to vector<128xi32>
    %broadcast_in_dim3A_640 = vector.shape_cast %reduce_min3A_639 : vector<128xi32> to vector<128x1xi32>
    %min3A_641 = arith.minsi %min3A_632, %broadcast_in_dim3A_640 : vector<128x1xi32>
    %eq3A_642 = vector.broadcast %max3A_621 : vector<128x1xf32> to vector<128x512xf32>
    %eq3A_643 = arith.cmpf oeq, %select_n3A_610, %eq3A_642 : vector<128x512xf32>
    %jit3A_644 = arith.constant 2147483647 : i32
    %broadcast_in_dim3A_645 = vector.broadcast %jit3A_644 : i32 to vector<128x512xi32>
    %select_n3A_646 = arith.select %eq3A_643, %select_n3A_280, %broadcast_in_dim3A_645 : vector<128x512xi1>, vector<128x512xi32>
    %reduce_min3A_647 = arith.constant dense<2147483647> : vector<128xi32>
    %reduce_min3A_648 = vector.multi_reduction <minsi>, %select_n3A_646, %reduce_min3A_647 [1] : vector<128x512xi32> to vector<128xi32>
    %broadcast_in_dim3A_649 = vector.shape_cast %reduce_min3A_648 : vector<128xi32> to vector<128x1xi32>
    %min3A_650 = arith.minsi %min3A_641, %broadcast_in_dim3A_649 : vector<128x1xi32>
    %eq3A_651 = vector.broadcast %min3A_650 : vector<128x1xi32> to vector<128x512xi32>
    %eq3A_652 = arith.cmpi eq, %select_n3A_286, %eq3A_651 : vector<128x512xi32>
    %jit3A_653 = arith.constant 0xFF800000 : f32
    %broadcast_in_dim3A_654 = vector.broadcast %jit3A_653 : f32 to vector<128x512xf32>
    %select_n3A_655 = arith.select %eq3A_652, %broadcast_in_dim3A_654, %select_n3A_600 : vector<128x512xi1>, vector<128x512xf32>
    %eq3A_656 = vector.broadcast %min3A_650 : vector<128x1xi32> to vector<128x512xi32>
    %eq3A_657 = arith.cmpi eq, %select_n3A_284, %eq3A_656 : vector<128x512xi32>
    %jit3A_658 = arith.constant 0xFF800000 : f32
    %broadcast_in_dim3A_659 = vector.broadcast %jit3A_658 : f32 to vector<128x512xf32>
    %select_n3A_660 = arith.select %eq3A_657, %broadcast_in_dim3A_659, %select_n3A_605 : vector<128x512xi1>, vector<128x512xf32>
    %eq3A_661 = vector.broadcast %min3A_650 : vector<128x1xi32> to vector<128x512xi32>
    %eq3A_662 = arith.cmpi eq, %select_n3A_280, %eq3A_661 : vector<128x512xi32>
    %jit3A_663 = arith.constant 0xFF800000 : f32
    %broadcast_in_dim3A_664 = vector.broadcast %jit3A_663 : f32 to vector<128x512xf32>
    %select_n3A_665 = arith.select %eq3A_662, %broadcast_in_dim3A_664, %select_n3A_610 : vector<128x512xi1>, vector<128x512xf32>
    %reduce_max3A_666 = arith.constant dense<0xFF800000> : vector<128xf32>
    %reduce_max3A_667 = vector.multi_reduction <maximumf>, %select_n3A_655, %reduce_max3A_666 [1] : vector<128x512xf32> to vector<128xf32>
    %broadcast_in_dim3A_668 = vector.shape_cast %reduce_max3A_667 : vector<128xf32> to vector<128x1xf32>
    %reduce_max3A_669 = arith.constant dense<0xFF800000> : vector<128xf32>
    %reduce_max3A_670 = vector.multi_reduction <maximumf>, %select_n3A_660, %reduce_max3A_669 [1] : vector<128x512xf32> to vector<128xf32>
    %broadcast_in_dim3A_671 = vector.shape_cast %reduce_max3A_670 : vector<128xf32> to vector<128x1xf32>
    %max3A_672 = arith.maximumf %broadcast_in_dim3A_668, %broadcast_in_dim3A_671 : vector<128x1xf32>
    %reduce_max3A_673 = arith.constant dense<0xFF800000> : vector<128xf32>
    %reduce_max3A_674 = vector.multi_reduction <maximumf>, %select_n3A_665, %reduce_max3A_673 [1] : vector<128x512xf32> to vector<128xf32>
    %broadcast_in_dim3A_675 = vector.shape_cast %reduce_max3A_674 : vector<128xf32> to vector<128x1xf32>
    %max3A_676 = arith.maximumf %max3A_672, %broadcast_in_dim3A_675 : vector<128x1xf32>
    %broadcast_in_dim3A_677 = arith.constant 2147483647 : i32
    %broadcast_in_dim3A_678 = vector.broadcast %broadcast_in_dim3A_677 : i32 to vector<128x1xi32>
    %eq3A_679 = vector.broadcast %max3A_676 : vector<128x1xf32> to vector<128x512xf32>
    %eq3A_680 = arith.cmpf oeq, %select_n3A_655, %eq3A_679 : vector<128x512xf32>
    %jit3A_681 = arith.constant 2147483647 : i32
    %broadcast_in_dim3A_682 = vector.broadcast %jit3A_681 : i32 to vector<128x512xi32>
    %select_n3A_683 = arith.select %eq3A_680, %select_n3A_286, %broadcast_in_dim3A_682 : vector<128x512xi1>, vector<128x512xi32>
    %reduce_min3A_684 = arith.constant dense<2147483647> : vector<128xi32>
    %reduce_min3A_685 = vector.multi_reduction <minsi>, %select_n3A_683, %reduce_min3A_684 [1] : vector<128x512xi32> to vector<128xi32>
    %broadcast_in_dim3A_686 = vector.shape_cast %reduce_min3A_685 : vector<128xi32> to vector<128x1xi32>
    %min3A_687 = arith.minsi %broadcast_in_dim3A_678, %broadcast_in_dim3A_686 : vector<128x1xi32>
    %eq3A_688 = vector.broadcast %max3A_676 : vector<128x1xf32> to vector<128x512xf32>
    %eq3A_689 = arith.cmpf oeq, %select_n3A_660, %eq3A_688 : vector<128x512xf32>
    %jit3A_690 = arith.constant 2147483647 : i32
    %broadcast_in_dim3A_691 = vector.broadcast %jit3A_690 : i32 to vector<128x512xi32>
    %select_n3A_692 = arith.select %eq3A_689, %select_n3A_284, %broadcast_in_dim3A_691 : vector<128x512xi1>, vector<128x512xi32>
    %reduce_min3A_693 = arith.constant dense<2147483647> : vector<128xi32>
    %reduce_min3A_694 = vector.multi_reduction <minsi>, %select_n3A_692, %reduce_min3A_693 [1] : vector<128x512xi32> to vector<128xi32>
    %broadcast_in_dim3A_695 = vector.shape_cast %reduce_min3A_694 : vector<128xi32> to vector<128x1xi32>
    %min3A_696 = arith.minsi %min3A_687, %broadcast_in_dim3A_695 : vector<128x1xi32>
    %eq3A_697 = vector.broadcast %max3A_676 : vector<128x1xf32> to vector<128x512xf32>
    %eq3A_698 = arith.cmpf oeq, %select_n3A_665, %eq3A_697 : vector<128x512xf32>
    %jit3A_699 = arith.constant 2147483647 : i32
    %broadcast_in_dim3A_700 = vector.broadcast %jit3A_699 : i32 to vector<128x512xi32>
    %select_n3A_701 = arith.select %eq3A_698, %select_n3A_280, %broadcast_in_dim3A_700 : vector<128x512xi1>, vector<128x512xi32>
    %reduce_min3A_702 = arith.constant dense<2147483647> : vector<128xi32>
    %reduce_min3A_703 = vector.multi_reduction <minsi>, %select_n3A_701, %reduce_min3A_702 [1] : vector<128x512xi32> to vector<128xi32>
    %broadcast_in_dim3A_704 = vector.shape_cast %reduce_min3A_703 : vector<128xi32> to vector<128x1xi32>
    %min3A_705 = arith.minsi %min3A_696, %broadcast_in_dim3A_704 : vector<128x1xi32>
    %eq3A_706 = vector.broadcast %min3A_705 : vector<128x1xi32> to vector<128x512xi32>
    %eq3A_707 = arith.cmpi eq, %select_n3A_286, %eq3A_706 : vector<128x512xi32>
    %jit3A_708 = arith.constant 0xFF800000 : f32
    %broadcast_in_dim3A_709 = vector.broadcast %jit3A_708 : f32 to vector<128x512xf32>
    %select_n3A_710 = arith.select %eq3A_707, %broadcast_in_dim3A_709, %select_n3A_655 : vector<128x512xi1>, vector<128x512xf32>
    %eq3A_711 = vector.broadcast %min3A_705 : vector<128x1xi32> to vector<128x512xi32>
    %eq3A_712 = arith.cmpi eq, %select_n3A_284, %eq3A_711 : vector<128x512xi32>
    %jit3A_713 = arith.constant 0xFF800000 : f32
    %broadcast_in_dim3A_714 = vector.broadcast %jit3A_713 : f32 to vector<128x512xf32>
    %select_n3A_715 = arith.select %eq3A_712, %broadcast_in_dim3A_714, %select_n3A_660 : vector<128x512xi1>, vector<128x512xf32>
    %eq3A_716 = vector.broadcast %min3A_705 : vector<128x1xi32> to vector<128x512xi32>
    %eq3A_717 = arith.cmpi eq, %select_n3A_280, %eq3A_716 : vector<128x512xi32>
    %jit3A_718 = arith.constant 0xFF800000 : f32
    %broadcast_in_dim3A_719 = vector.broadcast %jit3A_718 : f32 to vector<128x512xf32>
    %select_n3A_720 = arith.select %eq3A_717, %broadcast_in_dim3A_719, %select_n3A_665 : vector<128x512xi1>, vector<128x512xf32>
    %reduce_max3A_721 = arith.constant dense<0xFF800000> : vector<128xf32>
    %reduce_max3A_722 = vector.multi_reduction <maximumf>, %select_n3A_710, %reduce_max3A_721 [1] : vector<128x512xf32> to vector<128xf32>
    %broadcast_in_dim3A_723 = vector.shape_cast %reduce_max3A_722 : vector<128xf32> to vector<128x1xf32>
    %reduce_max3A_724 = arith.constant dense<0xFF800000> : vector<128xf32>
    %reduce_max3A_725 = vector.multi_reduction <maximumf>, %select_n3A_715, %reduce_max3A_724 [1] : vector<128x512xf32> to vector<128xf32>
    %broadcast_in_dim3A_726 = vector.shape_cast %reduce_max3A_725 : vector<128xf32> to vector<128x1xf32>
    %max3A_727 = arith.maximumf %broadcast_in_dim3A_723, %broadcast_in_dim3A_726 : vector<128x1xf32>
    %reduce_max3A_728 = arith.constant dense<0xFF800000> : vector<128xf32>
    %reduce_max3A_729 = vector.multi_reduction <maximumf>, %select_n3A_720, %reduce_max3A_728 [1] : vector<128x512xf32> to vector<128xf32>
    %broadcast_in_dim3A_730 = vector.shape_cast %reduce_max3A_729 : vector<128xf32> to vector<128x1xf32>
    %max3A_731 = arith.maximumf %max3A_727, %broadcast_in_dim3A_730 : vector<128x1xf32>
    %broadcast_in_dim3A_732 = arith.constant 2147483647 : i32
    %broadcast_in_dim3A_733 = vector.broadcast %broadcast_in_dim3A_732 : i32 to vector<128x1xi32>
    %eq3A_734 = vector.broadcast %max3A_731 : vector<128x1xf32> to vector<128x512xf32>
    %eq3A_735 = arith.cmpf oeq, %select_n3A_710, %eq3A_734 : vector<128x512xf32>
    %jit3A_736 = arith.constant 2147483647 : i32
    %broadcast_in_dim3A_737 = vector.broadcast %jit3A_736 : i32 to vector<128x512xi32>
    %select_n3A_738 = arith.select %eq3A_735, %select_n3A_286, %broadcast_in_dim3A_737 : vector<128x512xi1>, vector<128x512xi32>
    %reduce_min3A_739 = arith.constant dense<2147483647> : vector<128xi32>
    %reduce_min3A_740 = vector.multi_reduction <minsi>, %select_n3A_738, %reduce_min3A_739 [1] : vector<128x512xi32> to vector<128xi32>
    %broadcast_in_dim3A_741 = vector.shape_cast %reduce_min3A_740 : vector<128xi32> to vector<128x1xi32>
    %min3A_742 = arith.minsi %broadcast_in_dim3A_733, %broadcast_in_dim3A_741 : vector<128x1xi32>
    %eq3A_743 = vector.broadcast %max3A_731 : vector<128x1xf32> to vector<128x512xf32>
    %eq3A_744 = arith.cmpf oeq, %select_n3A_715, %eq3A_743 : vector<128x512xf32>
    %jit3A_745 = arith.constant 2147483647 : i32
    %broadcast_in_dim3A_746 = vector.broadcast %jit3A_745 : i32 to vector<128x512xi32>
    %select_n3A_747 = arith.select %eq3A_744, %select_n3A_284, %broadcast_in_dim3A_746 : vector<128x512xi1>, vector<128x512xi32>
    %reduce_min3A_748 = arith.constant dense<2147483647> : vector<128xi32>
    %reduce_min3A_749 = vector.multi_reduction <minsi>, %select_n3A_747, %reduce_min3A_748 [1] : vector<128x512xi32> to vector<128xi32>
    %broadcast_in_dim3A_750 = vector.shape_cast %reduce_min3A_749 : vector<128xi32> to vector<128x1xi32>
    %min3A_751 = arith.minsi %min3A_742, %broadcast_in_dim3A_750 : vector<128x1xi32>
    %eq3A_752 = vector.broadcast %max3A_731 : vector<128x1xf32> to vector<128x512xf32>
    %eq3A_753 = arith.cmpf oeq, %select_n3A_720, %eq3A_752 : vector<128x512xf32>
    %jit3A_754 = arith.constant 2147483647 : i32
    %broadcast_in_dim3A_755 = vector.broadcast %jit3A_754 : i32 to vector<128x512xi32>
    %select_n3A_756 = arith.select %eq3A_753, %select_n3A_280, %broadcast_in_dim3A_755 : vector<128x512xi1>, vector<128x512xi32>
    %reduce_min3A_757 = arith.constant dense<2147483647> : vector<128xi32>
    %reduce_min3A_758 = vector.multi_reduction <minsi>, %select_n3A_756, %reduce_min3A_757 [1] : vector<128x512xi32> to vector<128xi32>
    %broadcast_in_dim3A_759 = vector.shape_cast %reduce_min3A_758 : vector<128xi32> to vector<128x1xi32>
    %min3A_760 = arith.minsi %min3A_751, %broadcast_in_dim3A_759 : vector<128x1xi32>
    %eq3A_761 = vector.broadcast %min3A_760 : vector<128x1xi32> to vector<128x512xi32>
    %eq3A_762 = arith.cmpi eq, %select_n3A_286, %eq3A_761 : vector<128x512xi32>
    %jit3A_763 = arith.constant 0xFF800000 : f32
    %broadcast_in_dim3A_764 = vector.broadcast %jit3A_763 : f32 to vector<128x512xf32>
    %select_n3A_765 = arith.select %eq3A_762, %broadcast_in_dim3A_764, %select_n3A_710 : vector<128x512xi1>, vector<128x512xf32>
    %eq3A_766 = vector.broadcast %min3A_760 : vector<128x1xi32> to vector<128x512xi32>
    %eq3A_767 = arith.cmpi eq, %select_n3A_284, %eq3A_766 : vector<128x512xi32>
    %jit3A_768 = arith.constant 0xFF800000 : f32
    %broadcast_in_dim3A_769 = vector.broadcast %jit3A_768 : f32 to vector<128x512xf32>
    %select_n3A_770 = arith.select %eq3A_767, %broadcast_in_dim3A_769, %select_n3A_715 : vector<128x512xi1>, vector<128x512xf32>
    %eq3A_771 = vector.broadcast %min3A_760 : vector<128x1xi32> to vector<128x512xi32>
    %eq3A_772 = arith.cmpi eq, %select_n3A_280, %eq3A_771 : vector<128x512xi32>
    %jit3A_773 = arith.constant 0xFF800000 : f32
    %broadcast_in_dim3A_774 = vector.broadcast %jit3A_773 : f32 to vector<128x512xf32>
    %select_n3A_775 = arith.select %eq3A_772, %broadcast_in_dim3A_774, %select_n3A_720 : vector<128x512xi1>, vector<128x512xf32>
    %reduce_max3A_776 = arith.constant dense<0xFF800000> : vector<128xf32>
    %reduce_max3A_777 = vector.multi_reduction <maximumf>, %select_n3A_765, %reduce_max3A_776 [1] : vector<128x512xf32> to vector<128xf32>
    %broadcast_in_dim3A_778 = vector.shape_cast %reduce_max3A_777 : vector<128xf32> to vector<128x1xf32>
    %reduce_max3A_779 = arith.constant dense<0xFF800000> : vector<128xf32>
    %reduce_max3A_780 = vector.multi_reduction <maximumf>, %select_n3A_770, %reduce_max3A_779 [1] : vector<128x512xf32> to vector<128xf32>
    %broadcast_in_dim3A_781 = vector.shape_cast %reduce_max3A_780 : vector<128xf32> to vector<128x1xf32>
    %max3A_782 = arith.maximumf %broadcast_in_dim3A_778, %broadcast_in_dim3A_781 : vector<128x1xf32>
    %reduce_max3A_783 = arith.constant dense<0xFF800000> : vector<128xf32>
    %reduce_max3A_784 = vector.multi_reduction <maximumf>, %select_n3A_775, %reduce_max3A_783 [1] : vector<128x512xf32> to vector<128xf32>
    %broadcast_in_dim3A_785 = vector.shape_cast %reduce_max3A_784 : vector<128xf32> to vector<128x1xf32>
    %max3A_786 = arith.maximumf %max3A_782, %broadcast_in_dim3A_785 : vector<128x1xf32>
    %broadcast_in_dim3A_787 = arith.constant 2147483647 : i32
    %broadcast_in_dim3A_788 = vector.broadcast %broadcast_in_dim3A_787 : i32 to vector<128x1xi32>
    %eq3A_789 = vector.broadcast %max3A_786 : vector<128x1xf32> to vector<128x512xf32>
    %eq3A_790 = arith.cmpf oeq, %select_n3A_765, %eq3A_789 : vector<128x512xf32>
    %jit3A_791 = arith.constant 2147483647 : i32
    %broadcast_in_dim3A_792 = vector.broadcast %jit3A_791 : i32 to vector<128x512xi32>
    %select_n3A_793 = arith.select %eq3A_790, %select_n3A_286, %broadcast_in_dim3A_792 : vector<128x512xi1>, vector<128x512xi32>
    %reduce_min3A_794 = arith.constant dense<2147483647> : vector<128xi32>
    %reduce_min3A_795 = vector.multi_reduction <minsi>, %select_n3A_793, %reduce_min3A_794 [1] : vector<128x512xi32> to vector<128xi32>
    %broadcast_in_dim3A_796 = vector.shape_cast %reduce_min3A_795 : vector<128xi32> to vector<128x1xi32>
    %min3A_797 = arith.minsi %broadcast_in_dim3A_788, %broadcast_in_dim3A_796 : vector<128x1xi32>
    %eq3A_798 = vector.broadcast %max3A_786 : vector<128x1xf32> to vector<128x512xf32>
    %eq3A_799 = arith.cmpf oeq, %select_n3A_770, %eq3A_798 : vector<128x512xf32>
    %jit3A_800 = arith.constant 2147483647 : i32
    %broadcast_in_dim3A_801 = vector.broadcast %jit3A_800 : i32 to vector<128x512xi32>
    %select_n3A_802 = arith.select %eq3A_799, %select_n3A_284, %broadcast_in_dim3A_801 : vector<128x512xi1>, vector<128x512xi32>
    %reduce_min3A_803 = arith.constant dense<2147483647> : vector<128xi32>
    %reduce_min3A_804 = vector.multi_reduction <minsi>, %select_n3A_802, %reduce_min3A_803 [1] : vector<128x512xi32> to vector<128xi32>
    %broadcast_in_dim3A_805 = vector.shape_cast %reduce_min3A_804 : vector<128xi32> to vector<128x1xi32>
    %min3A_806 = arith.minsi %min3A_797, %broadcast_in_dim3A_805 : vector<128x1xi32>
    %eq3A_807 = vector.broadcast %max3A_786 : vector<128x1xf32> to vector<128x512xf32>
    %eq3A_808 = arith.cmpf oeq, %select_n3A_775, %eq3A_807 : vector<128x512xf32>
    %jit3A_809 = arith.constant 2147483647 : i32
    %broadcast_in_dim3A_810 = vector.broadcast %jit3A_809 : i32 to vector<128x512xi32>
    %select_n3A_811 = arith.select %eq3A_808, %select_n3A_280, %broadcast_in_dim3A_810 : vector<128x512xi1>, vector<128x512xi32>
    %reduce_min3A_812 = arith.constant dense<2147483647> : vector<128xi32>
    %reduce_min3A_813 = vector.multi_reduction <minsi>, %select_n3A_811, %reduce_min3A_812 [1] : vector<128x512xi32> to vector<128xi32>
    %broadcast_in_dim3A_814 = vector.shape_cast %reduce_min3A_813 : vector<128xi32> to vector<128x1xi32>
    %min3A_815 = arith.minsi %min3A_806, %broadcast_in_dim3A_814 : vector<128x1xi32>
    %eq3A_816 = vector.broadcast %min3A_815 : vector<128x1xi32> to vector<128x512xi32>
    %eq3A_817 = arith.cmpi eq, %select_n3A_286, %eq3A_816 : vector<128x512xi32>
    %jit3A_818 = arith.constant 0xFF800000 : f32
    %broadcast_in_dim3A_819 = vector.broadcast %jit3A_818 : f32 to vector<128x512xf32>
    %select_n3A_820 = arith.select %eq3A_817, %broadcast_in_dim3A_819, %select_n3A_765 : vector<128x512xi1>, vector<128x512xf32>
    %eq3A_821 = vector.broadcast %min3A_815 : vector<128x1xi32> to vector<128x512xi32>
    %eq3A_822 = arith.cmpi eq, %select_n3A_284, %eq3A_821 : vector<128x512xi32>
    %jit3A_823 = arith.constant 0xFF800000 : f32
    %broadcast_in_dim3A_824 = vector.broadcast %jit3A_823 : f32 to vector<128x512xf32>
    %select_n3A_825 = arith.select %eq3A_822, %broadcast_in_dim3A_824, %select_n3A_770 : vector<128x512xi1>, vector<128x512xf32>
    %eq3A_826 = vector.broadcast %min3A_815 : vector<128x1xi32> to vector<128x512xi32>
    %eq3A_827 = arith.cmpi eq, %select_n3A_280, %eq3A_826 : vector<128x512xi32>
    %jit3A_828 = arith.constant 0xFF800000 : f32
    %broadcast_in_dim3A_829 = vector.broadcast %jit3A_828 : f32 to vector<128x512xf32>
    %select_n3A_830 = arith.select %eq3A_827, %broadcast_in_dim3A_829, %select_n3A_775 : vector<128x512xi1>, vector<128x512xf32>
    %reduce_max3A_831 = arith.constant dense<0xFF800000> : vector<128xf32>
    %reduce_max3A_832 = vector.multi_reduction <maximumf>, %select_n3A_820, %reduce_max3A_831 [1] : vector<128x512xf32> to vector<128xf32>
    %broadcast_in_dim3A_833 = vector.shape_cast %reduce_max3A_832 : vector<128xf32> to vector<128x1xf32>
    %reduce_max3A_834 = arith.constant dense<0xFF800000> : vector<128xf32>
    %reduce_max3A_835 = vector.multi_reduction <maximumf>, %select_n3A_825, %reduce_max3A_834 [1] : vector<128x512xf32> to vector<128xf32>
    %broadcast_in_dim3A_836 = vector.shape_cast %reduce_max3A_835 : vector<128xf32> to vector<128x1xf32>
    %max3A_837 = arith.maximumf %broadcast_in_dim3A_833, %broadcast_in_dim3A_836 : vector<128x1xf32>
    %reduce_max3A_838 = arith.constant dense<0xFF800000> : vector<128xf32>
    %reduce_max3A_839 = vector.multi_reduction <maximumf>, %select_n3A_830, %reduce_max3A_838 [1] : vector<128x512xf32> to vector<128xf32>
    %broadcast_in_dim3A_840 = vector.shape_cast %reduce_max3A_839 : vector<128xf32> to vector<128x1xf32>
    %max3A_841 = arith.maximumf %max3A_837, %broadcast_in_dim3A_840 : vector<128x1xf32>
    %broadcast_in_dim3A_842 = arith.constant 2147483647 : i32
    %broadcast_in_dim3A_843 = vector.broadcast %broadcast_in_dim3A_842 : i32 to vector<128x1xi32>
    %eq3A_844 = vector.broadcast %max3A_841 : vector<128x1xf32> to vector<128x512xf32>
    %eq3A_845 = arith.cmpf oeq, %select_n3A_820, %eq3A_844 : vector<128x512xf32>
    %jit3A_846 = arith.constant 2147483647 : i32
    %broadcast_in_dim3A_847 = vector.broadcast %jit3A_846 : i32 to vector<128x512xi32>
    %select_n3A_848 = arith.select %eq3A_845, %select_n3A_286, %broadcast_in_dim3A_847 : vector<128x512xi1>, vector<128x512xi32>
    %reduce_min3A_849 = arith.constant dense<2147483647> : vector<128xi32>
    %reduce_min3A_850 = vector.multi_reduction <minsi>, %select_n3A_848, %reduce_min3A_849 [1] : vector<128x512xi32> to vector<128xi32>
    %broadcast_in_dim3A_851 = vector.shape_cast %reduce_min3A_850 : vector<128xi32> to vector<128x1xi32>
    %min3A_852 = arith.minsi %broadcast_in_dim3A_843, %broadcast_in_dim3A_851 : vector<128x1xi32>
    %eq3A_853 = vector.broadcast %max3A_841 : vector<128x1xf32> to vector<128x512xf32>
    %eq3A_854 = arith.cmpf oeq, %select_n3A_825, %eq3A_853 : vector<128x512xf32>
    %jit3A_855 = arith.constant 2147483647 : i32
    %broadcast_in_dim3A_856 = vector.broadcast %jit3A_855 : i32 to vector<128x512xi32>
    %select_n3A_857 = arith.select %eq3A_854, %select_n3A_284, %broadcast_in_dim3A_856 : vector<128x512xi1>, vector<128x512xi32>
    %reduce_min3A_858 = arith.constant dense<2147483647> : vector<128xi32>
    %reduce_min3A_859 = vector.multi_reduction <minsi>, %select_n3A_857, %reduce_min3A_858 [1] : vector<128x512xi32> to vector<128xi32>
    %broadcast_in_dim3A_860 = vector.shape_cast %reduce_min3A_859 : vector<128xi32> to vector<128x1xi32>
    %min3A_861 = arith.minsi %min3A_852, %broadcast_in_dim3A_860 : vector<128x1xi32>
    %eq3A_862 = vector.broadcast %max3A_841 : vector<128x1xf32> to vector<128x512xf32>
    %eq3A_863 = arith.cmpf oeq, %select_n3A_830, %eq3A_862 : vector<128x512xf32>
    %jit3A_864 = arith.constant 2147483647 : i32
    %broadcast_in_dim3A_865 = vector.broadcast %jit3A_864 : i32 to vector<128x512xi32>
    %select_n3A_866 = arith.select %eq3A_863, %select_n3A_280, %broadcast_in_dim3A_865 : vector<128x512xi1>, vector<128x512xi32>
    %reduce_min3A_867 = arith.constant dense<2147483647> : vector<128xi32>
    %reduce_min3A_868 = vector.multi_reduction <minsi>, %select_n3A_866, %reduce_min3A_867 [1] : vector<128x512xi32> to vector<128xi32>
    %broadcast_in_dim3A_869 = vector.shape_cast %reduce_min3A_868 : vector<128xi32> to vector<128x1xi32>
    %min3A_870 = arith.minsi %min3A_861, %broadcast_in_dim3A_869 : vector<128x1xi32>
    %eq3A_871 = vector.broadcast %min3A_870 : vector<128x1xi32> to vector<128x512xi32>
    %eq3A_872 = arith.cmpi eq, %select_n3A_286, %eq3A_871 : vector<128x512xi32>
    %jit3A_873 = arith.constant 0xFF800000 : f32
    %broadcast_in_dim3A_874 = vector.broadcast %jit3A_873 : f32 to vector<128x512xf32>
    %select_n3A_875 = arith.select %eq3A_872, %broadcast_in_dim3A_874, %select_n3A_820 : vector<128x512xi1>, vector<128x512xf32>
    %eq3A_876 = vector.broadcast %min3A_870 : vector<128x1xi32> to vector<128x512xi32>
    %eq3A_877 = arith.cmpi eq, %select_n3A_284, %eq3A_876 : vector<128x512xi32>
    %jit3A_878 = arith.constant 0xFF800000 : f32
    %broadcast_in_dim3A_879 = vector.broadcast %jit3A_878 : f32 to vector<128x512xf32>
    %select_n3A_880 = arith.select %eq3A_877, %broadcast_in_dim3A_879, %select_n3A_825 : vector<128x512xi1>, vector<128x512xf32>
    %eq3A_881 = vector.broadcast %min3A_870 : vector<128x1xi32> to vector<128x512xi32>
    %eq3A_882 = arith.cmpi eq, %select_n3A_280, %eq3A_881 : vector<128x512xi32>
    %jit3A_883 = arith.constant 0xFF800000 : f32
    %broadcast_in_dim3A_884 = vector.broadcast %jit3A_883 : f32 to vector<128x512xf32>
    %select_n3A_885 = arith.select %eq3A_882, %broadcast_in_dim3A_884, %select_n3A_830 : vector<128x512xi1>, vector<128x512xf32>
    %reduce_max3A_886 = arith.constant dense<0xFF800000> : vector<128xf32>
    %reduce_max3A_887 = vector.multi_reduction <maximumf>, %select_n3A_875, %reduce_max3A_886 [1] : vector<128x512xf32> to vector<128xf32>
    %broadcast_in_dim3A_888 = vector.shape_cast %reduce_max3A_887 : vector<128xf32> to vector<128x1xf32>
    %reduce_max3A_889 = arith.constant dense<0xFF800000> : vector<128xf32>
    %reduce_max3A_890 = vector.multi_reduction <maximumf>, %select_n3A_880, %reduce_max3A_889 [1] : vector<128x512xf32> to vector<128xf32>
    %broadcast_in_dim3A_891 = vector.shape_cast %reduce_max3A_890 : vector<128xf32> to vector<128x1xf32>
    %max3A_892 = arith.maximumf %broadcast_in_dim3A_888, %broadcast_in_dim3A_891 : vector<128x1xf32>
    %reduce_max3A_893 = arith.constant dense<0xFF800000> : vector<128xf32>
    %reduce_max3A_894 = vector.multi_reduction <maximumf>, %select_n3A_885, %reduce_max3A_893 [1] : vector<128x512xf32> to vector<128xf32>
    %broadcast_in_dim3A_895 = vector.shape_cast %reduce_max3A_894 : vector<128xf32> to vector<128x1xf32>
    %max3A_896 = arith.maximumf %max3A_892, %broadcast_in_dim3A_895 : vector<128x1xf32>
    %broadcast_in_dim3A_897 = arith.constant 2147483647 : i32
    %broadcast_in_dim3A_898 = vector.broadcast %broadcast_in_dim3A_897 : i32 to vector<128x1xi32>
    %eq3A_899 = vector.broadcast %max3A_896 : vector<128x1xf32> to vector<128x512xf32>
    %eq3A_900 = arith.cmpf oeq, %select_n3A_875, %eq3A_899 : vector<128x512xf32>
    %jit3A_901 = arith.constant 2147483647 : i32
    %broadcast_in_dim3A_902 = vector.broadcast %jit3A_901 : i32 to vector<128x512xi32>
    %select_n3A_903 = arith.select %eq3A_900, %select_n3A_286, %broadcast_in_dim3A_902 : vector<128x512xi1>, vector<128x512xi32>
    %reduce_min3A_904 = arith.constant dense<2147483647> : vector<128xi32>
    %reduce_min3A_905 = vector.multi_reduction <minsi>, %select_n3A_903, %reduce_min3A_904 [1] : vector<128x512xi32> to vector<128xi32>
    %broadcast_in_dim3A_906 = vector.shape_cast %reduce_min3A_905 : vector<128xi32> to vector<128x1xi32>
    %min3A_907 = arith.minsi %broadcast_in_dim3A_898, %broadcast_in_dim3A_906 : vector<128x1xi32>
    %eq3A_908 = vector.broadcast %max3A_896 : vector<128x1xf32> to vector<128x512xf32>
    %eq3A_909 = arith.cmpf oeq, %select_n3A_880, %eq3A_908 : vector<128x512xf32>
    %jit3A_910 = arith.constant 2147483647 : i32
    %broadcast_in_dim3A_911 = vector.broadcast %jit3A_910 : i32 to vector<128x512xi32>
    %select_n3A_912 = arith.select %eq3A_909, %select_n3A_284, %broadcast_in_dim3A_911 : vector<128x512xi1>, vector<128x512xi32>
    %reduce_min3A_913 = arith.constant dense<2147483647> : vector<128xi32>
    %reduce_min3A_914 = vector.multi_reduction <minsi>, %select_n3A_912, %reduce_min3A_913 [1] : vector<128x512xi32> to vector<128xi32>
    %broadcast_in_dim3A_915 = vector.shape_cast %reduce_min3A_914 : vector<128xi32> to vector<128x1xi32>
    %min3A_916 = arith.minsi %min3A_907, %broadcast_in_dim3A_915 : vector<128x1xi32>
    %eq3A_917 = vector.broadcast %max3A_896 : vector<128x1xf32> to vector<128x512xf32>
    %eq3A_918 = arith.cmpf oeq, %select_n3A_885, %eq3A_917 : vector<128x512xf32>
    %jit3A_919 = arith.constant 2147483647 : i32
    %broadcast_in_dim3A_920 = vector.broadcast %jit3A_919 : i32 to vector<128x512xi32>
    %select_n3A_921 = arith.select %eq3A_918, %select_n3A_280, %broadcast_in_dim3A_920 : vector<128x512xi1>, vector<128x512xi32>
    %reduce_min3A_922 = arith.constant dense<2147483647> : vector<128xi32>
    %reduce_min3A_923 = vector.multi_reduction <minsi>, %select_n3A_921, %reduce_min3A_922 [1] : vector<128x512xi32> to vector<128xi32>
    %broadcast_in_dim3A_924 = vector.shape_cast %reduce_min3A_923 : vector<128xi32> to vector<128x1xi32>
    %min3A_925 = arith.minsi %min3A_916, %broadcast_in_dim3A_924 : vector<128x1xi32>
    %eq3A_926 = vector.broadcast %min3A_925 : vector<128x1xi32> to vector<128x512xi32>
    %eq3A_927 = arith.cmpi eq, %select_n3A_286, %eq3A_926 : vector<128x512xi32>
    %jit3A_928 = arith.constant 0xFF800000 : f32
    %broadcast_in_dim3A_929 = vector.broadcast %jit3A_928 : f32 to vector<128x512xf32>
    %select_n3A_930 = arith.select %eq3A_927, %broadcast_in_dim3A_929, %select_n3A_875 : vector<128x512xi1>, vector<128x512xf32>
    %eq3A_931 = vector.broadcast %min3A_925 : vector<128x1xi32> to vector<128x512xi32>
    %eq3A_932 = arith.cmpi eq, %select_n3A_284, %eq3A_931 : vector<128x512xi32>
    %jit3A_933 = arith.constant 0xFF800000 : f32
    %broadcast_in_dim3A_934 = vector.broadcast %jit3A_933 : f32 to vector<128x512xf32>
    %select_n3A_935 = arith.select %eq3A_932, %broadcast_in_dim3A_934, %select_n3A_880 : vector<128x512xi1>, vector<128x512xf32>
    %eq3A_936 = vector.broadcast %min3A_925 : vector<128x1xi32> to vector<128x512xi32>
    %eq3A_937 = arith.cmpi eq, %select_n3A_280, %eq3A_936 : vector<128x512xi32>
    %jit3A_938 = arith.constant 0xFF800000 : f32
    %broadcast_in_dim3A_939 = vector.broadcast %jit3A_938 : f32 to vector<128x512xf32>
    %select_n3A_940 = arith.select %eq3A_937, %broadcast_in_dim3A_939, %select_n3A_885 : vector<128x512xi1>, vector<128x512xf32>
    %reduce_max3A_941 = arith.constant dense<0xFF800000> : vector<128xf32>
    %reduce_max3A_942 = vector.multi_reduction <maximumf>, %select_n3A_930, %reduce_max3A_941 [1] : vector<128x512xf32> to vector<128xf32>
    %broadcast_in_dim3A_943 = vector.shape_cast %reduce_max3A_942 : vector<128xf32> to vector<128x1xf32>
    %reduce_max3A_944 = arith.constant dense<0xFF800000> : vector<128xf32>
    %reduce_max3A_945 = vector.multi_reduction <maximumf>, %select_n3A_935, %reduce_max3A_944 [1] : vector<128x512xf32> to vector<128xf32>
    %broadcast_in_dim3A_946 = vector.shape_cast %reduce_max3A_945 : vector<128xf32> to vector<128x1xf32>
    %max3A_947 = arith.maximumf %broadcast_in_dim3A_943, %broadcast_in_dim3A_946 : vector<128x1xf32>
    %reduce_max3A_948 = arith.constant dense<0xFF800000> : vector<128xf32>
    %reduce_max3A_949 = vector.multi_reduction <maximumf>, %select_n3A_940, %reduce_max3A_948 [1] : vector<128x512xf32> to vector<128xf32>
    %broadcast_in_dim3A_950 = vector.shape_cast %reduce_max3A_949 : vector<128xf32> to vector<128x1xf32>
    %max3A_951 = arith.maximumf %max3A_947, %broadcast_in_dim3A_950 : vector<128x1xf32>
    %broadcast_in_dim3A_952 = arith.constant 2147483647 : i32
    %broadcast_in_dim3A_953 = vector.broadcast %broadcast_in_dim3A_952 : i32 to vector<128x1xi32>
    %eq3A_954 = vector.broadcast %max3A_951 : vector<128x1xf32> to vector<128x512xf32>
    %eq3A_955 = arith.cmpf oeq, %select_n3A_930, %eq3A_954 : vector<128x512xf32>
    %jit3A_956 = arith.constant 2147483647 : i32
    %broadcast_in_dim3A_957 = vector.broadcast %jit3A_956 : i32 to vector<128x512xi32>
    %select_n3A_958 = arith.select %eq3A_955, %select_n3A_286, %broadcast_in_dim3A_957 : vector<128x512xi1>, vector<128x512xi32>
    %reduce_min3A_959 = arith.constant dense<2147483647> : vector<128xi32>
    %reduce_min3A_960 = vector.multi_reduction <minsi>, %select_n3A_958, %reduce_min3A_959 [1] : vector<128x512xi32> to vector<128xi32>
    %broadcast_in_dim3A_961 = vector.shape_cast %reduce_min3A_960 : vector<128xi32> to vector<128x1xi32>
    %min3A_962 = arith.minsi %broadcast_in_dim3A_953, %broadcast_in_dim3A_961 : vector<128x1xi32>
    %eq3A_963 = vector.broadcast %max3A_951 : vector<128x1xf32> to vector<128x512xf32>
    %eq3A_964 = arith.cmpf oeq, %select_n3A_935, %eq3A_963 : vector<128x512xf32>
    %jit3A_965 = arith.constant 2147483647 : i32
    %broadcast_in_dim3A_966 = vector.broadcast %jit3A_965 : i32 to vector<128x512xi32>
    %select_n3A_967 = arith.select %eq3A_964, %select_n3A_284, %broadcast_in_dim3A_966 : vector<128x512xi1>, vector<128x512xi32>
    %reduce_min3A_968 = arith.constant dense<2147483647> : vector<128xi32>
    %reduce_min3A_969 = vector.multi_reduction <minsi>, %select_n3A_967, %reduce_min3A_968 [1] : vector<128x512xi32> to vector<128xi32>
    %broadcast_in_dim3A_970 = vector.shape_cast %reduce_min3A_969 : vector<128xi32> to vector<128x1xi32>
    %min3A_971 = arith.minsi %min3A_962, %broadcast_in_dim3A_970 : vector<128x1xi32>
    %eq3A_972 = vector.broadcast %max3A_951 : vector<128x1xf32> to vector<128x512xf32>
    %eq3A_973 = arith.cmpf oeq, %select_n3A_940, %eq3A_972 : vector<128x512xf32>
    %jit3A_974 = arith.constant 2147483647 : i32
    %broadcast_in_dim3A_975 = vector.broadcast %jit3A_974 : i32 to vector<128x512xi32>
    %select_n3A_976 = arith.select %eq3A_973, %select_n3A_280, %broadcast_in_dim3A_975 : vector<128x512xi1>, vector<128x512xi32>
    %reduce_min3A_977 = arith.constant dense<2147483647> : vector<128xi32>
    %reduce_min3A_978 = vector.multi_reduction <minsi>, %select_n3A_976, %reduce_min3A_977 [1] : vector<128x512xi32> to vector<128xi32>
    %broadcast_in_dim3A_979 = vector.shape_cast %reduce_min3A_978 : vector<128xi32> to vector<128x1xi32>
    %min3A_980 = arith.minsi %min3A_971, %broadcast_in_dim3A_979 : vector<128x1xi32>
    %eq3A_981 = vector.broadcast %min3A_980 : vector<128x1xi32> to vector<128x512xi32>
    %eq3A_982 = arith.cmpi eq, %select_n3A_286, %eq3A_981 : vector<128x512xi32>
    %jit3A_983 = arith.constant 0xFF800000 : f32
    %broadcast_in_dim3A_984 = vector.broadcast %jit3A_983 : f32 to vector<128x512xf32>
    %select_n3A_985 = arith.select %eq3A_982, %broadcast_in_dim3A_984, %select_n3A_930 : vector<128x512xi1>, vector<128x512xf32>
    %eq3A_986 = vector.broadcast %min3A_980 : vector<128x1xi32> to vector<128x512xi32>
    %eq3A_987 = arith.cmpi eq, %select_n3A_284, %eq3A_986 : vector<128x512xi32>
    %jit3A_988 = arith.constant 0xFF800000 : f32
    %broadcast_in_dim3A_989 = vector.broadcast %jit3A_988 : f32 to vector<128x512xf32>
    %select_n3A_990 = arith.select %eq3A_987, %broadcast_in_dim3A_989, %select_n3A_935 : vector<128x512xi1>, vector<128x512xf32>
    %eq3A_991 = vector.broadcast %min3A_980 : vector<128x1xi32> to vector<128x512xi32>
    %eq3A_992 = arith.cmpi eq, %select_n3A_280, %eq3A_991 : vector<128x512xi32>
    %jit3A_993 = arith.constant 0xFF800000 : f32
    %broadcast_in_dim3A_994 = vector.broadcast %jit3A_993 : f32 to vector<128x512xf32>
    %select_n3A_995 = arith.select %eq3A_992, %broadcast_in_dim3A_994, %select_n3A_940 : vector<128x512xi1>, vector<128x512xf32>
    %reduce_max3A_996 = arith.constant dense<0xFF800000> : vector<128xf32>
    %reduce_max3A_997 = vector.multi_reduction <maximumf>, %select_n3A_985, %reduce_max3A_996 [1] : vector<128x512xf32> to vector<128xf32>
    %broadcast_in_dim3A_998 = vector.shape_cast %reduce_max3A_997 : vector<128xf32> to vector<128x1xf32>
    %reduce_max3A_999 = arith.constant dense<0xFF800000> : vector<128xf32>
    %reduce_max3A_1000 = vector.multi_reduction <maximumf>, %select_n3A_990, %reduce_max3A_999 [1] : vector<128x512xf32> to vector<128xf32>
    %broadcast_in_dim3A_1001 = vector.shape_cast %reduce_max3A_1000 : vector<128xf32> to vector<128x1xf32>
    %max3A_1002 = arith.maximumf %broadcast_in_dim3A_998, %broadcast_in_dim3A_1001 : vector<128x1xf32>
    %reduce_max3A_1003 = arith.constant dense<0xFF800000> : vector<128xf32>
    %reduce_max3A_1004 = vector.multi_reduction <maximumf>, %select_n3A_995, %reduce_max3A_1003 [1] : vector<128x512xf32> to vector<128xf32>
    %broadcast_in_dim3A_1005 = vector.shape_cast %reduce_max3A_1004 : vector<128xf32> to vector<128x1xf32>
    %max3A_1006 = arith.maximumf %max3A_1002, %broadcast_in_dim3A_1005 : vector<128x1xf32>
    %broadcast_in_dim3A_1007 = arith.constant 2147483647 : i32
    %broadcast_in_dim3A_1008 = vector.broadcast %broadcast_in_dim3A_1007 : i32 to vector<128x1xi32>
    %eq3A_1009 = vector.broadcast %max3A_1006 : vector<128x1xf32> to vector<128x512xf32>
    %eq3A_1010 = arith.cmpf oeq, %select_n3A_985, %eq3A_1009 : vector<128x512xf32>
    %jit3A_1011 = arith.constant 2147483647 : i32
    %broadcast_in_dim3A_1012 = vector.broadcast %jit3A_1011 : i32 to vector<128x512xi32>
    %select_n3A_1013 = arith.select %eq3A_1010, %select_n3A_286, %broadcast_in_dim3A_1012 : vector<128x512xi1>, vector<128x512xi32>
    %reduce_min3A_1014 = arith.constant dense<2147483647> : vector<128xi32>
    %reduce_min3A_1015 = vector.multi_reduction <minsi>, %select_n3A_1013, %reduce_min3A_1014 [1] : vector<128x512xi32> to vector<128xi32>
    %broadcast_in_dim3A_1016 = vector.shape_cast %reduce_min3A_1015 : vector<128xi32> to vector<128x1xi32>
    %min3A_1017 = arith.minsi %broadcast_in_dim3A_1008, %broadcast_in_dim3A_1016 : vector<128x1xi32>
    %eq3A_1018 = vector.broadcast %max3A_1006 : vector<128x1xf32> to vector<128x512xf32>
    %eq3A_1019 = arith.cmpf oeq, %select_n3A_990, %eq3A_1018 : vector<128x512xf32>
    %jit3A_1020 = arith.constant 2147483647 : i32
    %broadcast_in_dim3A_1021 = vector.broadcast %jit3A_1020 : i32 to vector<128x512xi32>
    %select_n3A_1022 = arith.select %eq3A_1019, %select_n3A_284, %broadcast_in_dim3A_1021 : vector<128x512xi1>, vector<128x512xi32>
    %reduce_min3A_1023 = arith.constant dense<2147483647> : vector<128xi32>
    %reduce_min3A_1024 = vector.multi_reduction <minsi>, %select_n3A_1022, %reduce_min3A_1023 [1] : vector<128x512xi32> to vector<128xi32>
    %broadcast_in_dim3A_1025 = vector.shape_cast %reduce_min3A_1024 : vector<128xi32> to vector<128x1xi32>
    %min3A_1026 = arith.minsi %min3A_1017, %broadcast_in_dim3A_1025 : vector<128x1xi32>
    %eq3A_1027 = vector.broadcast %max3A_1006 : vector<128x1xf32> to vector<128x512xf32>
    %eq3A_1028 = arith.cmpf oeq, %select_n3A_995, %eq3A_1027 : vector<128x512xf32>
    %jit3A_1029 = arith.constant 2147483647 : i32
    %broadcast_in_dim3A_1030 = vector.broadcast %jit3A_1029 : i32 to vector<128x512xi32>
    %select_n3A_1031 = arith.select %eq3A_1028, %select_n3A_280, %broadcast_in_dim3A_1030 : vector<128x512xi1>, vector<128x512xi32>
    %reduce_min3A_1032 = arith.constant dense<2147483647> : vector<128xi32>
    %reduce_min3A_1033 = vector.multi_reduction <minsi>, %select_n3A_1031, %reduce_min3A_1032 [1] : vector<128x512xi32> to vector<128xi32>
    %broadcast_in_dim3A_1034 = vector.shape_cast %reduce_min3A_1033 : vector<128xi32> to vector<128x1xi32>
    %min3A_1035 = arith.minsi %min3A_1026, %broadcast_in_dim3A_1034 : vector<128x1xi32>
    %eq3A_1036 = vector.broadcast %min3A_1035 : vector<128x1xi32> to vector<128x512xi32>
    %eq3A_1037 = arith.cmpi eq, %select_n3A_286, %eq3A_1036 : vector<128x512xi32>
    %jit3A_1038 = arith.constant 0xFF800000 : f32
    %broadcast_in_dim3A_1039 = vector.broadcast %jit3A_1038 : f32 to vector<128x512xf32>
    %select_n3A_1040 = arith.select %eq3A_1037, %broadcast_in_dim3A_1039, %select_n3A_985 : vector<128x512xi1>, vector<128x512xf32>
    %eq3A_1041 = vector.broadcast %min3A_1035 : vector<128x1xi32> to vector<128x512xi32>
    %eq3A_1042 = arith.cmpi eq, %select_n3A_284, %eq3A_1041 : vector<128x512xi32>
    %jit3A_1043 = arith.constant 0xFF800000 : f32
    %broadcast_in_dim3A_1044 = vector.broadcast %jit3A_1043 : f32 to vector<128x512xf32>
    %select_n3A_1045 = arith.select %eq3A_1042, %broadcast_in_dim3A_1044, %select_n3A_990 : vector<128x512xi1>, vector<128x512xf32>
    %eq3A_1046 = vector.broadcast %min3A_1035 : vector<128x1xi32> to vector<128x512xi32>
    %eq3A_1047 = arith.cmpi eq, %select_n3A_280, %eq3A_1046 : vector<128x512xi32>
    %jit3A_1048 = arith.constant 0xFF800000 : f32
    %broadcast_in_dim3A_1049 = vector.broadcast %jit3A_1048 : f32 to vector<128x512xf32>
    %select_n3A_1050 = arith.select %eq3A_1047, %broadcast_in_dim3A_1049, %select_n3A_995 : vector<128x512xi1>, vector<128x512xf32>
    %reduce_max3A_1051 = arith.constant dense<0xFF800000> : vector<128xf32>
    %reduce_max3A_1052 = vector.multi_reduction <maximumf>, %select_n3A_1040, %reduce_max3A_1051 [1] : vector<128x512xf32> to vector<128xf32>
    %broadcast_in_dim3A_1053 = vector.shape_cast %reduce_max3A_1052 : vector<128xf32> to vector<128x1xf32>
    %reduce_max3A_1054 = arith.constant dense<0xFF800000> : vector<128xf32>
    %reduce_max3A_1055 = vector.multi_reduction <maximumf>, %select_n3A_1045, %reduce_max3A_1054 [1] : vector<128x512xf32> to vector<128xf32>
    %broadcast_in_dim3A_1056 = vector.shape_cast %reduce_max3A_1055 : vector<128xf32> to vector<128x1xf32>
    %max3A_1057 = arith.maximumf %broadcast_in_dim3A_1053, %broadcast_in_dim3A_1056 : vector<128x1xf32>
    %reduce_max3A_1058 = arith.constant dense<0xFF800000> : vector<128xf32>
    %reduce_max3A_1059 = vector.multi_reduction <maximumf>, %select_n3A_1050, %reduce_max3A_1058 [1] : vector<128x512xf32> to vector<128xf32>
    %broadcast_in_dim3A_1060 = vector.shape_cast %reduce_max3A_1059 : vector<128xf32> to vector<128x1xf32>
    %max3A_1061 = arith.maximumf %max3A_1057, %broadcast_in_dim3A_1060 : vector<128x1xf32>
    %broadcast_in_dim3A_1062 = arith.constant 2147483647 : i32
    %broadcast_in_dim3A_1063 = vector.broadcast %broadcast_in_dim3A_1062 : i32 to vector<128x1xi32>
    %eq3A_1064 = vector.broadcast %max3A_1061 : vector<128x1xf32> to vector<128x512xf32>
    %eq3A_1065 = arith.cmpf oeq, %select_n3A_1040, %eq3A_1064 : vector<128x512xf32>
    %jit3A_1066 = arith.constant 2147483647 : i32
    %broadcast_in_dim3A_1067 = vector.broadcast %jit3A_1066 : i32 to vector<128x512xi32>
    %select_n3A_1068 = arith.select %eq3A_1065, %select_n3A_286, %broadcast_in_dim3A_1067 : vector<128x512xi1>, vector<128x512xi32>
    %reduce_min3A_1069 = arith.constant dense<2147483647> : vector<128xi32>
    %reduce_min3A_1070 = vector.multi_reduction <minsi>, %select_n3A_1068, %reduce_min3A_1069 [1] : vector<128x512xi32> to vector<128xi32>
    %broadcast_in_dim3A_1071 = vector.shape_cast %reduce_min3A_1070 : vector<128xi32> to vector<128x1xi32>
    %min3A_1072 = arith.minsi %broadcast_in_dim3A_1063, %broadcast_in_dim3A_1071 : vector<128x1xi32>
    %eq3A_1073 = vector.broadcast %max3A_1061 : vector<128x1xf32> to vector<128x512xf32>
    %eq3A_1074 = arith.cmpf oeq, %select_n3A_1045, %eq3A_1073 : vector<128x512xf32>
    %jit3A_1075 = arith.constant 2147483647 : i32
    %broadcast_in_dim3A_1076 = vector.broadcast %jit3A_1075 : i32 to vector<128x512xi32>
    %select_n3A_1077 = arith.select %eq3A_1074, %select_n3A_284, %broadcast_in_dim3A_1076 : vector<128x512xi1>, vector<128x512xi32>
    %reduce_min3A_1078 = arith.constant dense<2147483647> : vector<128xi32>
    %reduce_min3A_1079 = vector.multi_reduction <minsi>, %select_n3A_1077, %reduce_min3A_1078 [1] : vector<128x512xi32> to vector<128xi32>
    %broadcast_in_dim3A_1080 = vector.shape_cast %reduce_min3A_1079 : vector<128xi32> to vector<128x1xi32>
    %min3A_1081 = arith.minsi %min3A_1072, %broadcast_in_dim3A_1080 : vector<128x1xi32>
    %eq3A_1082 = vector.broadcast %max3A_1061 : vector<128x1xf32> to vector<128x512xf32>
    %eq3A_1083 = arith.cmpf oeq, %select_n3A_1050, %eq3A_1082 : vector<128x512xf32>
    %jit3A_1084 = arith.constant 2147483647 : i32
    %broadcast_in_dim3A_1085 = vector.broadcast %jit3A_1084 : i32 to vector<128x512xi32>
    %select_n3A_1086 = arith.select %eq3A_1083, %select_n3A_280, %broadcast_in_dim3A_1085 : vector<128x512xi1>, vector<128x512xi32>
    %reduce_min3A_1087 = arith.constant dense<2147483647> : vector<128xi32>
    %reduce_min3A_1088 = vector.multi_reduction <minsi>, %select_n3A_1086, %reduce_min3A_1087 [1] : vector<128x512xi32> to vector<128xi32>
    %broadcast_in_dim3A_1089 = vector.shape_cast %reduce_min3A_1088 : vector<128xi32> to vector<128x1xi32>
    %min3A_1090 = arith.minsi %min3A_1081, %broadcast_in_dim3A_1089 : vector<128x1xi32>
    %eq3A_1091 = vector.broadcast %min3A_1090 : vector<128x1xi32> to vector<128x512xi32>
    %eq3A_1092 = arith.cmpi eq, %select_n3A_286, %eq3A_1091 : vector<128x512xi32>
    %jit3A_1093 = arith.constant 0xFF800000 : f32
    %broadcast_in_dim3A_1094 = vector.broadcast %jit3A_1093 : f32 to vector<128x512xf32>
    %select_n3A_1095 = arith.select %eq3A_1092, %broadcast_in_dim3A_1094, %select_n3A_1040 : vector<128x512xi1>, vector<128x512xf32>
    %eq3A_1096 = vector.broadcast %min3A_1090 : vector<128x1xi32> to vector<128x512xi32>
    %eq3A_1097 = arith.cmpi eq, %select_n3A_284, %eq3A_1096 : vector<128x512xi32>
    %jit3A_1098 = arith.constant 0xFF800000 : f32
    %broadcast_in_dim3A_1099 = vector.broadcast %jit3A_1098 : f32 to vector<128x512xf32>
    %select_n3A_1100 = arith.select %eq3A_1097, %broadcast_in_dim3A_1099, %select_n3A_1045 : vector<128x512xi1>, vector<128x512xf32>
    %eq3A_1101 = vector.broadcast %min3A_1090 : vector<128x1xi32> to vector<128x512xi32>
    %eq3A_1102 = arith.cmpi eq, %select_n3A_280, %eq3A_1101 : vector<128x512xi32>
    %jit3A_1103 = arith.constant 0xFF800000 : f32
    %broadcast_in_dim3A_1104 = vector.broadcast %jit3A_1103 : f32 to vector<128x512xf32>
    %select_n3A_1105 = arith.select %eq3A_1102, %broadcast_in_dim3A_1104, %select_n3A_1050 : vector<128x512xi1>, vector<128x512xf32>
    %reduce_max3A_1106 = arith.constant dense<0xFF800000> : vector<128xf32>
    %reduce_max3A_1107 = vector.multi_reduction <maximumf>, %select_n3A_1095, %reduce_max3A_1106 [1] : vector<128x512xf32> to vector<128xf32>
    %broadcast_in_dim3A_1108 = vector.shape_cast %reduce_max3A_1107 : vector<128xf32> to vector<128x1xf32>
    %reduce_max3A_1109 = arith.constant dense<0xFF800000> : vector<128xf32>
    %reduce_max3A_1110 = vector.multi_reduction <maximumf>, %select_n3A_1100, %reduce_max3A_1109 [1] : vector<128x512xf32> to vector<128xf32>
    %broadcast_in_dim3A_1111 = vector.shape_cast %reduce_max3A_1110 : vector<128xf32> to vector<128x1xf32>
    %max3A_1112 = arith.maximumf %broadcast_in_dim3A_1108, %broadcast_in_dim3A_1111 : vector<128x1xf32>
    %reduce_max3A_1113 = arith.constant dense<0xFF800000> : vector<128xf32>
    %reduce_max3A_1114 = vector.multi_reduction <maximumf>, %select_n3A_1105, %reduce_max3A_1113 [1] : vector<128x512xf32> to vector<128xf32>
    %broadcast_in_dim3A_1115 = vector.shape_cast %reduce_max3A_1114 : vector<128xf32> to vector<128x1xf32>
    %max3A_1116 = arith.maximumf %max3A_1112, %broadcast_in_dim3A_1115 : vector<128x1xf32>
    %broadcast_in_dim3A_1117 = arith.constant 2147483647 : i32
    %broadcast_in_dim3A_1118 = vector.broadcast %broadcast_in_dim3A_1117 : i32 to vector<128x1xi32>
    %eq3A_1119 = vector.broadcast %max3A_1116 : vector<128x1xf32> to vector<128x512xf32>
    %eq3A_1120 = arith.cmpf oeq, %select_n3A_1095, %eq3A_1119 : vector<128x512xf32>
    %jit3A_1121 = arith.constant 2147483647 : i32
    %broadcast_in_dim3A_1122 = vector.broadcast %jit3A_1121 : i32 to vector<128x512xi32>
    %select_n3A_1123 = arith.select %eq3A_1120, %select_n3A_286, %broadcast_in_dim3A_1122 : vector<128x512xi1>, vector<128x512xi32>
    %reduce_min3A_1124 = arith.constant dense<2147483647> : vector<128xi32>
    %reduce_min3A_1125 = vector.multi_reduction <minsi>, %select_n3A_1123, %reduce_min3A_1124 [1] : vector<128x512xi32> to vector<128xi32>
    %broadcast_in_dim3A_1126 = vector.shape_cast %reduce_min3A_1125 : vector<128xi32> to vector<128x1xi32>
    %min3A_1127 = arith.minsi %broadcast_in_dim3A_1118, %broadcast_in_dim3A_1126 : vector<128x1xi32>
    %eq3A_1128 = vector.broadcast %max3A_1116 : vector<128x1xf32> to vector<128x512xf32>
    %eq3A_1129 = arith.cmpf oeq, %select_n3A_1100, %eq3A_1128 : vector<128x512xf32>
    %jit3A_1130 = arith.constant 2147483647 : i32
    %broadcast_in_dim3A_1131 = vector.broadcast %jit3A_1130 : i32 to vector<128x512xi32>
    %select_n3A_1132 = arith.select %eq3A_1129, %select_n3A_284, %broadcast_in_dim3A_1131 : vector<128x512xi1>, vector<128x512xi32>
    %reduce_min3A_1133 = arith.constant dense<2147483647> : vector<128xi32>
    %reduce_min3A_1134 = vector.multi_reduction <minsi>, %select_n3A_1132, %reduce_min3A_1133 [1] : vector<128x512xi32> to vector<128xi32>
    %broadcast_in_dim3A_1135 = vector.shape_cast %reduce_min3A_1134 : vector<128xi32> to vector<128x1xi32>
    %min3A_1136 = arith.minsi %min3A_1127, %broadcast_in_dim3A_1135 : vector<128x1xi32>
    %eq3A_1137 = vector.broadcast %max3A_1116 : vector<128x1xf32> to vector<128x512xf32>
    %eq3A_1138 = arith.cmpf oeq, %select_n3A_1105, %eq3A_1137 : vector<128x512xf32>
    %jit3A_1139 = arith.constant 2147483647 : i32
    %broadcast_in_dim3A_1140 = vector.broadcast %jit3A_1139 : i32 to vector<128x512xi32>
    %select_n3A_1141 = arith.select %eq3A_1138, %select_n3A_280, %broadcast_in_dim3A_1140 : vector<128x512xi1>, vector<128x512xi32>
    %reduce_min3A_1142 = arith.constant dense<2147483647> : vector<128xi32>
    %reduce_min3A_1143 = vector.multi_reduction <minsi>, %select_n3A_1141, %reduce_min3A_1142 [1] : vector<128x512xi32> to vector<128xi32>
    %broadcast_in_dim3A_1144 = vector.shape_cast %reduce_min3A_1143 : vector<128xi32> to vector<128x1xi32>
    %min3A_1145 = arith.minsi %min3A_1136, %broadcast_in_dim3A_1144 : vector<128x1xi32>
    %concatenate3A = tpu.concatenate %min3A_320, %min3A_375, %min3A_430, %min3A_485, %min3A_540, %min3A_595, %min3A_650, %min3A_705, %min3A_760, %min3A_815, %min3A_870, %min3A_925, %min3A_980, %min3A_1035, %min3A_1090, %min3A_1145 in 1 : vector<128x1xi32>, vector<128x1xi32>, vector<128x1xi32>, vector<128x1xi32>, vector<128x1xi32>, vector<128x1xi32>, vector<128x1xi32>, vector<128x1xi32>, vector<128x1xi32>, vector<128x1xi32>, vector<128x1xi32>, vector<128x1xi32>, vector<128x1xi32>, vector<128x1xi32>, vector<128x1xi32>, vector<128x1xi32> -> vector<128x16xi32>
    %swap3A = arith.constant 0 : index
    %swap3A_1146 = arith.constant 0 : index
    %swap3A_1147 = vector.load %arg2[%swap3A, %swap3A_1146] : memref<128x16xi32, #tpu.memory_space<vmem>>, vector<128x16xi32>
    tpu.vector_store %arg2[%swap3A, %swap3A_1146], %concatenate3A {strides = array<i32>} : memref<128x16xi32, #tpu.memory_space<vmem>>, vector<128x16xi32>,
    %reduce_max3A_1148 = arith.constant dense<0xFF800000> : vector<128xf32>
    %reduce_max3A_1149 = vector.multi_reduction <maximumf>, %select_n3A_278, %reduce_max3A_1148 [1] : vector<128x512xf32> to vector<128xf32>
    %broadcast_in_dim3A_1150 = vector.shape_cast %reduce_max3A_1149 : vector<128xf32> to vector<128x1xf32>
    %ge3A = arith.cmpf oge, %broadcast_in_dim3A_1150, %max3A_1116 : vector<128x1xf32>
    %reduce_or3A = arith.constant 1.000000e+00 : f32
    %reduce_or3A_1151 = arith.constant 0.000000e+00 : f32
    %reduce_or3A_1152 = vector.broadcast %reduce_or3A : f32 to vector<128x1xf32>
    %reduce_or3A_1153 = vector.broadcast %reduce_or3A_1151 : f32 to vector<128x1xf32>
    %reduce_or3A_1154 = arith.select %ge3A, %reduce_or3A_1152, %reduce_or3A_1153 : vector<128x1xi1>, vector<128x1xf32>
    %reduce_or3A_1155 = vector.shape_cast %reduce_or3A_1154 : vector<128x1xf32> to vector<1x128x1xf32>
    %reduce_or3A_1156 = arith.constant dense<0xFF800000> : vector<1xf32>
    %reduce_or3A_1157 = vector.multi_reduction <maximumf>, %reduce_or3A_1155, %reduce_or3A_1156 [1, 2] : vector<1x128x1xf32> to vector<1xf32>
    %reduce_or3A_1158 = vector.shape_cast %reduce_or3A_1157 : vector<1xf32> to vector<1x1x1xf32>
    %reduce_or3A_1159 = vector.extract %reduce_or3A_1158[0, 0, 0] : f32 from vector<1x1x1xf32>
    %reduce_or3A_1160 = arith.constant 0.000000e+00 : f32
    %reduce_or3A_1161 = arith.cmpf ogt, %reduce_or3A_1159, %reduce_or3A_1160 : f32
    %convert_element_type3A = arith.extui %reduce_or3A_1161 : i1 to i32
    %cond3A = arith.constant 0 : i32
    %cond3A_1162 = arith.cmpi ne, %convert_element_type3A, %cond3A : i32
    scf.if %cond3A_1162 {
      %iota3A_1163 = tpu.iota {dimensions = array<i32: 1>} : vector<128x8192xi32>
      %get3A_1164 = arith.constant 0 : index
      %get3A_1165 = arith.constant 0 : index
      %get3A_1166 = vector.load %arg1[%get3A_1164, %get3A_1165] : memref<128x8192xf32, #tpu.memory_space<vmem>>, vector<128x8192xf32>
      %reduce_max3A_1167 = arith.constant dense<0xFF800000> : vector<128xf32>
      %reduce_max3A_1168 = vector.multi_reduction <maximumf>, %get3A_1166, %reduce_max3A_1167 [1] : vector<128x8192xf32> to vector<128xf32>
      %broadcast_in_dim3A_1169 = vector.shape_cast %reduce_max3A_1168 : vector<128xf32> to vector<128x1xf32>
      %broadcast_in_dim3A_1170 = arith.constant 2147483647 : i32
      %broadcast_in_dim3A_1171 = vector.broadcast %broadcast_in_dim3A_1170 : i32 to vector<128x1xi32>
      %eq3A_1172 = vector.broadcast %broadcast_in_dim3A_1169 : vector<128x1xf32> to vector<128x8192xf32>
      %eq3A_1173 = arith.cmpf oeq, %get3A_1166, %eq3A_1172 : vector<128x8192xf32>
      %jit3A_1174 = arith.constant 2147483647 : i32
      %broadcast_in_dim3A_1175 = vector.broadcast %jit3A_1174 : i32 to vector<128x8192xi32>
      %select_n3A_1176 = arith.select %eq3A_1173, %iota3A_1163, %broadcast_in_dim3A_1175 : vector<128x8192xi1>, vector<128x8192xi32>
      %reduce_min3A_1177 = arith.constant dense<2147483647> : vector<128xi32>
      %reduce_min3A_1178 = vector.multi_reduction <minsi>, %select_n3A_1176, %reduce_min3A_1177 [1] : vector<128x8192xi32> to vector<128xi32>
      %broadcast_in_dim3A_1179 = vector.shape_cast %reduce_min3A_1178 : vector<128xi32> to vector<128x1xi32>
      %min3A_1180 = arith.minsi %broadcast_in_dim3A_1171, %broadcast_in_dim3A_1179 : vector<128x1xi32>
      %eq3A_1181 = vector.broadcast %min3A_1180 : vector<128x1xi32> to vector<128x8192xi32>
      %eq3A_1182 = arith.cmpi eq, %iota3A_1163, %eq3A_1181 : vector<128x8192xi32>
      %jit3A_1183 = arith.constant 0xFF800000 : f32
      %broadcast_in_dim3A_1184 = vector.broadcast %jit3A_1183 : f32 to vector<128x8192xf32>
      %select_n3A_1185 = arith.select %eq3A_1182, %broadcast_in_dim3A_1184, %get3A_1166 : vector<128x8192xi1>, vector<128x8192xf32>
      %reduce_max3A_1186 = arith.constant dense<0xFF800000> : vector<128xf32>
      %reduce_max3A_1187 = vector.multi_reduction <maximumf>, %select_n3A_1185, %reduce_max3A_1186 [1] : vector<128x8192xf32> to vector<128xf32>
      %broadcast_in_dim3A_1188 = vector.shape_cast %reduce_max3A_1187 : vector<128xf32> to vector<128x1xf32>
      %broadcast_in_dim3A_1189 = arith.constant 2147483647 : i32
      %broadcast_in_dim3A_1190 = vector.broadcast %broadcast_in_dim3A_1189 : i32 to vector<128x1xi32>
      %eq3A_1191 = vector.broadcast %broadcast_in_dim3A_1188 : vector<128x1xf32> to vector<128x8192xf32>
      %eq3A_1192 = arith.cmpf oeq, %select_n3A_1185, %eq3A_1191 : vector<128x8192xf32>
      %jit3A_1193 = arith.constant 2147483647 : i32
      %broadcast_in_dim3A_1194 = vector.broadcast %jit3A_1193 : i32 to vector<128x8192xi32>
      %select_n3A_1195 = arith.select %eq3A_1192, %iota3A_1163, %broadcast_in_dim3A_1194 : vector<128x8192xi1>, vector<128x8192xi32>
      %reduce_min3A_1196 = arith.constant dense<2147483647> : vector<128xi32>
      %reduce_min3A_1197 = vector.multi_reduction <minsi>, %select_n3A_1195, %reduce_min3A_1196 [1] : vector<128x8192xi32> to vector<128xi32>
      %broadcast_in_dim3A_1198 = vector.shape_cast %reduce_min3A_1197 : vector<128xi32> to vector<128x1xi32>
      %min3A_1199 = arith.minsi %broadcast_in_dim3A_1190, %broadcast_in_dim3A_1198 : vector<128x1xi32>
      %eq3A_1200 = vector.broadcast %min3A_1199 : vector<128x1xi32> to vector<128x8192xi32>
      %eq3A_1201 = arith.cmpi eq, %iota3A_1163, %eq3A_1200 : vector<128x8192xi32>
      %jit3A_1202 = arith.constant 0xFF800000 : f32
      %broadcast_in_dim3A_1203 = vector.broadcast %jit3A_1202 : f32 to vector<128x8192xf32>
      %select_n3A_1204 = arith.select %eq3A_1201, %broadcast_in_dim3A_1203, %select_n3A_1185 : vector<128x8192xi1>, vector<128x8192xf32>
      %reduce_max3A_1205 = arith.constant dense<0xFF800000> : vector<128xf32>
      %reduce_max3A_1206 = vector.multi_reduction <maximumf>, %select_n3A_1204, %reduce_max3A_1205 [1] : vector<128x8192xf32> to vector<128xf32>
      %broadcast_in_dim3A_1207 = vector.shape_cast %reduce_max3A_1206 : vector<128xf32> to vector<128x1xf32>
      %broadcast_in_dim3A_1208 = arith.constant 2147483647 : i32
      %broadcast_in_dim3A_1209 = vector.broadcast %broadcast_in_dim3A_1208 : i32 to vector<128x1xi32>
      %eq3A_1210 = vector.broadcast %broadcast_in_dim3A_1207 : vector<128x1xf32> to vector<128x8192xf32>
      %eq3A_1211 = arith.cmpf oeq, %select_n3A_1204, %eq3A_1210 : vector<128x8192xf32>
      %jit3A_1212 = arith.constant 2147483647 : i32
      %broadcast_in_dim3A_1213 = vector.broadcast %jit3A_1212 : i32 to vector<128x8192xi32>
      %select_n3A_1214 = arith.select %eq3A_1211, %iota3A_1163, %broadcast_in_dim3A_1213 : vector<128x8192xi1>, vector<128x8192xi32>
      %reduce_min3A_1215 = arith.constant dense<2147483647> : vector<128xi32>
      %reduce_min3A_1216 = vector.multi_reduction <minsi>, %select_n3A_1214, %reduce_min3A_1215 [1] : vector<128x8192xi32> to vector<128xi32>
      %broadcast_in_dim3A_1217 = vector.shape_cast %reduce_min3A_1216 : vector<128xi32> to vector<128x1xi32>
      %min3A_1218 = arith.minsi %broadcast_in_dim3A_1209, %broadcast_in_dim3A_1217 : vector<128x1xi32>
      %eq3A_1219 = vector.broadcast %min3A_1218 : vector<128x1xi32> to vector<128x8192xi32>
      %eq3A_1220 = arith.cmpi eq, %iota3A_1163, %eq3A_1219 : vector<128x8192xi32>
      %jit3A_1221 = arith.constant 0xFF800000 : f32
      %broadcast_in_dim3A_1222 = vector.broadcast %jit3A_1221 : f32 to vector<128x8192xf32>
      %select_n3A_1223 = arith.select %eq3A_1220, %broadcast_in_dim3A_1222, %select_n3A_1204 : vector<128x8192xi1>, vector<128x8192xf32>
      %reduce_max3A_1224 = arith.constant dense<0xFF800000> : vector<128xf32>
      %reduce_max3A_1225 = vector.multi_reduction <maximumf>, %select_n3A_1223, %reduce_max3A_1224 [1] : vector<128x8192xf32> to vector<128xf32>
      %broadcast_in_dim3A_1226 = vector.shape_cast %reduce_max3A_1225 : vector<128xf32> to vector<128x1xf32>
      %broadcast_in_dim3A_1227 = arith.constant 2147483647 : i32
      %broadcast_in_dim3A_1228 = vector.broadcast %broadcast_in_dim3A_1227 : i32 to vector<128x1xi32>
      %eq3A_1229 = vector.broadcast %broadcast_in_dim3A_1226 : vector<128x1xf32> to vector<128x8192xf32>
      %eq3A_1230 = arith.cmpf oeq, %select_n3A_1223, %eq3A_1229 : vector<128x8192xf32>
      %jit3A_1231 = arith.constant 2147483647 : i32
      %broadcast_in_dim3A_1232 = vector.broadcast %jit3A_1231 : i32 to vector<128x8192xi32>
      %select_n3A_1233 = arith.select %eq3A_1230, %iota3A_1163, %broadcast_in_dim3A_1232 : vector<128x8192xi1>, vector<128x8192xi32>
      %reduce_min3A_1234 = arith.constant dense<2147483647> : vector<128xi32>
      %reduce_min3A_1235 = vector.multi_reduction <minsi>, %select_n3A_1233, %reduce_min3A_1234 [1] : vector<128x8192xi32> to vector<128xi32>
      %broadcast_in_dim3A_1236 = vector.shape_cast %reduce_min3A_1235 : vector<128xi32> to vector<128x1xi32>
      %min3A_1237 = arith.minsi %broadcast_in_dim3A_1228, %broadcast_in_dim3A_1236 : vector<128x1xi32>
      %eq3A_1238 = vector.broadcast %min3A_1237 : vector<128x1xi32> to vector<128x8192xi32>
      %eq3A_1239 = arith.cmpi eq, %iota3A_1163, %eq3A_1238 : vector<128x8192xi32>
      %jit3A_1240 = arith.constant 0xFF800000 : f32
      %broadcast_in_dim3A_1241 = vector.broadcast %jit3A_1240 : f32 to vector<128x8192xf32>
      %select_n3A_1242 = arith.select %eq3A_1239, %broadcast_in_dim3A_1241, %select_n3A_1223 : vector<128x8192xi1>, vector<128x8192xf32>
      %reduce_max3A_1243 = arith.constant dense<0xFF800000> : vector<128xf32>
      %reduce_max3A_1244 = vector.multi_reduction <maximumf>, %select_n3A_1242, %reduce_max3A_1243 [1] : vector<128x8192xf32> to vector<128xf32>
      %broadcast_in_dim3A_1245 = vector.shape_cast %reduce_max3A_1244 : vector<128xf32> to vector<128x1xf32>
      %broadcast_in_dim3A_1246 = arith.constant 2147483647 : i32
      %broadcast_in_dim3A_1247 = vector.broadcast %broadcast_in_dim3A_1246 : i32 to vector<128x1xi32>
      %eq3A_1248 = vector.broadcast %broadcast_in_dim3A_1245 : vector<128x1xf32> to vector<128x8192xf32>
      %eq3A_1249 = arith.cmpf oeq, %select_n3A_1242, %eq3A_1248 : vector<128x8192xf32>
      %jit3A_1250 = arith.constant 2147483647 : i32
      %broadcast_in_dim3A_1251 = vector.broadcast %jit3A_1250 : i32 to vector<128x8192xi32>
      %select_n3A_1252 = arith.select %eq3A_1249, %iota3A_1163, %broadcast_in_dim3A_1251 : vector<128x8192xi1>, vector<128x8192xi32>
      %reduce_min3A_1253 = arith.constant dense<2147483647> : vector<128xi32>
      %reduce_min3A_1254 = vector.multi_reduction <minsi>, %select_n3A_1252, %reduce_min3A_1253 [1] : vector<128x8192xi32> to vector<128xi32>
      %broadcast_in_dim3A_1255 = vector.shape_cast %reduce_min3A_1254 : vector<128xi32> to vector<128x1xi32>
      %min3A_1256 = arith.minsi %broadcast_in_dim3A_1247, %broadcast_in_dim3A_1255 : vector<128x1xi32>
      %eq3A_1257 = vector.broadcast %min3A_1256 : vector<128x1xi32> to vector<128x8192xi32>
      %eq3A_1258 = arith.cmpi eq, %iota3A_1163, %eq3A_1257 : vector<128x8192xi32>
      %jit3A_1259 = arith.constant 0xFF800000 : f32
      %broadcast_in_dim3A_1260 = vector.broadcast %jit3A_1259 : f32 to vector<128x8192xf32>
      %select_n3A_1261 = arith.select %eq3A_1258, %broadcast_in_dim3A_1260, %select_n3A_1242 : vector<128x8192xi1>, vector<128x8192xf32>
      %reduce_max3A_1262 = arith.constant dense<0xFF800000> : vector<128xf32>
      %reduce_max3A_1263 = vector.multi_reduction <maximumf>, %select_n3A_1261, %reduce_max3A_1262 [1] : vector<128x8192xf32> to vector<128xf32>
      %broadcast_in_dim3A_1264 = vector.shape_cast %reduce_max3A_1263 : vector<128xf32> to vector<128x1xf32>
      %broadcast_in_dim3A_1265 = arith.constant 2147483647 : i32
      %broadcast_in_dim3A_1266 = vector.broadcast %broadcast_in_dim3A_1265 : i32 to vector<128x1xi32>
      %eq3A_1267 = vector.broadcast %broadcast_in_dim3A_1264 : vector<128x1xf32> to vector<128x8192xf32>
      %eq3A_1268 = arith.cmpf oeq, %select_n3A_1261, %eq3A_1267 : vector<128x8192xf32>
      %jit3A_1269 = arith.constant 2147483647 : i32
      %broadcast_in_dim3A_1270 = vector.broadcast %jit3A_1269 : i32 to vector<128x8192xi32>
      %select_n3A_1271 = arith.select %eq3A_1268, %iota3A_1163, %broadcast_in_dim3A_1270 : vector<128x8192xi1>, vector<128x8192xi32>
      %reduce_min3A_1272 = arith.constant dense<2147483647> : vector<128xi32>
      %reduce_min3A_1273 = vector.multi_reduction <minsi>, %select_n3A_1271, %reduce_min3A_1272 [1] : vector<128x8192xi32> to vector<128xi32>
      %broadcast_in_dim3A_1274 = vector.shape_cast %reduce_min3A_1273 : vector<128xi32> to vector<128x1xi32>
      %min3A_1275 = arith.minsi %broadcast_in_dim3A_1266, %broadcast_in_dim3A_1274 : vector<128x1xi32>
      %eq3A_1276 = vector.broadcast %min3A_1275 : vector<128x1xi32> to vector<128x8192xi32>
      %eq3A_1277 = arith.cmpi eq, %iota3A_1163, %eq3A_1276 : vector<128x8192xi32>
      %jit3A_1278 = arith.constant 0xFF800000 : f32
      %broadcast_in_dim3A_1279 = vector.broadcast %jit3A_1278 : f32 to vector<128x8192xf32>
      %select_n3A_1280 = arith.select %eq3A_1277, %broadcast_in_dim3A_1279, %select_n3A_1261 : vector<128x8192xi1>, vector<128x8192xf32>
      %reduce_max3A_1281 = arith.constant dense<0xFF800000> : vector<128xf32>
      %reduce_max3A_1282 = vector.multi_reduction <maximumf>, %select_n3A_1280, %reduce_max3A_1281 [1] : vector<128x8192xf32> to vector<128xf32>
      %broadcast_in_dim3A_1283 = vector.shape_cast %reduce_max3A_1282 : vector<128xf32> to vector<128x1xf32>
      %broadcast_in_dim3A_1284 = arith.constant 2147483647 : i32
      %broadcast_in_dim3A_1285 = vector.broadcast %broadcast_in_dim3A_1284 : i32 to vector<128x1xi32>
      %eq3A_1286 = vector.broadcast %broadcast_in_dim3A_1283 : vector<128x1xf32> to vector<128x8192xf32>
      %eq3A_1287 = arith.cmpf oeq, %select_n3A_1280, %eq3A_1286 : vector<128x8192xf32>
      %jit3A_1288 = arith.constant 2147483647 : i32
      %broadcast_in_dim3A_1289 = vector.broadcast %jit3A_1288 : i32 to vector<128x8192xi32>
      %select_n3A_1290 = arith.select %eq3A_1287, %iota3A_1163, %broadcast_in_dim3A_1289 : vector<128x8192xi1>, vector<128x8192xi32>
      %reduce_min3A_1291 = arith.constant dense<2147483647> : vector<128xi32>
      %reduce_min3A_1292 = vector.multi_reduction <minsi>, %select_n3A_1290, %reduce_min3A_1291 [1] : vector<128x8192xi32> to vector<128xi32>
      %broadcast_in_dim3A_1293 = vector.shape_cast %reduce_min3A_1292 : vector<128xi32> to vector<128x1xi32>
      %min3A_1294 = arith.minsi %broadcast_in_dim3A_1285, %broadcast_in_dim3A_1293 : vector<128x1xi32>
      %eq3A_1295 = vector.broadcast %min3A_1294 : vector<128x1xi32> to vector<128x8192xi32>
      %eq3A_1296 = arith.cmpi eq, %iota3A_1163, %eq3A_1295 : vector<128x8192xi32>
      %jit3A_1297 = arith.constant 0xFF800000 : f32
      %broadcast_in_dim3A_1298 = vector.broadcast %jit3A_1297 : f32 to vector<128x8192xf32>
      %select_n3A_1299 = arith.select %eq3A_1296, %broadcast_in_dim3A_1298, %select_n3A_1280 : vector<128x8192xi1>, vector<128x8192xf32>
      %reduce_max3A_1300 = arith.constant dense<0xFF800000> : vector<128xf32>
      %reduce_max3A_1301 = vector.multi_reduction <maximumf>, %select_n3A_1299, %reduce_max3A_1300 [1] : vector<128x8192xf32> to vector<128xf32>
      %broadcast_in_dim3A_1302 = vector.shape_cast %reduce_max3A_1301 : vector<128xf32> to vector<128x1xf32>
      %broadcast_in_dim3A_1303 = arith.constant 2147483647 : i32
      %broadcast_in_dim3A_1304 = vector.broadcast %broadcast_in_dim3A_1303 : i32 to vector<128x1xi32>
      %eq3A_1305 = vector.broadcast %broadcast_in_dim3A_1302 : vector<128x1xf32> to vector<128x8192xf32>
      %eq3A_1306 = arith.cmpf oeq, %select_n3A_1299, %eq3A_1305 : vector<128x8192xf32>
      %jit3A_1307 = arith.constant 2147483647 : i32
      %broadcast_in_dim3A_1308 = vector.broadcast %jit3A_1307 : i32 to vector<128x8192xi32>
      %select_n3A_1309 = arith.select %eq3A_1306, %iota3A_1163, %broadcast_in_dim3A_1308 : vector<128x8192xi1>, vector<128x8192xi32>
      %reduce_min3A_1310 = arith.constant dense<2147483647> : vector<128xi32>
      %reduce_min3A_1311 = vector.multi_reduction <minsi>, %select_n3A_1309, %reduce_min3A_1310 [1] : vector<128x8192xi32> to vector<128xi32>
      %broadcast_in_dim3A_1312 = vector.shape_cast %reduce_min3A_1311 : vector<128xi32> to vector<128x1xi32>
      %min3A_1313 = arith.minsi %broadcast_in_dim3A_1304, %broadcast_in_dim3A_1312 : vector<128x1xi32>
      %eq3A_1314 = vector.broadcast %min3A_1313 : vector<128x1xi32> to vector<128x8192xi32>
      %eq3A_1315 = arith.cmpi eq, %iota3A_1163, %eq3A_1314 : vector<128x8192xi32>
      %jit3A_1316 = arith.constant 0xFF800000 : f32
      %broadcast_in_dim3A_1317 = vector.broadcast %jit3A_1316 : f32 to vector<128x8192xf32>
      %select_n3A_1318 = arith.select %eq3A_1315, %broadcast_in_dim3A_1317, %select_n3A_1299 : vector<128x8192xi1>, vector<128x8192xf32>
      %reduce_max3A_1319 = arith.constant dense<0xFF800000> : vector<128xf32>
      %reduce_max3A_1320 = vector.multi_reduction <maximumf>, %select_n3A_1318, %reduce_max3A_1319 [1] : vector<128x8192xf32> to vector<128xf32>
      %broadcast_in_dim3A_1321 = vector.shape_cast %reduce_max3A_1320 : vector<128xf32> to vector<128x1xf32>
      %broadcast_in_dim3A_1322 = arith.constant 2147483647 : i32
      %broadcast_in_dim3A_1323 = vector.broadcast %broadcast_in_dim3A_1322 : i32 to vector<128x1xi32>
      %eq3A_1324 = vector.broadcast %broadcast_in_dim3A_1321 : vector<128x1xf32> to vector<128x8192xf32>
      %eq3A_1325 = arith.cmpf oeq, %select_n3A_1318, %eq3A_1324 : vector<128x8192xf32>
      %jit3A_1326 = arith.constant 2147483647 : i32
      %broadcast_in_dim3A_1327 = vector.broadcast %jit3A_1326 : i32 to vector<128x8192xi32>
      %select_n3A_1328 = arith.select %eq3A_1325, %iota3A_1163, %broadcast_in_dim3A_1327 : vector<128x8192xi1>, vector<128x8192xi32>
      %reduce_min3A_1329 = arith.constant dense<2147483647> : vector<128xi32>
      %reduce_min3A_1330 = vector.multi_reduction <minsi>, %select_n3A_1328, %reduce_min3A_1329 [1] : vector<128x8192xi32> to vector<128xi32>
      %broadcast_in_dim3A_1331 = vector.shape_cast %reduce_min3A_1330 : vector<128xi32> to vector<128x1xi32>
      %min3A_1332 = arith.minsi %broadcast_in_dim3A_1323, %broadcast_in_dim3A_1331 : vector<128x1xi32>
      %eq3A_1333 = vector.broadcast %min3A_1332 : vector<128x1xi32> to vector<128x8192xi32>
      %eq3A_1334 = arith.cmpi eq, %iota3A_1163, %eq3A_1333 : vector<128x8192xi32>
      %jit3A_1335 = arith.constant 0xFF800000 : f32
      %broadcast_in_dim3A_1336 = vector.broadcast %jit3A_1335 : f32 to vector<128x8192xf32>
      %select_n3A_1337 = arith.select %eq3A_1334, %broadcast_in_dim3A_1336, %select_n3A_1318 : vector<128x8192xi1>, vector<128x8192xf32>
      %reduce_max3A_1338 = arith.constant dense<0xFF800000> : vector<128xf32>
      %reduce_max3A_1339 = vector.multi_reduction <maximumf>, %select_n3A_1337, %reduce_max3A_1338 [1] : vector<128x8192xf32> to vector<128xf32>
      %broadcast_in_dim3A_1340 = vector.shape_cast %reduce_max3A_1339 : vector<128xf32> to vector<128x1xf32>
      %broadcast_in_dim3A_1341 = arith.constant 2147483647 : i32
      %broadcast_in_dim3A_1342 = vector.broadcast %broadcast_in_dim3A_1341 : i32 to vector<128x1xi32>
      %eq3A_1343 = vector.broadcast %broadcast_in_dim3A_1340 : vector<128x1xf32> to vector<128x8192xf32>
      %eq3A_1344 = arith.cmpf oeq, %select_n3A_1337, %eq3A_1343 : vector<128x8192xf32>
      %jit3A_1345 = arith.constant 2147483647 : i32
      %broadcast_in_dim3A_1346 = vector.broadcast %jit3A_1345 : i32 to vector<128x8192xi32>
      %select_n3A_1347 = arith.select %eq3A_1344, %iota3A_1163, %broadcast_in_dim3A_1346 : vector<128x8192xi1>, vector<128x8192xi32>
      %reduce_min3A_1348 = arith.constant dense<2147483647> : vector<128xi32>
      %reduce_min3A_1349 = vector.multi_reduction <minsi>, %select_n3A_1347, %reduce_min3A_1348 [1] : vector<128x8192xi32> to vector<128xi32>
      %broadcast_in_dim3A_1350 = vector.shape_cast %reduce_min3A_1349 : vector<128xi32> to vector<128x1xi32>
      %min3A_1351 = arith.minsi %broadcast_in_dim3A_1342, %broadcast_in_dim3A_1350 : vector<128x1xi32>
      %eq3A_1352 = vector.broadcast %min3A_1351 : vector<128x1xi32> to vector<128x8192xi32>
      %eq3A_1353 = arith.cmpi eq, %iota3A_1163, %eq3A_1352 : vector<128x8192xi32>
      %jit3A_1354 = arith.constant 0xFF800000 : f32
      %broadcast_in_dim3A_1355 = vector.broadcast %jit3A_1354 : f32 to vector<128x8192xf32>
      %select_n3A_1356 = arith.select %eq3A_1353, %broadcast_in_dim3A_1355, %select_n3A_1337 : vector<128x8192xi1>, vector<128x8192xf32>
      %reduce_max3A_1357 = arith.constant dense<0xFF800000> : vector<128xf32>
      %reduce_max3A_1358 = vector.multi_reduction <maximumf>, %select_n3A_1356, %reduce_max3A_1357 [1] : vector<128x8192xf32> to vector<128xf32>
      %broadcast_in_dim3A_1359 = vector.shape_cast %reduce_max3A_1358 : vector<128xf32> to vector<128x1xf32>
      %broadcast_in_dim3A_1360 = arith.constant 2147483647 : i32
      %broadcast_in_dim3A_1361 = vector.broadcast %broadcast_in_dim3A_1360 : i32 to vector<128x1xi32>
      %eq3A_1362 = vector.broadcast %broadcast_in_dim3A_1359 : vector<128x1xf32> to vector<128x8192xf32>
      %eq3A_1363 = arith.cmpf oeq, %select_n3A_1356, %eq3A_1362 : vector<128x8192xf32>
      %jit3A_1364 = arith.constant 2147483647 : i32
      %broadcast_in_dim3A_1365 = vector.broadcast %jit3A_1364 : i32 to vector<128x8192xi32>
      %select_n3A_1366 = arith.select %eq3A_1363, %iota3A_1163, %broadcast_in_dim3A_1365 : vector<128x8192xi1>, vector<128x8192xi32>
      %reduce_min3A_1367 = arith.constant dense<2147483647> : vector<128xi32>
      %reduce_min3A_1368 = vector.multi_reduction <minsi>, %select_n3A_1366, %reduce_min3A_1367 [1] : vector<128x8192xi32> to vector<128xi32>
      %broadcast_in_dim3A_1369 = vector.shape_cast %reduce_min3A_1368 : vector<128xi32> to vector<128x1xi32>
      %min3A_1370 = arith.minsi %broadcast_in_dim3A_1361, %broadcast_in_dim3A_1369 : vector<128x1xi32>
      %eq3A_1371 = vector.broadcast %min3A_1370 : vector<128x1xi32> to vector<128x8192xi32>
      %eq3A_1372 = arith.cmpi eq, %iota3A_1163, %eq3A_1371 : vector<128x8192xi32>
      %jit3A_1373 = arith.constant 0xFF800000 : f32
      %broadcast_in_dim3A_1374 = vector.broadcast %jit3A_1373 : f32 to vector<128x8192xf32>
      %select_n3A_1375 = arith.select %eq3A_1372, %broadcast_in_dim3A_1374, %select_n3A_1356 : vector<128x8192xi1>, vector<128x8192xf32>
      %reduce_max3A_1376 = arith.constant dense<0xFF800000> : vector<128xf32>
      %reduce_max3A_1377 = vector.multi_reduction <maximumf>, %select_n3A_1375, %reduce_max3A_1376 [1] : vector<128x8192xf32> to vector<128xf32>
      %broadcast_in_dim3A_1378 = vector.shape_cast %reduce_max3A_1377 : vector<128xf32> to vector<128x1xf32>
      %broadcast_in_dim3A_1379 = arith.constant 2147483647 : i32
      %broadcast_in_dim3A_1380 = vector.broadcast %broadcast_in_dim3A_1379 : i32 to vector<128x1xi32>
      %eq3A_1381 = vector.broadcast %broadcast_in_dim3A_1378 : vector<128x1xf32> to vector<128x8192xf32>
      %eq3A_1382 = arith.cmpf oeq, %select_n3A_1375, %eq3A_1381 : vector<128x8192xf32>
      %jit3A_1383 = arith.constant 2147483647 : i32
      %broadcast_in_dim3A_1384 = vector.broadcast %jit3A_1383 : i32 to vector<128x8192xi32>
      %select_n3A_1385 = arith.select %eq3A_1382, %iota3A_1163, %broadcast_in_dim3A_1384 : vector<128x8192xi1>, vector<128x8192xi32>
      %reduce_min3A_1386 = arith.constant dense<2147483647> : vector<128xi32>
      %reduce_min3A_1387 = vector.multi_reduction <minsi>, %select_n3A_1385, %reduce_min3A_1386 [1] : vector<128x8192xi32> to vector<128xi32>
      %broadcast_in_dim3A_1388 = vector.shape_cast %reduce_min3A_1387 : vector<128xi32> to vector<128x1xi32>
      %min3A_1389 = arith.minsi %broadcast_in_dim3A_1380, %broadcast_in_dim3A_1388 : vector<128x1xi32>
      %eq3A_1390 = vector.broadcast %min3A_1389 : vector<128x1xi32> to vector<128x8192xi32>
      %eq3A_1391 = arith.cmpi eq, %iota3A_1163, %eq3A_1390 : vector<128x8192xi32>
      %jit3A_1392 = arith.constant 0xFF800000 : f32
      %broadcast_in_dim3A_1393 = vector.broadcast %jit3A_1392 : f32 to vector<128x8192xf32>
      %select_n3A_1394 = arith.select %eq3A_1391, %broadcast_in_dim3A_1393, %select_n3A_1375 : vector<128x8192xi1>, vector<128x8192xf32>
      %reduce_max3A_1395 = arith.constant dense<0xFF800000> : vector<128xf32>
      %reduce_max3A_1396 = vector.multi_reduction <maximumf>, %select_n3A_1394, %reduce_max3A_1395 [1] : vector<128x8192xf32> to vector<128xf32>
      %broadcast_in_dim3A_1397 = vector.shape_cast %reduce_max3A_1396 : vector<128xf32> to vector<128x1xf32>
      %broadcast_in_dim3A_1398 = arith.constant 2147483647 : i32
      %broadcast_in_dim3A_1399 = vector.broadcast %broadcast_in_dim3A_1398 : i32 to vector<128x1xi32>
      %eq3A_1400 = vector.broadcast %broadcast_in_dim3A_1397 : vector<128x1xf32> to vector<128x8192xf32>
      %eq3A_1401 = arith.cmpf oeq, %select_n3A_1394, %eq3A_1400 : vector<128x8192xf32>
      %jit3A_1402 = arith.constant 2147483647 : i32
      %broadcast_in_dim3A_1403 = vector.broadcast %jit3A_1402 : i32 to vector<128x8192xi32>
      %select_n3A_1404 = arith.select %eq3A_1401, %iota3A_1163, %broadcast_in_dim3A_1403 : vector<128x8192xi1>, vector<128x8192xi32>
      %reduce_min3A_1405 = arith.constant dense<2147483647> : vector<128xi32>
      %reduce_min3A_1406 = vector.multi_reduction <minsi>, %select_n3A_1404, %reduce_min3A_1405 [1] : vector<128x8192xi32> to vector<128xi32>
      %broadcast_in_dim3A_1407 = vector.shape_cast %reduce_min3A_1406 : vector<128xi32> to vector<128x1xi32>
      %min3A_1408 = arith.minsi %broadcast_in_dim3A_1399, %broadcast_in_dim3A_1407 : vector<128x1xi32>
      %eq3A_1409 = vector.broadcast %min3A_1408 : vector<128x1xi32> to vector<128x8192xi32>
      %eq3A_1410 = arith.cmpi eq, %iota3A_1163, %eq3A_1409 : vector<128x8192xi32>
      %jit3A_1411 = arith.constant 0xFF800000 : f32
      %broadcast_in_dim3A_1412 = vector.broadcast %jit3A_1411 : f32 to vector<128x8192xf32>
      %select_n3A_1413 = arith.select %eq3A_1410, %broadcast_in_dim3A_1412, %select_n3A_1394 : vector<128x8192xi1>, vector<128x8192xf32>
      %reduce_max3A_1414 = arith.constant dense<0xFF800000> : vector<128xf32>
      %reduce_max3A_1415 = vector.multi_reduction <maximumf>, %select_n3A_1413, %reduce_max3A_1414 [1] : vector<128x8192xf32> to vector<128xf32>
      %broadcast_in_dim3A_1416 = vector.shape_cast %reduce_max3A_1415 : vector<128xf32> to vector<128x1xf32>
      %broadcast_in_dim3A_1417 = arith.constant 2147483647 : i32
      %broadcast_in_dim3A_1418 = vector.broadcast %broadcast_in_dim3A_1417 : i32 to vector<128x1xi32>
      %eq3A_1419 = vector.broadcast %broadcast_in_dim3A_1416 : vector<128x1xf32> to vector<128x8192xf32>
      %eq3A_1420 = arith.cmpf oeq, %select_n3A_1413, %eq3A_1419 : vector<128x8192xf32>
      %jit3A_1421 = arith.constant 2147483647 : i32
      %broadcast_in_dim3A_1422 = vector.broadcast %jit3A_1421 : i32 to vector<128x8192xi32>
      %select_n3A_1423 = arith.select %eq3A_1420, %iota3A_1163, %broadcast_in_dim3A_1422 : vector<128x8192xi1>, vector<128x8192xi32>
      %reduce_min3A_1424 = arith.constant dense<2147483647> : vector<128xi32>
      %reduce_min3A_1425 = vector.multi_reduction <minsi>, %select_n3A_1423, %reduce_min3A_1424 [1] : vector<128x8192xi32> to vector<128xi32>
      %broadcast_in_dim3A_1426 = vector.shape_cast %reduce_min3A_1425 : vector<128xi32> to vector<128x1xi32>
      %min3A_1427 = arith.minsi %broadcast_in_dim3A_1418, %broadcast_in_dim3A_1426 : vector<128x1xi32>
      %eq3A_1428 = vector.broadcast %min3A_1427 : vector<128x1xi32> to vector<128x8192xi32>
      %eq3A_1429 = arith.cmpi eq, %iota3A_1163, %eq3A_1428 : vector<128x8192xi32>
      %jit3A_1430 = arith.constant 0xFF800000 : f32
      %broadcast_in_dim3A_1431 = vector.broadcast %jit3A_1430 : f32 to vector<128x8192xf32>
      %select_n3A_1432 = arith.select %eq3A_1429, %broadcast_in_dim3A_1431, %select_n3A_1413 : vector<128x8192xi1>, vector<128x8192xf32>
      %reduce_max3A_1433 = arith.constant dense<0xFF800000> : vector<128xf32>
      %reduce_max3A_1434 = vector.multi_reduction <maximumf>, %select_n3A_1432, %reduce_max3A_1433 [1] : vector<128x8192xf32> to vector<128xf32>
      %broadcast_in_dim3A_1435 = vector.shape_cast %reduce_max3A_1434 : vector<128xf32> to vector<128x1xf32>
      %broadcast_in_dim3A_1436 = arith.constant 2147483647 : i32
      %broadcast_in_dim3A_1437 = vector.broadcast %broadcast_in_dim3A_1436 : i32 to vector<128x1xi32>
      %eq3A_1438 = vector.broadcast %broadcast_in_dim3A_1435 : vector<128x1xf32> to vector<128x8192xf32>
      %eq3A_1439 = arith.cmpf oeq, %select_n3A_1432, %eq3A_1438 : vector<128x8192xf32>
      %jit3A_1440 = arith.constant 2147483647 : i32
      %broadcast_in_dim3A_1441 = vector.broadcast %jit3A_1440 : i32 to vector<128x8192xi32>
      %select_n3A_1442 = arith.select %eq3A_1439, %iota3A_1163, %broadcast_in_dim3A_1441 : vector<128x8192xi1>, vector<128x8192xi32>
      %reduce_min3A_1443 = arith.constant dense<2147483647> : vector<128xi32>
      %reduce_min3A_1444 = vector.multi_reduction <minsi>, %select_n3A_1442, %reduce_min3A_1443 [1] : vector<128x8192xi32> to vector<128xi32>
      %broadcast_in_dim3A_1445 = vector.shape_cast %reduce_min3A_1444 : vector<128xi32> to vector<128x1xi32>
      %min3A_1446 = arith.minsi %broadcast_in_dim3A_1437, %broadcast_in_dim3A_1445 : vector<128x1xi32>
      %eq3A_1447 = vector.broadcast %min3A_1446 : vector<128x1xi32> to vector<128x8192xi32>
      %eq3A_1448 = arith.cmpi eq, %iota3A_1163, %eq3A_1447 : vector<128x8192xi32>
      %jit3A_1449 = arith.constant 0xFF800000 : f32
      %broadcast_in_dim3A_1450 = vector.broadcast %jit3A_1449 : f32 to vector<128x8192xf32>
      %select_n3A_1451 = arith.select %eq3A_1448, %broadcast_in_dim3A_1450, %select_n3A_1432 : vector<128x8192xi1>, vector<128x8192xf32>
      %reduce_max3A_1452 = arith.constant dense<0xFF800000> : vector<128xf32>
      %reduce_max3A_1453 = vector.multi_reduction <maximumf>, %select_n3A_1451, %reduce_max3A_1452 [1] : vector<128x8192xf32> to vector<128xf32>
      %broadcast_in_dim3A_1454 = vector.shape_cast %reduce_max3A_1453 : vector<128xf32> to vector<128x1xf32>
      %broadcast_in_dim3A_1455 = arith.constant 2147483647 : i32
      %broadcast_in_dim3A_1456 = vector.broadcast %broadcast_in_dim3A_1455 : i32 to vector<128x1xi32>
      %eq3A_1457 = vector.broadcast %broadcast_in_dim3A_1454 : vector<128x1xf32> to vector<128x8192xf32>
      %eq3A_1458 = arith.cmpf oeq, %select_n3A_1451, %eq3A_1457 : vector<128x8192xf32>
      %jit3A_1459 = arith.constant 2147483647 : i32
      %broadcast_in_dim3A_1460 = vector.broadcast %jit3A_1459 : i32 to vector<128x8192xi32>
      %select_n3A_1461 = arith.select %eq3A_1458, %iota3A_1163, %broadcast_in_dim3A_1460 : vector<128x8192xi1>, vector<128x8192xi32>
      %reduce_min3A_1462 = arith.constant dense<2147483647> : vector<128xi32>
      %reduce_min3A_1463 = vector.multi_reduction <minsi>, %select_n3A_1461, %reduce_min3A_1462 [1] : vector<128x8192xi32> to vector<128xi32>
      %broadcast_in_dim3A_1464 = vector.shape_cast %reduce_min3A_1463 : vector<128xi32> to vector<128x1xi32>
      %min3A_1465 = arith.minsi %broadcast_in_dim3A_1456, %broadcast_in_dim3A_1464 : vector<128x1xi32>
      %concatenate3A_1466 = tpu.concatenate %min3A_1180, %min3A_1199, %min3A_1218, %min3A_1237, %min3A_1256, %min3A_1275, %min3A_1294, %min3A_1313, %min3A_1332, %min3A_1351, %min3A_1370, %min3A_1389, %min3A_1408, %min3A_1427, %min3A_1446, %min3A_1465 in 1 : vector<128x1xi32>, vector<128x1xi32>, vector<128x1xi32>, vector<128x1xi32>, vector<128x1xi32>, vector<128x1xi32>, vector<128x1xi32>, vector<128x1xi32>, vector<128x1xi32>, vector<128x1xi32>, vector<128x1xi32>, vector<128x1xi32>, vector<128x1xi32>, vector<128x1xi32>, vector<128x1xi32>, vector<128x1xi32> -> vector<128x16xi32>
      %swap3A_1467 = arith.constant 0 : index
      %swap3A_1468 = arith.constant 0 : index
      %swap3A_1469 = vector.load %arg2[%swap3A_1467, %swap3A_1468] : memref<128x16xi32, #tpu.memory_space<vmem>>, vector<128x16xi32>
      tpu.vector_store %arg2[%swap3A_1467, %swap3A_1468], %concatenate3A_1466 {strides = array<i32>} : memref<128x16xi32, #tpu.memory_space<vmem>>, vector<128x16xi32>,
    } else {
    }
    return
  }
  func.func @transform_0(%arg0: i32) -> (i32, i32) {
    %c0_i32 = arith.constant 0 : i32
    %c0_i32_0 = arith.constant 0 : i32
    return %arg0, %c0_i32 : i32, i32
  }
  func.func @transform_1(%arg0: i32) -> (i32, i32) {
    %c0_i32 = arith.constant 0 : i32
    %c0_i32_0 = arith.constant 0 : i32
    return %arg0, %c0_i32 : i32, i32
  }
}

module attributes {stable_mosaic.version = 14 : i64} {
  func.func @_sims_body(%arg0: i32, %arg1: i32, %arg2: memref<1024x2048xf32, #tpu.memory_space<vmem>>, %arg3: memref<1024x2048xf32, #tpu.memory_space<vmem>>, %arg4: memref<1024x1024xf32, #tpu.memory_space<vmem>>) attributes {dimension_semantics = [#tpu.dimension_semantics<arbitrary>, #tpu.dimension_semantics<arbitrary>], iteration_bounds = array<i64: 1, 8>, scalar_prefetch = 0 : i64, scratch_operands = 0 : i64, tpu.core_type = #tpu.core_type<tc>, window_params = [{transform_indices = @transform_0, window_bounds = array<i64: 1024, 2048>}, {transform_indices = @transform_1, window_bounds = array<i64: 1024, 2048>}, {transform_indices = @transform_2, window_bounds = array<i64: 1024, 1024>}]} {
    %get3A = arith.constant 0 : index
    %get3A_0 = arith.constant 0 : index
    %get3A_1 = vector.load %arg2[%get3A, %get3A_0] : memref<1024x2048xf32, #tpu.memory_space<vmem>>, vector<1024x2048xf32>
    %get3A_2 = arith.constant 0 : index
    %get3A_3 = arith.constant 0 : index
    %get3A_4 = vector.load %arg3[%get3A_2, %get3A_3] : memref<1024x2048xf32, #tpu.memory_space<vmem>>, vector<1024x2048xf32>
    %dot_general3A = arith.constant dense<0.000000e+00> : vector<1024x1024xf32>
    %dot_general3A_5 = tpu.matmul %get3A_1, %get3A_4, %dot_general3A {dimension_numbers = #tpu.dot_dimension_numbers<[1], [1], [0], [0], [0, 0, 1, 0], [], []>, transpose_lhs_hint = false} : vector<1024x2048xf32>, vector<1024x2048xf32>, vector<1024x1024xf32> -> vector<1024x1024xf32>
    %mul3A = arith.mulf %get3A_1, %get3A_1 : vector<1024x2048xf32>
    %reduce_sum3A = arith.constant dense<0.000000e+00> : vector<1024xf32>
    %reduce_sum3A_6 = vector.multi_reduction <add>, %mul3A, %reduce_sum3A [1] : vector<1024x2048xf32> to vector<1024xf32>
    %sqrt3A = math.sqrt %reduce_sum3A_6 : vector<1024xf32>
    %mul3A_7 = arith.mulf %get3A_4, %get3A_4 : vector<1024x2048xf32>
    %reduce_sum3A_8 = arith.constant dense<0.000000e+00> : vector<1024xf32>
    %reduce_sum3A_9 = vector.multi_reduction <add>, %mul3A_7, %reduce_sum3A_8 [1] : vector<1024x2048xf32> to vector<1024xf32>
    %sqrt3A_10 = math.sqrt %reduce_sum3A_9 : vector<1024xf32>
    %broadcast_in_dim3A = vector.shape_cast %sqrt3A : vector<1024xf32> to vector<1024x1xf32>
    %broadcast_in_dim3A_11 = vector.shape_cast %sqrt3A_10 : vector<1024xf32> to vector<1x1024xf32>
    %mul3A_12 = vector.broadcast %broadcast_in_dim3A : vector<1024x1xf32> to vector<1024x1024xf32>
    %mul3A_13 = vector.broadcast %broadcast_in_dim3A_11 : vector<1x1024xf32> to vector<1024x1024xf32>
    %mul3A_14 = arith.mulf %mul3A_12, %mul3A_13 : vector<1024x1024xf32>
    %max3A = arith.constant 9.99999993E-9 : f32
    %max3A_15 = vector.broadcast %max3A : f32 to vector<1024x1024xf32>
    %max3A_16 = arith.maximumf %mul3A_14, %max3A_15 : vector<1024x1024xf32>
    %div3A = arith.divf %dot_general3A_5, %max3A_16 : vector<1024x1024xf32>
    %swap3A = arith.constant 0 : index
    %swap3A_17 = arith.constant 0 : index
    %swap3A_18 = vector.load %arg4[%swap3A, %swap3A_17] : memref<1024x1024xf32, #tpu.memory_space<vmem>>, vector<1024x1024xf32>
    tpu.vector_store %arg4[%swap3A, %swap3A_17], %div3A {strides = array<i32>} : memref<1024x1024xf32, #tpu.memory_space<vmem>>, vector<1024x1024xf32>,
    return
  }
  func.func @transform_0(%arg0: i32, %arg1: i32) -> (i32, i32) {
    %c0_i32 = arith.constant 0 : i32
    %c0_i32_0 = arith.constant 0 : i32
    return %arg0, %c0_i32 : i32, i32
  }
  func.func @transform_1(%arg0: i32, %arg1: i32) -> (i32, i32) {
    %c0_i32 = arith.constant 0 : i32
    %c0_i32_0 = arith.constant 0 : i32
    return %arg1, %c0_i32 : i32, i32
  }
  func.func @transform_2(%arg0: i32, %arg1: i32) -> (i32, i32) {
    %c0_i32 = arith.constant 0 : i32
    return %arg0, %arg1 : i32, i32
  }
}

</mosaic_0001>

<sc_bundles>
// kernel: kernel.5.cloned.1.call-start
scs
__scs_entry_jumppad:
0x0: {  	(pc) =	sbr.rel $0x88, $3  }
0x1: {  	(tag) =	ssettag $0x0;
	lr =	simm.s32 $0x1  }
0x2: {  	[smem:$0x3F9F] =	sst lr;
	_ =	strace $0xD0000000  }
0x3: {  	_ = 	snop  }
0x4: {  	_ = 	snop  }
0x5: {  	_ = 	snop  }
0x6: {  	_ = 	snop  }
0x7: {  	_ = 	snop  }
__scs_overlays_trampoline_lowered:
0x8: {  	[smem:$0x3FAE] =	sst s0  }
0x9: {  	[smem:$0x3FAF] =	sst s1  }
0xa: {  	[smem:$0x3FB0] =	sst s2  }
0xb: {  	[smem:$0x3FB1] =	sst s3  }
0xc: {  	[smem:$0x3FB2] =	sst s4  }
0xd: {  	[smem:$0x3FB3] =	sst s5  }
0xe: {  	[smem:$0x3FB4] =	sst s6  }
0xf: {  	[smem:$0x3FB5] =	sst s7  }
0x10: {  	[smem:$0x3FB6] =	sst s8  }
0x11: {  	[smem:$0x3FB7] =	sst s9;
	s0 =	simm.s32 @!p0 $0x0  }
0x12: {  	s1 =	sld [smem:$0x3F9D];
	s0 =	simm.s32 @p0 $0x1  }
0x13: {  	[smem:$0x3FB8] =	sst s0;
	s0 =	simm.s32 @!p1 $0x0  }
0x14: {  	s2 =	sld [smem:$0x3F9C];
	s0 =	simm.s32 @p1 $0x1  }
0x15: {  	[smem:$0x3FB9] =	sst s0;
	s0 =	simm.s32 @!p2 $0x0  }
0x16: {  	s3 =	sld [smem:$0x3FDB];
	s0 =	simm.s32 @p2 $0x1  }
0x17: {  	s4 =	simm.s32 $0x1BF5;
	[smem:$0x3FBB] =	sst s0  }
0x18: {  	s0 =	sld [smem:$0x3F9E];
	_ =	swait.ge [sflag:s4], $0x0  }
0x19: {  	s7 =	sld [smem:$0x3F9F]  }
0x1a: {  	s8 =	sadd.s32 $0xFFFFE003, lr  }
0x1b: {  	s9 =	sadd.s32 $0xFFFFFEF7, lr;
	s5 =	simm.s32 $0xFFFFFFFF;
	p2 =	slt.u32 s8, $0xFFFFF086  }
0x1c: {  	p1 =	slt.u32 s9, $0xF7A;
	s5 =	simm.s32 @!p2 $0x0  }
0x1d: {  	s5 =	simm.s32 @p1 $0x1;
	p0 =	seq.s32 s7, s2  }
0x1e: {  	s7 =	smul.u32 @!p0 $0xF7A, s2;
	p2 =	seq.s32 @!p0 s5, $0x0  }
0x1f: {  	s9 =	smul.u32 $0xF7A, s1;
	s8 =	simm.s32 @!p0 $0x1BF5;
	p2 =	por !p2, p0  }
0x20: {  	[sflag:s8] =	ssyncset.s32 @!p0 $0xFFFFF086;
	s6 =	sadd.s32 @!p0 s3, s7;
	s7 =	simm.s32 @!p0 $0x108  }
0x21: {  	s3 =	sadd.s32 s3, s9;
	s6 =	sadd.s32 @!p0 $0x88, s6;
	s7 =	simm.s32 @p2 $0x1082  }
0x22: {  	[simem:s7], [sflag:s8] =	dma.local @!p0 [hbm:s6], $0xF7A  }
0x23: {  	s9 =	sor.u32 $0xD0000000, s2;
	s6 =	simm.s32 $0x108;
	_ =	swait.ge @!p0 [sflag:s8], $0x0  }
0x24: {  	s3 =	sadd.s32 $0x88, s3;
	s6 =	simm.s32 @!p1 $0x1082;
	[sflag:s4] =	ssyncset.s32 $0xFFFFF086  }
0x25: {  	[simem:s6], [sflag:s4] =	dma.local [hbm:s3], $0xF7A  }
0x26: {  	[smem:$0x3F9F] =	sst s1;
	(tag) =	ssettag s2;
	_ =	strace s9  }
0x27: {  	s1 =	sld [smem:$0x3FAF]  }
0x28: {  	s2 =	sld [smem:$0x3FB0]  }
0x29: {  	s4 =	sld [smem:$0x3FB2]  }
0x2a: {  	p0 =	seq.s32 s5, $0x0;
	s5 =	sld [smem:$0x3FB3]  }
0x2b: {  	s6 =	sld [smem:$0x3FB4]  }
0x2c: {  	s7 =	sld [smem:$0x3FB5]  }
0x2d: {  	s3 =	simm.s32 $0x108;
	s8 =	sld [smem:$0x3FB6]  }
0x2e: {  	s3 =	simm.s32 @!p0 $0x1082;
	s9 =	sld [smem:$0x3FB7]  }
0x2f: {  	lr =	sadd.s32 s0, s3;
	s0 =	sld [smem:$0x3FAE]  }
0x30: {  	s3 =	sld [smem:$0x3FB1]  }
0x31: {  	[smem:$0x3FBA] =	sst s10  }
0x32: {  	s10 =	sld [smem:$0x3FB8];
	_ =	sdelay $0x3  }
0x33: {  	p0 =	seq.s32 s10, $0x1;
	s10 =	sld [smem:$0x3FBA];
	_ =	sdelay $0x3  }
0x34: {  	[smem:$0x3FBA] =	sst s10  }
0x35: {  	s10 =	sld [smem:$0x3FB9];
	_ =	sdelay $0x3  }
0x36: {  	p1 =	seq.s32 s10, $0x1;
	s10 =	sld [smem:$0x3FBA];
	_ =	sdelay $0x3  }
0x37: {  	[smem:$0x3FBA] =	sst s10  }
0x38: {  	s10 =	sld [smem:$0x3FBB]  }
0x39: {  	_ = 	snop;
	(pc) =	sbr.ind lr, $3  }
0x3a: {  	_ = 	snop  }
0x3b: {  	_ = 	snop  }
0x3c: {  	p2 =	seq.s32 s10, $0x1;
	s10 =	sld [smem:$0x3FBA]  }
0x3d: {  	_ =	shalt  }
0x3e: {  	_ =	shalt  }
0x3f: {  	_ =	shalt  }
0x40: {  	_ =	shalt  }
0x41: {  	_ =	shalt  }
0x42: {  	_ =	shalt  }
0x43: {  	_ =	shalt  }
0x44: {  	_ =	shalt  }
0x45: {  	_ =	shalt  }
0x46: {  	_ =	shalt  }
0x47: {  	_ =	shalt  }
0x48: {  	_ =	shalt  }
0x49: {  	_ =	shalt  }
0x4a: {  	_ =	shalt  }
0x4b: {  	_ =	shalt  }
0x4c: {  	_ =	shalt  }
0x4d: {  	_ =	shalt  }
0x4e: {  	_ =	shalt  }
0x4f: {  	_ =	shalt  }
0x50: {  	_ =	shalt  }
0x51: {  	_ =	shalt  }
0x52: {  	_ =	shalt  }
0x53: {  	_ =	shalt  }
0x54: {  	_ =	shalt  }
0x55: {  	_ =	shalt  }
0x56: {  	_ =	shalt  }
0x57: {  	_ =	shalt  }
0x58: {  	_ =	shalt  }
0x59: {  	_ =	shalt  }
0x5a: {  	_ =	shalt  }
0x5b: {  	_ =	shalt  }
0x5c: {  	_ =	shalt  }
0x5d: {  	_ =	shalt  }
0x5e: {  	_ =	shalt  }
0x5f: {  	_ =	shalt  }
0x60: {  	_ =	shalt  }
0x61: {  	_ =	shalt  }
0x62: {  	_ =	shalt  }
0x63: {  	_ =	shalt  }
0x64: {  	_ =	shalt  }
0x65: {  	_ =	shalt  }
0x66: {  	_ =	shalt  }
0x67: {  	_ =	shalt  }
0x68: {  	_ =	shalt  }
0x69: {  	_ =	shalt  }
0x6a: {  	_ =	shalt  }
0x6b: {  	_ =	shalt  }
0x6c: {  	_ =	shalt  }
0x6d: {  	_ =	shalt  }
0x6e: {  	_ =	shalt  }
0x6f: {  	_ =	shalt  }
0x70: {  	_ =	shalt  }
0x71: {  	_ =	shalt  }
0x72: {  	_ =	shalt  }
0x73: {  	_ =	shalt  }
0x74: {  	_ =	shalt  }
0x75: {  	_ =	shalt  }
0x76: {  	_ =	shalt  }
0x77: {  	_ =	shalt  }
0x78: {  	_ =	shalt  }
0x79: {  	_ =	shalt  }
0x7a: {  	_ =	shalt  }
0x7b: {  	_ =	shalt  }
0x7c: {  	_ =	shalt  }
0x7d: {  	_ =	shalt  }
0x7e: {  	_ =	shalt  }
0x7f: {  	_ =	shalt  }
0x80: {  	_ =	shalt  }
0x81: {  	_ =	shalt  }
0x82: {  	_ =	shalt  }
0x83: {  	_ =	shalt  }
0x84: {  	_ =	shalt  }
0x85: {  	_ =	shalt  }
0x86: {  	_ =	shalt  }
0x87: {  	_ =	shalt  }
.Lfunc_end0:
.L_simem_size_0:
called_computation_lowered:
.L_overlay_start_0:
0x88: {  	s2 =	sld [smem:$0x3FD9]  }
0x89: {  	s3 =	sld [smem:$0x3FFE];
	_ =	sdelay $0x1  }
0x8a: {  	s1 =	srdreg.scid  }
0x8b: {  	s0 =	sand.u32 $0x1, s1  }
0x8c: {  	s17 =	sshll.u32 s0, $0xA;
	s2 =	sadd.s32 s3, s2  }
0x8d: {  	s2 =	sadd.s32 s2, s17  }
0x8e: {  	[smem:$0x3FC6] =	sst s2  }
0x8f: {  	_ = 	snop  }
0x90: {  	s2 =	sld [smem:$0x3FC8]  }
0x91: {  	s18 =	sld [smem:$0x3FD0];
	(tm) =	ssettm $0x1  }
0x92: {  	s4 =	sld [smem:$0x3FFB];
	_ =	sdelay $0x3  }
0x93: {  	_ =	strace s4  }
0x94: {  	s4 =	sld [smem:$0x3FFC];
	_ =	sdelay $0x3  }
0x95: {  	_ =	strace s4  }
0x96: {  	s4 =	sld [smem:$0x3FFD];
	_ =	sdelay $0x3  }
0x97: {  	_ =	strace s4  }
0x98: {  	_ =	strace $0x8FFFFFFF  }
0x99: {  	s19 =	sld [smem:$0x3FDB];
	_ =	sdelay $0x1  }
0x9a: {  	s5 =	simm.s32 $_scs_section_size  }
0x9b: {  	s6 =	simm.s32 $_size__tile_overlayer_lowered;
	s7 =	simm.s32 $_tile_overlayer_lowered  }
0x9c: {  	s22 =	simm.s32 $0x1BFF;
	s21 =	sshll.u32 s7, $0x1;
	s4 =	sadd.s32 s5, s19  }
0x9d: {  	s8 =	simm.s32 $0x0;
	s20 =	sshll.u32 s6, $0x1;
	s6 =	sadd.s32 s21, s4  }
0x9e: {  	[timem:s8], [sflag:s22] =	dma.local [hbm:s6], s20  }
0x9f: {  	_ =	swait.ge [sflag:s22], s20  }
0xa0: {  	s5 =	ssub.s32 $0x0, s20;
	[sflag:s22] =	ssyncset.done $0x0  }
0xa1: {  	[sflag:s22] =	ssyncadd.s32 s5;
	_ =	sdelay $0x1  }
0xa2: {  	s23 =	simm.s32 $0x1B8B  }
0xa3: {  	_ =	swait.ge [sflag:s23], $0x1  }
0xa4: {  	[sflag:s23] =	ssyncset.done $0x0  }
0xa5: {  	s25 =	simm.s32 $0x1B8E;
	s24 =	sld [smem:$0x3FFE];
	[sflag:s23] =	ssyncadd.s32 $0xFFFFFFFF  }
0xa6: {  	s26 =	simm.s32 $execute0_lowered;
	[smem:$0x3FD2] =	sst s25  }
0xa7: {  	s6 =	sshll.u32 s26, $0x1;
	_ =	strace $0x80000046;
	[dreg:$0x1] =	wrdreg $0xFFFFFFFF  }
0xa8: {  	s28 =	simm.s32 $_size_execute0_lowered;
	s4 =	sadd.s32 s4, s6;
	[dreg:$0x0] =	wrdreg $0x0  }
0xa9: {  	s6 =	sshll.u32 s28, $0x1;
	[dreg:$0x2] =	wrdreg s4  }
0xaa: {  	[dreg:$0x3] =	wrdreg s6  }
0xab: {  	[dreg:$0x4] =	wrdreg $0xC0  }
0xac: {  	_ =	task [dreg:s8], $0x5FFFF  }
0xad: {  	[dreg:$0x1] =	wrdreg $0xFFFFFFFF  }
0xae: {  	[dreg:$0x0] =	wrdreg $0x60  }
0xaf: {  	[dreg:$0x2] =	wrdreg s2  }
0xb0: {  	[dreg:$0x3] =	wrdreg s24  }
0xb1: {  	[dreg:$0x4] =	wrdreg s18  }
0xb2: {  	[dreg:$0x5] =	wrdreg $0x9  }
0xb3: {  	_ =	task.clear_ibuf [dreg:s8], $0x6FFFF;
	_ =	strace $0x90000046  }
0xb4: {  	s29 =	simm.s32 $0x9;
	_ =	strace $0x80000048  }
0xb5: {  	_ =	swait.ge [sflag:s29], $0x1  }
0xb6: {  	[sflag:s29] =	ssyncadd.s32 $0xFFFFFFFF  }
0xb7: {  	_ =	strace $0x90000048  }
0xb8: {  	_ =	sfence  }
0xb9: {  	s30 =	sld [smem:$0x0];
	_ =	sdelay $0x2  }
0xba: {  	s31 =	sshll.u32 s1, $0xD;
	s1 =	sshrl.u32 s1, $0x2  }
0xbb: {  	s3 =	sand.u32 $0x4000, s31;
	s1 =	sadd.s32 s1, s30  }
0xbc: {  	s0 =	sor.u32 s3, s0;
	s1 =	sshll.u32 s1, $0x11  }
0xbd: {  	s0 =	sor.u32 s1, s0  }
0xbe: {  	s0 =	sadd.s32 $0x8F2B, s0  }
0xbf: {  	[sflag:s0] =	ssyncadd.remote.s32 $0x1  }
0xc0: {  	_ =	sfence.sel $0xFFFF  }
0xc1: {  	[dreg:$0x0] =	wrdreg $0xFFFFFFFF;
	(pc) =	sbr.abs _section_cstart, $3  }
0xc2: {  	[dreg:$0x1] =	wrdreg $0xFFFFFFFF  }
0xc3: {  	_ =	task.clear_ibuf [dreg:s8], $0x2FFFF;
	_ =	strace $0x9FFFFFFF  }
0xc4: {  	(tm) =	ssettm $0x7FFFFFFF  }
0xc5: {  	_ =	shalt  }
tec
execute0_lowered:
.L_overlay_start_1:
0x0: {  	(tag) =	ssettag $0x1  }
0x1: {  	s0 =	srdreg.scid  }
0x2: {  	s1 =	rddreg [dreg:$0x0];
	s3 =	stileid.u32;
	s0 =	sand.u32 $0x1, s0  }
0x3: {  	s2 =	rddreg [dreg:$0x1];
	s3 =	sshll.u32 s3, $0xA;
	s4 =	sshll.u32 s0, $0x9  }
0x4: {  	s5 =	rddreg [dreg:$0x2];
	s4 =	sor.u32 s4, s3  }
0x5: {  	s3 =	simm.s32 $0x0;
	s6 =	sshrl.u32 s4, $0x3;
	s4 =	sshll.u32 s4, $0x8  }
0x6: {  	[smem:$0x7FF] =	sst s3;
	s2 =	sadd.s32 s6, s2;
	s12 =	sadd.s32 s5, s4  }
0x7: {  	_ =	strace $0x80000047;
	s2 =	sadd.s32 $0x600, s2;
	[smem:$0x7FC] =	sst s12  }
0x8: {  	s17 =	sadd.s32 $0x1000, s12;
	[dreg:$0x4] =	wrdreg s2  }
0x9: {  	s18 =	sadd.s32 $0x2000, s12;
	[dreg:$0x5] =	wrdreg s17  }
0xa: {  	s19 =	sadd.s32 $0x3000, s12;
	[dreg:$0x6] =	wrdreg s18  }
0xb: {  	s20 =	sadd.s32 $0x4000, s12;
	[dreg:$0x7] =	wrdreg s19  }
0xc: {  	s21 =	sadd.s32 $0x5000, s12;
	[dreg:$0x8] =	wrdreg s20  }
0xd: {  	s22 =	sadd.s32 $0x6000, s12;
	[dreg:$0x9] =	wrdreg s21  }
0xe: {  	s23 =	sadd.s32 $0x7000, s12;
	[dreg:$0xa] =	wrdreg s22  }
0xf: {  	s24 =	sadd.s32 $0x8000, s12;
	[dreg:$0xb] =	wrdreg s23  }
0x10: {  	s25 =	sadd.s32 $0x9000, s12;
	[dreg:$0xc] =	wrdreg s24  }
0x11: {  	s26 =	sadd.s32 $0xA000, s12;
	[dreg:$0xd] =	wrdreg s25  }
0x12: {  	s4 =	sadd.s32 $0xB000, s12;
	[dreg:$0xe] =	wrdreg s26  }
0x13: {  	s5 =	sadd.s32 $0xC000, s12;
	[dreg:$0xf] =	wrdreg s4  }
0x14: {  	s6 =	sadd.s32 $0xD000, s12;
	[dreg:$0x10] =	wrdreg s5  }
0x15: {  	s7 =	sadd.s32 $0xE000, s12;
	[dreg:$0x11] =	wrdreg s6  }
0x16: {  	s8 =	sadd.s32 $0xF000, s12;
	[dreg:$0x12] =	wrdreg s7  }
0x17: {  	s9 =	sadd.s32 $0x10000, s12;
	[dreg:$0x13] =	wrdreg s8  }
0x18: {  	s31 =	simm.s32 $0x8200;
	s10 =	sadd.s32 $0x11000, s12;
	[dreg:$0x14] =	wrdreg s9  }
0x19: {  	s28 =	simm.s32 $0x10200;
	s11 =	sadd.s32 $0x12000, s12;
	[dreg:$0x15] =	wrdreg s10  }
0x1a: {  	s29 =	simm.s32 $0x2;
	s13 =	sadd.s32 $0x13000, s12;
	[dreg:$0x16] =	wrdreg s11  }
0x1b: {  	s30 =	simm.s32 $0x4;
	s14 =	sadd.s32 $0x14000, s12;
	[dreg:$0x17] =	wrdreg s13  }
0x1c: {  	s0 =	ssub.s32 $0x2, s0;
	s15 =	sadd.s32 $0x15000, s12;
	[dreg:$0x18] =	wrdreg s14  }
0x1d: {  	s16 =	sadd.s32 $0x16000, s12;
	[dreg:$0x19] =	wrdreg s15;
	s17 =	sshrl.u32 s0, $0x1  }
0x1e: {  	[dreg:$0x1a] =	wrdreg s16;
	s18 =	sadd.s32 $0x17000, s12;
	s19 =	sadd.s32 $0x18000, s12  }
0x1f: {  	s5 =	sadd.s32 $0x100, s1;
	s20 =	sadd.s32 $0x19000, s12;
	[dreg:$0x1b] =	wrdreg s18  }
0x20: {  	s6 =	sadd.s32 $0x200, s1;
	s21 =	sadd.s32 $0x1A000, s12;
	[dreg:$0x1c] =	wrdreg s19  }
0x21: {  	s7 =	sadd.s32 $0x300, s1;
	s22 =	sadd.s32 $0x1B000, s12;
	[dreg:$0x1d] =	wrdreg s20  }
0x22: {  	s8 =	sadd.s32 $0x400, s1;
	s23 =	sadd.s32 $0x1C000, s12;
	[dreg:$0x1e] =	wrdreg s21  }
0x23: {  	s9 =	sadd.s32 $0x500, s1;
	s24 =	sadd.s32 $0x1D000, s12;
	[dreg:$0x1f] =	wrdreg s22  }
0x24: {  	s10 =	sadd.s32 $0x600, s1;
	s25 =	sadd.s32 $0x1E000, s12;
	[smem:$0x7F9] =	sst s23  }
0x25: {  	s11 =	sadd.s32 $0x700, s1;
	s26 =	sadd.s32 $0x1F000, s12;
	[smem:$0x7FA] =	sst s24  }
0x26: {  	v2 =	vlaneseq.u32;
	s14 =	simm.s32 $0x200;
	s2 =	simm.s32 $0x3;
	[smem:$0x7FB] =	sst s25  }
0x27: {  	vm0 =	vmmov $0xffff;
	v1 =	vshrl.u32 v2, $0x3;
	s13 =	simm.s32 $0x6;
	s0 =	ssub.s32 s0, s17;
	[smem:$0x7FD] =	sst s26  }
0x28: {  	v0 =	vand.u32 $0x7, v2;
	v2 =	vor.u32 $0x8, v2;
	v1 =	vmul.u32 $0x8, v1;
	s26 =	simm.s32 $0x1;
	s4 =	smax.u32 s0, $0x1;
	s0 =	simm.s32 $0x5  }
.LBB2_1:
0x29: {  	[smem:$0x7F8] =	sst s4  }
0x2a: {  	s22 =	rddreg [dreg:$0x4];
	s23 =	simm.s32 $0x7  }
0x2b: {  	[tilespmem:s3], [sflag:$0x7] =	stream.linear.gather [hbm4b:s22+s3], $0x200, $0x38;
	[tilespmem:$0x18200] =	vst v63  }
0x2c: {  	_ =	swait.ge [sflag:s23], $0x200  }
0x2d: {  	[sflag:s23] =	ssyncset.done $0x0  }
0x2e: {  	[sflag:s23] =	ssyncadd.s32 $0xFFFFFE00  }
0x2f: {  	v3 =	vld [tilespmem:$0x0];
	_ =	sdelay $0x4  }
0x30: {  	v4 =	vshll.u32 v3, $0x4  }
0x31: {  	v3 =	vand.u32 $0x7, v3;
	v4 =	vand.u32 $0xFFFFFF80, v4  }
0x32: {  	v3 =	vor.u32 v3, v4  }
0x33: {  	v4 =	vperm.xlane v3, v0;
	_ =	sdelay $0x1  }
0x34: {  	v4 =	vadd.s32 v1, v4;
	_ =	sdelay $0x4  }
0x35: {  	[tilespmem:s14], [sflag:$0x1] =	stream.indirect_vreg.gather [hbm4b:s1+s3], $0x80, v4, vm0, $0xb8;
	[tilespmem:$0x18200] =	vst v63  }
0x36: {  	s24 =	simm.s32 $0xA00  }
0x37: {  	[tilespmem:s24], [sflag:$0x1] =	stream.indirect_vreg.gather [hbm4b:s5+s3], $0x80, v4, vm0, $0xb8;
	[tilespmem:$0x18200] =	vst v63  }
0x38: {  	s25 =	simm.s32 $0x1200  }
0x39: {  	[tilespmem:s25], [sflag:$0x1] =	stream.indirect_vreg.gather [hbm4b:s6+s3], $0x80, v4, vm0, $0xb8;
	[tilespmem:$0x18200] =	vst v63  }
0x3a: {  	s12 =	simm.s32 $0x1A00  }
0x3b: {  	[tilespmem:s12], [sflag:$0x1] =	stream.indirect_vreg.gather [hbm4b:s7+s3], $0x80, v4, vm0, $0xb8;
	[tilespmem:$0x18200] =	vst v63  }
0x3c: {  	s15 =	simm.s32 $0x2200  }
0x3d: {  	[tilespmem:s15], [sflag:$0x1] =	stream.indirect_vreg.gather [hbm4b:s8+s3], $0x80, v4, vm0, $0xb8;
	[tilespmem:$0x18200] =	vst v63  }
0x3e: {  	s16 =	simm.s32 $0x2A00;
	v3 =	vperm.xlane v3, v2  }
0x3f: {  	[tilespmem:s16], [sflag:$0x1] =	stream.indirect_vreg.gather [hbm4b:s9+s3], $0x80, v4, vm0, $0xb8;
	[tilespmem:$0x18200] =	vst v63  }
0x40: {  	s17 =	simm.s32 $0x3200;
	v3 =	vadd.s32 v1, v3  }
0x41: {  	[tilespmem:s17], [sflag:$0x1] =	stream.indirect_vreg.gather [hbm4b:s10+s3], $0x80, v4, vm0, $0xb8;
	[tilespmem:$0x18200] =	vst v63  }
0x42: {  	s18 =	simm.s32 $0x3A00  }
0x43: {  	[tilespmem:s18], [sflag:$0x1] =	stream.indirect_vreg.gather [hbm4b:s11+s3], $0x80, v4, vm0, $0xb8;
	[tilespmem:$0x18200] =	vst v63  }
0x44: {  	s19 =	simm.s32 $0x4200  }
0x45: {  	[tilespmem:s19], [sflag:$0x1] =	stream.indirect_vreg.gather [hbm4b:s1+s3], $0x80, v3, vm0, $0xb8;
	[tilespmem:$0x18200] =	vst v63  }
0x46: {  	s20 =	simm.s32 $0x4A00  }
0x47: {  	[tilespmem:s20], [sflag:$0x1] =	stream.indirect_vreg.gather [hbm4b:s5+s3], $0x80, v3, vm0, $0xb8;
	[tilespmem:$0x18200] =	vst v63  }
0x48: {  	s21 =	simm.s32 $0x5200  }
0x49: {  	[tilespmem:s21], [sflag:$0x1] =	stream.indirect_vreg.gather [hbm4b:s6+s3], $0x80, v3, vm0, $0xb8;
	[tilespmem:$0x18200] =	vst v63  }
0x4a: {  	s22 =	simm.s32 $0x5A00  }
0x4b: {  	[tilespmem:s22], [sflag:$0x1] =	stream.indirect_vreg.gather [hbm4b:s7+s3], $0x80, v3, vm0, $0xb8;
	[tilespmem:$0x18200] =	vst v63  }
0x4c: {  	s23 =	simm.s32 $0x6200  }
0x4d: {  	[tilespmem:s23], [sflag:$0x1] =	stream.indirect_vreg.gather [hbm4b:s8+s3], $0x80, v3, vm0, $0xb8;
	[tilespmem:$0x18200] =	vst v63  }
0x4e: {  	s24 =	simm.s32 $0x6A00  }
0x4f: {  	[tilespmem:s24], [sflag:$0x1] =	stream.indirect_vreg.gather [hbm4b:s9+s3], $0x80, v3, vm0, $0xb8;
	[tilespmem:$0x18200] =	vst v63  }
0x50: {  	s25 =	simm.s32 $0x7200  }
0x51: {  	[tilespmem:s25], [sflag:$0x1] =	stream.indirect_vreg.gather [hbm4b:s10+s3], $0x80, v3, vm0, $0xb8;
	[tilespmem:$0x18200] =	vst v63  }
0x52: {  	s16 =	simm.s32 $0x7A00  }
0x53: {  	[tilespmem:s16], [sflag:$0x1] =	stream.indirect_vreg.gather [hbm4b:s11+s3], $0x80, v3, vm0, $0xb8;
	[tilespmem:$0x18200] =	vst v63  }
0x54: {  	v3 =	vld [tilespmem:$0x10];
	_ =	sdelay $0x4  }
0x55: {  	v33 =	vshll.u32 v3, $0x4  }
0x56: {  	v3 =	vand.u32 $0x7, v3;
	v4 =	vand.u32 $0xFFFFFF80, v33  }
0x57: {  	v3 =	vor.u32 v3, v4  }
0x58: {  	v4 =	vperm.xlane v3, v0;
	_ =	sdelay $0x1  }
0x59: {  	v4 =	vadd.s32 v1, v4;
	_ =	sdelay $0x4  }
0x5a: {  	[tilespmem:s31], [sflag:$0x2] =	stream.indirect_vreg.gather [hbm4b:s1+s3], $0x80, v4, vm0, $0xb8;
	[tilespmem:$0x18200] =	vst v63  }
0x5b: {  	s4 =	simm.s32 $0x8A00  }
0x5c: {  	[tilespmem:s4], [sflag:$0x2] =	stream.indirect_vreg.gather [hbm4b:s5+s3], $0x80, v4, vm0, $0xb8;
	[tilespmem:$0x18200] =	vst v63  }
0x5d: {  	s4 =	simm.s32 $0x9200  }
0x5e: {  	[tilespmem:s4], [sflag:$0x2] =	stream.indirect_vreg.gather [hbm4b:s6+s3], $0x80, v4, vm0, $0xb8;
	[tilespmem:$0x18200] =	vst v63  }
0x5f: {  	s4 =	simm.s32 $0x9A00  }
0x60: {  	[tilespmem:s4], [sflag:$0x2] =	stream.indirect_vreg.gather [hbm4b:s7+s3], $0x80, v4, vm0, $0xb8;
	[tilespmem:$0x18200] =	vst v63  }
0x61: {  	s4 =	simm.s32 $0xA200  }
0x62: {  	[tilespmem:s4], [sflag:$0x2] =	stream.indirect_vreg.gather [hbm4b:s8+s3], $0x80, v4, vm0, $0xb8;
	[tilespmem:$0x18200] =	vst v63  }
0x63: {  	v3 =	vperm.xlane v3, v2;
	s4 =	simm.s32 $0xAA00  }
0x64: {  	[tilespmem:s4], [sflag:$0x2] =	stream.indirect_vreg.gather [hbm4b:s9+s3], $0x80, v4, vm0, $0xb8;
	[tilespmem:$0x18200] =	vst v63  }
0x65: {  	v3 =	vadd.s32 v1, v3;
	s4 =	simm.s32 $0xB200  }
0x66: {  	[tilespmem:s4], [sflag:$0x2] =	stream.indirect_vreg.gather [hbm4b:s10+s3], $0x80, v4, vm0, $0xb8;
	[tilespmem:$0x18200] =	vst v63  }
0x67: {  	s4 =	simm.s32 $0xBA00  }
0x68: {  	[tilespmem:s4], [sflag:$0x2] =	stream.indirect_vreg.gather [hbm4b:s11+s3], $0x80, v4, vm0, $0xb8;
	[tilespmem:$0x18200] =	vst v63  }
0x69: {  	s4 =	simm.s32 $0xC200  }
0x6a: {  	[tilespmem:s4], [sflag:$0x2] =	stream.indirect_vreg.gather [hbm4b:s1+s3], $0x80, v3, vm0, $0xb8;
	[tilespmem:$0x18200] =	vst v63  }
0x6b: {  	s4 =	simm.s32 $0xCA00  }
0x6c: {  	[tilespmem:s4], [sflag:$0x2] =	stream.indirect_vreg.gather [hbm4b:s5+s3], $0x80, v3, vm0, $0xb8;
	[tilespmem:$0x18200] =	vst v63  }
0x6d: {  	s4 =	simm.s32 $0xD200  }
0x6e: {  	[tilespmem:s4], [sflag:$0x2] =	stream.indirect_vreg.gather [hbm4b:s6+s3], $0x80, v3, vm0, $0xb8;
	[tilespmem:$0x18200] =	vst v63  }
0x6f: {  	s4 =	simm.s32 $0xDA00  }
0x70: {  	[tilespmem:s4], [sflag:$0x2] =	stream.indirect_vreg.gather [hbm4b:s7+s3], $0x80, v3, vm0, $0xb8;
	[tilespmem:$0x18200] =	vst v63  }
0x71: {  	s4 =	simm.s32 $0xE200  }
0x72: {  	[tilespmem:s4], [sflag:$0x2] =	stream.indirect_vreg.gather [hbm4b:s8+s3], $0x80, v3, vm0, $0xb8;
	[tilespmem:$0x18200] =	vst v63  }
0x73: {  	s4 =	simm.s32 $0xEA00  }
0x74: {  	[tilespmem:s4], [sflag:$0x2] =	stream.indirect_vreg.gather [hbm4b:s9+s3], $0x80, v3, vm0, $0xb8;
	[tilespmem:$0x18200] =	vst v63  }
0x75: {  	s4 =	simm.s32 $0xF200  }
0x76: {  	[tilespmem:s4], [sflag:$0x2] =	stream.indirect_vreg.gather [hbm4b:s10+s3], $0x80, v3, vm0, $0xb8;
	[tilespmem:$0x18200] =	vst v63  }
0x77: {  	s4 =	simm.s32 $0xFA00  }
0x78: {  	[tilespmem:s4], [sflag:$0x2] =	stream.indirect_vreg.gather [hbm4b:s11+s3], $0x80, v3, vm0, $0xb8;
	[tilespmem:$0x18200] =	vst v63  }
0x79: {  	_ =	swait.ge [sflag:s26], $0x8000  }
0x7a: {  	s4 =	sld [smem:$0x7FC]  }
0x7b: {  	[sflag:s26] =	ssyncset.done $0x0  }
0x7c: {  	[sflag:s26] =	ssyncadd.s32 $0xFFFF8000  }
0x7d: {  	[hbm4b:s4+s3] =	stream.linear.scatter [tilespmem:s14], [sflag:$0x4], $0x8000, $0x38;
	[tilespmem:$0x18200] =	vst v63  }
0x7e: {  	v3 =	vld [tilespmem:$0x20];
	_ =	sdelay $0x4  }
0x7f: {  	v34 =	vshll.u32 v3, $0x4  }
0x80: {  	v3 =	vand.u32 $0x7, v3;
	v4 =	vand.u32 $0xFFFFFF80, v34  }
0x81: {  	v3 =	vor.u32 v3, v4  }
0x82: {  	v4 =	vperm.xlane v3, v0;
	_ =	sdelay $0x1  }
0x83: {  	v4 =	vadd.s32 v1, v4;
	_ =	sdelay $0x4  }
0x84: {  	[tilespmem:s28], [sflag:$0x3] =	stream.indirect_vreg.gather [hbm4b:s1+s3], $0x80, v4, vm0, $0xb8;
	[tilespmem:$0x18200] =	vst v63  }
0x85: {  	s4 =	simm.s32 $0x10A00  }
0x86: {  	[tilespmem:s4], [sflag:$0x3] =	stream.indirect_vreg.gather [hbm4b:s5+s3], $0x80, v4, vm0, $0xb8;
	[tilespmem:$0x18200] =	vst v63  }
0x87: {  	s4 =	simm.s32 $0x11200  }
0x88: {  	[tilespmem:s4], [sflag:$0x3] =	stream.indirect_vreg.gather [hbm4b:s6+s3], $0x80, v4, vm0, $0xb8;
	[tilespmem:$0x18200] =	vst v63  }
0x89: {  	s4 =	simm.s32 $0x11A00  }
0x8a: {  	[tilespmem:s4], [sflag:$0x3] =	stream.indirect_vreg.gather [hbm4b:s7+s3], $0x80, v4, vm0, $0xb8;
	[tilespmem:$0x18200] =	vst v63  }
0x8b: {  	s4 =	simm.s32 $0x12200  }
0x8c: {  	[tilespmem:s4], [sflag:$0x3] =	stream.indirect_vreg.gather [hbm4b:s8+s3], $0x80, v4, vm0, $0xb8;
	[tilespmem:$0x18200] =	vst v63  }
0x8d: {  	v3 =	vperm.xlane v3, v2;
	s4 =	simm.s32 $0x12A00  }
0x8e: {  	[tilespmem:s4], [sflag:$0x3] =	stream.indirect_vreg.gather [hbm4b:s9+s3], $0x80, v4, vm0, $0xb8;
	[tilespmem:$0x18200] =	vst v63  }
0x8f: {  	v3 =	vadd.s32 v1, v3;
	s4 =	simm.s32 $0x13200  }
0x90: {  	[tilespmem:s4], [sflag:$0x3] =	stream.indirect_vreg.gather [hbm4b:s10+s3], $0x80, v4, vm0, $0xb8;
	[tilespmem:$0x18200] =	vst v63  }
0x91: {  	s4 =	simm.s32 $0x13A00  }
0x92: {  	[tilespmem:s4], [sflag:$0x3] =	stream.indirect_vreg.gather [hbm4b:s11+s3], $0x80, v4, vm0, $0xb8;
	[tilespmem:$0x18200] =	vst v63  }
0x93: {  	s4 =	simm.s32 $0x14200  }
0x94: {  	[tilespmem:s4], [sflag:$0x3] =	stream.indirect_vreg.gather [hbm4b:s1+s3], $0x80, v3, vm0, $0xb8;
	[tilespmem:$0x18200] =	vst v63  }
0x95: {  	s4 =	simm.s32 $0x14A00  }
0x96: {  	[tilespmem:s4], [sflag:$0x3] =	stream.indirect_vreg.gather [hbm4b:s5+s3], $0x80, v3, vm0, $0xb8;
	[tilespmem:$0x18200] =	vst v63  }
0x97: {  	s4 =	simm.s32 $0x15200  }
0x98: {  	[tilespmem:s4], [sflag:$0x3] =	stream.indirect_vreg.gather [hbm4b:s6+s3], $0x80, v3, vm0, $0xb8;
	[tilespmem:$0x18200] =	vst v63  }
0x99: {  	s4 =	simm.s32 $0x15A00  }
0x9a: {  	[tilespmem:s4], [sflag:$0x3] =	stream.indirect_vreg.gather [hbm4b:s7+s3], $0x80, v3, vm0, $0xb8;
	[tilespmem:$0x18200] =	vst v63  }
0x9b: {  	s4 =	simm.s32 $0x16200  }
0x9c: {  	[tilespmem:s4], [sflag:$0x3] =	stream.indirect_vreg.gather [hbm4b:s8+s3], $0x80, v3, vm0, $0xb8;
	[tilespmem:$0x18200] =	vst v63  }
0x9d: {  	s4 =	simm.s32 $0x16A00  }
0x9e: {  	[tilespmem:s4], [sflag:$0x3] =	stream.indirect_vreg.gather [hbm4b:s9+s3], $0x80, v3, vm0, $0xb8;
	[tilespmem:$0x18200] =	vst v63  }
0x9f: {  	s4 =	simm.s32 $0x17200  }
0xa0: {  	[tilespmem:s4], [sflag:$0x3] =	stream.indirect_vreg.gather [hbm4b:s10+s3], $0x80, v3, vm0, $0xb8;
	[tilespmem:$0x18200] =	vst v63  }
0xa1: {  	s4 =	simm.s32 $0x17A00  }
0xa2: {  	[tilespmem:s4], [sflag:$0x3] =	stream.indirect_vreg.gather [hbm4b:s11+s3], $0x80, v3, vm0, $0xb8;
	[tilespmem:$0x18200] =	vst v63  }
0xa3: {  	_ =	swait.ge [sflag:s29], $0x8000  }
0xa4: {  	[sflag:s29] =	ssyncset.done $0x0  }
0xa5: {  	s4 =	rddreg [dreg:$0x5];
	[sflag:s29] =	ssyncadd.s32 $0xFFFF8000  }
0xa6: {  	[hbm4b:s4+s3] =	stream.linear.scatter [tilespmem:s31], [sflag:$0x5], $0x8000, $0x38;
	[tilespmem:$0x18200] =	vst v63  }
0xa7: {  	_ =	swait.ge [sflag:s30], $0x8000  }
0xa8: {  	[sflag:s30] =	ssyncset.done $0x0  }
0xa9: {  	[sflag:s30] =	ssyncadd.s32 $0xFFFF8000  }
0xaa: {  	v3 =	vld [tilespmem:$0x30];
	_ =	sdelay $0x4  }
0xab: {  	v35 =	vshll.u32 v3, $0x4  }
0xac: {  	v3 =	vand.u32 $0x7, v3;
	v4 =	vand.u32 $0xFFFFFF80, v35  }
0xad: {  	v3 =	vor.u32 v3, v4  }
0xae: {  	v4 =	vperm.xlane v3, v0;
	_ =	sdelay $0x1  }
0xaf: {  	v4 =	vadd.s32 v1, v4;
	_ =	sdelay $0x4  }
0xb0: {  	[tilespmem:s14], [sflag:$0x1] =	stream.indirect_vreg.gather [hbm4b:s1+s3], $0x80, v4, vm0, $0xb8;
	[tilespmem:$0x18200] =	vst v63  }
0xb1: {  	s4 =	simm.s32 $0xA00  }
0xb2: {  	[tilespmem:s4], [sflag:$0x1] =	stream.indirect_vreg.gather [hbm4b:s5+s3], $0x80, v4, vm0, $0xb8;
	[tilespmem:$0x18200] =	vst v63  }
0xb3: {  	s4 =	simm.s32 $0x1200  }
0xb4: {  	[tilespmem:s4], [sflag:$0x1] =	stream.indirect_vreg.gather [hbm4b:s6+s3], $0x80, v4, vm0, $0xb8;
	[tilespmem:$0x18200] =	vst v63  }
0xb5: {  	s4 =	simm.s32 $0x1A00  }
0xb6: {  	[tilespmem:s4], [sflag:$0x1] =	stream.indirect_vreg.gather [hbm4b:s7+s3], $0x80, v4, vm0, $0xb8;
	[tilespmem:$0x18200] =	vst v63  }
0xb7: {  	s12 =	simm.s32 $0x2200  }
0xb8: {  	[tilespmem:s12], [sflag:$0x1] =	stream.indirect_vreg.gather [hbm4b:s8+s3], $0x80, v4, vm0, $0xb8;
	[tilespmem:$0x18200] =	vst v63  }
0xb9: {  	s15 =	simm.s32 $0x2A00;
	v3 =	vperm.xlane v3, v2  }
0xba: {  	[tilespmem:s15], [sflag:$0x1] =	stream.indirect_vreg.gather [hbm4b:s9+s3], $0x80, v4, vm0, $0xb8;
	[tilespmem:$0x18200] =	vst v63  }
0xbb: {  	s17 =	simm.s32 $0x3200;
	v3 =	vadd.s32 v1, v3  }
0xbc: {  	[tilespmem:s17], [sflag:$0x1] =	stream.indirect_vreg.gather [hbm4b:s10+s3], $0x80, v4, vm0, $0xb8;
	[tilespmem:$0x18200] =	vst v63  }
0xbd: {  	s18 =	simm.s32 $0x3A00  }
0xbe: {  	[tilespmem:s18], [sflag:$0x1] =	stream.indirect_vreg.gather [hbm4b:s11+s3], $0x80, v4, vm0, $0xb8;
	[tilespmem:$0x18200] =	vst v63  }
0xbf: {  	s19 =	simm.s32 $0x4200  }
0xc0: {  	[tilespmem:s19], [sflag:$0x1] =	stream.indirect_vreg.gather [hbm4b:s1+s3], $0x80, v3, vm0, $0xb8;
	[tilespmem:$0x18200] =	vst v63  }
0xc1: {  	s20 =	simm.s32 $0x4A00  }
0xc2: {  	[tilespmem:s20], [sflag:$0x1] =	stream.indirect_vreg.gather [hbm4b:s5+s3], $0x80, v3, vm0, $0xb8;
	[tilespmem:$0x18200] =	vst v63  }
0xc3: {  	s21 =	simm.s32 $0x5200  }
0xc4: {  	[tilespmem:s21], [sflag:$0x1] =	stream.indirect_vreg.gather [hbm4b:s6+s3], $0x80, v3, vm0, $0xb8;
	[tilespmem:$0x18200] =	vst v63  }
0xc5: {  	s22 =	simm.s32 $0x5A00  }
0xc6: {  	[tilespmem:s22], [sflag:$0x1] =	stream.indirect_vreg.gather [hbm4b:s7+s3], $0x80, v3, vm0, $0xb8;
	[tilespmem:$0x18200] =	vst v63  }
0xc7: {  	s23 =	simm.s32 $0x6200  }
0xc8: {  	[tilespmem:s23], [sflag:$0x1] =	stream.indirect_vreg.gather [hbm4b:s8+s3], $0x80, v3, vm0, $0xb8;
	[tilespmem:$0x18200] =	vst v63  }
0xc9: {  	s24 =	simm.s32 $0x6A00  }
0xca: {  	[tilespmem:s24], [sflag:$0x1] =	stream.indirect_vreg.gather [hbm4b:s9+s3], $0x80, v3, vm0, $0xb8;
	[tilespmem:$0x18200] =	vst v63  }
0xcb: {  	s25 =	simm.s32 $0x7200  }
0xcc: {  	[tilespmem:s25], [sflag:$0x1] =	stream.indirect_vreg.gather [hbm4b:s10+s3], $0x80, v3, vm0, $0xb8;
	[tilespmem:$0x18200] =	vst v63  }
0xcd: {  	s16 =	simm.s32 $0x7A00  }
0xce: {  	[tilespmem:s16], [sflag:$0x1] =	stream.indirect_vreg.gather [hbm4b:s11+s3], $0x80, v3, vm0, $0xb8;
	[tilespmem:$0x18200] =	vst v63  }
0xcf: {  	_ =	swait.ge [sflag:s2], $0x8000  }
0xd0: {  	[sflag:s2] =	ssyncset.done $0x0  }
0xd1: {  	s20 =	rddreg [dreg:$0x6];
	[sflag:s2] =	ssyncadd.s32 $0xFFFF8000  }
0xd2: {  	[hbm4b:s20+s3] =	stream.linear.scatter [tilespmem:s28], [sflag:$0x6], $0x8000, $0x38;
	[tilespmem:$0x18200] =	vst v63  }
0xd3: {  	_ =	swait.ge [sflag:s0], $0x8000  }
0xd4: {  	[sflag:s0] =	ssyncset.done $0x0  }
0xd5: {  	[sflag:s0] =	ssyncadd.s32 $0xFFFF8000  }
0xd6: {  	v3 =	vld [tilespmem:$0x40];
	_ =	sdelay $0x4  }
0xd7: {  	v36 =	vshll.u32 v3, $0x4  }
0xd8: {  	v3 =	vand.u32 $0x7, v3;
	v4 =	vand.u32 $0xFFFFFF80, v36  }
0xd9: {  	v3 =	vor.u32 v3, v4  }
0xda: {  	v4 =	vperm.xlane v3, v0;
	_ =	sdelay $0x1  }
0xdb: {  	v4 =	vadd.s32 v1, v4;
	_ =	sdelay $0x4  }
0xdc: {  	[tilespmem:s31], [sflag:$0x2] =	stream.indirect_vreg.gather [hbm4b:s1+s3], $0x80, v4, vm0, $0xb8;
	[tilespmem:$0x18200] =	vst v63  }
0xdd: {  	s21 =	simm.s32 $0x8A00  }
0xde: {  	[tilespmem:s21], [sflag:$0x2] =	stream.indirect_vreg.gather [hbm4b:s5+s3], $0x80, v4, vm0, $0xb8;
	[tilespmem:$0x18200] =	vst v63  }
0xdf: {  	s22 =	simm.s32 $0x9200  }
0xe0: {  	[tilespmem:s22], [sflag:$0x2] =	stream.indirect_vreg.gather [hbm4b:s6+s3], $0x80, v4, vm0, $0xb8;
	[tilespmem:$0x18200] =	vst v63  }
0xe1: {  	s23 =	simm.s32 $0x9A00  }
0xe2: {  	[tilespmem:s23], [sflag:$0x2] =	stream.indirect_vreg.gather [hbm4b:s7+s3], $0x80, v4, vm0, $0xb8;
	[tilespmem:$0x18200] =	vst v63  }
0xe3: {  	s24 =	simm.s32 $0xA200  }
0xe4: {  	[tilespmem:s24], [sflag:$0x2] =	stream.indirect_vreg.gather [hbm4b:s8+s3], $0x80, v4, vm0, $0xb8;
	[tilespmem:$0x18200] =	vst v63  }
0xe5: {  	s25 =	simm.s32 $0xAA00;
	v3 =	vperm.xlane v3, v2  }
0xe6: {  	[tilespmem:s25], [sflag:$0x2] =	stream.indirect_vreg.gather [hbm4b:s9+s3], $0x80, v4, vm0, $0xb8;
	[tilespmem:$0x18200] =	vst v63  }
0xe7: {  	s17 =	simm.s32 $0xB200;
	v3 =	vadd.s32 v1, v3  }
0xe8: {  	[tilespmem:s17], [sflag:$0x2] =	stream.indirect_vreg.gather [hbm4b:s10+s3], $0x80, v4, vm0, $0xb8;
	[tilespmem:$0x18200] =	vst v63  }
0xe9: {  	s18 =	simm.s32 $0xBA00  }
0xea: {  	[tilespmem:s18], [sflag:$0x2] =	stream.indirect_vreg.gather [hbm4b:s11+s3], $0x80, v4, vm0, $0xb8;
	[tilespmem:$0x18200] =	vst v63  }
0xeb: {  	s19 =	simm.s32 $0xC200  }
0xec: {  	[tilespmem:s19], [sflag:$0x2] =	stream.indirect_vreg.gather [hbm4b:s1+s3], $0x80, v3, vm0, $0xb8;
	[tilespmem:$0x18200] =	vst v63  }
0xed: {  	s20 =	simm.s32 $0xCA00  }
0xee: {  	[tilespmem:s20], [sflag:$0x2] =	stream.indirect_vreg.gather [hbm4b:s5+s3], $0x80, v3, vm0, $0xb8;
	[tilespmem:$0x18200] =	vst v63  }
0xef: {  	s21 =	simm.s32 $0xD200  }
0xf0: {  	[tilespmem:s21], [sflag:$0x2] =	stream.indirect_vreg.gather [hbm4b:s6+s3], $0x80, v3, vm0, $0xb8;
	[tilespmem:$0x18200] =	vst v63  }
0xf1: {  	s22 =	simm.s32 $0xDA00  }
0xf2: {  	[tilespmem:s22], [sflag:$0x2] =	stream.indirect_vreg.gather [hbm4b:s7+s3], $0x80, v3, vm0, $0xb8;
	[tilespmem:$0x18200] =	vst v63  }
0xf3: {  	s23 =	simm.s32 $0xE200  }
0xf4: {  	[tilespmem:s23], [sflag:$0x2] =	stream.indirect_vreg.gather [hbm4b:s8+s3], $0x80, v3, vm0, $0xb8;
	[tilespmem:$0x18200] =	vst v63  }
0xf5: {  	s24 =	simm.s32 $0xEA00  }
0xf6: {  	[tilespmem:s24], [sflag:$0x2] =	stream.indirect_vreg.gather [hbm4b:s9+s3], $0x80, v3, vm0, $0xb8;
	[tilespmem:$0x18200] =	vst v63  }
0xf7: {  	s25 =	simm.s32 $0xF200  }
0xf8: {  	[tilespmem:s25], [sflag:$0x2] =	stream.indirect_vreg.gather [hbm4b:s10+s3], $0x80, v3, vm0, $0xb8;
	[tilespmem:$0x18200] =	vst v63  }
0xf9: {  	s4 =	simm.s32 $0xFA00  }
0xfa: {  	[tilespmem:s4], [sflag:$0x2] =	stream.indirect_vreg.gather [hbm4b:s11+s3], $0x80, v3, vm0, $0xb8;
	[tilespmem:$0x18200] =	vst v63  }
0xfb: {  	_ =	swait.ge [sflag:s26], $0x8000  }
0xfc: {  	[sflag:s26] =	ssyncset.done $0x0  }
0xfd: {  	s4 =	rddreg [dreg:$0x7];
	[sflag:s26] =	ssyncadd.s32 $0xFFFF8000  }
0xfe: {  	[hbm4b:s4+s3] =	stream.linear.scatter [tilespmem:s14], [sflag:$0x4], $0x8000, $0x38;
	[tilespmem:$0x18200] =	vst v63  }
0xff: {  	_ =	swait.ge [sflag:s13], $0x8000  }
0x100: {  	[sflag:s13] =	ssyncset.done $0x0  }
0x101: {  	[sflag:s13] =	ssyncadd.s32 $0xFFFF8000  }
0x102: {  	v3 =	vld [tilespmem:$0x50];
	_ =	sdelay $0x4  }
0x103: {  	v37 =	vshll.u32 v3, $0x4  }
0x104: {  	v3 =	vand.u32 $0x7, v3;
	v4 =	vand.u32 $0xFFFFFF80, v37  }
0x105: {  	v3 =	vor.u32 v3, v4  }
0x106: {  	v4 =	vperm.xlane v3, v0;
	_ =	sdelay $0x1  }
0x107: {  	v4 =	vadd.s32 v1, v4;
	_ =	sdelay $0x4  }
0x108: {  	[tilespmem:s28], [sflag:$0x3] =	stream.indirect_vreg.gather [hbm4b:s1+s3], $0x80, v4, vm0, $0xb8;
	[tilespmem:$0x18200] =	vst v63  }
0x109: {  	s4 =	simm.s32 $0x10A00  }
0x10a: {  	[tilespmem:s4], [sflag:$0x3] =	stream.indirect_vreg.gather [hbm4b:s5+s3], $0x80, v4, vm0, $0xb8;
	[tilespmem:$0x18200] =	vst v63  }
0x10b: {  	s4 =	simm.s32 $0x11200  }
0x10c: {  	[tilespmem:s4], [sflag:$0x3] =	stream.indirect_vreg.gather [hbm4b:s6+s3], $0x80, v4, vm0, $0xb8;
	[tilespmem:$0x18200] =	vst v63  }
0x10d: {  	s4 =	simm.s32 $0x11A00  }
0x10e: {  	[tilespmem:s4], [sflag:$0x3] =	stream.indirect_vreg.gather [hbm4b:s7+s3], $0x80, v4, vm0, $0xb8;
	[tilespmem:$0x18200] =	vst v63  }
0x10f: {  	s4 =	simm.s32 $0x12200  }
0x110: {  	[tilespmem:s4], [sflag:$0x3] =	stream.indirect_vreg.gather [hbm4b:s8+s3], $0x80, v4, vm0, $0xb8;
	[tilespmem:$0x18200] =	vst v63  }
0x111: {  	v3 =	vperm.xlane v3, v2;
	s4 =	simm.s32 $0x12A00  }
0x112: {  	[tilespmem:s4], [sflag:$0x3] =	stream.indirect_vreg.gather [hbm4b:s9+s3], $0x80, v4, vm0, $0xb8;
	[tilespmem:$0x18200] =	vst v63  }
0x113: {  	v3 =	vadd.s32 v1, v3;
	s4 =	simm.s32 $0x13200  }
0x114: {  	[tilespmem:s4], [sflag:$0x3] =	stream.indirect_vreg.gather [hbm4b:s10+s3], $0x80, v4, vm0, $0xb8;
	[tilespmem:$0x18200] =	vst v63  }
0x115: {  	s4 =	simm.s32 $0x13A00  }
0x116: {  	[tilespmem:s4], [sflag:$0x3] =	stream.indirect_vreg.gather [hbm4b:s11+s3], $0x80, v4, vm0, $0xb8;
	[tilespmem:$0x18200] =	vst v63  }
0x117: {  	s4 =	simm.s32 $0x14200  }
0x118: {  	[tilespmem:s4], [sflag:$0x3] =	stream.indirect_vreg.gather [hbm4b:s1+s3], $0x80, v3, vm0, $0xb8;
	[tilespmem:$0x18200] =	vst v63  }
0x119: {  	s4 =	simm.s32 $0x14A00  }
0x11a: {  	[tilespmem:s4], [sflag:$0x3] =	stream.indirect_vreg.gather [hbm4b:s5+s3], $0x80, v3, vm0, $0xb8;
	[tilespmem:$0x18200] =	vst v63  }
0x11b: {  	s4 =	simm.s32 $0x15200  }
0x11c: {  	[tilespmem:s4], [sflag:$0x3] =	stream.indirect_vreg.gather [hbm4b:s6+s3], $0x80, v3, vm0, $0xb8;
	[tilespmem:$0x18200] =	vst v63  }
0x11d: {  	s4 =	simm.s32 $0x15A00  }
0x11e: {  	[tilespmem:s4], [sflag:$0x3] =	stream.indirect_vreg.gather [hbm4b:s7+s3], $0x80, v3, vm0, $0xb8;
	[tilespmem:$0x18200] =	vst v63  }
0x11f: {  	s4 =	simm.s32 $0x16200  }
0x120: {  	[tilespmem:s4], [sflag:$0x3] =	stream.indirect_vreg.gather [hbm4b:s8+s3], $0x80, v3, vm0, $0xb8;
	[tilespmem:$0x18200] =	vst v63  }
0x121: {  	s4 =	simm.s32 $0x16A00  }
0x122: {  	[tilespmem:s4], [sflag:$0x3] =	stream.indirect_vreg.gather [hbm4b:s9+s3], $0x80, v3, vm0, $0xb8;
	[tilespmem:$0x18200] =	vst v63  }
0x123: {  	s4 =	simm.s32 $0x17200  }
0x124: {  	[tilespmem:s4], [sflag:$0x3] =	stream.indirect_vreg.gather [hbm4b:s10+s3], $0x80, v3, vm0, $0xb8;
	[tilespmem:$0x18200] =	vst v63  }
0x125: {  	s4 =	simm.s32 $0x17A00  }
0x126: {  	[tilespmem:s4], [sflag:$0x3] =	stream.indirect_vreg.gather [hbm4b:s11+s3], $0x80, v3, vm0, $0xb8;
	[tilespmem:$0x18200] =	vst v63  }
0x127: {  	_ =	swait.ge [sflag:s29], $0x8000  }
0x128: {  	[sflag:s29] =	ssyncset.done $0x0  }
0x129: {  	s4 =	rddreg [dreg:$0x8];
	[sflag:s29] =	ssyncadd.s32 $0xFFFF8000  }
0x12a: {  	[hbm4b:s4+s3] =	stream.linear.scatter [tilespmem:s31], [sflag:$0x5], $0x8000, $0x38;
	[tilespmem:$0x18200] =	vst v63  }
0x12b: {  	_ =	swait.ge [sflag:s30], $0x8000  }
0x12c: {  	[sflag:s30] =	ssyncset.done $0x0  }
0x12d: {  	[sflag:s30] =	ssyncadd.s32 $0xFFFF8000  }
0x12e: {  	v3 =	vld [tilespmem:$0x60];
	_ =	sdelay $0x4  }
0x12f: {  	v38 =	vshll.u32 v3, $0x4  }
0x130: {  	v3 =	vand.u32 $0x7, v3;
	v4 =	vand.u32 $0xFFFFFF80, v38  }
0x131: {  	v3 =	vor.u32 v3, v4  }
0x132: {  	v4 =	vperm.xlane v3, v0;
	_ =	sdelay $0x1  }
0x133: {  	v4 =	vadd.s32 v1, v4;
	_ =	sdelay $0x4  }
0x134: {  	[tilespmem:s14], [sflag:$0x1] =	stream.indirect_vreg.gather [hbm4b:s1+s3], $0x80, v4, vm0, $0xb8;
	[tilespmem:$0x18200] =	vst v63  }
0x135: {  	s4 =	simm.s32 $0xA00  }
0x136: {  	[tilespmem:s4], [sflag:$0x1] =	stream.indirect_vreg.gather [hbm4b:s5+s3], $0x80, v4, vm0, $0xb8;
	[tilespmem:$0x18200] =	vst v63  }
0x137: {  	s4 =	simm.s32 $0x1200  }
0x138: {  	[tilespmem:s4], [sflag:$0x1] =	stream.indirect_vreg.gather [hbm4b:s6+s3], $0x80, v4, vm0, $0xb8;
	[tilespmem:$0x18200] =	vst v63  }
0x139: {  	s4 =	simm.s32 $0x1A00  }
0x13a: {  	[tilespmem:s4], [sflag:$0x1] =	stream.indirect_vreg.gather [hbm4b:s7+s3], $0x80, v4, vm0, $0xb8;
	[tilespmem:$0x18200] =	vst v63  }
0x13b: {  	s4 =	simm.s32 $0x2200  }
0x13c: {  	[tilespmem:s4], [sflag:$0x1] =	stream.indirect_vreg.gather [hbm4b:s8+s3], $0x80, v4, vm0, $0xb8;
	[tilespmem:$0x18200] =	vst v63  }
0x13d: {  	v3 =	vperm.xlane v3, v2;
	s4 =	simm.s32 $0x2A00  }
0x13e: {  	[tilespmem:s4], [sflag:$0x1] =	stream.indirect_vreg.gather [hbm4b:s9+s3], $0x80, v4, vm0, $0xb8;
	[tilespmem:$0x18200] =	vst v63  }
0x13f: {  	v3 =	vadd.s32 v1, v3;
	s4 =	simm.s32 $0x3200  }
0x140: {  	[tilespmem:s4], [sflag:$0x1] =	stream.indirect_vreg.gather [hbm4b:s10+s3], $0x80, v4, vm0, $0xb8;
	[tilespmem:$0x18200] =	vst v63  }
0x141: {  	s4 =	simm.s32 $0x3A00  }
0x142: {  	[tilespmem:s4], [sflag:$0x1] =	stream.indirect_vreg.gather [hbm4b:s11+s3], $0x80, v4, vm0, $0xb8;
	[tilespmem:$0x18200] =	vst v63  }
0x143: {  	s4 =	simm.s32 $0x4200  }
0x144: {  	[tilespmem:s4], [sflag:$0x1] =	stream.indirect_vreg.gather [hbm4b:s1+s3], $0x80, v3, vm0, $0xb8;
	[tilespmem:$0x18200] =	vst v63  }
0x145: {  	s4 =	simm.s32 $0x4A00  }
0x146: {  	[tilespmem:s4], [sflag:$0x1] =	stream.indirect_vreg.gather [hbm4b:s5+s3], $0x80, v3, vm0, $0xb8;
	[tilespmem:$0x18200] =	vst v63  }
0x147: {  	s4 =	simm.s32 $0x5200  }
0x148: {  	[tilespmem:s4], [sflag:$0x1] =	stream.indirect_vreg.gather [hbm4b:s6+s3], $0x80, v3, vm0, $0xb8;
	[tilespmem:$0x18200] =	vst v63  }
0x149: {  	s4 =	simm.s32 $0x5A00  }
0x14a: {  	[tilespmem:s4], [sflag:$0x1] =	stream.indirect_vreg.gather [hbm4b:s7+s3], $0x80, v3, vm0, $0xb8;
	[tilespmem:$0x18200] =	vst v63  }
0x14b: {  	s4 =	simm.s32 $0x6200  }
0x14c: {  	[tilespmem:s4], [sflag:$0x1] =	stream.indirect_vreg.gather [hbm4b:s8+s3], $0x80, v3, vm0, $0xb8;
	[tilespmem:$0x18200] =	vst v63  }
0x14d: {  	s4 =	simm.s32 $0x6A00  }
0x14e: {  	[tilespmem:s4], [sflag:$0x1] =	stream.indirect_vreg.gather [hbm4b:s9+s3], $0x80, v3, vm0, $0xb8;
	[tilespmem:$0x18200] =	vst v63  }
0x14f: {  	s4 =	simm.s32 $0x7200  }
0x150: {  	[tilespmem:s4], [sflag:$0x1] =	stream.indirect_vreg.gather [hbm4b:s10+s3], $0x80, v3, vm0, $0xb8;
	[tilespmem:$0x18200] =	vst v63  }
0x151: {  	s4 =	simm.s32 $0x7A00  }
0x152: {  	[tilespmem:s4], [sflag:$0x1] =	stream.indirect_vreg.gather [hbm4b:s11+s3], $0x80, v3, vm0, $0xb8;
	[tilespmem:$0x18200] =	vst v63  }
0x153: {  	_ =	swait.ge [sflag:s2], $0x8000  }
0x154: {  	[sflag:s2] =	ssyncset.done $0x0  }
0x155: {  	s4 =	rddreg [dreg:$0x9];
	[sflag:s2] =	ssyncadd.s32 $0xFFFF8000  }
0x156: {  	[hbm4b:s4+s3] =	stream.linear.scatter [tilespmem:s28], [sflag:$0x6], $0x8000, $0x38;
	[tilespmem:$0x18200] =	vst v63  }
0x157: {  	_ =	swait.ge [sflag:s0], $0x8000  }
0x158: {  	[sflag:s0] =	ssyncset.done $0x0  }
0x159: {  	[sflag:s0] =	ssyncadd.s32 $0xFFFF8000  }
0x15a: {  	v3 =	vld [tilespmem:$0x70];
	_ =	sdelay $0x4  }
0x15b: {  	v39 =	vshll.u32 v3, $0x4  }
0x15c: {  	v3 =	vand.u32 $0x7, v3;
	v4 =	vand.u32 $0xFFFFFF80, v39  }
0x15d: {  	v3 =	vor.u32 v3, v4  }
0x15e: {  	v4 =	vperm.xlane v3, v0;
	_ =	sdelay $0x1  }
0x15f: {  	v4 =	vadd.s32 v1, v4;
	_ =	sdelay $0x4  }
0x160: {  	[tilespmem:s31], [sflag:$0x2] =	stream.indirect_vreg.gather [hbm4b:s1+s3], $0x80, v4, vm0, $0xb8;
	[tilespmem:$0x18200] =	vst v63  }
0x161: {  	s12 =	simm.s32 $0x8A00  }
0x162: {  	[tilespmem:s12], [sflag:$0x2] =	stream.indirect_vreg.gather [hbm4b:s5+s3], $0x80, v4, vm0, $0xb8;
	[tilespmem:$0x18200] =	vst v63  }
0x163: {  	s15 =	simm.s32 $0x9200  }
0x164: {  	[tilespmem:s15], [sflag:$0x2] =	stream.indirect_vreg.gather [hbm4b:s6+s3], $0x80, v4, vm0, $0xb8;
	[tilespmem:$0x18200] =	vst v63  }
0x165: {  	s16 =	simm.s32 $0x9A00  }
0x166: {  	[tilespmem:s16], [sflag:$0x2] =	stream.indirect_vreg.gather [hbm4b:s7+s3], $0x80, v4, vm0, $0xb8;
	[tilespmem:$0x18200] =	vst v63  }
0x167: {  	s4 =	simm.s32 $0xA200  }
0x168: {  	[tilespmem:s4], [sflag:$0x2] =	stream.indirect_vreg.gather [hbm4b:s8+s3], $0x80, v4, vm0, $0xb8;
	[tilespmem:$0x18200] =	vst v63  }
0x169: {  	v3 =	vperm.xlane v3, v2;
	s4 =	simm.s32 $0xAA00  }
0x16a: {  	[tilespmem:s4], [sflag:$0x2] =	stream.indirect_vreg.gather [hbm4b:s9+s3], $0x80, v4, vm0, $0xb8;
	[tilespmem:$0x18200] =	vst v63  }
0x16b: {  	s17 =	simm.s32 $0xB200;
	v3 =	vadd.s32 v1, v3  }
0x16c: {  	[tilespmem:s17], [sflag:$0x2] =	stream.indirect_vreg.gather [hbm4b:s10+s3], $0x80, v4, vm0, $0xb8;
	[tilespmem:$0x18200] =	vst v63  }
0x16d: {  	s18 =	simm.s32 $0xBA00  }
0x16e: {  	[tilespmem:s18], [sflag:$0x2] =	stream.indirect_vreg.gather [hbm4b:s11+s3], $0x80, v4, vm0, $0xb8;
	[tilespmem:$0x18200] =	vst v63  }
0x16f: {  	s19 =	simm.s32 $0xC200  }
0x170: {  	[tilespmem:s19], [sflag:$0x2] =	stream.indirect_vreg.gather [hbm4b:s1+s3], $0x80, v3, vm0, $0xb8;
	[tilespmem:$0x18200] =	vst v63  }
0x171: {  	s20 =	simm.s32 $0xCA00  }
0x172: {  	[tilespmem:s20], [sflag:$0x2] =	stream.indirect_vreg.gather [hbm4b:s5+s3], $0x80, v3, vm0, $0xb8;
	[tilespmem:$0x18200] =	vst v63  }
0x173: {  	s21 =	simm.s32 $0xD200  }
0x174: {  	[tilespmem:s21], [sflag:$0x2] =	stream.indirect_vreg.gather [hbm4b:s6+s3], $0x80, v3, vm0, $0xb8;
	[tilespmem:$0x18200] =	vst v63  }
0x175: {  	s22 =	simm.s32 $0xDA00  }
0x176: {  	[tilespmem:s22], [sflag:$0x2] =	stream.indirect_vreg.gather [hbm4b:s7+s3], $0x80, v3, vm0, $0xb8;
	[tilespmem:$0x18200] =	vst v63  }
0x177: {  	s23 =	simm.s32 $0xE200  }
0x178: {  	[tilespmem:s23], [sflag:$0x2] =	stream.indirect_vreg.gather [hbm4b:s8+s3], $0x80, v3, vm0, $0xb8;
	[tilespmem:$0x18200] =	vst v63  }
0x179: {  	s24 =	simm.s32 $0xEA00  }
0x17a: {  	[tilespmem:s24], [sflag:$0x2] =	stream.indirect_vreg.gather [hbm4b:s9+s3], $0x80, v3, vm0, $0xb8;
	[tilespmem:$0x18200] =	vst v63  }
0x17b: {  	s25 =	simm.s32 $0xF200  }
0x17c: {  	[tilespmem:s25], [sflag:$0x2] =	stream.indirect_vreg.gather [hbm4b:s10+s3], $0x80, v3, vm0, $0xb8;
	[tilespmem:$0x18200] =	vst v63  }
0x17d: {  	s4 =	simm.s32 $0xFA00  }
0x17e: {  	[tilespmem:s4], [sflag:$0x2] =	stream.indirect_vreg.gather [hbm4b:s11+s3], $0x80, v3, vm0, $0xb8;
	[tilespmem:$0x18200] =	vst v63  }
0x17f: {  	_ =	swait.ge [sflag:s26], $0x8000  }
0x180: {  	[sflag:s26] =	ssyncset.done $0x0  }
0x181: {  	s4 =	rddreg [dreg:$0xa];
	[sflag:s26] =	ssyncadd.s32 $0xFFFF8000  }
0x182: {  	[hbm4b:s4+s3] =	stream.linear.scatter [tilespmem:s14], [sflag:$0x4], $0x8000, $0x38;
	[tilespmem:$0x18200] =	vst v63  }
0x183: {  	_ =	swait.ge [sflag:s13], $0x8000  }
0x184: {  	[sflag:s13] =	ssyncset.done $0x0  }
0x185: {  	[sflag:s13] =	ssyncadd.s32 $0xFFFF8000  }
0x186: {  	v3 =	vld [tilespmem:$0x80];
	_ =	sdelay $0x4  }
0x187: {  	v40 =	vshll.u32 v3, $0x4  }
0x188: {  	v3 =	vand.u32 $0x7, v3;
	v4 =	vand.u32 $0xFFFFFF80, v40  }
0x189: {  	v3 =	vor.u32 v3, v4  }
0x18a: {  	v4 =	vperm.xlane v3, v0;
	_ =	sdelay $0x1  }
0x18b: {  	v4 =	vadd.s32 v1, v4;
	_ =	sdelay $0x4  }
0x18c: {  	[tilespmem:s28], [sflag:$0x3] =	stream.indirect_vreg.gather [hbm4b:s1+s3], $0x80, v4, vm0, $0xb8;
	[tilespmem:$0x18200] =	vst v63  }
0x18d: {  	s4 =	simm.s32 $0x10A00  }
0x18e: {  	[tilespmem:s4], [sflag:$0x3] =	stream.indirect_vreg.gather [hbm4b:s5+s3], $0x80, v4, vm0, $0xb8;
	[tilespmem:$0x18200] =	vst v63  }
0x18f: {  	s4 =	simm.s32 $0x11200  }
0x190: {  	[tilespmem:s4], [sflag:$0x3] =	stream.indirect_vreg.gather [hbm4b:s6+s3], $0x80, v4, vm0, $0xb8;
	[tilespmem:$0x18200] =	vst v63  }
0x191: {  	s4 =	simm.s32 $0x11A00  }
0x192: {  	[tilespmem:s4], [sflag:$0x3] =	stream.indirect_vreg.gather [hbm4b:s7+s3], $0x80, v4, vm0, $0xb8;
	[tilespmem:$0x18200] =	vst v63  }
0x193: {  	s4 =	simm.s32 $0x12200  }
0x194: {  	[tilespmem:s4], [sflag:$0x3] =	stream.indirect_vreg.gather [hbm4b:s8+s3], $0x80, v4, vm0, $0xb8;
	[tilespmem:$0x18200] =	vst v63  }
0x195: {  	v3 =	vperm.xlane v3, v2;
	s4 =	simm.s32 $0x12A00  }
0x196: {  	[tilespmem:s4], [sflag:$0x3] =	stream.indirect_vreg.gather [hbm4b:s9+s3], $0x80, v4, vm0, $0xb8;
	[tilespmem:$0x18200] =	vst v63  }
0x197: {  	v3 =	vadd.s32 v1, v3;
	s4 =	simm.s32 $0x13200  }
0x198: {  	[tilespmem:s4], [sflag:$0x3] =	stream.indirect_vreg.gather [hbm4b:s10+s3], $0x80, v4, vm0, $0xb8;
	[tilespmem:$0x18200] =	vst v63  }
0x199: {  	s4 =	simm.s32 $0x13A00  }
0x19a: {  	[tilespmem:s4], [sflag:$0x3] =	stream.indirect_vreg.gather [hbm4b:s11+s3], $0x80, v4, vm0, $0xb8;
	[tilespmem:$0x18200] =	vst v63  }
0x19b: {  	s4 =	simm.s32 $0x14200  }
0x19c: {  	[tilespmem:s4], [sflag:$0x3] =	stream.indirect_vreg.gather [hbm4b:s1+s3], $0x80, v3, vm0, $0xb8;
	[tilespmem:$0x18200] =	vst v63  }
0x19d: {  	s4 =	simm.s32 $0x14A00  }
0x19e: {  	[tilespmem:s4], [sflag:$0x3] =	stream.indirect_vreg.gather [hbm4b:s5+s3], $0x80, v3, vm0, $0xb8;
	[tilespmem:$0x18200] =	vst v63  }
0x19f: {  	s4 =	simm.s32 $0x15200  }
0x1a0: {  	[tilespmem:s4], [sflag:$0x3] =	stream.indirect_vreg.gather [hbm4b:s6+s3], $0x80, v3, vm0, $0xb8;
	[tilespmem:$0x18200] =	vst v63  }
0x1a1: {  	s4 =	simm.s32 $0x15A00  }
0x1a2: {  	[tilespmem:s4], [sflag:$0x3] =	stream.indirect_vreg.gather [hbm4b:s7+s3], $0x80, v3, vm0, $0xb8;
	[tilespmem:$0x18200] =	vst v63  }
0x1a3: {  	s4 =	simm.s32 $0x16200  }
0x1a4: {  	[tilespmem:s4], [sflag:$0x3] =	stream.indirect_vreg.gather [hbm4b:s8+s3], $0x80, v3, vm0, $0xb8;
	[tilespmem:$0x18200] =	vst v63  }
0x1a5: {  	s4 =	simm.s32 $0x16A00  }
0x1a6: {  	[tilespmem:s4], [sflag:$0x3] =	stream.indirect_vreg.gather [hbm4b:s9+s3], $0x80, v3, vm0, $0xb8;
	[tilespmem:$0x18200] =	vst v63  }
0x1a7: {  	s4 =	simm.s32 $0x17200  }
0x1a8: {  	[tilespmem:s4], [sflag:$0x3] =	stream.indirect_vreg.gather [hbm4b:s10+s3], $0x80, v3, vm0, $0xb8;
	[tilespmem:$0x18200] =	vst v63  }
0x1a9: {  	s4 =	simm.s32 $0x17A00  }
0x1aa: {  	[tilespmem:s4], [sflag:$0x3] =	stream.indirect_vreg.gather [hbm4b:s11+s3], $0x80, v3, vm0, $0xb8;
	[tilespmem:$0x18200] =	vst v63  }
0x1ab: {  	_ =	swait.ge [sflag:s29], $0x8000  }
0x1ac: {  	[sflag:s29] =	ssyncset.done $0x0  }
0x1ad: {  	s4 =	rddreg [dreg:$0xb];
	[sflag:s29] =	ssyncadd.s32 $0xFFFF8000  }
0x1ae: {  	[hbm4b:s4+s3] =	stream.linear.scatter [tilespmem:s31], [sflag:$0x5], $0x8000, $0x38;
	[tilespmem:$0x18200] =	vst v63  }
0x1af: {  	_ =	swait.ge [sflag:s30], $0x8000  }
0x1b0: {  	[sflag:s30] =	ssyncset.done $0x0  }
0x1b1: {  	[sflag:s30] =	ssyncadd.s32 $0xFFFF8000  }
0x1b2: {  	v3 =	vld [tilespmem:$0x90];
	_ =	sdelay $0x4  }
0x1b3: {  	v41 =	vshll.u32 v3, $0x4  }
0x1b4: {  	v3 =	vand.u32 $0x7, v3;
	v4 =	vand.u32 $0xFFFFFF80, v41  }
0x1b5: {  	v3 =	vor.u32 v3, v4  }
0x1b6: {  	v4 =	vperm.xlane v3, v0;
	_ =	sdelay $0x1  }
0x1b7: {  	v4 =	vadd.s32 v1, v4;
	_ =	sdelay $0x4  }
0x1b8: {  	[tilespmem:s14], [sflag:$0x1] =	stream.indirect_vreg.gather [hbm4b:s1+s3], $0x80, v4, vm0, $0xb8;
	[tilespmem:$0x18200] =	vst v63  }
0x1b9: {  	s4 =	simm.s32 $0xA00  }
0x1ba: {  	[tilespmem:s4], [sflag:$0x1] =	stream.indirect_vreg.gather [hbm4b:s5+s3], $0x80, v4, vm0, $0xb8;
	[tilespmem:$0x18200] =	vst v63  }
0x1bb: {  	s4 =	simm.s32 $0x1200  }
0x1bc: {  	[tilespmem:s4], [sflag:$0x1] =	stream.indirect_vreg.gather [hbm4b:s6+s3], $0x80, v4, vm0, $0xb8;
	[tilespmem:$0x18200] =	vst v63  }
0x1bd: {  	s4 =	simm.s32 $0x1A00  }
0x1be: {  	[tilespmem:s4], [sflag:$0x1] =	stream.indirect_vreg.gather [hbm4b:s7+s3], $0x80, v4, vm0, $0xb8;
	[tilespmem:$0x18200] =	vst v63  }
0x1bf: {  	s4 =	simm.s32 $0x2200  }
0x1c0: {  	[tilespmem:s4], [sflag:$0x1] =	stream.indirect_vreg.gather [hbm4b:s8+s3], $0x80, v4, vm0, $0xb8;
	[tilespmem:$0x18200] =	vst v63  }
0x1c1: {  	v3 =	vperm.xlane v3, v2;
	s4 =	simm.s32 $0x2A00  }
0x1c2: {  	[tilespmem:s4], [sflag:$0x1] =	stream.indirect_vreg.gather [hbm4b:s9+s3], $0x80, v4, vm0, $0xb8;
	[tilespmem:$0x18200] =	vst v63  }
0x1c3: {  	v3 =	vadd.s32 v1, v3;
	s4 =	simm.s32 $0x3200  }
0x1c4: {  	[tilespmem:s4], [sflag:$0x1] =	stream.indirect_vreg.gather [hbm4b:s10+s3], $0x80, v4, vm0, $0xb8;
	[tilespmem:$0x18200] =	vst v63  }
0x1c5: {  	s4 =	simm.s32 $0x3A00  }
0x1c6: {  	[tilespmem:s4], [sflag:$0x1] =	stream.indirect_vreg.gather [hbm4b:s11+s3], $0x80, v4, vm0, $0xb8;
	[tilespmem:$0x18200] =	vst v63  }
0x1c7: {  	s4 =	simm.s32 $0x4200  }
0x1c8: {  	[tilespmem:s4], [sflag:$0x1] =	stream.indirect_vreg.gather [hbm4b:s1+s3], $0x80, v3, vm0, $0xb8;
	[tilespmem:$0x18200] =	vst v63  }
0x1c9: {  	s4 =	simm.s32 $0x4A00  }
0x1ca: {  	[tilespmem:s4], [sflag:$0x1] =	stream.indirect_vreg.gather [hbm4b:s5+s3], $0x80, v3, vm0, $0xb8;
	[tilespmem:$0x18200] =	vst v63  }
0x1cb: {  	s4 =	simm.s32 $0x5200  }
0x1cc: {  	[tilespmem:s4], [sflag:$0x1] =	stream.indirect_vreg.gather [hbm4b:s6+s3], $0x80, v3, vm0, $0xb8;
	[tilespmem:$0x18200] =	vst v63  }
0x1cd: {  	s4 =	simm.s32 $0x5A00  }
0x1ce: {  	[tilespmem:s4], [sflag:$0x1] =	stream.indirect_vreg.gather [hbm4b:s7+s3], $0x80, v3, vm0, $0xb8;
	[tilespmem:$0x18200] =	vst v63  }
0x1cf: {  	s4 =	simm.s32 $0x6200  }
0x1d0: {  	[tilespmem:s4], [sflag:$0x1] =	stream.indirect_vreg.gather [hbm4b:s8+s3], $0x80, v3, vm0, $0xb8;
	[tilespmem:$0x18200] =	vst v63  }
0x1d1: {  	s4 =	simm.s32 $0x6A00  }
0x1d2: {  	[tilespmem:s4], [sflag:$0x1] =	stream.indirect_vreg.gather [hbm4b:s9+s3], $0x80, v3, vm0, $0xb8;
	[tilespmem:$0x18200] =	vst v63  }
0x1d3: {  	s4 =	simm.s32 $0x7200  }
0x1d4: {  	[tilespmem:s4], [sflag:$0x1] =	stream.indirect_vreg.gather [hbm4b:s10+s3], $0x80, v3, vm0, $0xb8;
	[tilespmem:$0x18200] =	vst v63  }
0x1d5: {  	s4 =	simm.s32 $0x7A00  }
0x1d6: {  	[tilespmem:s4], [sflag:$0x1] =	stream.indirect_vreg.gather [hbm4b:s11+s3], $0x80, v3, vm0, $0xb8;
	[tilespmem:$0x18200] =	vst v63  }
0x1d7: {  	_ =	swait.ge [sflag:s2], $0x8000  }
0x1d8: {  	[sflag:s2] =	ssyncset.done $0x0  }
0x1d9: {  	s4 =	rddreg [dreg:$0xc];
	[sflag:s2] =	ssyncadd.s32 $0xFFFF8000  }
0x1da: {  	[hbm4b:s4+s3] =	stream.linear.scatter [tilespmem:s28], [sflag:$0x6], $0x8000, $0x38;
	[tilespmem:$0x18200] =	vst v63  }
0x1db: {  	_ =	swait.ge [sflag:s0], $0x8000  }
0x1dc: {  	[sflag:s0] =	ssyncset.done $0x0  }
0x1dd: {  	[sflag:s0] =	ssyncadd.s32 $0xFFFF8000  }
0x1de: {  	v3 =	vld [tilespmem:$0xA0];
	_ =	sdelay $0x4  }
0x1df: {  	v42 =	vshll.u32 v3, $0x4  }
0x1e0: {  	v3 =	vand.u32 $0x7, v3;
	v4 =	vand.u32 $0xFFFFFF80, v42  }
0x1e1: {  	v3 =	vor.u32 v3, v4  }
0x1e2: {  	v4 =	vperm.xlane v3, v0;
	_ =	sdelay $0x1  }
0x1e3: {  	v4 =	vadd.s32 v1, v4;
	_ =	sdelay $0x4  }
0x1e4: {  	[tilespmem:s31], [sflag:$0x2] =	stream.indirect_vreg.gather [hbm4b:s1+s3], $0x80, v4, vm0, $0xb8;
	[tilespmem:$0x18200] =	vst v63  }
0x1e5: {  	s12 =	simm.s32 $0x8A00  }
0x1e6: {  	[tilespmem:s12], [sflag:$0x2] =	stream.indirect_vreg.gather [hbm4b:s5+s3], $0x80, v4, vm0, $0xb8;
	[tilespmem:$0x18200] =	vst v63  }
0x1e7: {  	s15 =	simm.s32 $0x9200  }
0x1e8: {  	[tilespmem:s15], [sflag:$0x2] =	stream.indirect_vreg.gather [hbm4b:s6+s3], $0x80, v4, vm0, $0xb8;
	[tilespmem:$0x18200] =	vst v63  }
0x1e9: {  	s16 =	simm.s32 $0x9A00  }
0x1ea: {  	[tilespmem:s16], [sflag:$0x2] =	stream.indirect_vreg.gather [hbm4b:s7+s3], $0x80, v4, vm0, $0xb8;
	[tilespmem:$0x18200] =	vst v63  }
0x1eb: {  	s4 =	simm.s32 $0xA200  }
0x1ec: {  	[tilespmem:s4], [sflag:$0x2] =	stream.indirect_vreg.gather [hbm4b:s8+s3], $0x80, v4, vm0, $0xb8;
	[tilespmem:$0x18200] =	vst v63  }
0x1ed: {  	v3 =	vperm.xlane v3, v2;
	s4 =	simm.s32 $0xAA00  }
0x1ee: {  	[tilespmem:s4], [sflag:$0x2] =	stream.indirect_vreg.gather [hbm4b:s9+s3], $0x80, v4, vm0, $0xb8;
	[tilespmem:$0x18200] =	vst v63  }
0x1ef: {  	s17 =	simm.s32 $0xB200;
	v3 =	vadd.s32 v1, v3  }
0x1f0: {  	[tilespmem:s17], [sflag:$0x2] =	stream.indirect_vreg.gather [hbm4b:s10+s3], $0x80, v4, vm0, $0xb8;
	[tilespmem:$0x18200] =	vst v63  }
0x1f1: {  	s18 =	simm.s32 $0xBA00  }
0x1f2: {  	[tilespmem:s18], [sflag:$0x2] =	stream.indirect_vreg.gather [hbm4b:s11+s3], $0x80, v4, vm0, $0xb8;
	[tilespmem:$0x18200] =	vst v63  }
0x1f3: {  	s19 =	simm.s32 $0xC200  }
0x1f4: {  	[tilespmem:s19], [sflag:$0x2] =	stream.indirect_vreg.gather [hbm4b:s1+s3], $0x80, v3, vm0, $0xb8;
	[tilespmem:$0x18200] =	vst v63  }
0x1f5: {  	s20 =	simm.s32 $0xCA00  }
0x1f6: {  	[tilespmem:s20], [sflag:$0x2] =	stream.indirect_vreg.gather [hbm4b:s5+s3], $0x80, v3, vm0, $0xb8;
	[tilespmem:$0x18200] =	vst v63  }
0x1f7: {  	s21 =	simm.s32 $0xD200  }
0x1f8: {  	[tilespmem:s21], [sflag:$0x2] =	stream.indirect_vreg.gather [hbm4b:s6+s3], $0x80, v3, vm0, $0xb8;
	[tilespmem:$0x18200] =	vst v63  }
0x1f9: {  	s22 =	simm.s32 $0xDA00  }
0x1fa: {  	[tilespmem:s22], [sflag:$0x2] =	stream.indirect_vreg.gather [hbm4b:s7+s3], $0x80, v3, vm0, $0xb8;
	[tilespmem:$0x18200] =	vst v63  }
0x1fb: {  	s23 =	simm.s32 $0xE200  }
0x1fc: {  	[tilespmem:s23], [sflag:$0x2] =	stream.indirect_vreg.gather [hbm4b:s8+s3], $0x80, v3, vm0, $0xb8;
	[tilespmem:$0x18200] =	vst v63  }
0x1fd: {  	s24 =	simm.s32 $0xEA00  }
0x1fe: {  	[tilespmem:s24], [sflag:$0x2] =	stream.indirect_vreg.gather [hbm4b:s9+s3], $0x80, v3, vm0, $0xb8;
	[tilespmem:$0x18200] =	vst v63  }
0x1ff: {  	s25 =	simm.s32 $0xF200  }
0x200: {  	[tilespmem:s25], [sflag:$0x2] =	stream.indirect_vreg.gather [hbm4b:s10+s3], $0x80, v3, vm0, $0xb8;
	[tilespmem:$0x18200] =	vst v63  }
0x201: {  	s4 =	simm.s32 $0xFA00  }
0x202: {  	[tilespmem:s4], [sflag:$0x2] =	stream.indirect_vreg.gather [hbm4b:s11+s3], $0x80, v3, vm0, $0xb8;
	[tilespmem:$0x18200] =	vst v63  }
0x203: {  	_ =	swait.ge [sflag:s26], $0x8000  }
0x204: {  	[sflag:s26] =	ssyncset.done $0x0  }
0x205: {  	s4 =	rddreg [dreg:$0xd];
	[sflag:s26] =	ssyncadd.s32 $0xFFFF8000  }
0x206: {  	[hbm4b:s4+s3] =	stream.linear.scatter [tilespmem:s14], [sflag:$0x4], $0x8000, $0x38;
	[tilespmem:$0x18200] =	vst v63  }
0x207: {  	_ =	swait.ge [sflag:s13], $0x8000  }
0x208: {  	[sflag:s13] =	ssyncset.done $0x0  }
0x209: {  	[sflag:s13] =	ssyncadd.s32 $0xFFFF8000  }
0x20a: {  	v3 =	vld [tilespmem:$0xB0];
	_ =	sdelay $0x4  }
0x20b: {  	v43 =	vshll.u32 v3, $0x4  }
0x20c: {  	v3 =	vand.u32 $0x7, v3;
	v4 =	vand.u32 $0xFFFFFF80, v43  }
0x20d: {  	v3 =	vor.u32 v3, v4  }
0x20e: {  	v4 =	vperm.xlane v3, v0;
	_ =	sdelay $0x1  }
0x20f: {  	v4 =	vadd.s32 v1, v4;
	_ =	sdelay $0x4  }
0x210: {  	[tilespmem:s28], [sflag:$0x3] =	stream.indirect_vreg.gather [hbm4b:s1+s3], $0x80, v4, vm0, $0xb8;
	[tilespmem:$0x18200] =	vst v63  }
0x211: {  	s4 =	simm.s32 $0x10A00  }
0x212: {  	[tilespmem:s4], [sflag:$0x3] =	stream.indirect_vreg.gather [hbm4b:s5+s3], $0x80, v4, vm0, $0xb8;
	[tilespmem:$0x18200] =	vst v63  }
0x213: {  	s4 =	simm.s32 $0x11200  }
0x214: {  	[tilespmem:s4], [sflag:$0x3] =	stream.indirect_vreg.gather [hbm4b:s6+s3], $0x80, v4, vm0, $0xb8;
	[tilespmem:$0x18200] =	vst v63  }
0x215: {  	s4 =	simm.s32 $0x11A00  }
0x216: {  	[tilespmem:s4], [sflag:$0x3] =	stream.indirect_vreg.gather [hbm4b:s7+s3], $0x80, v4, vm0, $0xb8;
	[tilespmem:$0x18200] =	vst v63  }
0x217: {  	s4 =	simm.s32 $0x12200  }
0x218: {  	[tilespmem:s4], [sflag:$0x3] =	stream.indirect_vreg.gather [hbm4b:s8+s3], $0x80, v4, vm0, $0xb8;
	[tilespmem:$0x18200] =	vst v63  }
0x219: {  	v3 =	vperm.xlane v3, v2;
	s4 =	simm.s32 $0x12A00  }
0x21a: {  	[tilespmem:s4], [sflag:$0x3] =	stream.indirect_vreg.gather [hbm4b:s9+s3], $0x80, v4, vm0, $0xb8;
	[tilespmem:$0x18200] =	vst v63  }
0x21b: {  	v3 =	vadd.s32 v1, v3;
	s4 =	simm.s32 $0x13200  }
0x21c: {  	[tilespmem:s4], [sflag:$0x3] =	stream.indirect_vreg.gather [hbm4b:s10+s3], $0x80, v4, vm0, $0xb8;
	[tilespmem:$0x18200] =	vst v63  }
0x21d: {  	s4 =	simm.s32 $0x13A00  }
0x21e: {  	[tilespmem:s4], [sflag:$0x3] =	stream.indirect_vreg.gather [hbm4b:s11+s3], $0x80, v4, vm0, $0xb8;
	[tilespmem:$0x18200] =	vst v63  }
0x21f: {  	s4 =	simm.s32 $0x14200  }
0x220: {  	[tilespmem:s4], [sflag:$0x3] =	stream.indirect_vreg.gather [hbm4b:s1+s3], $0x80, v3, vm0, $0xb8;
	[tilespmem:$0x18200] =	vst v63  }
0x221: {  	s4 =	simm.s32 $0x14A00  }
0x222: {  	[tilespmem:s4], [sflag:$0x3] =	stream.indirect_vreg.gather [hbm4b:s5+s3], $0x80, v3, vm0, $0xb8;
	[tilespmem:$0x18200] =	vst v63  }
0x223: {  	s4 =	simm.s32 $0x15200  }
0x224: {  	[tilespmem:s4], [sflag:$0x3] =	stream.indirect_vreg.gather [hbm4b:s6+s3], $0x80, v3, vm0, $0xb8;
	[tilespmem:$0x18200] =	vst v63  }
0x225: {  	s4 =	simm.s32 $0x15A00  }
0x226: {  	[tilespmem:s4], [sflag:$0x3] =	stream.indirect_vreg.gather [hbm4b:s7+s3], $0x80, v3, vm0, $0xb8;
	[tilespmem:$0x18200] =	vst v63  }
0x227: {  	s4 =	simm.s32 $0x16200  }
0x228: {  	[tilespmem:s4], [sflag:$0x3] =	stream.indirect_vreg.gather [hbm4b:s8+s3], $0x80, v3, vm0, $0xb8;
	[tilespmem:$0x18200] =	vst v63  }
0x229: {  	s4 =	simm.s32 $0x16A00  }
0x22a: {  	[tilespmem:s4], [sflag:$0x3] =	stream.indirect_vreg.gather [hbm4b:s9+s3], $0x80, v3, vm0, $0xb8;
	[tilespmem:$0x18200] =	vst v63  }
0x22b: {  	s4 =	simm.s32 $0x17200  }
0x22c: {  	[tilespmem:s4], [sflag:$0x3] =	stream.indirect_vreg.gather [hbm4b:s10+s3], $0x80, v3, vm0, $0xb8;
	[tilespmem:$0x18200] =	vst v63  }
0x22d: {  	s4 =	simm.s32 $0x17A00  }
0x22e: {  	[tilespmem:s4], [sflag:$0x3] =	stream.indirect_vreg.gather [hbm4b:s11+s3], $0x80, v3, vm0, $0xb8;
	[tilespmem:$0x18200] =	vst v63  }
0x22f: {  	_ =	swait.ge [sflag:s29], $0x8000  }
0x230: {  	[sflag:s29] =	ssyncset.done $0x0  }
0x231: {  	s4 =	rddreg [dreg:$0xe];
	[sflag:s29] =	ssyncadd.s32 $0xFFFF8000  }
0x232: {  	[hbm4b:s4+s3] =	stream.linear.scatter [tilespmem:s31], [sflag:$0x5], $0x8000, $0x38;
	[tilespmem:$0x18200] =	vst v63  }
0x233: {  	_ =	swait.ge [sflag:s30], $0x8000  }
0x234: {  	[sflag:s30] =	ssyncset.done $0x0  }
0x235: {  	[sflag:s30] =	ssyncadd.s32 $0xFFFF8000  }
0x236: {  	v3 =	vld [tilespmem:$0xC0];
	_ =	sdelay $0x4  }
0x237: {  	v44 =	vshll.u32 v3, $0x4  }
0x238: {  	v3 =	vand.u32 $0x7, v3;
	v4 =	vand.u32 $0xFFFFFF80, v44  }
0x239: {  	v3 =	vor.u32 v3, v4  }
0x23a: {  	v4 =	vperm.xlane v3, v0;
	_ =	sdelay $0x1  }
0x23b: {  	v4 =	vadd.s32 v1, v4;
	_ =	sdelay $0x4  }
0x23c: {  	[tilespmem:s14], [sflag:$0x1] =	stream.indirect_vreg.gather [hbm4b:s1+s3], $0x80, v4, vm0, $0xb8;
	[tilespmem:$0x18200] =	vst v63  }
0x23d: {  	s4 =	simm.s32 $0xA00  }
0x23e: {  	[tilespmem:s4], [sflag:$0x1] =	stream.indirect_vreg.gather [hbm4b:s5+s3], $0x80, v4, vm0, $0xb8;
	[tilespmem:$0x18200] =	vst v63  }
0x23f: {  	s4 =	simm.s32 $0x1200  }
0x240: {  	[tilespmem:s4], [sflag:$0x1] =	stream.indirect_vreg.gather [hbm4b:s6+s3], $0x80, v4, vm0, $0xb8;
	[tilespmem:$0x18200] =	vst v63  }
0x241: {  	s4 =	simm.s32 $0x1A00  }
0x242: {  	[tilespmem:s4], [sflag:$0x1] =	stream.indirect_vreg.gather [hbm4b:s7+s3], $0x80, v4, vm0, $0xb8;
	[tilespmem:$0x18200] =	vst v63  }
0x243: {  	s4 =	simm.s32 $0x2200  }
0x244: {  	[tilespmem:s4], [sflag:$0x1] =	stream.indirect_vreg.gather [hbm4b:s8+s3], $0x80, v4, vm0, $0xb8;
	[tilespmem:$0x18200] =	vst v63  }
0x245: {  	v3 =	vperm.xlane v3, v2;
	s4 =	simm.s32 $0x2A00  }
0x246: {  	[tilespmem:s4], [sflag:$0x1] =	stream.indirect_vreg.gather [hbm4b:s9+s3], $0x80, v4, vm0, $0xb8;
	[tilespmem:$0x18200] =	vst v63  }
0x247: {  	v3 =	vadd.s32 v1, v3;
	s4 =	simm.s32 $0x3200  }
0x248: {  	[tilespmem:s4], [sflag:$0x1] =	stream.indirect_vreg.gather [hbm4b:s10+s3], $0x80, v4, vm0, $0xb8;
	[tilespmem:$0x18200] =	vst v63  }
0x249: {  	s4 =	simm.s32 $0x3A00  }
0x24a: {  	[tilespmem:s4], [sflag:$0x1] =	stream.indirect_vreg.gather [hbm4b:s11+s3], $0x80, v4, vm0, $0xb8;
	[tilespmem:$0x18200] =	vst v63  }
0x24b: {  	s4 =	simm.s32 $0x4200  }
0x24c: {  	[tilespmem:s4], [sflag:$0x1] =	stream.indirect_vreg.gather [hbm4b:s1+s3], $0x80, v3, vm0, $0xb8;
	[tilespmem:$0x18200] =	vst v63  }
0x24d: {  	s4 =	simm.s32 $0x4A00  }
0x24e: {  	[tilespmem:s4], [sflag:$0x1] =	stream.indirect_vreg.gather [hbm4b:s5+s3], $0x80, v3, vm0, $0xb8;
	[tilespmem:$0x18200] =	vst v63  }
0x24f: {  	s4 =	simm.s32 $0x5200  }
0x250: {  	[tilespmem:s4], [sflag:$0x1] =	stream.indirect_vreg.gather [hbm4b:s6+s3], $0x80, v3, vm0, $0xb8;
	[tilespmem:$0x18200] =	vst v63  }
0x251: {  	s4 =	simm.s32 $0x5A00  }
0x252: {  	[tilespmem:s4], [sflag:$0x1] =	stream.indirect_vreg.gather [hbm4b:s7+s3], $0x80, v3, vm0, $0xb8;
	[tilespmem:$0x18200] =	vst v63  }
0x253: {  	s4 =	simm.s32 $0x6200  }
0x254: {  	[tilespmem:s4], [sflag:$0x1] =	stream.indirect_vreg.gather [hbm4b:s8+s3], $0x80, v3, vm0, $0xb8;
	[tilespmem:$0x18200] =	vst v63  }
0x255: {  	s4 =	simm.s32 $0x6A00  }
0x256: {  	[tilespmem:s4], [sflag:$0x1] =	stream.indirect_vreg.gather [hbm4b:s9+s3], $0x80, v3, vm0, $0xb8;
	[tilespmem:$0x18200] =	vst v63  }
0x257: {  	s4 =	simm.s32 $0x7200  }
0x258: {  	[tilespmem:s4], [sflag:$0x1] =	stream.indirect_vreg.gather [hbm4b:s10+s3], $0x80, v3, vm0, $0xb8;
	[tilespmem:$0x18200] =	vst v63  }
0x259: {  	s4 =	simm.s32 $0x7A00  }
0x25a: {  	[tilespmem:s4], [sflag:$0x1] =	stream.indirect_vreg.gather [hbm4b:s11+s3], $0x80, v3, vm0, $0xb8;
	[tilespmem:$0x18200] =	vst v63  }
0x25b: {  	_ =	swait.ge [sflag:s2], $0x8000  }
0x25c: {  	[sflag:s2] =	ssyncset.done $0x0  }
0x25d: {  	s4 =	rddreg [dreg:$0xf];
	[sflag:s2] =	ssyncadd.s32 $0xFFFF8000  }
0x25e: {  	[hbm4b:s4+s3] =	stream.linear.scatter [tilespmem:s28], [sflag:$0x6], $0x8000, $0x38;
	[tilespmem:$0x18200] =	vst v63  }
0x25f: {  	_ =	swait.ge [sflag:s0], $0x8000  }
0x260: {  	[sflag:s0] =	ssyncset.done $0x0  }
0x261: {  	[sflag:s0] =	ssyncadd.s32 $0xFFFF8000  }
0x262: {  	v3 =	vld [tilespmem:$0xD0];
	_ =	sdelay $0x4  }
0x263: {  	v45 =	vshll.u32 v3, $0x4  }
0x264: {  	v3 =	vand.u32 $0x7, v3;
	v4 =	vand.u32 $0xFFFFFF80, v45  }
0x265: {  	v3 =	vor.u32 v3, v4  }
0x266: {  	v4 =	vperm.xlane v3, v0;
	_ =	sdelay $0x1  }
0x267: {  	v4 =	vadd.s32 v1, v4;
	_ =	sdelay $0x4  }
0x268: {  	[tilespmem:s31], [sflag:$0x2] =	stream.indirect_vreg.gather [hbm4b:s1+s3], $0x80, v4, vm0, $0xb8;
	[tilespmem:$0x18200] =	vst v63  }
0x269: {  	s12 =	simm.s32 $0x8A00  }
0x26a: {  	[tilespmem:s12], [sflag:$0x2] =	stream.indirect_vreg.gather [hbm4b:s5+s3], $0x80, v4, vm0, $0xb8;
	[tilespmem:$0x18200] =	vst v63  }
0x26b: {  	s15 =	simm.s32 $0x9200  }
0x26c: {  	[tilespmem:s15], [sflag:$0x2] =	stream.indirect_vreg.gather [hbm4b:s6+s3], $0x80, v4, vm0, $0xb8;
	[tilespmem:$0x18200] =	vst v63  }
0x26d: {  	s16 =	simm.s32 $0x9A00  }
0x26e: {  	[tilespmem:s16], [sflag:$0x2] =	stream.indirect_vreg.gather [hbm4b:s7+s3], $0x80, v4, vm0, $0xb8;
	[tilespmem:$0x18200] =	vst v63  }
0x26f: {  	s4 =	simm.s32 $0xA200  }
0x270: {  	[tilespmem:s4], [sflag:$0x2] =	stream.indirect_vreg.gather [hbm4b:s8+s3], $0x80, v4, vm0, $0xb8;
	[tilespmem:$0x18200] =	vst v63  }
0x271: {  	v3 =	vperm.xlane v3, v2;
	s4 =	simm.s32 $0xAA00  }
0x272: {  	[tilespmem:s4], [sflag:$0x2] =	stream.indirect_vreg.gather [hbm4b:s9+s3], $0x80, v4, vm0, $0xb8;
	[tilespmem:$0x18200] =	vst v63  }
0x273: {  	s17 =	simm.s32 $0xB200;
	v3 =	vadd.s32 v1, v3  }
0x274: {  	[tilespmem:s17], [sflag:$0x2] =	stream.indirect_vreg.gather [hbm4b:s10+s3], $0x80, v4, vm0, $0xb8;
	[tilespmem:$0x18200] =	vst v63  }
0x275: {  	s18 =	simm.s32 $0xBA00  }
0x276: {  	[tilespmem:s18], [sflag:$0x2] =	stream.indirect_vreg.gather [hbm4b:s11+s3], $0x80, v4, vm0, $0xb8;
	[tilespmem:$0x18200] =	vst v63  }
0x277: {  	s19 =	simm.s32 $0xC200  }
0x278: {  	[tilespmem:s19], [sflag:$0x2] =	stream.indirect_vreg.gather [hbm4b:s1+s3], $0x80, v3, vm0, $0xb8;
	[tilespmem:$0x18200] =	vst v63  }
0x279: {  	s20 =	simm.s32 $0xCA00  }
0x27a: {  	[tilespmem:s20], [sflag:$0x2] =	stream.indirect_vreg.gather [hbm4b:s5+s3], $0x80, v3, vm0, $0xb8;
	[tilespmem:$0x18200] =	vst v63  }
0x27b: {  	s21 =	simm.s32 $0xD200  }
0x27c: {  	[tilespmem:s21], [sflag:$0x2] =	stream.indirect_vreg.gather [hbm4b:s6+s3], $0x80, v3, vm0, $0xb8;
	[tilespmem:$0x18200] =	vst v63  }
0x27d: {  	s22 =	simm.s32 $0xDA00  }
0x27e: {  	[tilespmem:s22], [sflag:$0x2] =	stream.indirect_vreg.gather [hbm4b:s7+s3], $0x80, v3, vm0, $0xb8;
	[tilespmem:$0x18200] =	vst v63  }
0x27f: {  	s23 =	simm.s32 $0xE200  }
0x280: {  	[tilespmem:s23], [sflag:$0x2] =	stream.indirect_vreg.gather [hbm4b:s8+s3], $0x80, v3, vm0, $0xb8;
	[tilespmem:$0x18200] =	vst v63  }
0x281: {  	s24 =	simm.s32 $0xEA00  }
0x282: {  	[tilespmem:s24], [sflag:$0x2] =	stream.indirect_vreg.gather [hbm4b:s9+s3], $0x80, v3, vm0, $0xb8;
	[tilespmem:$0x18200] =	vst v63  }
0x283: {  	s25 =	simm.s32 $0xF200  }
0x284: {  	[tilespmem:s25], [sflag:$0x2] =	stream.indirect_vreg.gather [hbm4b:s10+s3], $0x80, v3, vm0, $0xb8;
	[tilespmem:$0x18200] =	vst v63  }
0x285: {  	s4 =	simm.s32 $0xFA00  }
0x286: {  	[tilespmem:s4], [sflag:$0x2] =	stream.indirect_vreg.gather [hbm4b:s11+s3], $0x80, v3, vm0, $0xb8;
	[tilespmem:$0x18200] =	vst v63  }
0x287: {  	_ =	swait.ge [sflag:s26], $0x8000  }
0x288: {  	[sflag:s26] =	ssyncset.done $0x0  }
0x289: {  	s4 =	rddreg [dreg:$0x10];
	[sflag:s26] =	ssyncadd.s32 $0xFFFF8000  }
0x28a: {  	[hbm4b:s4+s3] =	stream.linear.scatter [tilespmem:s14], [sflag:$0x4], $0x8000, $0x38;
	[tilespmem:$0x18200] =	vst v63  }
0x28b: {  	_ =	swait.ge [sflag:s13], $0x8000  }
0x28c: {  	[sflag:s13] =	ssyncset.done $0x0  }
0x28d: {  	[sflag:s13] =	ssyncadd.s32 $0xFFFF8000  }
0x28e: {  	v3 =	vld [tilespmem:$0xE0];
	_ =	sdelay $0x4  }
0x28f: {  	v46 =	vshll.u32 v3, $0x4  }
0x290: {  	v3 =	vand.u32 $0x7, v3;
	v4 =	vand.u32 $0xFFFFFF80, v46  }
0x291: {  	v3 =	vor.u32 v3, v4  }
0x292: {  	v4 =	vperm.xlane v3, v0;
	_ =	sdelay $0x1  }
0x293: {  	v4 =	vadd.s32 v1, v4;
	_ =	sdelay $0x4  }
0x294: {  	[tilespmem:s28], [sflag:$0x3] =	stream.indirect_vreg.gather [hbm4b:s1+s3], $0x80, v4, vm0, $0xb8;
	[tilespmem:$0x18200] =	vst v63  }
0x295: {  	s4 =	simm.s32 $0x10A00  }
0x296: {  	[tilespmem:s4], [sflag:$0x3] =	stream.indirect_vreg.gather [hbm4b:s5+s3], $0x80, v4, vm0, $0xb8;
	[tilespmem:$0x18200] =	vst v63  }
0x297: {  	s4 =	simm.s32 $0x11200  }
0x298: {  	[tilespmem:s4], [sflag:$0x3] =	stream.indirect_vreg.gather [hbm4b:s6+s3], $0x80, v4, vm0, $0xb8;
	[tilespmem:$0x18200] =	vst v63  }
0x299: {  	s4 =	simm.s32 $0x11A00  }
0x29a: {  	[tilespmem:s4], [sflag:$0x3] =	stream.indirect_vreg.gather [hbm4b:s7+s3], $0x80, v4, vm0, $0xb8;
	[tilespmem:$0x18200] =	vst v63  }
0x29b: {  	s4 =	simm.s32 $0x12200  }
0x29c: {  	[tilespmem:s4], [sflag:$0x3] =	stream.indirect_vreg.gather [hbm4b:s8+s3], $0x80, v4, vm0, $0xb8;
	[tilespmem:$0x18200] =	vst v63  }
0x29d: {  	v3 =	vperm.xlane v3, v2;
	s4 =	simm.s32 $0x12A00  }
0x29e: {  	[tilespmem:s4], [sflag:$0x3] =	stream.indirect_vreg.gather [hbm4b:s9+s3], $0x80, v4, vm0, $0xb8;
	[tilespmem:$0x18200] =	vst v63  }
0x29f: {  	v3 =	vadd.s32 v1, v3;
	s4 =	simm.s32 $0x13200  }
0x2a0: {  	[tilespmem:s4], [sflag:$0x3] =	stream.indirect_vreg.gather [hbm4b:s10+s3], $0x80, v4, vm0, $0xb8;
	[tilespmem:$0x18200] =	vst v63  }
0x2a1: {  	s4 =	simm.s32 $0x13A00  }
0x2a2: {  	[tilespmem:s4], [sflag:$0x3] =	stream.indirect_vreg.gather [hbm4b:s11+s3], $0x80, v4, vm0, $0xb8;
	[tilespmem:$0x18200] =	vst v63  }
0x2a3: {  	s4 =	simm.s32 $0x14200  }
0x2a4: {  	[tilespmem:s4], [sflag:$0x3] =	stream.indirect_vreg.gather [hbm4b:s1+s3], $0x80, v3, vm0, $0xb8;
	[tilespmem:$0x18200] =	vst v63  }
0x2a5: {  	s4 =	simm.s32 $0x14A00  }
0x2a6: {  	[tilespmem:s4], [sflag:$0x3] =	stream.indirect_vreg.gather [hbm4b:s5+s3], $0x80, v3, vm0, $0xb8;
	[tilespmem:$0x18200] =	vst v63  }
0x2a7: {  	s4 =	simm.s32 $0x15200  }
0x2a8: {  	[tilespmem:s4], [sflag:$0x3] =	stream.indirect_vreg.gather [hbm4b:s6+s3], $0x80, v3, vm0, $0xb8;
	[tilespmem:$0x18200] =	vst v63  }
0x2a9: {  	s4 =	simm.s32 $0x15A00  }
0x2aa: {  	[tilespmem:s4], [sflag:$0x3] =	stream.indirect_vreg.gather [hbm4b:s7+s3], $0x80, v3, vm0, $0xb8;
	[tilespmem:$0x18200] =	vst v63  }
0x2ab: {  	s4 =	simm.s32 $0x16200  }
0x2ac: {  	[tilespmem:s4], [sflag:$0x3] =	stream.indirect_vreg.gather [hbm4b:s8+s3], $0x80, v3, vm0, $0xb8;
	[tilespmem:$0x18200] =	vst v63  }
0x2ad: {  	s4 =	simm.s32 $0x16A00  }
0x2ae: {  	[tilespmem:s4], [sflag:$0x3] =	stream.indirect_vreg.gather [hbm4b:s9+s3], $0x80, v3, vm0, $0xb8;
	[tilespmem:$0x18200] =	vst v63  }
0x2af: {  	s4 =	simm.s32 $0x17200  }
0x2b0: {  	[tilespmem:s4], [sflag:$0x3] =	stream.indirect_vreg.gather [hbm4b:s10+s3], $0x80, v3, vm0, $0xb8;
	[tilespmem:$0x18200] =	vst v63  }
0x2b1: {  	s4 =	simm.s32 $0x17A00  }
0x2b2: {  	[tilespmem:s4], [sflag:$0x3] =	stream.indirect_vreg.gather [hbm4b:s11+s3], $0x80, v3, vm0, $0xb8;
	[tilespmem:$0x18200] =	vst v63  }
0x2b3: {  	_ =	swait.ge [sflag:s29], $0x8000  }
0x2b4: {  	[sflag:s29] =	ssyncset.done $0x0  }
0x2b5: {  	s4 =	rddreg [dreg:$0x11];
	[sflag:s29] =	ssyncadd.s32 $0xFFFF8000  }
0x2b6: {  	[hbm4b:s4+s3] =	stream.linear.scatter [tilespmem:s31], [sflag:$0x5], $0x8000, $0x38;
	[tilespmem:$0x18200] =	vst v63  }
0x2b7: {  	_ =	swait.ge [sflag:s30], $0x8000  }
0x2b8: {  	[sflag:s30] =	ssyncset.done $0x0  }
0x2b9: {  	[sflag:s30] =	ssyncadd.s32 $0xFFFF8000  }
0x2ba: {  	v3 =	vld [tilespmem:$0xF0];
	_ =	sdelay $0x4  }
0x2bb: {  	v47 =	vshll.u32 v3, $0x4  }
0x2bc: {  	v3 =	vand.u32 $0x7, v3;
	v4 =	vand.u32 $0xFFFFFF80, v47  }
0x2bd: {  	v3 =	vor.u32 v3, v4  }
0x2be: {  	v4 =	vperm.xlane v3, v0;
	_ =	sdelay $0x1  }
0x2bf: {  	v4 =	vadd.s32 v1, v4;
	_ =	sdelay $0x4  }
0x2c0: {  	[tilespmem:s14], [sflag:$0x1] =	stream.indirect_vreg.gather [hbm4b:s1+s3], $0x80, v4, vm0, $0xb8;
	[tilespmem:$0x18200] =	vst v63  }
0x2c1: {  	s4 =	simm.s32 $0xA00  }
0x2c2: {  	[tilespmem:s4], [sflag:$0x1] =	stream.indirect_vreg.gather [hbm4b:s5+s3], $0x80, v4, vm0, $0xb8;
	[tilespmem:$0x18200] =	vst v63  }
0x2c3: {  	s4 =	simm.s32 $0x1200  }
0x2c4: {  	[tilespmem:s4], [sflag:$0x1] =	stream.indirect_vreg.gather [hbm4b:s6+s3], $0x80, v4, vm0, $0xb8;
	[tilespmem:$0x18200] =	vst v63  }
0x2c5: {  	s4 =	simm.s32 $0x1A00  }
0x2c6: {  	[tilespmem:s4], [sflag:$0x1] =	stream.indirect_vreg.gather [hbm4b:s7+s3], $0x80, v4, vm0, $0xb8;
	[tilespmem:$0x18200] =	vst v63  }
0x2c7: {  	s4 =	simm.s32 $0x2200  }
0x2c8: {  	[tilespmem:s4], [sflag:$0x1] =	stream.indirect_vreg.gather [hbm4b:s8+s3], $0x80, v4, vm0, $0xb8;
	[tilespmem:$0x18200] =	vst v63  }
0x2c9: {  	v3 =	vperm.xlane v3, v2;
	s4 =	simm.s32 $0x2A00  }
0x2ca: {  	[tilespmem:s4], [sflag:$0x1] =	stream.indirect_vreg.gather [hbm4b:s9+s3], $0x80, v4, vm0, $0xb8;
	[tilespmem:$0x18200] =	vst v63  }
0x2cb: {  	v3 =	vadd.s32 v1, v3;
	s4 =	simm.s32 $0x3200  }
0x2cc: {  	[tilespmem:s4], [sflag:$0x1] =	stream.indirect_vreg.gather [hbm4b:s10+s3], $0x80, v4, vm0, $0xb8;
	[tilespmem:$0x18200] =	vst v63  }
0x2cd: {  	s4 =	simm.s32 $0x3A00  }
0x2ce: {  	[tilespmem:s4], [sflag:$0x1] =	stream.indirect_vreg.gather [hbm4b:s11+s3], $0x80, v4, vm0, $0xb8;
	[tilespmem:$0x18200] =	vst v63  }
0x2cf: {  	s4 =	simm.s32 $0x4200  }
0x2d0: {  	[tilespmem:s4], [sflag:$0x1] =	stream.indirect_vreg.gather [hbm4b:s1+s3], $0x80, v3, vm0, $0xb8;
	[tilespmem:$0x18200] =	vst v63  }
0x2d1: {  	s4 =	simm.s32 $0x4A00  }
0x2d2: {  	[tilespmem:s4], [sflag:$0x1] =	stream.indirect_vreg.gather [hbm4b:s5+s3], $0x80, v3, vm0, $0xb8;
	[tilespmem:$0x18200] =	vst v63  }
0x2d3: {  	s4 =	simm.s32 $0x5200  }
0x2d4: {  	[tilespmem:s4], [sflag:$0x1] =	stream.indirect_vreg.gather [hbm4b:s6+s3], $0x80, v3, vm0, $0xb8;
	[tilespmem:$0x18200] =	vst v63  }
0x2d5: {  	s4 =	simm.s32 $0x5A00  }
0x2d6: {  	[tilespmem:s4], [sflag:$0x1] =	stream.indirect_vreg.gather [hbm4b:s7+s3], $0x80, v3, vm0, $0xb8;
	[tilespmem:$0x18200] =	vst v63  }
0x2d7: {  	s4 =	simm.s32 $0x6200  }
0x2d8: {  	[tilespmem:s4], [sflag:$0x1] =	stream.indirect_vreg.gather [hbm4b:s8+s3], $0x80, v3, vm0, $0xb8;
	[tilespmem:$0x18200] =	vst v63  }
0x2d9: {  	s4 =	simm.s32 $0x6A00  }
0x2da: {  	[tilespmem:s4], [sflag:$0x1] =	stream.indirect_vreg.gather [hbm4b:s9+s3], $0x80, v3, vm0, $0xb8;
	[tilespmem:$0x18200] =	vst v63  }
0x2db: {  	s4 =	simm.s32 $0x7200  }
0x2dc: {  	[tilespmem:s4], [sflag:$0x1] =	stream.indirect_vreg.gather [hbm4b:s10+s3], $0x80, v3, vm0, $0xb8;
	[tilespmem:$0x18200] =	vst v63  }
0x2dd: {  	s4 =	simm.s32 $0x7A00  }
0x2de: {  	[tilespmem:s4], [sflag:$0x1] =	stream.indirect_vreg.gather [hbm4b:s11+s3], $0x80, v3, vm0, $0xb8;
	[tilespmem:$0x18200] =	vst v63  }
0x2df: {  	_ =	swait.ge [sflag:s2], $0x8000  }
0x2e0: {  	[sflag:s2] =	ssyncset.done $0x0  }
0x2e1: {  	s4 =	rddreg [dreg:$0x12];
	[sflag:s2] =	ssyncadd.s32 $0xFFFF8000  }
0x2e2: {  	[hbm4b:s4+s3] =	stream.linear.scatter [tilespmem:s28], [sflag:$0x6], $0x8000, $0x38;
	[tilespmem:$0x18200] =	vst v63  }
0x2e3: {  	_ =	swait.ge [sflag:s0], $0x8000  }
0x2e4: {  	[sflag:s0] =	ssyncset.done $0x0  }
0x2e5: {  	[sflag:s0] =	ssyncadd.s32 $0xFFFF8000  }
0x2e6: {  	v3 =	vld [tilespmem:$0x100];
	_ =	sdelay $0x4  }
0x2e7: {  	v48 =	vshll.u32 v3, $0x4  }
0x2e8: {  	v3 =	vand.u32 $0x7, v3;
	v4 =	vand.u32 $0xFFFFFF80, v48  }
0x2e9: {  	v3 =	vor.u32 v3, v4  }
0x2ea: {  	v4 =	vperm.xlane v3, v0;
	_ =	sdelay $0x1  }
0x2eb: {  	v4 =	vadd.s32 v1, v4;
	_ =	sdelay $0x4  }
0x2ec: {  	[tilespmem:s31], [sflag:$0x2] =	stream.indirect_vreg.gather [hbm4b:s1+s3], $0x80, v4, vm0, $0xb8;
	[tilespmem:$0x18200] =	vst v63  }
0x2ed: {  	s12 =	simm.s32 $0x8A00  }
0x2ee: {  	[tilespmem:s12], [sflag:$0x2] =	stream.indirect_vreg.gather [hbm4b:s5+s3], $0x80, v4, vm0, $0xb8;
	[tilespmem:$0x18200] =	vst v63  }
0x2ef: {  	s15 =	simm.s32 $0x9200  }
0x2f0: {  	[tilespmem:s15], [sflag:$0x2] =	stream.indirect_vreg.gather [hbm4b:s6+s3], $0x80, v4, vm0, $0xb8;
	[tilespmem:$0x18200] =	vst v63  }
0x2f1: {  	s16 =	simm.s32 $0x9A00  }
0x2f2: {  	[tilespmem:s16], [sflag:$0x2] =	stream.indirect_vreg.gather [hbm4b:s7+s3], $0x80, v4, vm0, $0xb8;
	[tilespmem:$0x18200] =	vst v63  }
0x2f3: {  	s4 =	simm.s32 $0xA200  }
0x2f4: {  	[tilespmem:s4], [sflag:$0x2] =	stream.indirect_vreg.gather [hbm4b:s8+s3], $0x80, v4, vm0, $0xb8;
	[tilespmem:$0x18200] =	vst v63  }
0x2f5: {  	v3 =	vperm.xlane v3, v2;
	s4 =	simm.s32 $0xAA00  }
0x2f6: {  	[tilespmem:s4], [sflag:$0x2] =	stream.indirect_vreg.gather [hbm4b:s9+s3], $0x80, v4, vm0, $0xb8;
	[tilespmem:$0x18200] =	vst v63  }
0x2f7: {  	s17 =	simm.s32 $0xB200;
	v3 =	vadd.s32 v1, v3  }
0x2f8: {  	[tilespmem:s17], [sflag:$0x2] =	stream.indirect_vreg.gather [hbm4b:s10+s3], $0x80, v4, vm0, $0xb8;
	[tilespmem:$0x18200] =	vst v63  }
0x2f9: {  	s18 =	simm.s32 $0xBA00  }
0x2fa: {  	[tilespmem:s18], [sflag:$0x2] =	stream.indirect_vreg.gather [hbm4b:s11+s3], $0x80, v4, vm0, $0xb8;
	[tilespmem:$0x18200] =	vst v63  }
0x2fb: {  	s19 =	simm.s32 $0xC200  }
0x2fc: {  	[tilespmem:s19], [sflag:$0x2] =	stream.indirect_vreg.gather [hbm4b:s1+s3], $0x80, v3, vm0, $0xb8;
	[tilespmem:$0x18200] =	vst v63  }
0x2fd: {  	s20 =	simm.s32 $0xCA00  }
0x2fe: {  	[tilespmem:s20], [sflag:$0x2] =	stream.indirect_vreg.gather [hbm4b:s5+s3], $0x80, v3, vm0, $0xb8;
	[tilespmem:$0x18200] =	vst v63  }
0x2ff: {  	s21 =	simm.s32 $0xD200  }
0x300: {  	[tilespmem:s21], [sflag:$0x2] =	stream.indirect_vreg.gather [hbm4b:s6+s3], $0x80, v3, vm0, $0xb8;
	[tilespmem:$0x18200] =	vst v63  }
0x301: {  	s22 =	simm.s32 $0xDA00  }
0x302: {  	[tilespmem:s22], [sflag:$0x2] =	stream.indirect_vreg.gather [hbm4b:s7+s3], $0x80, v3, vm0, $0xb8;
	[tilespmem:$0x18200] =	vst v63  }
0x303: {  	s23 =	simm.s32 $0xE200  }
0x304: {  	[tilespmem:s23], [sflag:$0x2] =	stream.indirect_vreg.gather [hbm4b:s8+s3], $0x80, v3, vm0, $0xb8;
	[tilespmem:$0x18200] =	vst v63  }
0x305: {  	s24 =	simm.s32 $0xEA00  }
0x306: {  	[tilespmem:s24], [sflag:$0x2] =	stream.indirect_vreg.gather [hbm4b:s9+s3], $0x80, v3, vm0, $0xb8;
	[tilespmem:$0x18200] =	vst v63  }
0x307: {  	s25 =	simm.s32 $0xF200  }
0x308: {  	[tilespmem:s25], [sflag:$0x2] =	stream.indirect_vreg.gather [hbm4b:s10+s3], $0x80, v3, vm0, $0xb8;
	[tilespmem:$0x18200] =	vst v63  }
0x309: {  	s4 =	simm.s32 $0xFA00  }
0x30a: {  	[tilespmem:s4], [sflag:$0x2] =	stream.indirect_vreg.gather [hbm4b:s11+s3], $0x80, v3, vm0, $0xb8;
	[tilespmem:$0x18200] =	vst v63  }
0x30b: {  	_ =	swait.ge [sflag:s26], $0x8000  }
0x30c: {  	[sflag:s26] =	ssyncset.done $0x0  }
0x30d: {  	s4 =	rddreg [dreg:$0x13];
	[sflag:s26] =	ssyncadd.s32 $0xFFFF8000  }
0x30e: {  	[hbm4b:s4+s3] =	stream.linear.scatter [tilespmem:s14], [sflag:$0x4], $0x8000, $0x38;
	[tilespmem:$0x18200] =	vst v63  }
0x30f: {  	_ =	swait.ge [sflag:s13], $0x8000  }
0x310: {  	[sflag:s13] =	ssyncset.done $0x0  }
0x311: {  	[sflag:s13] =	ssyncadd.s32 $0xFFFF8000  }
0x312: {  	v3 =	vld [tilespmem:$0x110];
	_ =	sdelay $0x4  }
0x313: {  	v49 =	vshll.u32 v3, $0x4  }
0x314: {  	v3 =	vand.u32 $0x7, v3;
	v4 =	vand.u32 $0xFFFFFF80, v49  }
0x315: {  	v3 =	vor.u32 v3, v4  }
0x316: {  	v4 =	vperm.xlane v3, v0;
	_ =	sdelay $0x1  }
0x317: {  	v4 =	vadd.s32 v1, v4;
	_ =	sdelay $0x4  }
0x318: {  	[tilespmem:s28], [sflag:$0x3] =	stream.indirect_vreg.gather [hbm4b:s1+s3], $0x80, v4, vm0, $0xb8;
	[tilespmem:$0x18200] =	vst v63  }
0x319: {  	s4 =	simm.s32 $0x10A00  }
0x31a: {  	[tilespmem:s4], [sflag:$0x3] =	stream.indirect_vreg.gather [hbm4b:s5+s3], $0x80, v4, vm0, $0xb8;
	[tilespmem:$0x18200] =	vst v63  }
0x31b: {  	s4 =	simm.s32 $0x11200  }
0x31c: {  	[tilespmem:s4], [sflag:$0x3] =	stream.indirect_vreg.gather [hbm4b:s6+s3], $0x80, v4, vm0, $0xb8;
	[tilespmem:$0x18200] =	vst v63  }
0x31d: {  	s4 =	simm.s32 $0x11A00  }
0x31e: {  	[tilespmem:s4], [sflag:$0x3] =	stream.indirect_vreg.gather [hbm4b:s7+s3], $0x80, v4, vm0, $0xb8;
	[tilespmem:$0x18200] =	vst v63  }
0x31f: {  	s4 =	simm.s32 $0x12200  }
0x320: {  	[tilespmem:s4], [sflag:$0x3] =	stream.indirect_vreg.gather [hbm4b:s8+s3], $0x80, v4, vm0, $0xb8;
	[tilespmem:$0x18200] =	vst v63  }
0x321: {  	v3 =	vperm.xlane v3, v2;
	s4 =	simm.s32 $0x12A00  }
0x322: {  	[tilespmem:s4], [sflag:$0x3] =	stream.indirect_vreg.gather [hbm4b:s9+s3], $0x80, v4, vm0, $0xb8;
	[tilespmem:$0x18200] =	vst v63  }
0x323: {  	v3 =	vadd.s32 v1, v3;
	s4 =	simm.s32 $0x13200  }
0x324: {  	[tilespmem:s4], [sflag:$0x3] =	stream.indirect_vreg.gather [hbm4b:s10+s3], $0x80, v4, vm0, $0xb8;
	[tilespmem:$0x18200] =	vst v63  }
0x325: {  	s4 =	simm.s32 $0x13A00  }
0x326: {  	[tilespmem:s4], [sflag:$0x3] =	stream.indirect_vreg.gather [hbm4b:s11+s3], $0x80, v4, vm0, $0xb8;
	[tilespmem:$0x18200] =	vst v63  }
0x327: {  	s4 =	simm.s32 $0x14200  }
0x328: {  	[tilespmem:s4], [sflag:$0x3] =	stream.indirect_vreg.gather [hbm4b:s1+s3], $0x80, v3, vm0, $0xb8;
	[tilespmem:$0x18200] =	vst v63  }
0x329: {  	s4 =	simm.s32 $0x14A00  }
0x32a: {  	[tilespmem:s4], [sflag:$0x3] =	stream.indirect_vreg.gather [hbm4b:s5+s3], $0x80, v3, vm0, $0xb8;
	[tilespmem:$0x18200] =	vst v63  }
0x32b: {  	s4 =	simm.s32 $0x15200  }
0x32c: {  	[tilespmem:s4], [sflag:$0x3] =	stream.indirect_vreg.gather [hbm4b:s6+s3], $0x80, v3, vm0, $0xb8;
	[tilespmem:$0x18200] =	vst v63  }
0x32d: {  	s4 =	simm.s32 $0x15A00  }
0x32e: {  	[tilespmem:s4], [sflag:$0x3] =	stream.indirect_vreg.gather [hbm4b:s7+s3], $0x80, v3, vm0, $0xb8;
	[tilespmem:$0x18200] =	vst v63  }
0x32f: {  	s4 =	simm.s32 $0x16200  }
0x330: {  	[tilespmem:s4], [sflag:$0x3] =	stream.indirect_vreg.gather [hbm4b:s8+s3], $0x80, v3, vm0, $0xb8;
	[tilespmem:$0x18200] =	vst v63  }
0x331: {  	s4 =	simm.s32 $0x16A00  }
0x332: {  	[tilespmem:s4], [sflag:$0x3] =	stream.indirect_vreg.gather [hbm4b:s9+s3], $0x80, v3, vm0, $0xb8;
	[tilespmem:$0x18200] =	vst v63  }
0x333: {  	s4 =	simm.s32 $0x17200  }
0x334: {  	[tilespmem:s4], [sflag:$0x3] =	stream.indirect_vreg.gather [hbm4b:s10+s3], $0x80, v3, vm0, $0xb8;
	[tilespmem:$0x18200] =	vst v63  }
0x335: {  	s4 =	simm.s32 $0x17A00  }
0x336: {  	[tilespmem:s4], [sflag:$0x3] =	stream.indirect_vreg.gather [hbm4b:s11+s3], $0x80, v3, vm0, $0xb8;
	[tilespmem:$0x18200] =	vst v63  }
0x337: {  	_ =	swait.ge [sflag:s29], $0x8000  }
0x338: {  	[sflag:s29] =	ssyncset.done $0x0  }
0x339: {  	s4 =	rddreg [dreg:$0x14];
	[sflag:s29] =	ssyncadd.s32 $0xFFFF8000  }
0x33a: {  	[hbm4b:s4+s3] =	stream.linear.scatter [tilespmem:s31], [sflag:$0x5], $0x8000, $0x38;
	[tilespmem:$0x18200] =	vst v63  }
0x33b: {  	_ =	swait.ge [sflag:s30], $0x8000  }
0x33c: {  	[sflag:s30] =	ssyncset.done $0x0  }
0x33d: {  	[sflag:s30] =	ssyncadd.s32 $0xFFFF8000  }
0x33e: {  	v3 =	vld [tilespmem:$0x120];
	_ =	sdelay $0x4  }
0x33f: {  	v50 =	vshll.u32 v3, $0x4  }
0x340: {  	v3 =	vand.u32 $0x7, v3;
	v4 =	vand.u32 $0xFFFFFF80, v50  }
0x341: {  	v3 =	vor.u32 v3, v4  }
0x342: {  	v4 =	vperm.xlane v3, v0;
	_ =	sdelay $0x1  }
0x343: {  	v4 =	vadd.s32 v1, v4;
	_ =	sdelay $0x4  }
0x344: {  	[tilespmem:s14], [sflag:$0x1] =	stream.indirect_vreg.gather [hbm4b:s1+s3], $0x80, v4, vm0, $0xb8;
	[tilespmem:$0x18200] =	vst v63  }
0x345: {  	s4 =	simm.s32 $0xA00  }
0x346: {  	[tilespmem:s4], [sflag:$0x1] =	stream.indirect_vreg.gather [hbm4b:s5+s3], $0x80, v4, vm0, $0xb8;
	[tilespmem:$0x18200] =	vst v63  }
0x347: {  	s4 =	simm.s32 $0x1200  }
0x348: {  	[tilespmem:s4], [sflag:$0x1] =	stream.indirect_vreg.gather [hbm4b:s6+s3], $0x80, v4, vm0, $0xb8;
	[tilespmem:$0x18200] =	vst v63  }
0x349: {  	s4 =	simm.s32 $0x1A00  }
0x34a: {  	[tilespmem:s4], [sflag:$0x1] =	stream.indirect_vreg.gather [hbm4b:s7+s3], $0x80, v4, vm0, $0xb8;
	[tilespmem:$0x18200] =	vst v63  }
0x34b: {  	s4 =	simm.s32 $0x2200  }
0x34c: {  	[tilespmem:s4], [sflag:$0x1] =	stream.indirect_vreg.gather [hbm4b:s8+s3], $0x80, v4, vm0, $0xb8;
	[tilespmem:$0x18200] =	vst v63  }
0x34d: {  	v3 =	vperm.xlane v3, v2;
	s4 =	simm.s32 $0x2A00  }
0x34e: {  	[tilespmem:s4], [sflag:$0x1] =	stream.indirect_vreg.gather [hbm4b:s9+s3], $0x80, v4, vm0, $0xb8;
	[tilespmem:$0x18200] =	vst v63  }
0x34f: {  	v3 =	vadd.s32 v1, v3;
	s4 =	simm.s32 $0x3200  }
0x350: {  	[tilespmem:s4], [sflag:$0x1] =	stream.indirect_vreg.gather [hbm4b:s10+s3], $0x80, v4, vm0, $0xb8;
	[tilespmem:$0x18200] =	vst v63  }
0x351: {  	s4 =	simm.s32 $0x3A00  }
0x352: {  	[tilespmem:s4], [sflag:$0x1] =	stream.indirect_vreg.gather [hbm4b:s11+s3], $0x80, v4, vm0, $0xb8;
	[tilespmem:$0x18200] =	vst v63  }
0x353: {  	s4 =	simm.s32 $0x4200  }
0x354: {  	[tilespmem:s4], [sflag:$0x1] =	stream.indirect_vreg.gather [hbm4b:s1+s3], $0x80, v3, vm0, $0xb8;
	[tilespmem:$0x18200] =	vst v63  }
0x355: {  	s4 =	simm.s32 $0x4A00  }
0x356: {  	[tilespmem:s4], [sflag:$0x1] =	stream.indirect_vreg.gather [hbm4b:s5+s3], $0x80, v3, vm0, $0xb8;
	[tilespmem:$0x18200] =	vst v63  }
0x357: {  	s4 =	simm.s32 $0x5200  }
0x358: {  	[tilespmem:s4], [sflag:$0x1] =	stream.indirect_vreg.gather [hbm4b:s6+s3], $0x80, v3, vm0, $0xb8;
	[tilespmem:$0x18200] =	vst v63  }
0x359: {  	s4 =	simm.s32 $0x5A00  }
0x35a: {  	[tilespmem:s4], [sflag:$0x1] =	stream.indirect_vreg.gather [hbm4b:s7+s3], $0x80, v3, vm0, $0xb8;
	[tilespmem:$0x18200] =	vst v63  }
0x35b: {  	s4 =	simm.s32 $0x6200  }
0x35c: {  	[tilespmem:s4], [sflag:$0x1] =	stream.indirect_vreg.gather [hbm4b:s8+s3], $0x80, v3, vm0, $0xb8;
	[tilespmem:$0x18200] =	vst v63  }
0x35d: {  	s4 =	simm.s32 $0x6A00  }
0x35e: {  	[tilespmem:s4], [sflag:$0x1] =	stream.indirect_vreg.gather [hbm4b:s9+s3], $0x80, v3, vm0, $0xb8;
	[tilespmem:$0x18200] =	vst v63  }
0x35f: {  	s4 =	simm.s32 $0x7200  }
0x360: {  	[tilespmem:s4], [sflag:$0x1] =	stream.indirect_vreg.gather [hbm4b:s10+s3], $0x80, v3, vm0, $0xb8;
	[tilespmem:$0x18200] =	vst v63  }
0x361: {  	s4 =	simm.s32 $0x7A00  }
0x362: {  	[tilespmem:s4], [sflag:$0x1] =	stream.indirect_vreg.gather [hbm4b:s11+s3], $0x80, v3, vm0, $0xb8;
	[tilespmem:$0x18200] =	vst v63  }
0x363: {  	_ =	swait.ge [sflag:s2], $0x8000  }
0x364: {  	[sflag:s2] =	ssyncset.done $0x0  }
0x365: {  	s4 =	rddreg [dreg:$0x15];
	[sflag:s2] =	ssyncadd.s32 $0xFFFF8000  }
0x366: {  	[hbm4b:s4+s3] =	stream.linear.scatter [tilespmem:s28], [sflag:$0x6], $0x8000, $0x38;
	[tilespmem:$0x18200] =	vst v63  }
0x367: {  	_ =	swait.ge [sflag:s0], $0x8000  }
0x368: {  	[sflag:s0] =	ssyncset.done $0x0  }
0x369: {  	[sflag:s0] =	ssyncadd.s32 $0xFFFF8000  }
0x36a: {  	v3 =	vld [tilespmem:$0x130];
	_ =	sdelay $0x4  }
0x36b: {  	v51 =	vshll.u32 v3, $0x4  }
0x36c: {  	v3 =	vand.u32 $0x7, v3;
	v4 =	vand.u32 $0xFFFFFF80, v51  }
0x36d: {  	v3 =	vor.u32 v3, v4  }
0x36e: {  	v4 =	vperm.xlane v3, v0;
	_ =	sdelay $0x1  }
0x36f: {  	v4 =	vadd.s32 v1, v4;
	_ =	sdelay $0x4  }
0x370: {  	[tilespmem:s31], [sflag:$0x2] =	stream.indirect_vreg.gather [hbm4b:s1+s3], $0x80, v4, vm0, $0xb8;
	[tilespmem:$0x18200] =	vst v63  }
0x371: {  	s12 =	simm.s32 $0x8A00  }
0x372: {  	[tilespmem:s12], [sflag:$0x2] =	stream.indirect_vreg.gather [hbm4b:s5+s3], $0x80, v4, vm0, $0xb8;
	[tilespmem:$0x18200] =	vst v63  }
0x373: {  	s15 =	simm.s32 $0x9200  }
0x374: {  	[tilespmem:s15], [sflag:$0x2] =	stream.indirect_vreg.gather [hbm4b:s6+s3], $0x80, v4, vm0, $0xb8;
	[tilespmem:$0x18200] =	vst v63  }
0x375: {  	s16 =	simm.s32 $0x9A00  }
0x376: {  	[tilespmem:s16], [sflag:$0x2] =	stream.indirect_vreg.gather [hbm4b:s7+s3], $0x80, v4, vm0, $0xb8;
	[tilespmem:$0x18200] =	vst v63  }
0x377: {  	s4 =	simm.s32 $0xA200  }
0x378: {  	[tilespmem:s4], [sflag:$0x2] =	stream.indirect_vreg.gather [hbm4b:s8+s3], $0x80, v4, vm0, $0xb8;
	[tilespmem:$0x18200] =	vst v63  }
0x379: {  	v3 =	vperm.xlane v3, v2;
	s4 =	simm.s32 $0xAA00  }
0x37a: {  	[tilespmem:s4], [sflag:$0x2] =	stream.indirect_vreg.gather [hbm4b:s9+s3], $0x80, v4, vm0, $0xb8;
	[tilespmem:$0x18200] =	vst v63  }
0x37b: {  	s17 =	simm.s32 $0xB200;
	v3 =	vadd.s32 v1, v3  }
0x37c: {  	[tilespmem:s17], [sflag:$0x2] =	stream.indirect_vreg.gather [hbm4b:s10+s3], $0x80, v4, vm0, $0xb8;
	[tilespmem:$0x18200] =	vst v63  }
0x37d: {  	s18 =	simm.s32 $0xBA00  }
0x37e: {  	[tilespmem:s18], [sflag:$0x2] =	stream.indirect_vreg.gather [hbm4b:s11+s3], $0x80, v4, vm0, $0xb8;
	[tilespmem:$0x18200] =	vst v63  }
0x37f: {  	s19 =	simm.s32 $0xC200  }
0x380: {  	[tilespmem:s19], [sflag:$0x2] =	stream.indirect_vreg.gather [hbm4b:s1+s3], $0x80, v3, vm0, $0xb8;
	[tilespmem:$0x18200] =	vst v63  }
0x381: {  	s20 =	simm.s32 $0xCA00  }
0x382: {  	[tilespmem:s20], [sflag:$0x2] =	stream.indirect_vreg.gather [hbm4b:s5+s3], $0x80, v3, vm0, $0xb8;
	[tilespmem:$0x18200] =	vst v63  }
0x383: {  	s21 =	simm.s32 $0xD200  }
0x384: {  	[tilespmem:s21], [sflag:$0x2] =	stream.indirect_vreg.gather [hbm4b:s6+s3], $0x80, v3, vm0, $0xb8;
	[tilespmem:$0x18200] =	vst v63  }
0x385: {  	s22 =	simm.s32 $0xDA00  }
0x386: {  	[tilespmem:s22], [sflag:$0x2] =	stream.indirect_vreg.gather [hbm4b:s7+s3], $0x80, v3, vm0, $0xb8;
	[tilespmem:$0x18200] =	vst v63  }
0x387: {  	s23 =	simm.s32 $0xE200  }
0x388: {  	[tilespmem:s23], [sflag:$0x2] =	stream.indirect_vreg.gather [hbm4b:s8+s3], $0x80, v3, vm0, $0xb8;
	[tilespmem:$0x18200] =	vst v63  }
0x389: {  	s24 =	simm.s32 $0xEA00  }
0x38a: {  	[tilespmem:s24], [sflag:$0x2] =	stream.indirect_vreg.gather [hbm4b:s9+s3], $0x80, v3, vm0, $0xb8;
	[tilespmem:$0x18200] =	vst v63  }
0x38b: {  	s25 =	simm.s32 $0xF200  }
0x38c: {  	[tilespmem:s25], [sflag:$0x2] =	stream.indirect_vreg.gather [hbm4b:s10+s3], $0x80, v3, vm0, $0xb8;
	[tilespmem:$0x18200] =	vst v63  }
0x38d: {  	s4 =	simm.s32 $0xFA00  }
0x38e: {  	[tilespmem:s4], [sflag:$0x2] =	stream.indirect_vreg.gather [hbm4b:s11+s3], $0x80, v3, vm0, $0xb8;
	[tilespmem:$0x18200] =	vst v63  }
0x38f: {  	_ =	swait.ge [sflag:s26], $0x8000  }
0x390: {  	[sflag:s26] =	ssyncset.done $0x0  }
0x391: {  	s4 =	rddreg [dreg:$0x16];
	[sflag:s26] =	ssyncadd.s32 $0xFFFF8000  }
0x392: {  	[hbm4b:s4+s3] =	stream.linear.scatter [tilespmem:s14], [sflag:$0x4], $0x8000, $0x38;
	[tilespmem:$0x18200] =	vst v63  }
0x393: {  	_ =	swait.ge [sflag:s13], $0x8000  }
0x394: {  	[sflag:s13] =	ssyncset.done $0x0  }
0x395: {  	[sflag:s13] =	ssyncadd.s32 $0xFFFF8000  }
0x396: {  	v3 =	vld [tilespmem:$0x140];
	_ =	sdelay $0x4  }
0x397: {  	v52 =	vshll.u32 v3, $0x4  }
0x398: {  	v3 =	vand.u32 $0x7, v3;
	v4 =	vand.u32 $0xFFFFFF80, v52  }
0x399: {  	v3 =	vor.u32 v3, v4  }
0x39a: {  	v4 =	vperm.xlane v3, v0;
	_ =	sdelay $0x1  }
0x39b: {  	v4 =	vadd.s32 v1, v4;
	_ =	sdelay $0x4  }
0x39c: {  	[tilespmem:s28], [sflag:$0x3] =	stream.indirect_vreg.gather [hbm4b:s1+s3], $0x80, v4, vm0, $0xb8;
	[tilespmem:$0x18200] =	vst v63  }
0x39d: {  	s4 =	simm.s32 $0x10A00  }
0x39e: {  	[tilespmem:s4], [sflag:$0x3] =	stream.indirect_vreg.gather [hbm4b:s5+s3], $0x80, v4, vm0, $0xb8;
	[tilespmem:$0x18200] =	vst v63  }
0x39f: {  	s4 =	simm.s32 $0x11200  }
0x3a0: {  	[tilespmem:s4], [sflag:$0x3] =	stream.indirect_vreg.gather [hbm4b:s6+s3], $0x80, v4, vm0, $0xb8;
	[tilespmem:$0x18200] =	vst v63  }
0x3a1: {  	s4 =	simm.s32 $0x11A00  }
0x3a2: {  	[tilespmem:s4], [sflag:$0x3] =	stream.indirect_vreg.gather [hbm4b:s7+s3], $0x80, v4, vm0, $0xb8;
	[tilespmem:$0x18200] =	vst v63  }
0x3a3: {  	s4 =	simm.s32 $0x12200  }
0x3a4: {  	[tilespmem:s4], [sflag:$0x3] =	stream.indirect_vreg.gather [hbm4b:s8+s3], $0x80, v4, vm0, $0xb8;
	[tilespmem:$0x18200] =	vst v63  }
0x3a5: {  	v3 =	vperm.xlane v3, v2;
	s4 =	simm.s32 $0x12A00  }
0x3a6: {  	[tilespmem:s4], [sflag:$0x3] =	stream.indirect_vreg.gather [hbm4b:s9+s3], $0x80, v4, vm0, $0xb8;
	[tilespmem:$0x18200] =	vst v63  }
0x3a7: {  	v3 =	vadd.s32 v1, v3;
	s4 =	simm.s32 $0x13200  }
0x3a8: {  	[tilespmem:s4], [sflag:$0x3] =	stream.indirect_vreg.gather [hbm4b:s10+s3], $0x80, v4, vm0, $0xb8;
	[tilespmem:$0x18200] =	vst v63  }
0x3a9: {  	s4 =	simm.s32 $0x13A00  }
0x3aa: {  	[tilespmem:s4], [sflag:$0x3] =	stream.indirect_vreg.gather [hbm4b:s11+s3], $0x80, v4, vm0, $0xb8;
	[tilespmem:$0x18200] =	vst v63  }
0x3ab: {  	s4 =	simm.s32 $0x14200  }
0x3ac: {  	[tilespmem:s4], [sflag:$0x3] =	stream.indirect_vreg.gather [hbm4b:s1+s3], $0x80, v3, vm0, $0xb8;
	[tilespmem:$0x18200] =	vst v63  }
0x3ad: {  	s4 =	simm.s32 $0x14A00  }
0x3ae: {  	[tilespmem:s4], [sflag:$0x3] =	stream.indirect_vreg.gather [hbm4b:s5+s3], $0x80, v3, vm0, $0xb8;
	[tilespmem:$0x18200] =	vst v63  }
0x3af: {  	s4 =	simm.s32 $0x15200  }
0x3b0: {  	[tilespmem:s4], [sflag:$0x3] =	stream.indirect_vreg.gather [hbm4b:s6+s3], $0x80, v3, vm0, $0xb8;
	[tilespmem:$0x18200] =	vst v63  }
0x3b1: {  	s4 =	simm.s32 $0x15A00  }
0x3b2: {  	[tilespmem:s4], [sflag:$0x3] =	stream.indirect_vreg.gather [hbm4b:s7+s3], $0x80, v3, vm0, $0xb8;
	[tilespmem:$0x18200] =	vst v63  }
0x3b3: {  	s4 =	simm.s32 $0x16200  }
0x3b4: {  	[tilespmem:s4], [sflag:$0x3] =	stream.indirect_vreg.gather [hbm4b:s8+s3], $0x80, v3, vm0, $0xb8;
	[tilespmem:$0x18200] =	vst v63  }
0x3b5: {  	s4 =	simm.s32 $0x16A00  }
0x3b6: {  	[tilespmem:s4], [sflag:$0x3] =	stream.indirect_vreg.gather [hbm4b:s9+s3], $0x80, v3, vm0, $0xb8;
	[tilespmem:$0x18200] =	vst v63  }
0x3b7: {  	s4 =	simm.s32 $0x17200  }
0x3b8: {  	[tilespmem:s4], [sflag:$0x3] =	stream.indirect_vreg.gather [hbm4b:s10+s3], $0x80, v3, vm0, $0xb8;
	[tilespmem:$0x18200] =	vst v63  }
0x3b9: {  	s4 =	simm.s32 $0x17A00  }
0x3ba: {  	[tilespmem:s4], [sflag:$0x3] =	stream.indirect_vreg.gather [hbm4b:s11+s3], $0x80, v3, vm0, $0xb8;
	[tilespmem:$0x18200] =	vst v63  }
0x3bb: {  	_ =	swait.ge [sflag:s29], $0x8000  }
0x3bc: {  	[sflag:s29] =	ssyncset.done $0x0  }
0x3bd: {  	s4 =	rddreg [dreg:$0x17];
	[sflag:s29] =	ssyncadd.s32 $0xFFFF8000  }
0x3be: {  	[hbm4b:s4+s3] =	stream.linear.scatter [tilespmem:s31], [sflag:$0x5], $0x8000, $0x38;
	[tilespmem:$0x18200] =	vst v63  }
0x3bf: {  	_ =	swait.ge [sflag:s30], $0x8000  }
0x3c0: {  	[sflag:s30] =	ssyncset.done $0x0  }
0x3c1: {  	[sflag:s30] =	ssyncadd.s32 $0xFFFF8000  }
0x3c2: {  	v3 =	vld [tilespmem:$0x150];
	_ =	sdelay $0x4  }
0x3c3: {  	v53 =	vshll.u32 v3, $0x4  }
0x3c4: {  	v3 =	vand.u32 $0x7, v3;
	v4 =	vand.u32 $0xFFFFFF80, v53  }
0x3c5: {  	v3 =	vor.u32 v3, v4  }
0x3c6: {  	v4 =	vperm.xlane v3, v0;
	_ =	sdelay $0x1  }
0x3c7: {  	v4 =	vadd.s32 v1, v4;
	_ =	sdelay $0x4  }
0x3c8: {  	[tilespmem:s14], [sflag:$0x1] =	stream.indirect_vreg.gather [hbm4b:s1+s3], $0x80, v4, vm0, $0xb8;
	[tilespmem:$0x18200] =	vst v63  }
0x3c9: {  	s4 =	simm.s32 $0xA00  }
0x3ca: {  	[tilespmem:s4], [sflag:$0x1] =	stream.indirect_vreg.gather [hbm4b:s5+s3], $0x80, v4, vm0, $0xb8;
	[tilespmem:$0x18200] =	vst v63  }
0x3cb: {  	s4 =	simm.s32 $0x1200  }
0x3cc: {  	[tilespmem:s4], [sflag:$0x1] =	stream.indirect_vreg.gather [hbm4b:s6+s3], $0x80, v4, vm0, $0xb8;
	[tilespmem:$0x18200] =	vst v63  }
0x3cd: {  	s4 =	simm.s32 $0x1A00  }
0x3ce: {  	[tilespmem:s4], [sflag:$0x1] =	stream.indirect_vreg.gather [hbm4b:s7+s3], $0x80, v4, vm0, $0xb8;
	[tilespmem:$0x18200] =	vst v63  }
0x3cf: {  	s4 =	simm.s32 $0x2200  }
0x3d0: {  	[tilespmem:s4], [sflag:$0x1] =	stream.indirect_vreg.gather [hbm4b:s8+s3], $0x80, v4, vm0, $0xb8;
	[tilespmem:$0x18200] =	vst v63  }
0x3d1: {  	v3 =	vperm.xlane v3, v2;
	s4 =	simm.s32 $0x2A00  }
0x3d2: {  	[tilespmem:s4], [sflag:$0x1] =	stream.indirect_vreg.gather [hbm4b:s9+s3], $0x80, v4, vm0, $0xb8;
	[tilespmem:$0x18200] =	vst v63  }
0x3d3: {  	v3 =	vadd.s32 v1, v3;
	s4 =	simm.s32 $0x3200  }
0x3d4: {  	[tilespmem:s4], [sflag:$0x1] =	stream.indirect_vreg.gather [hbm4b:s10+s3], $0x80, v4, vm0, $0xb8;
	[tilespmem:$0x18200] =	vst v63  }
0x3d5: {  	s4 =	simm.s32 $0x3A00  }
0x3d6: {  	[tilespmem:s4], [sflag:$0x1] =	stream.indirect_vreg.gather [hbm4b:s11+s3], $0x80, v4, vm0, $0xb8;
	[tilespmem:$0x18200] =	vst v63  }
0x3d7: {  	s4 =	simm.s32 $0x4200  }
0x3d8: {  	[tilespmem:s4], [sflag:$0x1] =	stream.indirect_vreg.gather [hbm4b:s1+s3], $0x80, v3, vm0, $0xb8;
	[tilespmem:$0x18200] =	vst v63  }
0x3d9: {  	s4 =	simm.s32 $0x4A00  }
0x3da: {  	[tilespmem:s4], [sflag:$0x1] =	stream.indirect_vreg.gather [hbm4b:s5+s3], $0x80, v3, vm0, $0xb8;
	[tilespmem:$0x18200] =	vst v63  }
0x3db: {  	s4 =	simm.s32 $0x5200  }
0x3dc: {  	[tilespmem:s4], [sflag:$0x1] =	stream.indirect_vreg.gather [hbm4b:s6+s3], $0x80, v3, vm0, $0xb8;
	[tilespmem:$0x18200] =	vst v63  }
0x3dd: {  	s4 =	simm.s32 $0x5A00  }
0x3de: {  	[tilespmem:s4], [sflag:$0x1] =	stream.indirect_vreg.gather [hbm4b:s7+s3], $0x80, v3, vm0, $0xb8;
	[tilespmem:$0x18200] =	vst v63  }
0x3df: {  	s4 =	simm.s32 $0x6200  }
0x3e0: {  	[tilespmem:s4], [sflag:$0x1] =	stream.indirect_vreg.gather [hbm4b:s8+s3], $0x80, v3, vm0, $0xb8;
	[tilespmem:$0x18200] =	vst v63  }
0x3e1: {  	s4 =	simm.s32 $0x6A00  }
0x3e2: {  	[tilespmem:s4], [sflag:$0x1] =	stream.indirect_vreg.gather [hbm4b:s9+s3], $0x80, v3, vm0, $0xb8;
	[tilespmem:$0x18200] =	vst v63  }
0x3e3: {  	s4 =	simm.s32 $0x7200  }
0x3e4: {  	[tilespmem:s4], [sflag:$0x1] =	stream.indirect_vreg.gather [hbm4b:s10+s3], $0x80, v3, vm0, $0xb8;
	[tilespmem:$0x18200] =	vst v63  }
0x3e5: {  	s4 =	simm.s32 $0x7A00  }
0x3e6: {  	[tilespmem:s4], [sflag:$0x1] =	stream.indirect_vreg.gather [hbm4b:s11+s3], $0x80, v3, vm0, $0xb8;
	[tilespmem:$0x18200] =	vst v63  }
0x3e7: {  	_ =	swait.ge [sflag:s2], $0x8000  }
0x3e8: {  	[sflag:s2] =	ssyncset.done $0x0  }
0x3e9: {  	s4 =	rddreg [dreg:$0x18];
	[sflag:s2] =	ssyncadd.s32 $0xFFFF8000  }
0x3ea: {  	[hbm4b:s4+s3] =	stream.linear.scatter [tilespmem:s28], [sflag:$0x6], $0x8000, $0x38;
	[tilespmem:$0x18200] =	vst v63  }
0x3eb: {  	_ =	swait.ge [sflag:s0], $0x8000  }
0x3ec: {  	[sflag:s0] =	ssyncset.done $0x0  }
0x3ed: {  	[sflag:s0] =	ssyncadd.s32 $0xFFFF8000  }
0x3ee: {  	v3 =	vld [tilespmem:$0x160];
	_ =	sdelay $0x4  }
0x3ef: {  	v54 =	vshll.u32 v3, $0x4  }
0x3f0: {  	v3 =	vand.u32 $0x7, v3;
	v4 =	vand.u32 $0xFFFFFF80, v54  }
0x3f1: {  	v3 =	vor.u32 v3, v4  }
0x3f2: {  	v4 =	vperm.xlane v3, v0;
	_ =	sdelay $0x1  }
0x3f3: {  	v4 =	vadd.s32 v1, v4;
	_ =	sdelay $0x4  }
0x3f4: {  	[tilespmem:s31], [sflag:$0x2] =	stream.indirect_vreg.gather [hbm4b:s1+s3], $0x80, v4, vm0, $0xb8;
	[tilespmem:$0x18200] =	vst v63  }
0x3f5: {  	s12 =	simm.s32 $0x8A00  }
0x3f6: {  	[tilespmem:s12], [sflag:$0x2] =	stream.indirect_vreg.gather [hbm4b:s5+s3], $0x80, v4, vm0, $0xb8;
	[tilespmem:$0x18200] =	vst v63  }
0x3f7: {  	s15 =	simm.s32 $0x9200  }
0x3f8: {  	[tilespmem:s15], [sflag:$0x2] =	stream.indirect_vreg.gather [hbm4b:s6+s3], $0x80, v4, vm0, $0xb8;
	[tilespmem:$0x18200] =	vst v63  }
0x3f9: {  	s16 =	simm.s32 $0x9A00  }
0x3fa: {  	[tilespmem:s16], [sflag:$0x2] =	stream.indirect_vreg.gather [hbm4b:s7+s3], $0x80, v4, vm0, $0xb8;
	[tilespmem:$0x18200] =	vst v63  }
0x3fb: {  	s4 =	simm.s32 $0xA200  }
0x3fc: {  	[tilespmem:s4], [sflag:$0x2] =	stream.indirect_vreg.gather [hbm4b:s8+s3], $0x80, v4, vm0, $0xb8;
	[tilespmem:$0x18200] =	vst v63  }
0x3fd: {  	v3 =	vperm.xlane v3, v2;
	s4 =	simm.s32 $0xAA00  }
0x3fe: {  	[tilespmem:s4], [sflag:$0x2] =	stream.indirect_vreg.gather [hbm4b:s9+s3], $0x80, v4, vm0, $0xb8;
	[tilespmem:$0x18200] =	vst v63  }
0x3ff: {  	s17 =	simm.s32 $0xB200;
	v3 =	vadd.s32 v1, v3  }
0x400: {  	[tilespmem:s17], [sflag:$0x2] =	stream.indirect_vreg.gather [hbm4b:s10+s3], $0x80, v4, vm0, $0xb8;
	[tilespmem:$0x18200] =	vst v63  }
0x401: {  	s18 =	simm.s32 $0xBA00  }
0x402: {  	[tilespmem:s18], [sflag:$0x2] =	stream.indirect_vreg.gather [hbm4b:s11+s3], $0x80, v4, vm0, $0xb8;
	[tilespmem:$0x18200] =	vst v63  }
0x403: {  	s19 =	simm.s32 $0xC200  }
0x404: {  	[tilespmem:s19], [sflag:$0x2] =	stream.indirect_vreg.gather [hbm4b:s1+s3], $0x80, v3, vm0, $0xb8;
	[tilespmem:$0x18200] =	vst v63  }
0x405: {  	s20 =	simm.s32 $0xCA00  }
0x406: {  	[tilespmem:s20], [sflag:$0x2] =	stream.indirect_vreg.gather [hbm4b:s5+s3], $0x80, v3, vm0, $0xb8;
	[tilespmem:$0x18200] =	vst v63  }
0x407: {  	s21 =	simm.s32 $0xD200  }
0x408: {  	[tilespmem:s21], [sflag:$0x2] =	stream.indirect_vreg.gather [hbm4b:s6+s3], $0x80, v3, vm0, $0xb8;
	[tilespmem:$0x18200] =	vst v63  }
0x409: {  	s22 =	simm.s32 $0xDA00  }
0x40a: {  	[tilespmem:s22], [sflag:$0x2] =	stream.indirect_vreg.gather [hbm4b:s7+s3], $0x80, v3, vm0, $0xb8;
	[tilespmem:$0x18200] =	vst v63  }
0x40b: {  	s23 =	simm.s32 $0xE200  }
0x40c: {  	[tilespmem:s23], [sflag:$0x2] =	stream.indirect_vreg.gather [hbm4b:s8+s3], $0x80, v3, vm0, $0xb8;
	[tilespmem:$0x18200] =	vst v63  }
0x40d: {  	s24 =	simm.s32 $0xEA00  }
0x40e: {  	[tilespmem:s24], [sflag:$0x2] =	stream.indirect_vreg.gather [hbm4b:s9+s3], $0x80, v3, vm0, $0xb8;
	[tilespmem:$0x18200] =	vst v63  }
0x40f: {  	s25 =	simm.s32 $0xF200  }
0x410: {  	[tilespmem:s25], [sflag:$0x2] =	stream.indirect_vreg.gather [hbm4b:s10+s3], $0x80, v3, vm0, $0xb8;
	[tilespmem:$0x18200] =	vst v63  }
0x411: {  	s4 =	simm.s32 $0xFA00  }
0x412: {  	[tilespmem:s4], [sflag:$0x2] =	stream.indirect_vreg.gather [hbm4b:s11+s3], $0x80, v3, vm0, $0xb8;
	[tilespmem:$0x18200] =	vst v63  }
0x413: {  	_ =	swait.ge [sflag:s26], $0x8000  }
0x414: {  	[sflag:s26] =	ssyncset.done $0x0  }
0x415: {  	s4 =	rddreg [dreg:$0x19];
	[sflag:s26] =	ssyncadd.s32 $0xFFFF8000  }
0x416: {  	[hbm4b:s4+s3] =	stream.linear.scatter [tilespmem:s14], [sflag:$0x4], $0x8000, $0x38;
	[tilespmem:$0x18200] =	vst v63  }
0x417: {  	_ =	swait.ge [sflag:s13], $0x8000  }
0x418: {  	[sflag:s13] =	ssyncset.done $0x0  }
0x419: {  	[sflag:s13] =	ssyncadd.s32 $0xFFFF8000  }
0x41a: {  	v3 =	vld [tilespmem:$0x170];
	_ =	sdelay $0x4  }
0x41b: {  	v55 =	vshll.u32 v3, $0x4  }
0x41c: {  	v3 =	vand.u32 $0x7, v3;
	v4 =	vand.u32 $0xFFFFFF80, v55  }
0x41d: {  	v3 =	vor.u32 v3, v4  }
0x41e: {  	v4 =	vperm.xlane v3, v0;
	_ =	sdelay $0x1  }
0x41f: {  	v4 =	vadd.s32 v1, v4;
	_ =	sdelay $0x4  }
0x420: {  	[tilespmem:s28], [sflag:$0x3] =	stream.indirect_vreg.gather [hbm4b:s1+s3], $0x80, v4, vm0, $0xb8;
	[tilespmem:$0x18200] =	vst v63  }
0x421: {  	s4 =	simm.s32 $0x10A00  }
0x422: {  	[tilespmem:s4], [sflag:$0x3] =	stream.indirect_vreg.gather [hbm4b:s5+s3], $0x80, v4, vm0, $0xb8;
	[tilespmem:$0x18200] =	vst v63  }
0x423: {  	s4 =	simm.s32 $0x11200  }
0x424: {  	[tilespmem:s4], [sflag:$0x3] =	stream.indirect_vreg.gather [hbm4b:s6+s3], $0x80, v4, vm0, $0xb8;
	[tilespmem:$0x18200] =	vst v63  }
0x425: {  	s4 =	simm.s32 $0x11A00  }
0x426: {  	[tilespmem:s4], [sflag:$0x3] =	stream.indirect_vreg.gather [hbm4b:s7+s3], $0x80, v4, vm0, $0xb8;
	[tilespmem:$0x18200] =	vst v63  }
0x427: {  	s4 =	simm.s32 $0x12200  }
0x428: {  	[tilespmem:s4], [sflag:$0x3] =	stream.indirect_vreg.gather [hbm4b:s8+s3], $0x80, v4, vm0, $0xb8;
	[tilespmem:$0x18200] =	vst v63  }
0x429: {  	v3 =	vperm.xlane v3, v2;
	s4 =	simm.s32 $0x12A00  }
0x42a: {  	[tilespmem:s4], [sflag:$0x3] =	stream.indirect_vreg.gather [hbm4b:s9+s3], $0x80, v4, vm0, $0xb8;
	[tilespmem:$0x18200] =	vst v63  }
0x42b: {  	v3 =	vadd.s32 v1, v3;
	s4 =	simm.s32 $0x13200  }
0x42c: {  	[tilespmem:s4], [sflag:$0x3] =	stream.indirect_vreg.gather [hbm4b:s10+s3], $0x80, v4, vm0, $0xb8;
	[tilespmem:$0x18200] =	vst v63  }
0x42d: {  	s4 =	simm.s32 $0x13A00  }
0x42e: {  	[tilespmem:s4], [sflag:$0x3] =	stream.indirect_vreg.gather [hbm4b:s11+s3], $0x80, v4, vm0, $0xb8;
	[tilespmem:$0x18200] =	vst v63  }
0x42f: {  	s4 =	simm.s32 $0x14200  }
0x430: {  	[tilespmem:s4], [sflag:$0x3] =	stream.indirect_vreg.gather [hbm4b:s1+s3], $0x80, v3, vm0, $0xb8;
	[tilespmem:$0x18200] =	vst v63  }
0x431: {  	s4 =	simm.s32 $0x14A00  }
0x432: {  	[tilespmem:s4], [sflag:$0x3] =	stream.indirect_vreg.gather [hbm4b:s5+s3], $0x80, v3, vm0, $0xb8;
	[tilespmem:$0x18200] =	vst v63  }
0x433: {  	s4 =	simm.s32 $0x15200  }
0x434: {  	[tilespmem:s4], [sflag:$0x3] =	stream.indirect_vreg.gather [hbm4b:s6+s3], $0x80, v3, vm0, $0xb8;
	[tilespmem:$0x18200] =	vst v63  }
0x435: {  	s4 =	simm.s32 $0x15A00  }
0x436: {  	[tilespmem:s4], [sflag:$0x3] =	stream.indirect_vreg.gather [hbm4b:s7+s3], $0x80, v3, vm0, $0xb8;
	[tilespmem:$0x18200] =	vst v63  }
0x437: {  	s4 =	simm.s32 $0x16200  }
0x438: {  	[tilespmem:s4], [sflag:$0x3] =	stream.indirect_vreg.gather [hbm4b:s8+s3], $0x80, v3, vm0, $0xb8;
	[tilespmem:$0x18200] =	vst v63  }
0x439: {  	s4 =	simm.s32 $0x16A00  }
0x43a: {  	[tilespmem:s4], [sflag:$0x3] =	stream.indirect_vreg.gather [hbm4b:s9+s3], $0x80, v3, vm0, $0xb8;
	[tilespmem:$0x18200] =	vst v63  }
0x43b: {  	s4 =	simm.s32 $0x17200  }
0x43c: {  	[tilespmem:s4], [sflag:$0x3] =	stream.indirect_vreg.gather [hbm4b:s10+s3], $0x80, v3, vm0, $0xb8;
	[tilespmem:$0x18200] =	vst v63  }
0x43d: {  	s4 =	simm.s32 $0x17A00  }
0x43e: {  	[tilespmem:s4], [sflag:$0x3] =	stream.indirect_vreg.gather [hbm4b:s11+s3], $0x80, v3, vm0, $0xb8;
	[tilespmem:$0x18200] =	vst v63  }
0x43f: {  	_ =	swait.ge [sflag:s29], $0x8000  }
0x440: {  	[sflag:s29] =	ssyncset.done $0x0  }
0x441: {  	s4 =	rddreg [dreg:$0x1a];
	[sflag:s29] =	ssyncadd.s32 $0xFFFF8000  }
0x442: {  	[hbm4b:s4+s3] =	stream.linear.scatter [tilespmem:s31], [sflag:$0x5], $0x8000, $0x38;
	[tilespmem:$0x18200] =	vst v63  }
0x443: {  	_ =	swait.ge [sflag:s30], $0x8000  }
0x444: {  	[sflag:s30] =	ssyncset.done $0x0  }
0x445: {  	[sflag:s30] =	ssyncadd.s32 $0xFFFF8000  }
0x446: {  	v3 =	vld [tilespmem:$0x180];
	_ =	sdelay $0x4  }
0x447: {  	v56 =	vshll.u32 v3, $0x4  }
0x448: {  	v3 =	vand.u32 $0x7, v3;
	v4 =	vand.u32 $0xFFFFFF80, v56  }
0x449: {  	v3 =	vor.u32 v3, v4  }
0x44a: {  	v4 =	vperm.xlane v3, v0;
	_ =	sdelay $0x1  }
0x44b: {  	v4 =	vadd.s32 v1, v4;
	_ =	sdelay $0x4  }
0x44c: {  	[tilespmem:s14], [sflag:$0x1] =	stream.indirect_vreg.gather [hbm4b:s1+s3], $0x80, v4, vm0, $0xb8;
	[tilespmem:$0x18200] =	vst v63  }
0x44d: {  	s4 =	simm.s32 $0xA00  }
0x44e: {  	[tilespmem:s4], [sflag:$0x1] =	stream.indirect_vreg.gather [hbm4b:s5+s3], $0x80, v4, vm0, $0xb8;
	[tilespmem:$0x18200] =	vst v63  }
0x44f: {  	s4 =	simm.s32 $0x1200  }
0x450: {  	[tilespmem:s4], [sflag:$0x1] =	stream.indirect_vreg.gather [hbm4b:s6+s3], $0x80, v4, vm0, $0xb8;
	[tilespmem:$0x18200] =	vst v63  }
0x451: {  	s4 =	simm.s32 $0x1A00  }
0x452: {  	[tilespmem:s4], [sflag:$0x1] =	stream.indirect_vreg.gather [hbm4b:s7+s3], $0x80, v4, vm0, $0xb8;
	[tilespmem:$0x18200] =	vst v63  }
0x453: {  	s4 =	simm.s32 $0x2200  }
0x454: {  	[tilespmem:s4], [sflag:$0x1] =	stream.indirect_vreg.gather [hbm4b:s8+s3], $0x80, v4, vm0, $0xb8;
	[tilespmem:$0x18200] =	vst v63  }
0x455: {  	v3 =	vperm.xlane v3, v2;
	s4 =	simm.s32 $0x2A00  }
0x456: {  	[tilespmem:s4], [sflag:$0x1] =	stream.indirect_vreg.gather [hbm4b:s9+s3], $0x80, v4, vm0, $0xb8;
	[tilespmem:$0x18200] =	vst v63  }
0x457: {  	v3 =	vadd.s32 v1, v3;
	s4 =	simm.s32 $0x3200  }
0x458: {  	[tilespmem:s4], [sflag:$0x1] =	stream.indirect_vreg.gather [hbm4b:s10+s3], $0x80, v4, vm0, $0xb8;
	[tilespmem:$0x18200] =	vst v63  }
0x459: {  	s4 =	simm.s32 $0x3A00  }
0x45a: {  	[tilespmem:s4], [sflag:$0x1] =	stream.indirect_vreg.gather [hbm4b:s11+s3], $0x80, v4, vm0, $0xb8;
	[tilespmem:$0x18200] =	vst v63  }
0x45b: {  	s4 =	simm.s32 $0x4200  }
0x45c: {  	[tilespmem:s4], [sflag:$0x1] =	stream.indirect_vreg.gather [hbm4b:s1+s3], $0x80, v3, vm0, $0xb8;
	[tilespmem:$0x18200] =	vst v63  }
0x45d: {  	s4 =	simm.s32 $0x4A00  }
0x45e: {  	[tilespmem:s4], [sflag:$0x1] =	stream.indirect_vreg.gather [hbm4b:s5+s3], $0x80, v3, vm0, $0xb8;
	[tilespmem:$0x18200] =	vst v63  }
0x45f: {  	s4 =	simm.s32 $0x5200  }
0x460: {  	[tilespmem:s4], [sflag:$0x1] =	stream.indirect_vreg.gather [hbm4b:s6+s3], $0x80, v3, vm0, $0xb8;
	[tilespmem:$0x18200] =	vst v63  }
0x461: {  	s4 =	simm.s32 $0x5A00  }
0x462: {  	[tilespmem:s4], [sflag:$0x1] =	stream.indirect_vreg.gather [hbm4b:s7+s3], $0x80, v3, vm0, $0xb8;
	[tilespmem:$0x18200] =	vst v63  }
0x463: {  	s4 =	simm.s32 $0x6200  }
0x464: {  	[tilespmem:s4], [sflag:$0x1] =	stream.indirect_vreg.gather [hbm4b:s8+s3], $0x80, v3, vm0, $0xb8;
	[tilespmem:$0x18200] =	vst v63  }
0x465: {  	s4 =	simm.s32 $0x6A00  }
0x466: {  	[tilespmem:s4], [sflag:$0x1] =	stream.indirect_vreg.gather [hbm4b:s9+s3], $0x80, v3, vm0, $0xb8;
	[tilespmem:$0x18200] =	vst v63  }
0x467: {  	s4 =	simm.s32 $0x7200  }
0x468: {  	[tilespmem:s4], [sflag:$0x1] =	stream.indirect_vreg.gather [hbm4b:s10+s3], $0x80, v3, vm0, $0xb8;
	[tilespmem:$0x18200] =	vst v63  }
0x469: {  	s4 =	simm.s32 $0x7A00  }
0x46a: {  	[tilespmem:s4], [sflag:$0x1] =	stream.indirect_vreg.gather [hbm4b:s11+s3], $0x80, v3, vm0, $0xb8;
	[tilespmem:$0x18200] =	vst v63  }
0x46b: {  	_ =	swait.ge [sflag:s2], $0x8000  }
0x46c: {  	[sflag:s2] =	ssyncset.done $0x0  }
0x46d: {  	s4 =	rddreg [dreg:$0x1b];
	[sflag:s2] =	ssyncadd.s32 $0xFFFF8000  }
0x46e: {  	[hbm4b:s4+s3] =	stream.linear.scatter [tilespmem:s28], [sflag:$0x6], $0x8000, $0x38;
	[tilespmem:$0x18200] =	vst v63  }
0x46f: {  	_ =	swait.ge [sflag:s0], $0x8000  }
0x470: {  	[sflag:s0] =	ssyncset.done $0x0  }
0x471: {  	[sflag:s0] =	ssyncadd.s32 $0xFFFF8000  }
0x472: {  	v3 =	vld [tilespmem:$0x190];
	_ =	sdelay $0x4  }
0x473: {  	v57 =	vshll.u32 v3, $0x4  }
0x474: {  	v3 =	vand.u32 $0x7, v3;
	v4 =	vand.u32 $0xFFFFFF80, v57  }
0x475: {  	v3 =	vor.u32 v3, v4  }
0x476: {  	v4 =	vperm.xlane v3, v0;
	_ =	sdelay $0x1  }
0x477: {  	v4 =	vadd.s32 v1, v4;
	_ =	sdelay $0x4  }
0x478: {  	[tilespmem:s31], [sflag:$0x2] =	stream.indirect_vreg.gather [hbm4b:s1+s3], $0x80, v4, vm0, $0xb8;
	[tilespmem:$0x18200] =	vst v63  }
0x479: {  	s12 =	simm.s32 $0x8A00  }
0x47a: {  	[tilespmem:s12], [sflag:$0x2] =	stream.indirect_vreg.gather [hbm4b:s5+s3], $0x80, v4, vm0, $0xb8;
	[tilespmem:$0x18200] =	vst v63  }
0x47b: {  	s15 =	simm.s32 $0x9200  }
0x47c: {  	[tilespmem:s15], [sflag:$0x2] =	stream.indirect_vreg.gather [hbm4b:s6+s3], $0x80, v4, vm0, $0xb8;
	[tilespmem:$0x18200] =	vst v63  }
0x47d: {  	s16 =	simm.s32 $0x9A00  }
0x47e: {  	[tilespmem:s16], [sflag:$0x2] =	stream.indirect_vreg.gather [hbm4b:s7+s3], $0x80, v4, vm0, $0xb8;
	[tilespmem:$0x18200] =	vst v63  }
0x47f: {  	s15 =	simm.s32 $0xA200  }
0x480: {  	[tilespmem:s15], [sflag:$0x2] =	stream.indirect_vreg.gather [hbm4b:s8+s3], $0x80, v4, vm0, $0xb8;
	[tilespmem:$0x18200] =	vst v63  }
0x481: {  	v3 =	vperm.xlane v3, v2;
	s16 =	simm.s32 $0xAA00  }
0x482: {  	[tilespmem:s16], [sflag:$0x2] =	stream.indirect_vreg.gather [hbm4b:s9+s3], $0x80, v4, vm0, $0xb8;
	[tilespmem:$0x18200] =	vst v63  }
0x483: {  	s17 =	simm.s32 $0xB200;
	v3 =	vadd.s32 v1, v3  }
0x484: {  	[tilespmem:s17], [sflag:$0x2] =	stream.indirect_vreg.gather [hbm4b:s10+s3], $0x80, v4, vm0, $0xb8;
	[tilespmem:$0x18200] =	vst v63  }
0x485: {  	s18 =	simm.s32 $0xBA00  }
0x486: {  	[tilespmem:s18], [sflag:$0x2] =	stream.indirect_vreg.gather [hbm4b:s11+s3], $0x80, v4, vm0, $0xb8;
	[tilespmem:$0x18200] =	vst v63  }
0x487: {  	s19 =	simm.s32 $0xC200  }
0x488: {  	[tilespmem:s19], [sflag:$0x2] =	stream.indirect_vreg.gather [hbm4b:s1+s3], $0x80, v3, vm0, $0xb8;
	[tilespmem:$0x18200] =	vst v63  }
0x489: {  	s20 =	simm.s32 $0xCA00  }
0x48a: {  	[tilespmem:s20], [sflag:$0x2] =	stream.indirect_vreg.gather [hbm4b:s5+s3], $0x80, v3, vm0, $0xb8;
	[tilespmem:$0x18200] =	vst v63  }
0x48b: {  	s21 =	simm.s32 $0xD200  }
0x48c: {  	[tilespmem:s21], [sflag:$0x2] =	stream.indirect_vreg.gather [hbm4b:s6+s3], $0x80, v3, vm0, $0xb8;
	[tilespmem:$0x18200] =	vst v63  }
0x48d: {  	s22 =	simm.s32 $0xDA00  }
0x48e: {  	[tilespmem:s22], [sflag:$0x2] =	stream.indirect_vreg.gather [hbm4b:s7+s3], $0x80, v3, vm0, $0xb8;
	[tilespmem:$0x18200] =	vst v63  }
0x48f: {  	s23 =	simm.s32 $0xE200  }
0x490: {  	[tilespmem:s23], [sflag:$0x2] =	stream.indirect_vreg.gather [hbm4b:s8+s3], $0x80, v3, vm0, $0xb8;
	[tilespmem:$0x18200] =	vst v63  }
0x491: {  	s24 =	simm.s32 $0xEA00  }
0x492: {  	[tilespmem:s24], [sflag:$0x2] =	stream.indirect_vreg.gather [hbm4b:s9+s3], $0x80, v3, vm0, $0xb8;
	[tilespmem:$0x18200] =	vst v63  }
0x493: {  	s25 =	simm.s32 $0xF200  }
0x494: {  	[tilespmem:s25], [sflag:$0x2] =	stream.indirect_vreg.gather [hbm4b:s10+s3], $0x80, v3, vm0, $0xb8;
	[tilespmem:$0x18200] =	vst v63  }
0x495: {  	s19 =	simm.s32 $0xFA00  }
0x496: {  	[tilespmem:s19], [sflag:$0x2] =	stream.indirect_vreg.gather [hbm4b:s11+s3], $0x80, v3, vm0, $0xb8;
	[tilespmem:$0x18200] =	vst v63  }
0x497: {  	_ =	swait.ge [sflag:s26], $0x8000  }
0x498: {  	[sflag:s26] =	ssyncset.done $0x0  }
0x499: {  	s20 =	rddreg [dreg:$0x1c];
	[sflag:s26] =	ssyncadd.s32 $0xFFFF8000  }
0x49a: {  	[hbm4b:s20+s3] =	stream.linear.scatter [tilespmem:s14], [sflag:$0x4], $0x8000, $0x38;
	[tilespmem:$0x18200] =	vst v63  }
0x49b: {  	_ =	swait.ge [sflag:s13], $0x8000  }
0x49c: {  	[sflag:s13] =	ssyncset.done $0x0  }
0x49d: {  	[sflag:s13] =	ssyncadd.s32 $0xFFFF8000  }
0x49e: {  	v3 =	vld [tilespmem:$0x1A0];
	_ =	sdelay $0x4  }
0x49f: {  	v58 =	vshll.u32 v3, $0x4  }
0x4a0: {  	v3 =	vand.u32 $0x7, v3;
	v4 =	vand.u32 $0xFFFFFF80, v58  }
0x4a1: {  	v3 =	vor.u32 v3, v4  }
0x4a2: {  	v4 =	vperm.xlane v3, v0;
	_ =	sdelay $0x1  }
0x4a3: {  	v4 =	vadd.s32 v1, v4;
	_ =	sdelay $0x4  }
0x4a4: {  	[tilespmem:s28], [sflag:$0x3] =	stream.indirect_vreg.gather [hbm4b:s1+s3], $0x80, v4, vm0, $0xb8;
	[tilespmem:$0x18200] =	vst v63  }
0x4a5: {  	s21 =	simm.s32 $0x10A00  }
0x4a6: {  	[tilespmem:s21], [sflag:$0x3] =	stream.indirect_vreg.gather [hbm4b:s5+s3], $0x80, v4, vm0, $0xb8;
	[tilespmem:$0x18200] =	vst v63  }
0x4a7: {  	s22 =	simm.s32 $0x11200  }
0x4a8: {  	[tilespmem:s22], [sflag:$0x3] =	stream.indirect_vreg.gather [hbm4b:s6+s3], $0x80, v4, vm0, $0xb8;
	[tilespmem:$0x18200] =	vst v63  }
0x4a9: {  	s23 =	simm.s32 $0x11A00  }
0x4aa: {  	[tilespmem:s23], [sflag:$0x3] =	stream.indirect_vreg.gather [hbm4b:s7+s3], $0x80, v4, vm0, $0xb8;
	[tilespmem:$0x18200] =	vst v63  }
0x4ab: {  	s24 =	simm.s32 $0x12200  }
0x4ac: {  	[tilespmem:s24], [sflag:$0x3] =	stream.indirect_vreg.gather [hbm4b:s8+s3], $0x80, v4, vm0, $0xb8;
	[tilespmem:$0x18200] =	vst v63  }
0x4ad: {  	s25 =	simm.s32 $0x12A00;
	v3 =	vperm.xlane v3, v2  }
0x4ae: {  	[tilespmem:s25], [sflag:$0x3] =	stream.indirect_vreg.gather [hbm4b:s9+s3], $0x80, v4, vm0, $0xb8;
	[tilespmem:$0x18200] =	vst v63  }
0x4af: {  	s17 =	simm.s32 $0x13200;
	v3 =	vadd.s32 v1, v3  }
0x4b0: {  	[tilespmem:s17], [sflag:$0x3] =	stream.indirect_vreg.gather [hbm4b:s10+s3], $0x80, v4, vm0, $0xb8;
	[tilespmem:$0x18200] =	vst v63  }
0x4b1: {  	s18 =	simm.s32 $0x13A00  }
0x4b2: {  	[tilespmem:s18], [sflag:$0x3] =	stream.indirect_vreg.gather [hbm4b:s11+s3], $0x80, v4, vm0, $0xb8;
	[tilespmem:$0x18200] =	vst v63  }
0x4b3: {  	s19 =	simm.s32 $0x14200  }
0x4b4: {  	[tilespmem:s19], [sflag:$0x3] =	stream.indirect_vreg.gather [hbm4b:s1+s3], $0x80, v3, vm0, $0xb8;
	[tilespmem:$0x18200] =	vst v63  }
0x4b5: {  	s20 =	simm.s32 $0x14A00  }
0x4b6: {  	[tilespmem:s20], [sflag:$0x3] =	stream.indirect_vreg.gather [hbm4b:s5+s3], $0x80, v3, vm0, $0xb8;
	[tilespmem:$0x18200] =	vst v63  }
0x4b7: {  	s21 =	simm.s32 $0x15200  }
0x4b8: {  	[tilespmem:s21], [sflag:$0x3] =	stream.indirect_vreg.gather [hbm4b:s6+s3], $0x80, v3, vm0, $0xb8;
	[tilespmem:$0x18200] =	vst v63  }
0x4b9: {  	s22 =	simm.s32 $0x15A00  }
0x4ba: {  	[tilespmem:s22], [sflag:$0x3] =	stream.indirect_vreg.gather [hbm4b:s7+s3], $0x80, v3, vm0, $0xb8;
	[tilespmem:$0x18200] =	vst v63  }
0x4bb: {  	s23 =	simm.s32 $0x16200  }
0x4bc: {  	[tilespmem:s23], [sflag:$0x3] =	stream.indirect_vreg.gather [hbm4b:s8+s3], $0x80, v3, vm0, $0xb8;
	[tilespmem:$0x18200] =	vst v63  }
0x4bd: {  	s24 =	simm.s32 $0x16A00  }
0x4be: {  	[tilespmem:s24], [sflag:$0x3] =	stream.indirect_vreg.gather [hbm4b:s9+s3], $0x80, v3, vm0, $0xb8;
	[tilespmem:$0x18200] =	vst v63  }
0x4bf: {  	s25 =	simm.s32 $0x17200  }
0x4c0: {  	[tilespmem:s25], [sflag:$0x3] =	stream.indirect_vreg.gather [hbm4b:s10+s3], $0x80, v3, vm0, $0xb8;
	[tilespmem:$0x18200] =	vst v63  }
0x4c1: {  	s4 =	simm.s32 $0x17A00  }
0x4c2: {  	[tilespmem:s4], [sflag:$0x3] =	stream.indirect_vreg.gather [hbm4b:s11+s3], $0x80, v3, vm0, $0xb8;
	[tilespmem:$0x18200] =	vst v63  }
0x4c3: {  	_ =	swait.ge [sflag:s29], $0x8000  }
0x4c4: {  	[sflag:s29] =	ssyncset.done $0x0  }
0x4c5: {  	s4 =	rddreg [dreg:$0x1d];
	[sflag:s29] =	ssyncadd.s32 $0xFFFF8000  }
0x4c6: {  	[hbm4b:s4+s3] =	stream.linear.scatter [tilespmem:s31], [sflag:$0x5], $0x8000, $0x38;
	[tilespmem:$0x18200] =	vst v63  }
0x4c7: {  	_ =	swait.ge [sflag:s30], $0x8000  }
0x4c8: {  	[sflag:s30] =	ssyncset.done $0x0  }
0x4c9: {  	[sflag:s30] =	ssyncadd.s32 $0xFFFF8000  }
0x4ca: {  	v3 =	vld [tilespmem:$0x1B0];
	_ =	sdelay $0x4  }
0x4cb: {  	v59 =	vshll.u32 v3, $0x4  }
0x4cc: {  	v3 =	vand.u32 $0x7, v3;
	v4 =	vand.u32 $0xFFFFFF80, v59  }
0x4cd: {  	v3 =	vor.u32 v3, v4  }
0x4ce: {  	v4 =	vperm.xlane v3, v0;
	_ =	sdelay $0x1  }
0x4cf: {  	v4 =	vadd.s32 v1, v4;
	_ =	sdelay $0x4  }
0x4d0: {  	[tilespmem:s14], [sflag:$0x1] =	stream.indirect_vreg.gather [hbm4b:s1+s3], $0x80, v4, vm0, $0xb8;
	[tilespmem:$0x18200] =	vst v63  }
0x4d1: {  	s4 =	simm.s32 $0xA00  }
0x4d2: {  	[tilespmem:s4], [sflag:$0x1] =	stream.indirect_vreg.gather [hbm4b:s5+s3], $0x80, v4, vm0, $0xb8;
	[tilespmem:$0x18200] =	vst v63  }
0x4d3: {  	s4 =	simm.s32 $0x1200  }
0x4d4: {  	[tilespmem:s4], [sflag:$0x1] =	stream.indirect_vreg.gather [hbm4b:s6+s3], $0x80, v4, vm0, $0xb8;
	[tilespmem:$0x18200] =	vst v63  }
0x4d5: {  	s4 =	simm.s32 $0x1A00  }
0x4d6: {  	[tilespmem:s4], [sflag:$0x1] =	stream.indirect_vreg.gather [hbm4b:s7+s3], $0x80, v4, vm0, $0xb8;
	[tilespmem:$0x18200] =	vst v63  }
0x4d7: {  	s4 =	simm.s32 $0x2200  }
0x4d8: {  	[tilespmem:s4], [sflag:$0x1] =	stream.indirect_vreg.gather [hbm4b:s8+s3], $0x80, v4, vm0, $0xb8;
	[tilespmem:$0x18200] =	vst v63  }
0x4d9: {  	v3 =	vperm.xlane v3, v2;
	s4 =	simm.s32 $0x2A00  }
0x4da: {  	[tilespmem:s4], [sflag:$0x1] =	stream.indirect_vreg.gather [hbm4b:s9+s3], $0x80, v4, vm0, $0xb8;
	[tilespmem:$0x18200] =	vst v63  }
0x4db: {  	v3 =	vadd.s32 v1, v3;
	s4 =	simm.s32 $0x3200  }
0x4dc: {  	[tilespmem:s4], [sflag:$0x1] =	stream.indirect_vreg.gather [hbm4b:s10+s3], $0x80, v4, vm0, $0xb8;
	[tilespmem:$0x18200] =	vst v63  }
0x4dd: {  	s4 =	simm.s32 $0x3A00  }
0x4de: {  	[tilespmem:s4], [sflag:$0x1] =	stream.indirect_vreg.gather [hbm4b:s11+s3], $0x80, v4, vm0, $0xb8;
	[tilespmem:$0x18200] =	vst v63  }
0x4df: {  	s4 =	simm.s32 $0x4200  }
0x4e0: {  	[tilespmem:s4], [sflag:$0x1] =	stream.indirect_vreg.gather [hbm4b:s1+s3], $0x80, v3, vm0, $0xb8;
	[tilespmem:$0x18200] =	vst v63  }
0x4e1: {  	s4 =	simm.s32 $0x4A00  }
0x4e2: {  	[tilespmem:s4], [sflag:$0x1] =	stream.indirect_vreg.gather [hbm4b:s5+s3], $0x80, v3, vm0, $0xb8;
	[tilespmem:$0x18200] =	vst v63  }
0x4e3: {  	s4 =	simm.s32 $0x5200  }
0x4e4: {  	[tilespmem:s4], [sflag:$0x1] =	stream.indirect_vreg.gather [hbm4b:s6+s3], $0x80, v3, vm0, $0xb8;
	[tilespmem:$0x18200] =	vst v63  }
0x4e5: {  	s4 =	simm.s32 $0x5A00  }
0x4e6: {  	[tilespmem:s4], [sflag:$0x1] =	stream.indirect_vreg.gather [hbm4b:s7+s3], $0x80, v3, vm0, $0xb8;
	[tilespmem:$0x18200] =	vst v63  }
0x4e7: {  	s4 =	simm.s32 $0x6200  }
0x4e8: {  	[tilespmem:s4], [sflag:$0x1] =	stream.indirect_vreg.gather [hbm4b:s8+s3], $0x80, v3, vm0, $0xb8;
	[tilespmem:$0x18200] =	vst v63  }
0x4e9: {  	s4 =	simm.s32 $0x6A00  }
0x4ea: {  	[tilespmem:s4], [sflag:$0x1] =	stream.indirect_vreg.gather [hbm4b:s9+s3], $0x80, v3, vm0, $0xb8;
	[tilespmem:$0x18200] =	vst v63  }
0x4eb: {  	s4 =	simm.s32 $0x7200  }
0x4ec: {  	[tilespmem:s4], [sflag:$0x1] =	stream.indirect_vreg.gather [hbm4b:s10+s3], $0x80, v3, vm0, $0xb8;
	[tilespmem:$0x18200] =	vst v63  }
0x4ed: {  	s4 =	simm.s32 $0x7A00  }
0x4ee: {  	[tilespmem:s4], [sflag:$0x1] =	stream.indirect_vreg.gather [hbm4b:s11+s3], $0x80, v3, vm0, $0xb8;
	[tilespmem:$0x18200] =	vst v63  }
0x4ef: {  	_ =	swait.ge [sflag:s2], $0x8000  }
0x4f0: {  	[sflag:s2] =	ssyncset.done $0x0  }
0x4f1: {  	s4 =	rddreg [dreg:$0x1e];
	[sflag:s2] =	ssyncadd.s32 $0xFFFF8000  }
0x4f2: {  	[hbm4b:s4+s3] =	stream.linear.scatter [tilespmem:s28], [sflag:$0x6], $0x8000, $0x38;
	[tilespmem:$0x18200] =	vst v63  }
0x4f3: {  	_ =	swait.ge [sflag:s0], $0x8000  }
0x4f4: {  	[sflag:s0] =	ssyncset.done $0x0  }
0x4f5: {  	[sflag:s0] =	ssyncadd.s32 $0xFFFF8000  }
0x4f6: {  	v3 =	vld [tilespmem:$0x1C0];
	_ =	sdelay $0x4  }
0x4f7: {  	v60 =	vshll.u32 v3, $0x4  }
0x4f8: {  	v3 =	vand.u32 $0x7, v3;
	v4 =	vand.u32 $0xFFFFFF80, v60  }
0x4f9: {  	v3 =	vor.u32 v3, v4  }
0x4fa: {  	v4 =	vperm.xlane v3, v0;
	_ =	sdelay $0x1  }
0x4fb: {  	v4 =	vadd.s32 v1, v4;
	_ =	sdelay $0x4  }
0x4fc: {  	[tilespmem:s31], [sflag:$0x2] =	stream.indirect_vreg.gather [hbm4b:s1+s3], $0x80, v4, vm0, $0xb8;
	[tilespmem:$0x18200] =	vst v63  }
0x4fd: {  	s4 =	simm.s32 $0x8A00  }
0x4fe: {  	[tilespmem:s4], [sflag:$0x2] =	stream.indirect_vreg.gather [hbm4b:s5+s3], $0x80, v4, vm0, $0xb8;
	[tilespmem:$0x18200] =	vst v63  }
0x4ff: {  	s4 =	simm.s32 $0x9200  }
0x500: {  	[tilespmem:s4], [sflag:$0x2] =	stream.indirect_vreg.gather [hbm4b:s6+s3], $0x80, v4, vm0, $0xb8;
	[tilespmem:$0x18200] =	vst v63  }
0x501: {  	s4 =	simm.s32 $0x9A00  }
0x502: {  	[tilespmem:s4], [sflag:$0x2] =	stream.indirect_vreg.gather [hbm4b:s7+s3], $0x80, v4, vm0, $0xb8;
	[tilespmem:$0x18200] =	vst v63  }
0x503: {  	s4 =	simm.s32 $0xA200  }
0x504: {  	[tilespmem:s4], [sflag:$0x2] =	stream.indirect_vreg.gather [hbm4b:s8+s3], $0x80, v4, vm0, $0xb8;
	[tilespmem:$0x18200] =	vst v63  }
0x505: {  	v3 =	vperm.xlane v3, v2;
	s4 =	simm.s32 $0xAA00  }
0x506: {  	[tilespmem:s4], [sflag:$0x2] =	stream.indirect_vreg.gather [hbm4b:s9+s3], $0x80, v4, vm0, $0xb8;
	[tilespmem:$0x18200] =	vst v63  }
0x507: {  	v3 =	vadd.s32 v1, v3;
	s4 =	simm.s32 $0xB200  }
0x508: {  	[tilespmem:s4], [sflag:$0x2] =	stream.indirect_vreg.gather [hbm4b:s10+s3], $0x80, v4, vm0, $0xb8;
	[tilespmem:$0x18200] =	vst v63  }
0x509: {  	s4 =	simm.s32 $0xBA00  }
0x50a: {  	[tilespmem:s4], [sflag:$0x2] =	stream.indirect_vreg.gather [hbm4b:s11+s3], $0x80, v4, vm0, $0xb8;
	[tilespmem:$0x18200] =	vst v63  }
0x50b: {  	s4 =	simm.s32 $0xC200  }
0x50c: {  	[tilespmem:s4], [sflag:$0x2] =	stream.indirect_vreg.gather [hbm4b:s1+s3], $0x80, v3, vm0, $0xb8;
	[tilespmem:$0x18200] =	vst v63  }
0x50d: {  	s4 =	simm.s32 $0xCA00  }
0x50e: {  	[tilespmem:s4], [sflag:$0x2] =	stream.indirect_vreg.gather [hbm4b:s5+s3], $0x80, v3, vm0, $0xb8;
	[tilespmem:$0x18200] =	vst v63  }
0x50f: {  	s4 =	simm.s32 $0xD200  }
0x510: {  	[tilespmem:s4], [sflag:$0x2] =	stream.indirect_vreg.gather [hbm4b:s6+s3], $0x80, v3, vm0, $0xb8;
	[tilespmem:$0x18200] =	vst v63  }
0x511: {  	s4 =	simm.s32 $0xDA00  }
0x512: {  	[tilespmem:s4], [sflag:$0x2] =	stream.indirect_vreg.gather [hbm4b:s7+s3], $0x80, v3, vm0, $0xb8;
	[tilespmem:$0x18200] =	vst v63  }
0x513: {  	s4 =	simm.s32 $0xE200  }
0x514: {  	[tilespmem:s4], [sflag:$0x2] =	stream.indirect_vreg.gather [hbm4b:s8+s3], $0x80, v3, vm0, $0xb8;
	[tilespmem:$0x18200] =	vst v63  }
0x515: {  	s4 =	simm.s32 $0xEA00  }
0x516: {  	[tilespmem:s4], [sflag:$0x2] =	stream.indirect_vreg.gather [hbm4b:s9+s3], $0x80, v3, vm0, $0xb8;
	[tilespmem:$0x18200] =	vst v63  }
0x517: {  	s4 =	simm.s32 $0xF200  }
0x518: {  	[tilespmem:s4], [sflag:$0x2] =	stream.indirect_vreg.gather [hbm4b:s10+s3], $0x80, v3, vm0, $0xb8;
	[tilespmem:$0x18200] =	vst v63  }
0x519: {  	s4 =	simm.s32 $0xFA00  }
0x51a: {  	[tilespmem:s4], [sflag:$0x2] =	stream.indirect_vreg.gather [hbm4b:s11+s3], $0x80, v3, vm0, $0xb8;
	[tilespmem:$0x18200] =	vst v63  }
0x51b: {  	_ =	swait.ge [sflag:s26], $0x8000  }
0x51c: {  	[sflag:s26] =	ssyncset.done $0x0  }
0x51d: {  	s4 =	rddreg [dreg:$0x1f];
	[sflag:s26] =	ssyncadd.s32 $0xFFFF8000  }
0x51e: {  	[hbm4b:s4+s3] =	stream.linear.scatter [tilespmem:s14], [sflag:$0x4], $0x8000, $0x38;
	[tilespmem:$0x18200] =	vst v63  }
0x51f: {  	_ =	swait.ge [sflag:s13], $0x8000  }
0x520: {  	[sflag:s13] =	ssyncset.done $0x0  }
0x521: {  	[sflag:s13] =	ssyncadd.s32 $0xFFFF8000  }
0x522: {  	v3 =	vld [tilespmem:$0x1D0];
	_ =	sdelay $0x4  }
0x523: {  	v61 =	vshll.u32 v3, $0x4  }
0x524: {  	v3 =	vand.u32 $0x7, v3;
	v4 =	vand.u32 $0xFFFFFF80, v61  }
0x525: {  	v3 =	vor.u32 v3, v4  }
0x526: {  	v4 =	vperm.xlane v3, v0;
	_ =	sdelay $0x1  }
0x527: {  	v4 =	vadd.s32 v1, v4;
	_ =	sdelay $0x4  }
0x528: {  	[tilespmem:s28], [sflag:$0x3] =	stream.indirect_vreg.gather [hbm4b:s1+s3], $0x80, v4, vm0, $0xb8;
	[tilespmem:$0x18200] =	vst v63  }
0x529: {  	s12 =	simm.s32 $0x10A00  }
0x52a: {  	[tilespmem:s12], [sflag:$0x3] =	stream.indirect_vreg.gather [hbm4b:s5+s3], $0x80, v4, vm0, $0xb8;
	[tilespmem:$0x18200] =	vst v63  }
0x52b: {  	s15 =	simm.s32 $0x11200  }
0x52c: {  	[tilespmem:s15], [sflag:$0x3] =	stream.indirect_vreg.gather [hbm4b:s6+s3], $0x80, v4, vm0, $0xb8;
	[tilespmem:$0x18200] =	vst v63  }
0x52d: {  	s16 =	simm.s32 $0x11A00  }
0x52e: {  	[tilespmem:s16], [sflag:$0x3] =	stream.indirect_vreg.gather [hbm4b:s7+s3], $0x80, v4, vm0, $0xb8;
	[tilespmem:$0x18200] =	vst v63  }
0x52f: {  	s15 =	simm.s32 $0x12200  }
0x530: {  	[tilespmem:s15], [sflag:$0x3] =	stream.indirect_vreg.gather [hbm4b:s8+s3], $0x80, v4, vm0, $0xb8;
	[tilespmem:$0x18200] =	vst v63  }
0x531: {  	v3 =	vperm.xlane v3, v2;
	s16 =	simm.s32 $0x12A00  }
0x532: {  	[tilespmem:s16], [sflag:$0x3] =	stream.indirect_vreg.gather [hbm4b:s9+s3], $0x80, v4, vm0, $0xb8;
	[tilespmem:$0x18200] =	vst v63  }
0x533: {  	s17 =	simm.s32 $0x13200;
	v3 =	vadd.s32 v1, v3  }
0x534: {  	[tilespmem:s17], [sflag:$0x3] =	stream.indirect_vreg.gather [hbm4b:s10+s3], $0x80, v4, vm0, $0xb8;
	[tilespmem:$0x18200] =	vst v63  }
0x535: {  	s18 =	simm.s32 $0x13A00  }
0x536: {  	[tilespmem:s18], [sflag:$0x3] =	stream.indirect_vreg.gather [hbm4b:s11+s3], $0x80, v4, vm0, $0xb8;
	[tilespmem:$0x18200] =	vst v63  }
0x537: {  	s19 =	simm.s32 $0x14200  }
0x538: {  	[tilespmem:s19], [sflag:$0x3] =	stream.indirect_vreg.gather [hbm4b:s1+s3], $0x80, v3, vm0, $0xb8;
	[tilespmem:$0x18200] =	vst v63  }
0x539: {  	s20 =	simm.s32 $0x14A00  }
0x53a: {  	[tilespmem:s20], [sflag:$0x3] =	stream.indirect_vreg.gather [hbm4b:s5+s3], $0x80, v3, vm0, $0xb8;
	[tilespmem:$0x18200] =	vst v63  }
0x53b: {  	s21 =	simm.s32 $0x15200  }
0x53c: {  	[tilespmem:s21], [sflag:$0x3] =	stream.indirect_vreg.gather [hbm4b:s6+s3], $0x80, v3, vm0, $0xb8;
	[tilespmem:$0x18200] =	vst v63  }
0x53d: {  	s22 =	simm.s32 $0x15A00  }
0x53e: {  	[tilespmem:s22], [sflag:$0x3] =	stream.indirect_vreg.gather [hbm4b:s7+s3], $0x80, v3, vm0, $0xb8;
	[tilespmem:$0x18200] =	vst v63  }
0x53f: {  	s23 =	simm.s32 $0x16200  }
0x540: {  	[tilespmem:s23], [sflag:$0x3] =	stream.indirect_vreg.gather [hbm4b:s8+s3], $0x80, v3, vm0, $0xb8;
	[tilespmem:$0x18200] =	vst v63  }
0x541: {  	s24 =	simm.s32 $0x16A00  }
0x542: {  	[tilespmem:s24], [sflag:$0x3] =	stream.indirect_vreg.gather [hbm4b:s9+s3], $0x80, v3, vm0, $0xb8;
	[tilespmem:$0x18200] =	vst v63  }
0x543: {  	s25 =	simm.s32 $0x17200  }
0x544: {  	[tilespmem:s25], [sflag:$0x3] =	stream.indirect_vreg.gather [hbm4b:s10+s3], $0x80, v3, vm0, $0xb8;
	[tilespmem:$0x18200] =	vst v63  }
0x545: {  	s12 =	simm.s32 $0x17A00  }
0x546: {  	[tilespmem:s12], [sflag:$0x3] =	stream.indirect_vreg.gather [hbm4b:s11+s3], $0x80, v3, vm0, $0xb8;
	[tilespmem:$0x18200] =	vst v63  }
0x547: {  	_ =	swait.ge [sflag:s29], $0x8000  }
0x548: {  	s15 =	sld [smem:$0x7F9]  }
0x549: {  	[sflag:s29] =	ssyncset.done $0x0  }
0x54a: {  	[sflag:s29] =	ssyncadd.s32 $0xFFFF8000  }
0x54b: {  	[hbm4b:s15+s3] =	stream.linear.scatter [tilespmem:s31], [sflag:$0x5], $0x8000, $0x38;
	[tilespmem:$0x18200] =	vst v63  }
0x54c: {  	_ =	swait.ge [sflag:s30], $0x8000  }
0x54d: {  	[sflag:s30] =	ssyncset.done $0x0  }
0x54e: {  	[sflag:s30] =	ssyncadd.s32 $0xFFFF8000  }
0x54f: {  	v3 =	vld [tilespmem:$0x1E0];
	_ =	sdelay $0x4  }
0x550: {  	v62 =	vshll.u32 v3, $0x4  }
0x551: {  	v3 =	vand.u32 $0x7, v3;
	v4 =	vand.u32 $0xFFFFFF80, v62  }
0x552: {  	v3 =	vor.u32 v3, v4  }
0x553: {  	v4 =	vperm.xlane v3, v0;
	_ =	sdelay $0x1  }
0x554: {  	v4 =	vadd.s32 v1, v4;
	_ =	sdelay $0x4  }
0x555: {  	[tilespmem:s14], [sflag:$0x1] =	stream.indirect_vreg.gather [hbm4b:s1+s3], $0x80, v4, vm0, $0xb8;
	[tilespmem:$0x18200] =	vst v63  }
0x556: {  	s16 =	simm.s32 $0xA00  }
0x557: {  	[tilespmem:s16], [sflag:$0x1] =	stream.indirect_vreg.gather [hbm4b:s5+s3], $0x80, v4, vm0, $0xb8;
	[tilespmem:$0x18200] =	vst v63  }
0x558: {  	s17 =	simm.s32 $0x1200  }
0x559: {  	[tilespmem:s17], [sflag:$0x1] =	stream.indirect_vreg.gather [hbm4b:s6+s3], $0x80, v4, vm0, $0xb8;
	[tilespmem:$0x18200] =	vst v63  }
0x55a: {  	s18 =	simm.s32 $0x1A00  }
0x55b: {  	[tilespmem:s18], [sflag:$0x1] =	stream.indirect_vreg.gather [hbm4b:s7+s3], $0x80, v4, vm0, $0xb8;
	[tilespmem:$0x18200] =	vst v63  }
0x55c: {  	s19 =	simm.s32 $0x2200  }
0x55d: {  	[tilespmem:s19], [sflag:$0x1] =	stream.indirect_vreg.gather [hbm4b:s8+s3], $0x80, v4, vm0, $0xb8;
	[tilespmem:$0x18200] =	vst v63  }
0x55e: {  	s20 =	simm.s32 $0x2A00;
	v3 =	vperm.xlane v3, v2  }
0x55f: {  	[tilespmem:s20], [sflag:$0x1] =	stream.indirect_vreg.gather [hbm4b:s9+s3], $0x80, v4, vm0, $0xb8;
	[tilespmem:$0x18200] =	vst v63  }
0x560: {  	s21 =	simm.s32 $0x3200;
	v3 =	vadd.s32 v1, v3  }
0x561: {  	[tilespmem:s21], [sflag:$0x1] =	stream.indirect_vreg.gather [hbm4b:s10+s3], $0x80, v4, vm0, $0xb8;
	[tilespmem:$0x18200] =	vst v63  }
0x562: {  	s22 =	simm.s32 $0x3A00  }
0x563: {  	[tilespmem:s22], [sflag:$0x1] =	stream.indirect_vreg.gather [hbm4b:s11+s3], $0x80, v4, vm0, $0xb8;
	[tilespmem:$0x18200] =	vst v63  }
0x564: {  	s23 =	simm.s32 $0x4200  }
0x565: {  	[tilespmem:s23], [sflag:$0x1] =	stream.indirect_vreg.gather [hbm4b:s1+s3], $0x80, v3, vm0, $0xb8;
	[tilespmem:$0x18200] =	vst v63  }
0x566: {  	s24 =	simm.s32 $0x4A00  }
0x567: {  	[tilespmem:s24], [sflag:$0x1] =	stream.indirect_vreg.gather [hbm4b:s5+s3], $0x80, v3, vm0, $0xb8;
	[tilespmem:$0x18200] =	vst v63  }
0x568: {  	s25 =	simm.s32 $0x5200  }
0x569: {  	[tilespmem:s25], [sflag:$0x1] =	stream.indirect_vreg.gather [hbm4b:s6+s3], $0x80, v3, vm0, $0xb8;
	[tilespmem:$0x18200] =	vst v63  }
0x56a: {  	s12 =	simm.s32 $0x5A00  }
0x56b: {  	[tilespmem:s12], [sflag:$0x1] =	stream.indirect_vreg.gather [hbm4b:s7+s3], $0x80, v3, vm0, $0xb8;
	[tilespmem:$0x18200] =	vst v63  }
0x56c: {  	s15 =	simm.s32 $0x6200  }
0x56d: {  	[tilespmem:s15], [sflag:$0x1] =	stream.indirect_vreg.gather [hbm4b:s8+s3], $0x80, v3, vm0, $0xb8;
	[tilespmem:$0x18200] =	vst v63  }
0x56e: {  	s16 =	simm.s32 $0x6A00  }
0x56f: {  	[tilespmem:s16], [sflag:$0x1] =	stream.indirect_vreg.gather [hbm4b:s9+s3], $0x80, v3, vm0, $0xb8;
	[tilespmem:$0x18200] =	vst v63  }
0x570: {  	s17 =	simm.s32 $0x7200  }
0x571: {  	[tilespmem:s17], [sflag:$0x1] =	stream.indirect_vreg.gather [hbm4b:s10+s3], $0x80, v3, vm0, $0xb8;
	[tilespmem:$0x18200] =	vst v63  }
0x572: {  	s18 =	simm.s32 $0x7A00  }
0x573: {  	[tilespmem:s18], [sflag:$0x1] =	stream.indirect_vreg.gather [hbm4b:s11+s3], $0x80, v3, vm0, $0xb8;
	[tilespmem:$0x18200] =	vst v63  }
0x574: {  	_ =	swait.ge [sflag:s2], $0x8000  }
0x575: {  	s19 =	sld [smem:$0x7FA]  }
0x576: {  	[sflag:s2] =	ssyncset.done $0x0  }
0x577: {  	[sflag:s2] =	ssyncadd.s32 $0xFFFF8000  }
0x578: {  	[hbm4b:s19+s3] =	stream.linear.scatter [tilespmem:s28], [sflag:$0x6], $0x8000, $0x38;
	[tilespmem:$0x18200] =	vst v63  }
0x579: {  	_ =	swait.ge [sflag:s0], $0x8000  }
0x57a: {  	[sflag:s0] =	ssyncset.done $0x0  }
0x57b: {  	[sflag:s0] =	ssyncadd.s32 $0xFFFF8000  }
0x57c: {  	v3 =	vld [tilespmem:$0x1F0];
	_ =	sdelay $0x4  }
0x57d: {  	v63 =	vshll.u32 v3, $0x4  }
0x57e: {  	v3 =	vand.u32 $0x7, v3;
	v4 =	vand.u32 $0xFFFFFF80, v63  }
0x57f: {  	v3 =	vor.u32 v3, v4  }
0x580: {  	v4 =	vperm.xlane v3, v0;
	_ =	sdelay $0x1  }
0x581: {  	v4 =	vadd.s32 v1, v4;
	_ =	sdelay $0x4  }
0x582: {  	[tilespmem:s31], [sflag:$0x2] =	stream.indirect_vreg.gather [hbm4b:s1+s3], $0x80, v4, vm0, $0xb8;
	[tilespmem:$0x18200] =	vst v63  }
0x583: {  	s20 =	simm.s32 $0x8A00  }
0x584: {  	[tilespmem:s20], [sflag:$0x2] =	stream.indirect_vreg.gather [hbm4b:s5+s3], $0x80, v4, vm0, $0xb8;
	[tilespmem:$0x18200] =	vst v63  }
0x585: {  	s21 =	simm.s32 $0x9200  }
0x586: {  	[tilespmem:s21], [sflag:$0x2] =	stream.indirect_vreg.gather [hbm4b:s6+s3], $0x80, v4, vm0, $0xb8;
	[tilespmem:$0x18200] =	vst v63  }
0x587: {  	s22 =	simm.s32 $0x9A00  }
0x588: {  	[tilespmem:s22], [sflag:$0x2] =	stream.indirect_vreg.gather [hbm4b:s7+s3], $0x80, v4, vm0, $0xb8;
	[tilespmem:$0x18200] =	vst v63  }
0x589: {  	s23 =	simm.s32 $0xA200  }
0x58a: {  	[tilespmem:s23], [sflag:$0x2] =	stream.indirect_vreg.gather [hbm4b:s8+s3], $0x80, v4, vm0, $0xb8;
	[tilespmem:$0x18200] =	vst v63  }
0x58b: {  	s24 =	simm.s32 $0xAA00;
	v3 =	vperm.xlane v3, v2  }
0x58c: {  	[tilespmem:s24], [sflag:$0x2] =	stream.indirect_vreg.gather [hbm4b:s9+s3], $0x80, v4, vm0, $0xb8;
	[tilespmem:$0x18200] =	vst v63  }
0x58d: {  	s25 =	simm.s32 $0xB200;
	v3 =	vadd.s32 v1, v3  }
0x58e: {  	[tilespmem:s25], [sflag:$0x2] =	stream.indirect_vreg.gather [hbm4b:s10+s3], $0x80, v4, vm0, $0xb8;
	[tilespmem:$0x18200] =	vst v63  }
0x58f: {  	s12 =	simm.s32 $0xBA00  }
0x590: {  	[tilespmem:s12], [sflag:$0x2] =	stream.indirect_vreg.gather [hbm4b:s11+s3], $0x80, v4, vm0, $0xb8;
	[tilespmem:$0x18200] =	vst v63  }
0x591: {  	s15 =	simm.s32 $0xC200  }
0x592: {  	[tilespmem:s15], [sflag:$0x2] =	stream.indirect_vreg.gather [hbm4b:s1+s3], $0x80, v3, vm0, $0xb8;
	[tilespmem:$0x18200] =	vst v63  }
0x593: {  	s16 =	simm.s32 $0xCA00  }
0x594: {  	[tilespmem:s16], [sflag:$0x2] =	stream.indirect_vreg.gather [hbm4b:s5+s3], $0x80, v3, vm0, $0xb8;
	[tilespmem:$0x18200] =	vst v63  }
0x595: {  	s17 =	simm.s32 $0xD200  }
0x596: {  	[tilespmem:s17], [sflag:$0x2] =	stream.indirect_vreg.gather [hbm4b:s6+s3], $0x80, v3, vm0, $0xb8;
	[tilespmem:$0x18200] =	vst v63  }
0x597: {  	s18 =	simm.s32 $0xDA00  }
0x598: {  	[tilespmem:s18], [sflag:$0x2] =	stream.indirect_vreg.gather [hbm4b:s7+s3], $0x80, v3, vm0, $0xb8;
	[tilespmem:$0x18200] =	vst v63  }
0x599: {  	s19 =	simm.s32 $0xE200  }
0x59a: {  	[tilespmem:s19], [sflag:$0x2] =	stream.indirect_vreg.gather [hbm4b:s8+s3], $0x80, v3, vm0, $0xb8;
	[tilespmem:$0x18200] =	vst v63  }
0x59b: {  	s20 =	simm.s32 $0xEA00  }
0x59c: {  	[tilespmem:s20], [sflag:$0x2] =	stream.indirect_vreg.gather [hbm4b:s9+s3], $0x80, v3, vm0, $0xb8;
	[tilespmem:$0x18200] =	vst v63  }
0x59d: {  	s21 =	simm.s32 $0xF200  }
0x59e: {  	[tilespmem:s21], [sflag:$0x2] =	stream.indirect_vreg.gather [hbm4b:s10+s3], $0x80, v3, vm0, $0xb8;
	[tilespmem:$0x18200] =	vst v63  }
0x59f: {  	s22 =	simm.s32 $0xFA00  }
0x5a0: {  	[tilespmem:s22], [sflag:$0x2] =	stream.indirect_vreg.gather [hbm4b:s11+s3], $0x80, v3, vm0, $0xb8;
	[tilespmem:$0x18200] =	vst v63  }
0x5a1: {  	_ =	swait.ge [sflag:s26], $0x8000  }
0x5a2: {  	s23 =	sld [smem:$0x7FB]  }
0x5a3: {  	[sflag:s26] =	ssyncset.done $0x0  }
0x5a4: {  	[sflag:s26] =	ssyncadd.s32 $0xFFFF8000  }
0x5a5: {  	[hbm4b:s23+s3] =	stream.linear.scatter [tilespmem:s14], [sflag:$0x4], $0x8000, $0x38;
	[tilespmem:$0x18200] =	vst v63  }
0x5a6: {  	_ =	swait.ge [sflag:s29], $0x8000  }
0x5a7: {  	s24 =	sld [smem:$0x7FD]  }
0x5a8: {  	[sflag:s29] =	ssyncset.done $0x0  }
0x5a9: {  	[sflag:s29] =	ssyncadd.s32 $0xFFFF8000  }
0x5aa: {  	[hbm4b:s24+s3] =	stream.linear.scatter [tilespmem:s31], [sflag:$0x5], $0x8000, $0x38;
	[tilespmem:$0x18200] =	vst v63  }
0x5ab: {  	s25 =	sld [smem:$0x7F8];
	_ =	swait.ge [sflag:s13], $0x8000  }
0x5ac: {  	[sflag:s13] =	ssyncset.done $0x0  }
0x5ad: {  	[sflag:s13] =	ssyncadd.s32 $0xFFFF8000  }
0x5ae: {  	p0 =	sne.s32 s25, $0x1;
	_ =	swait.ge [sflag:s30], $0x8000  }
.Ltmp0:
0x5af: {  	[sflag:s30] =	ssyncset.done $0x0;
	(pc) =	sbr.rel @p0 .LBB2_1-.Ltmp0, $4  }
0x5b0: {  	[sflag:s30] =	ssyncadd.s32 $0xFFFF8000  }
0x5b1: {  	_ =	swait.ge [sflag:s0], $0x8000  }
0x5b2: {  	[sflag:s0] =	ssyncset.done $0x0  }
0x5b3: {  	s4 =	sadd.s32 $0xFFFFFFFF, s25;
	[sflag:s0] =	ssyncadd.s32 $0xFFFF8000  }
0x5b4: {  	_ =	sfence.sel $0x180000  }
0x5b5: {  	[bflag:$0x0] =	sbarrier.arrive $0xFFFF  }
0x5b6: {  	_ =	strace $0x90000047  }
0x5b7: {  	s0 =	stileid.u32;
	[bflag:$0x2] =	sbarrier.arrive $0xFFFF  }
0x5b8: {  	p0 =	sne.s32 s0, $0x0;
	s0 =	rddreg [dreg:$0x3]  }
0x5b9: {  	s0 =	sadd.s32 @!p0 $0x100000, s0  }
0x5ba: {  	[sflag:s0] =	ssyncadd.tile.s32 @!p0 $0x1;
	_ =	shalt  }
.Lfunc_end2:
_tile_overlayer_lowered:
.L_overlay_start_2:
0x5bb: {  	(tag) =	ssettag $0x2  }
0x5bc: {  	s0 =	rddreg [dreg:$0x0];
	s2 =	stileid.u32  }
0x5bd: {  	s1 =	rddreg [dreg:$0x1];
	p0 =	sne.s32 s2, $0x0  }
0x5be: {  	s3 =	rddreg [dreg:$0x2];
	[bflag:$0x3] =	sbarrier.arrive $0xFFFF;
	s2 =	simm.s32 @!p0 $0x1C07  }
0x5bf: {  	[timem:s3], [sflag:s2] =	dma.local @!p0 [hbm:s0], s1  }
0x5c0: {  	s0 =	simm.s32 @!p0 $0x7  }
0x5c1: {  	_ =	swait.ge @!p0 [sflag:s0], s1  }
0x5c2: {  	s1 =	ssub.s32 @!p0 $0x0, s1;
	[sflag:s0] =	ssyncset.done @!p0 $0x0  }
0x5c3: {  	[sflag:s0] =	ssyncadd.s32 @!p0 s1  }
0x5c4: {  	[bflag:$0x3] =	sbarrier.arrive $0xFFFF  }
0x5c5: {  	_ =	shalt  }

</sc_bundles>
